<compile_context>
chip_gen: v7x
topology: tpu7x:2x2x1
jax: 0.10.2.dev20260603
libtpu: 0.0.44.dev20260713+nightly
codegen_flags: <defaults>
</compile_context>

<pallas_src>
import functools

import jax
import jax.numpy as jnp
from jax import lax
from jax.experimental import pallas as pl
from jax.experimental.pallas import tpu as pltpu
from jax.experimental.pallas import tpu_sc as plsc

B = 4096
L = 50
D_AP = 128
D_CID = 64
VS_CID = 100000
EPS = 1e-5

CHUNK_BAGS = 4
CHUNK_IDX = CHUNK_BAGS * L


def _make_pool_kernel(d, packed, chunk_bags=CHUNK_BAGS, extra_dep=False):
    info = plsc.get_sparse_core_info()
    nc, ns = info.num_cores, info.num_subcores
    nw = nc * ns
    nb = B // nw
    chunk_idx = chunk_bags * L
    nck = nb // chunk_bags
    nidx = nb * L
    out_rows = nb // 2 if packed else nb

    mesh = plsc.VectorSubcoreMesh(core_axis_name="c", subcore_axis_name="s")

    @functools.partial(
        pl.kernel,
        mesh=mesh,
        out_type=jax.ShapeDtypeStruct((out_rows * nw, 128), jnp.float32),
        scratch_types=[
            pltpu.VMEM((nidx,), jnp.int32),
            pltpu.VMEM((2, chunk_idx, d), jnp.float32),
            pltpu.VMEM((out_rows, 128), jnp.float32),
            pltpu.SemaphoreType.DMA,
            pltpu.SemaphoreType.DMA,
        ],
        compiler_params=pltpu.CompilerParams(use_tc_tiling_on_sc=False),
    )
    def pool(idx_hbm, tab_hbm, *rest):
        if extra_dep:
            dep_hbm, out_hbm, idx_v, rows_v, out_v, sem0, sem1 = rest
            del dep_hbm
        else:
            out_hbm, idx_v, rows_v, out_v, sem0, sem1 = rest
        wid = lax.axis_index("s") * nc + lax.axis_index("c")
        pltpu.sync_copy(idx_hbm.at[pl.ds(wid * nidx, nidx)], idx_v)

        inv_l = jnp.float32(1.0 / L)
        sems = (sem0, sem1)

        def issue(ck, k):
            sl = pl.ds(ck * chunk_idx, chunk_idx)
            pltpu.async_copy(tab_hbm.at[idx_v.at[sl]], rows_v.at[k], sems[k])

        def wait(k):
            sl = pl.ds(0, chunk_idx)
            pltpu.make_async_copy(tab_hbm.at[idx_v.at[sl]], rows_v.at[k],
                                  sems[k]).wait()

        def reduce_chunk(k, ck):
            rows = rows_v.at[k]
            nv = d // 16
            for j in range(chunk_bags):
                r0 = j * L

                def body(r, accs):
                    return tuple(accs[c] + rows[r0 + r, pl.ds(c * 16, 16)]
                                 for c in range(nv))

                accs = tuple(rows[r0, pl.ds(c * 16, 16)] for c in range(nv))
                accs = lax.fori_loop(1, L, body, accs)
                if packed:
                    row = ck * (chunk_bags // 2) + j // 2
                    col0 = (j % 2) * d
                else:
                    row = ck * chunk_bags + j
                    col0 = 0
                for c in range(nv):
                    out_v[row, pl.ds(col0 + c * 16, 16)] = accs[c] * inv_l

        issue(0, 0)
        issue(1, 1)

        def pair(p, carry):
            ck0 = 2 * p
            for k in (0, 1):
                ck = ck0 + k
                wait(k)
                reduce_chunk(k, ck)
                issue(jnp.minimum(ck + 2, nck - 1), k)
            return carry

        lax.fori_loop(0, nck // 2, pair, 0)
        wait(0)
        wait(1)

        pltpu.sync_copy(out_v, out_hbm.at[pl.ds(wid * out_rows, out_rows)])

    return pool


_pool_ap = _make_pool_kernel(D_AP, packed=False)
_pool_cid = _make_pool_kernel(D_CID, packed=True, chunk_bags=8,
                              extra_dep=True)


def _mlp_trunk(xa_ref, xc_ref, w1a_ref, w1c_ref, b1_ref, g1_ref, be1_ref,
               w2_ref, b2_ref, g2_ref, be2_ref, wfc_ref, bfc_ref, out_ref):
    cdims = (((1,), (1,)), ((), ()))
    h1 = (lax.dot_general(xa_ref[...], w1a_ref[...], cdims,
                          preferred_element_type=jnp.float32)
          + lax.dot_general(xc_ref[...], w1c_ref[...], cdims,
                            preferred_element_type=jnp.float32)
          + b1_ref[...])
    h1 = jnp.maximum(h1, 0.0)
    mu1 = jnp.mean(h1, axis=0, keepdims=True)
    var1 = jnp.mean((h1 - mu1) ** 2, axis=0, keepdims=True)
    h1 = (h1 - mu1) * (g1_ref[...] * lax.rsqrt(var1 + EPS)) + be1_ref[...]

    h2 = (lax.dot_general(h1, w2_ref[...], cdims,
                          preferred_element_type=jnp.float32) + b2_ref[...])
    h2 = jnp.maximum(h2, 0.0)
    mu2 = jnp.mean(h2, axis=0, keepdims=True)
    var2 = jnp.mean((h2 - mu2) ** 2, axis=0, keepdims=True)
    h2 = (h2 - mu2) * (g2_ref[...] * lax.rsqrt(var2 + EPS)) + be2_ref[...]
    out_ref[...] = lax.dot_general(
        wfc_ref[...], h2, (((1,), (1,)), ((), ())),
        preferred_element_type=jnp.float32) + bfc_ref[...]


def kernel(text_ap, offsets_ap, text_cid, offsets_cid, emb_ap_w, emb_cid_w,
           W1, b1, g1, be1, W2, b2, g2, be2, Wfc, bfc):
    del offsets_ap, offsets_cid
    pooled_ap = _pool_ap(text_ap, emb_ap_w)
    pooled_cid2 = _pool_cid(text_cid, emb_cid_w, pooled_ap)
    pooled_cid = pooled_cid2.reshape(B, D_CID)

    w1a = W1[:, :D_AP]
    w1c = W1[:, D_AP:]
    n_class = Wfc.shape[0]
    out_t = pl.pallas_call(
        _mlp_trunk,
        out_shape=jax.ShapeDtypeStruct((n_class, B), jnp.float32),
    )(pooled_ap, pooled_cid, w1a, w1c,
      b1.reshape(1, -1), g1.reshape(1, -1), be1.reshape(1, -1),
      W2, b2.reshape(1, -1), g2.reshape(1, -1), be2.reshape(1, -1),
      Wfc, bfc.reshape(-1, 1))
    return out_t.T

# --- scband reference (transcript-rebuilt; emitter-appended) ---
"""Pipeline reference for scband-baseline-model1-79216376807697 (READ-ONLY COPY).

The authoritative reference and input builder live on the scoring server;
editing this copy changes nothing except your own understanding.
"""

import jax, jax.numpy as jnp
import numpy as np

B = 4096
L = 50
VS_AP = 100000
ED_AP = 128
VS_CID = 100000
ED_CID = 64
NUM_CLASS = 1000

def _emb_bag_mean(table, text, offsets):
    n = text.shape[0]
    nb = offsets.shape[0]
    seg = jnp.searchsorted(offsets, jnp.arange(n, dtype=offsets.dtype), side='right') - 1
    vals = jnp.take(table, text, axis=0)
    sums = jax.ops.segment_sum(vals, seg, num_segments=nb)
    cnt = jax.ops.segment_sum(jnp.ones((n,), dtype=table.dtype), seg, num_segments=nb)
    return sums / jnp.maximum(cnt, 1.0)[:, None]

def _bn_train(x, gamma, beta, eps=1e-5):
    mu = jnp.mean(x, axis=0, keepdims=True)
    var = jnp.var(x, axis=0, keepdims=True)
    return (x - mu) / jnp.sqrt(var + eps) * gamma + beta

def setup_inputs(seed: int = 0):
    key = jax.random.key(seed)
    ks = jax.random.split(key, 16)
    inp = {}
    inp['text_ap'] = jax.random.randint(ks[0], (B * L,), 0, VS_AP, dtype=jnp.int32)
    inp['offsets_ap'] = jnp.arange(B, dtype=jnp.int32) * L
    inp['text_cid'] = jax.random.randint(ks[1], (B * L,), 0, VS_CID, dtype=jnp.int32)
    inp['offsets_cid'] = jnp.arange(B, dtype=jnp.int32) * L
    inp['emb_ap_w'] = jax.random.normal(ks[2], (VS_AP, ED_AP), dtype=jnp.float32) * (2.0 / ED_AP) ** 0.5
    inp['emb_cid_w'] = jax.random.normal(ks[3], (VS_CID, ED_CID), dtype=jnp.float32) * (2.0 / ED_CID) ** 0.5
    d_in = ED_AP + ED_CID
    inp['W1'] = jax.random.normal(ks[4], (512, d_in), dtype=jnp.float32) * (2.0 / d_in) ** 0.5
    inp['b1'] = jnp.zeros((512,), dtype=jnp.float32)
    inp['g1'] = jnp.ones((512,), dtype=jnp.float32)
    inp['be1'] = jnp.zeros((512,), dtype=jnp.float32)
    inp['W2'] = jax.random.normal(ks[5], (256, 512), dtype=jnp.float32) * (2.0 / 512.0) ** 0.5
    inp['b2'] = jnp.zeros((256,), dtype=jnp.float32)
    inp['g2'] = jnp.ones((256,), dtype=jnp.float32)
    inp['be2'] = jnp.zeros((256,), dtype=jnp.float32)
    inp['Wfc'] = jax.random.normal(ks[6], (NUM_CLASS, 256), dtype=jnp.float32) * (2.0 / 256.0) ** 0.5
    inp['bfc'] = jnp.zeros((NUM_CLASS,), dtype=jnp.float32)
    return inp

def reference(text_ap, offsets_ap, text_cid, offsets_cid, emb_ap_w, emb_cid_w, W1, b1, g1, be1, W2, b2, g2, be2, Wfc, bfc):
    emb_ap = _emb_bag_mean(emb_ap_w, text_ap, offsets_ap)
    emb_cid = _emb_bag_mean(emb_cid_w, text_cid, offsets_cid)
    out = jnp.concatenate([emb_ap, emb_cid], axis=1)
    h1 = jax.nn.relu(out @ W1.T + b1)
    h1 = _bn_train(h1, g1, be1)
    h2 = jax.nn.relu(h1 @ W2.T + b2)
    h2 = _bn_train(h2, g2, be2)
    return h2 @ Wfc.T + bfc

if __name__ == "__main__":
    import jax
    _d = setup_inputs()
    print(jax.jit(kernel)(*tuple(_d.values())))

</pallas_src>

<mosaic_0001>
#map = affine_map<(d0, d1) -> (0)>
#map1 = affine_map<(d0, d1) -> (0, 0)>
module attributes {stable_mosaic.version = 14 : i64} {
  func.func @pool(%arg0: i32, %arg1: i32, %arg2: memref<204800xi32, #tpu.memory_space<hbm>>, %arg3: memref<100000x64xf32, #tpu.memory_space<hbm>>, %arg4: memref<4096x128xf32, #tpu.memory_space<hbm>>, %arg5: memref<2048x128xf32, #tpu.memory_space<hbm>>, %arg6: memref<6400xi32, #tpu.memory_space<vmem>>, %arg7: memref<2x400x64xf32, #tpu.memory_space<vmem>>, %arg8: memref<64x128xf32, #tpu.memory_space<vmem>>, %arg9: memref<!tpu.dma_semaphore, #tpu.memory_space<semaphore_mem>>, %arg10: memref<!tpu.dma_semaphore, #tpu.memory_space<semaphore_mem>>) attributes {dimension_semantics = [#tpu.dimension_semantics<core_parallel>, #tpu.dimension_semantics<subcore_parallel>], iteration_bounds = array<i64: 2, 16>, scalar_prefetch = 0 : i64, scratch_operands = 5 : i64, tpu.core_type = #tpu.core_type<sc_vector_subcore>, window_params = [{transform_indices = #map}, {transform_indices = #map1}, {transform_indices = #map1}, {transform_indices = #map1}]} {
    %mul3A = arith.constant 2 : i32
    %mul3A_0 = arith.muli %arg1, %mul3A : i32
    %add3A = arith.addi %mul3A_0, %arg0 : i32
    %mul3A_1 = arith.constant 6400 : i32
    %mul3A_2 = arith.muli %add3A, %mul3A_1 : i32
    "tpu.region"() ({
      %run_scoped3A = tpu.sem_alloc : memref<!tpu.dma_semaphore, #tpu.memory_space<semaphore_mem>>
      %dma_start3A_49 = tpu.memref_slice %arg2[%mul3A_2] : memref<204800xi32, #tpu.memory_space<hbm>> -> memref<6400xi32, #tpu.memory_space<hbm>>
      %dma_start3A_50 = tpu.memref_slice %arg2[%mul3A_2] : memref<204800xi32, #tpu.memory_space<hbm>> -> memref<6400xi32, #tpu.memory_space<hbm>>
      tpu.enqueue_dma source(%dma_start3A_50 : memref<6400xi32, #tpu.memory_space<hbm>>) target(%arg6 : memref<6400xi32, #tpu.memory_space<vmem>>) target_semaphore(%run_scoped3A : memref<!tpu.dma_semaphore, #tpu.memory_space<semaphore_mem>>)
      %dma_wait3A_51 = tpu.memref_slice %arg2[%mul3A_2] : memref<204800xi32, #tpu.memory_space<hbm>> -> memref<6400xi32, #tpu.memory_space<hbm>>
      %dma_wait3A_52 = tpu.memref_slice %arg2[%mul3A_2] : memref<204800xi32, #tpu.memory_space<hbm>> -> memref<6400xi32, #tpu.memory_space<hbm>>
      tpu.wait_dma2 semaphore(%run_scoped3A : memref<!tpu.dma_semaphore, #tpu.memory_space<semaphore_mem>>) src(%dma_wait3A_52 : memref<6400xi32, #tpu.memory_space<hbm>>) dst(%arg6 : memref<6400xi32, #tpu.memory_space<vmem>>)
      tpu.yield
    }) : () -> ()
    %dma_start3A = arith.constant 0 : i32
    %dma_start3A_3 = arith.constant 0 : i32
    %dma_start3A_4 = arith.constant 0 : i32
    %dma_start3A_5 = tpu.memref_slice %arg7[%dma_start3A, %dma_start3A_3, %dma_start3A_4] : memref<2x400x64xf32, #tpu.memory_space<vmem>> -> memref<1x400x64xf32, #tpu.memory_space<vmem>>
    %dma_start3A_6 = tpu.memref_squeeze %dma_start3A_5 : memref<1x400x64xf32, #tpu.memory_space<vmem>> -> memref<400x64xf32, #tpu.memory_space<vmem>>
    %dma_start3A_7 = arith.constant 0 : i32
    %dma_start3A_8 = tpu.memref_slice %arg6[%dma_start3A_7] : memref<6400xi32, #tpu.memory_space<vmem>> -> memref<400xi32, #tpu.memory_space<vmem>>
    %dma_start3A_9 = arith.constant 0 : i32
    %dma_start3A_10 = arith.constant 0 : i32
    %dma_start3A_11 = tpu.memref_slice %arg3[%dma_start3A_9, %dma_start3A_10] : memref<100000x64xf32, #tpu.memory_space<hbm>> -> memref<100000x64xf32, #tpu.memory_space<hbm>>
    tpu.enqueue_indirect_dma source(%dma_start3A_11 : memref<100000x64xf32, #tpu.memory_space<hbm>>) target(%dma_start3A_6 : memref<400x64xf32, #tpu.memory_space<vmem>>) offsets(%dma_start3A_8 : memref<400xi32, #tpu.memory_space<vmem>>) semaphore(%arg9 : memref<!tpu.dma_semaphore, #tpu.memory_space<semaphore_mem>>)
    %dma_start3A_12 = arith.constant 1 : i32
    %dma_start3A_13 = arith.constant 0 : i32
    %dma_start3A_14 = arith.constant 0 : i32
    %dma_start3A_15 = tpu.memref_slice %arg7[%dma_start3A_12, %dma_start3A_13, %dma_start3A_14] : memref<2x400x64xf32, #tpu.memory_space<vmem>> -> memref<1x400x64xf32, #tpu.memory_space<vmem>>
    %dma_start3A_16 = tpu.memref_squeeze %dma_start3A_15 : memref<1x400x64xf32, #tpu.memory_space<vmem>> -> memref<400x64xf32, #tpu.memory_space<vmem>>
    %dma_start3A_17 = arith.constant 400 : i32
    %dma_start3A_18 = tpu.memref_slice %arg6[%dma_start3A_17] : memref<6400xi32, #tpu.memory_space<vmem>> -> memref<400xi32, #tpu.memory_space<vmem>>
    %dma_start3A_19 = arith.constant 0 : i32
    %dma_start3A_20 = arith.constant 0 : i32
    %dma_start3A_21 = tpu.memref_slice %arg3[%dma_start3A_19, %dma_start3A_20] : memref<100000x64xf32, #tpu.memory_space<hbm>> -> memref<100000x64xf32, #tpu.memory_space<hbm>>
    tpu.enqueue_indirect_dma source(%dma_start3A_21 : memref<100000x64xf32, #tpu.memory_space<hbm>>) target(%dma_start3A_16 : memref<400x64xf32, #tpu.memory_space<vmem>>) offsets(%dma_start3A_18 : memref<400xi32, #tpu.memory_space<vmem>>) semaphore(%arg10 : memref<!tpu.dma_semaphore, #tpu.memory_space<semaphore_mem>>)
    %scan3A = arith.constant 0 : i32
    %scan3A_22 = arith.constant 2.000000e-02 : f32
    %scan3A_23 = arith.constant 0 : i32
    %scan3A_24 = arith.constant 8 : i32
    %scan3A_25 = arith.addi %scan3A_23, %scan3A_24 : i32
    %scan3A_26 = arith.constant 1 : i32
    scf.for %scan3A_49 = %scan3A_23 to %scan3A_25 step %scan3A_26  : i32 {
      %mul3A_50 = arith.constant 2 : i32
      %mul3A_51 = arith.muli %mul3A_50, %scan3A_49 : i32
      %add3A_52 = arith.constant 0 : i32
      %add3A_53 = arith.addi %mul3A_51, %add3A_52 : i32
      %dma_wait3A_54 = arith.constant 0 : i32
      %dma_wait3A_55 = arith.constant 0 : i32
      %dma_wait3A_56 = arith.constant 0 : i32
      %dma_wait3A_57 = tpu.memref_slice %arg7[%dma_wait3A_54, %dma_wait3A_55, %dma_wait3A_56] : memref<2x400x64xf32, #tpu.memory_space<vmem>> -> memref<1x400x64xf32, #tpu.memory_space<vmem>>
      %dma_wait3A_58 = tpu.memref_squeeze %dma_wait3A_57 : memref<1x400x64xf32, #tpu.memory_space<vmem>> -> memref<400x64xf32, #tpu.memory_space<vmem>>
      %dma_wait3A_59 = arith.constant 0 : i32
      %dma_wait3A_60 = tpu.memref_slice %arg6[%dma_wait3A_59] : memref<6400xi32, #tpu.memory_space<vmem>> -> memref<400xi32, #tpu.memory_space<vmem>>
      %dma_wait3A_61 = arith.constant 0 : i32
      %dma_wait3A_62 = arith.constant 0 : i32
      %dma_wait3A_63 = tpu.memref_slice %arg3[%dma_wait3A_61, %dma_wait3A_62] : memref<100000x64xf32, #tpu.memory_space<hbm>> -> memref<100000x64xf32, #tpu.memory_space<hbm>>
      tpu.wait_indirect_dma semaphore(%arg9 : memref<!tpu.dma_semaphore, #tpu.memory_space<semaphore_mem>>) src(%dma_wait3A_63 : memref<100000x64xf32, #tpu.memory_space<hbm>>) dst(%dma_wait3A_58 : memref<400x64xf32, #tpu.memory_space<vmem>>)
      %get3A = arith.constant 0 : i32
      %get3A_64 = arith.constant 0 : i32
      %get3A_65 = arith.constant 0 : i32
      %get3A_66 = arith.constant 0 : i32
      %get3A_67 = tpu.memref_slice %arg7[%get3A, %get3A_65, %get3A_66] : memref<2x400x64xf32, #tpu.memory_space<vmem>> -> memref<1x400x64xf32, #tpu.memory_space<vmem>>
      %get3A_68 = tpu.memref_squeeze %get3A_67 : memref<1x400x64xf32, #tpu.memory_space<vmem>> -> memref<400x64xf32, #tpu.memory_space<vmem>>
      %get3A_69 = arith.index_cast %get3A_64 : i32 to index
      %get3A_70 = arith.constant 0 : index
      %get3A_71 = tpu.vector_load %get3A_68[%get3A_69, %get3A_70] {strides = array<i32>} : memref<400x64xf32, #tpu.memory_space<vmem>>, vector<1x16xf32>,
      %get3A_72 = vector.shape_cast %get3A_71 : vector<1x16xf32> to vector<16xf32>
      %get3A_73 = arith.constant 0 : i32
      %get3A_74 = arith.constant 0 : i32
      %get3A_75 = arith.constant 0 : i32
      %get3A_76 = arith.constant 0 : i32
      %get3A_77 = tpu.memref_slice %arg7[%get3A_73, %get3A_75, %get3A_76] : memref<2x400x64xf32, #tpu.memory_space<vmem>> -> memref<1x400x64xf32, #tpu.memory_space<vmem>>
      %get3A_78 = tpu.memref_squeeze %get3A_77 : memref<1x400x64xf32, #tpu.memory_space<vmem>> -> memref<400x64xf32, #tpu.memory_space<vmem>>
      %get3A_79 = arith.index_cast %get3A_74 : i32 to index
      %get3A_80 = arith.constant 16 : index
      %get3A_81 = tpu.vector_load %get3A_78[%get3A_79, %get3A_80] {strides = array<i32>} : memref<400x64xf32, #tpu.memory_space<vmem>>, vector<1x16xf32>,
      %get3A_82 = vector.shape_cast %get3A_81 : vector<1x16xf32> to vector<16xf32>
      %get3A_83 = arith.constant 0 : i32
      %get3A_84 = arith.constant 0 : i32
      %get3A_85 = arith.constant 0 : i32
      %get3A_86 = arith.constant 0 : i32
      %get3A_87 = tpu.memref_slice %arg7[%get3A_83, %get3A_85, %get3A_86] : memref<2x400x64xf32, #tpu.memory_space<vmem>> -> memref<1x400x64xf32, #tpu.memory_space<vmem>>
      %get3A_88 = tpu.memref_squeeze %get3A_87 : memref<1x400x64xf32, #tpu.memory_space<vmem>> -> memref<400x64xf32, #tpu.memory_space<vmem>>
      %get3A_89 = arith.index_cast %get3A_84 : i32 to index
      %get3A_90 = arith.constant 32 : index
      %get3A_91 = tpu.vector_load %get3A_88[%get3A_89, %get3A_90] {strides = array<i32>} : memref<400x64xf32, #tpu.memory_space<vmem>>, vector<1x16xf32>,
      %get3A_92 = vector.shape_cast %get3A_91 : vector<1x16xf32> to vector<16xf32>
      %get3A_93 = arith.constant 0 : i32
      %get3A_94 = arith.constant 0 : i32
      %get3A_95 = arith.constant 0 : i32
      %get3A_96 = arith.constant 0 : i32
      %get3A_97 = tpu.memref_slice %arg7[%get3A_93, %get3A_95, %get3A_96] : memref<2x400x64xf32, #tpu.memory_space<vmem>> -> memref<1x400x64xf32, #tpu.memory_space<vmem>>
      %get3A_98 = tpu.memref_squeeze %get3A_97 : memref<1x400x64xf32, #tpu.memory_space<vmem>> -> memref<400x64xf32, #tpu.memory_space<vmem>>
      %get3A_99 = arith.index_cast %get3A_94 : i32 to index
      %get3A_100 = arith.constant 48 : index
      %get3A_101 = tpu.vector_load %get3A_98[%get3A_99, %get3A_100] {strides = array<i32>} : memref<400x64xf32, #tpu.memory_space<vmem>>, vector<1x16xf32>,
      %get3A_102 = vector.shape_cast %get3A_101 : vector<1x16xf32> to vector<16xf32>
      %scan3A_103 = arith.constant 0 : i32
      %scan3A_104 = arith.constant 1 : i32
      %scan3A_105 = arith.constant 49 : i32
      %scan3A_106 = arith.addi %scan3A_104, %scan3A_105 : i32
      %scan3A_107 = arith.constant 1 : i32
      %scan3A_108:4 = scf.for %scan3A_1367 = %scan3A_104 to %scan3A_106 step %scan3A_107 iter_args(%scan3A_1368 = %get3A_72, %scan3A_1369 = %get3A_82, %scan3A_1370 = %get3A_92, %scan3A_1371 = %get3A_102) -> (vector<16xf32>, vector<16xf32>, vector<16xf32>, vector<16xf32>)  : i32 {
        %add3A_1372 = arith.constant 0 : i32
        %add3A_1373 = arith.addi %add3A_1372, %scan3A_1367 : i32
        %get3A_1374 = arith.constant 0 : i32
        %get3A_1375 = arith.constant 0 : i32
        %get3A_1376 = tpu.memref_slice %arg7[%scan3A_103, %get3A_1374, %get3A_1375] : memref<2x400x64xf32, #tpu.memory_space<vmem>> -> memref<1x400x64xf32, #tpu.memory_space<vmem>>
        %get3A_1377 = tpu.memref_squeeze %get3A_1376 : memref<1x400x64xf32, #tpu.memory_space<vmem>> -> memref<400x64xf32, #tpu.memory_space<vmem>>
        %get3A_1378 = arith.index_cast %add3A_1373 : i32 to index
        %get3A_1379 = arith.constant 0 : index
        %get3A_1380 = tpu.vector_load %get3A_1377[%get3A_1378, %get3A_1379] {strides = array<i32>} : memref<400x64xf32, #tpu.memory_space<vmem>>, vector<1x16xf32>,
        %get3A_1381 = vector.shape_cast %get3A_1380 : vector<1x16xf32> to vector<16xf32>
        %add3A_1382 = arith.addf %scan3A_1368, %get3A_1381 : vector<16xf32>
        %add3A_1383 = arith.constant 0 : i32
        %add3A_1384 = arith.addi %add3A_1383, %scan3A_1367 : i32
        %get3A_1385 = arith.constant 0 : i32
        %get3A_1386 = arith.constant 0 : i32
        %get3A_1387 = tpu.memref_slice %arg7[%scan3A_103, %get3A_1385, %get3A_1386] : memref<2x400x64xf32, #tpu.memory_space<vmem>> -> memref<1x400x64xf32, #tpu.memory_space<vmem>>
        %get3A_1388 = tpu.memref_squeeze %get3A_1387 : memref<1x400x64xf32, #tpu.memory_space<vmem>> -> memref<400x64xf32, #tpu.memory_space<vmem>>
        %get3A_1389 = arith.index_cast %add3A_1384 : i32 to index
        %get3A_1390 = arith.constant 16 : index
        %get3A_1391 = tpu.vector_load %get3A_1388[%get3A_1389, %get3A_1390] {strides = array<i32>} : memref<400x64xf32, #tpu.memory_space<vmem>>, vector<1x16xf32>,
        %get3A_1392 = vector.shape_cast %get3A_1391 : vector<1x16xf32> to vector<16xf32>
        %add3A_1393 = arith.addf %scan3A_1369, %get3A_1392 : vector<16xf32>
        %add3A_1394 = arith.constant 0 : i32
        %add3A_1395 = arith.addi %add3A_1394, %scan3A_1367 : i32
        %get3A_1396 = arith.constant 0 : i32
        %get3A_1397 = arith.constant 0 : i32
        %get3A_1398 = tpu.memref_slice %arg7[%scan3A_103, %get3A_1396, %get3A_1397] : memref<2x400x64xf32, #tpu.memory_space<vmem>> -> memref<1x400x64xf32, #tpu.memory_space<vmem>>
        %get3A_1399 = tpu.memref_squeeze %get3A_1398 : memref<1x400x64xf32, #tpu.memory_space<vmem>> -> memref<400x64xf32, #tpu.memory_space<vmem>>
        %get3A_1400 = arith.index_cast %add3A_1395 : i32 to index
        %get3A_1401 = arith.constant 32 : index
        %get3A_1402 = tpu.vector_load %get3A_1399[%get3A_1400, %get3A_1401] {strides = array<i32>} : memref<400x64xf32, #tpu.memory_space<vmem>>, vector<1x16xf32>,
        %get3A_1403 = vector.shape_cast %get3A_1402 : vector<1x16xf32> to vector<16xf32>
        %add3A_1404 = arith.addf %scan3A_1370, %get3A_1403 : vector<16xf32>
        %add3A_1405 = arith.constant 0 : i32
        %add3A_1406 = arith.addi %add3A_1405, %scan3A_1367 : i32
        %get3A_1407 = arith.constant 0 : i32
        %get3A_1408 = arith.constant 0 : i32
        %get3A_1409 = tpu.memref_slice %arg7[%scan3A_103, %get3A_1407, %get3A_1408] : memref<2x400x64xf32, #tpu.memory_space<vmem>> -> memref<1x400x64xf32, #tpu.memory_space<vmem>>
        %get3A_1410 = tpu.memref_squeeze %get3A_1409 : memref<1x400x64xf32, #tpu.memory_space<vmem>> -> memref<400x64xf32, #tpu.memory_space<vmem>>
        %get3A_1411 = arith.index_cast %add3A_1406 : i32 to index
        %get3A_1412 = arith.constant 48 : index
        %get3A_1413 = tpu.vector_load %get3A_1410[%get3A_1411, %get3A_1412] {strides = array<i32>} : memref<400x64xf32, #tpu.memory_space<vmem>>, vector<1x16xf32>,
        %get3A_1414 = vector.shape_cast %get3A_1413 : vector<1x16xf32> to vector<16xf32>
        %add3A_1415 = arith.addf %scan3A_1371, %get3A_1414 : vector<16xf32>
        scf.yield %add3A_1382, %add3A_1393, %add3A_1404, %add3A_1415 : vector<16xf32>, vector<16xf32>, vector<16xf32>, vector<16xf32>
      }
      %scan3A_109 = arith.constant 49 : i32
      %mul3A_110 = arith.constant 4 : i32
      %mul3A_111 = arith.muli %add3A_53, %mul3A_110 : i32
      %add3A_112 = arith.constant 0 : i32
      %add3A_113 = arith.addi %mul3A_111, %add3A_112 : i32
      %mul3A_114 = vector.broadcast %scan3A_22 : f32 to vector<16xf32>
      %mul3A_115 = arith.mulf %scan3A_108#0, %mul3A_114 : vector<16xf32>
      %swap3A = arith.index_cast %add3A_113 : i32 to index
      %swap3A_116 = arith.constant 0 : index
      %swap3A_117 = tpu.vector_load %arg8[%swap3A, %swap3A_116] {strides = array<i32>} : memref<64x128xf32, #tpu.memory_space<vmem>>, vector<1x16xf32>,
      %swap3A_118 = vector.shape_cast %swap3A_117 : vector<1x16xf32> to vector<16xf32>
      %swap3A_119 = vector.shape_cast %mul3A_115 : vector<16xf32> to vector<1x16xf32>
      tpu.vector_store %arg8[%swap3A, %swap3A_116], %swap3A_119 {strides = array<i32>} : memref<64x128xf32, #tpu.memory_space<vmem>>, vector<1x16xf32>,
      %mul3A_120 = vector.broadcast %scan3A_22 : f32 to vector<16xf32>
      %mul3A_121 = arith.mulf %scan3A_108#1, %mul3A_120 : vector<16xf32>
      %swap3A_122 = arith.index_cast %add3A_113 : i32 to index
      %swap3A_123 = arith.constant 16 : index
      %swap3A_124 = tpu.vector_load %arg8[%swap3A_122, %swap3A_123] {strides = array<i32>} : memref<64x128xf32, #tpu.memory_space<vmem>>, vector<1x16xf32>,
      %swap3A_125 = vector.shape_cast %swap3A_124 : vector<1x16xf32> to vector<16xf32>
      %swap3A_126 = vector.shape_cast %mul3A_121 : vector<16xf32> to vector<1x16xf32>
      tpu.vector_store %arg8[%swap3A_122, %swap3A_123], %swap3A_126 {strides = array<i32>} : memref<64x128xf32, #tpu.memory_space<vmem>>, vector<1x16xf32>,
      %mul3A_127 = vector.broadcast %scan3A_22 : f32 to vector<16xf32>
      %mul3A_128 = arith.mulf %scan3A_108#2, %mul3A_127 : vector<16xf32>
      %swap3A_129 = arith.index_cast %add3A_113 : i32 to index
      %swap3A_130 = arith.constant 32 : index
      %swap3A_131 = tpu.vector_load %arg8[%swap3A_129, %swap3A_130] {strides = array<i32>} : memref<64x128xf32, #tpu.memory_space<vmem>>, vector<1x16xf32>,
      %swap3A_132 = vector.shape_cast %swap3A_131 : vector<1x16xf32> to vector<16xf32>
      %swap3A_133 = vector.shape_cast %mul3A_128 : vector<16xf32> to vector<1x16xf32>
      tpu.vector_store %arg8[%swap3A_129, %swap3A_130], %swap3A_133 {strides = array<i32>} : memref<64x128xf32, #tpu.memory_space<vmem>>, vector<1x16xf32>,
      %mul3A_134 = vector.broadcast %scan3A_22 : f32 to vector<16xf32>
      %mul3A_135 = arith.mulf %scan3A_108#3, %mul3A_134 : vector<16xf32>
      %swap3A_136 = arith.index_cast %add3A_113 : i32 to index
      %swap3A_137 = arith.constant 48 : index
      %swap3A_138 = tpu.vector_load %arg8[%swap3A_136, %swap3A_137] {strides = array<i32>} : memref<64x128xf32, #tpu.memory_space<vmem>>, vector<1x16xf32>,
      %swap3A_139 = vector.shape_cast %swap3A_138 : vector<1x16xf32> to vector<16xf32>
      %swap3A_140 = vector.shape_cast %mul3A_135 : vector<16xf32> to vector<1x16xf32>
      tpu.vector_store %arg8[%swap3A_136, %swap3A_137], %swap3A_140 {strides = array<i32>} : memref<64x128xf32, #tpu.memory_space<vmem>>, vector<1x16xf32>,
      %get3A_141 = arith.constant 0 : i32
      %get3A_142 = arith.constant 50 : i32
      %get3A_143 = arith.constant 0 : i32
      %get3A_144 = arith.constant 0 : i32
      %get3A_145 = tpu.memref_slice %arg7[%get3A_141, %get3A_143, %get3A_144] : memref<2x400x64xf32, #tpu.memory_space<vmem>> -> memref<1x400x64xf32, #tpu.memory_space<vmem>>
      %get3A_146 = tpu.memref_squeeze %get3A_145 : memref<1x400x64xf32, #tpu.memory_space<vmem>> -> memref<400x64xf32, #tpu.memory_space<vmem>>
      %get3A_147 = arith.index_cast %get3A_142 : i32 to index
      %get3A_148 = arith.constant 0 : index
      %get3A_149 = tpu.vector_load %get3A_146[%get3A_147, %get3A_148] {strides = array<i32>} : memref<400x64xf32, #tpu.memory_space<vmem>>, vector<1x16xf32>,
      %get3A_150 = vector.shape_cast %get3A_149 : vector<1x16xf32> to vector<16xf32>
      %get3A_151 = arith.constant 0 : i32
      %get3A_152 = arith.constant 50 : i32
      %get3A_153 = arith.constant 0 : i32
      %get3A_154 = arith.constant 0 : i32
      %get3A_155 = tpu.memref_slice %arg7[%get3A_151, %get3A_153, %get3A_154] : memref<2x400x64xf32, #tpu.memory_space<vmem>> -> memref<1x400x64xf32, #tpu.memory_space<vmem>>
      %get3A_156 = tpu.memref_squeeze %get3A_155 : memref<1x400x64xf32, #tpu.memory_space<vmem>> -> memref<400x64xf32, #tpu.memory_space<vmem>>
      %get3A_157 = arith.index_cast %get3A_152 : i32 to index
      %get3A_158 = arith.constant 16 : index
      %get3A_159 = tpu.vector_load %get3A_156[%get3A_157, %get3A_158] {strides = array<i32>} : memref<400x64xf32, #tpu.memory_space<vmem>>, vector<1x16xf32>,
      %get3A_160 = vector.shape_cast %get3A_159 : vector<1x16xf32> to vector<16xf32>
      %get3A_161 = arith.constant 0 : i32
      %get3A_162 = arith.constant 50 : i32
      %get3A_163 = arith.constant 0 : i32
      %get3A_164 = arith.constant 0 : i32
      %get3A_165 = tpu.memref_slice %arg7[%get3A_161, %get3A_163, %get3A_164] : memref<2x400x64xf32, #tpu.memory_space<vmem>> -> memref<1x400x64xf32, #tpu.memory_space<vmem>>
      %get3A_166 = tpu.memref_squeeze %get3A_165 : memref<1x400x64xf32, #tpu.memory_space<vmem>> -> memref<400x64xf32, #tpu.memory_space<vmem>>
      %get3A_167 = arith.index_cast %get3A_162 : i32 to index
      %get3A_168 = arith.constant 32 : index
      %get3A_169 = tpu.vector_load %get3A_166[%get3A_167, %get3A_168] {strides = array<i32>} : memref<400x64xf32, #tpu.memory_space<vmem>>, vector<1x16xf32>,
      %get3A_170 = vector.shape_cast %get3A_169 : vector<1x16xf32> to vector<16xf32>
      %get3A_171 = arith.constant 0 : i32
      %get3A_172 = arith.constant 50 : i32
      %get3A_173 = arith.constant 0 : i32
      %get3A_174 = arith.constant 0 : i32
      %get3A_175 = tpu.memref_slice %arg7[%get3A_171, %get3A_173, %get3A_174] : memref<2x400x64xf32, #tpu.memory_space<vmem>> -> memref<1x400x64xf32, #tpu.memory_space<vmem>>
      %get3A_176 = tpu.memref_squeeze %get3A_175 : memref<1x400x64xf32, #tpu.memory_space<vmem>> -> memref<400x64xf32, #tpu.memory_space<vmem>>
      %get3A_177 = arith.index_cast %get3A_172 : i32 to index
      %get3A_178 = arith.constant 48 : index
      %get3A_179 = tpu.vector_load %get3A_176[%get3A_177, %get3A_178] {strides = array<i32>} : memref<400x64xf32, #tpu.memory_space<vmem>>, vector<1x16xf32>,
      %get3A_180 = vector.shape_cast %get3A_179 : vector<1x16xf32> to vector<16xf32>
      %scan3A_181 = arith.constant 0 : i32
      %scan3A_182 = arith.constant 1 : i32
      %scan3A_183 = arith.constant 49 : i32
      %scan3A_184 = arith.addi %scan3A_182, %scan3A_183 : i32
      %scan3A_185 = arith.constant 1 : i32
      %scan3A_186:4 = scf.for %scan3A_1367 = %scan3A_182 to %scan3A_184 step %scan3A_185 iter_args(%scan3A_1368 = %get3A_150, %scan3A_1369 = %get3A_160, %scan3A_1370 = %get3A_170, %scan3A_1371 = %get3A_180) -> (vector<16xf32>, vector<16xf32>, vector<16xf32>, vector<16xf32>)  : i32 {
        %add3A_1372 = arith.constant 50 : i32
        %add3A_1373 = arith.addi %add3A_1372, %scan3A_1367 : i32
        %get3A_1374 = arith.constant 0 : i32
        %get3A_1375 = arith.constant 0 : i32
        %get3A_1376 = tpu.memref_slice %arg7[%scan3A_181, %get3A_1374, %get3A_1375] : memref<2x400x64xf32, #tpu.memory_space<vmem>> -> memref<1x400x64xf32, #tpu.memory_space<vmem>>
        %get3A_1377 = tpu.memref_squeeze %get3A_1376 : memref<1x400x64xf32, #tpu.memory_space<vmem>> -> memref<400x64xf32, #tpu.memory_space<vmem>>
        %get3A_1378 = arith.index_cast %add3A_1373 : i32 to index
        %get3A_1379 = arith.constant 0 : index
        %get3A_1380 = tpu.vector_load %get3A_1377[%get3A_1378, %get3A_1379] {strides = array<i32>} : memref<400x64xf32, #tpu.memory_space<vmem>>, vector<1x16xf32>,
        %get3A_1381 = vector.shape_cast %get3A_1380 : vector<1x16xf32> to vector<16xf32>
        %add3A_1382 = arith.addf %scan3A_1368, %get3A_1381 : vector<16xf32>
        %add3A_1383 = arith.constant 50 : i32
        %add3A_1384 = arith.addi %add3A_1383, %scan3A_1367 : i32
        %get3A_1385 = arith.constant 0 : i32
        %get3A_1386 = arith.constant 0 : i32
        %get3A_1387 = tpu.memref_slice %arg7[%scan3A_181, %get3A_1385, %get3A_1386] : memref<2x400x64xf32, #tpu.memory_space<vmem>> -> memref<1x400x64xf32, #tpu.memory_space<vmem>>
        %get3A_1388 = tpu.memref_squeeze %get3A_1387 : memref<1x400x64xf32, #tpu.memory_space<vmem>> -> memref<400x64xf32, #tpu.memory_space<vmem>>
        %get3A_1389 = arith.index_cast %add3A_1384 : i32 to index
        %get3A_1390 = arith.constant 16 : index
        %get3A_1391 = tpu.vector_load %get3A_1388[%get3A_1389, %get3A_1390] {strides = array<i32>} : memref<400x64xf32, #tpu.memory_space<vmem>>, vector<1x16xf32>,
        %get3A_1392 = vector.shape_cast %get3A_1391 : vector<1x16xf32> to vector<16xf32>
        %add3A_1393 = arith.addf %scan3A_1369, %get3A_1392 : vector<16xf32>
        %add3A_1394 = arith.constant 50 : i32
        %add3A_1395 = arith.addi %add3A_1394, %scan3A_1367 : i32
        %get3A_1396 = arith.constant 0 : i32
        %get3A_1397 = arith.constant 0 : i32
        %get3A_1398 = tpu.memref_slice %arg7[%scan3A_181, %get3A_1396, %get3A_1397] : memref<2x400x64xf32, #tpu.memory_space<vmem>> -> memref<1x400x64xf32, #tpu.memory_space<vmem>>
        %get3A_1399 = tpu.memref_squeeze %get3A_1398 : memref<1x400x64xf32, #tpu.memory_space<vmem>> -> memref<400x64xf32, #tpu.memory_space<vmem>>
        %get3A_1400 = arith.index_cast %add3A_1395 : i32 to index
        %get3A_1401 = arith.constant 32 : index
        %get3A_1402 = tpu.vector_load %get3A_1399[%get3A_1400, %get3A_1401] {strides = array<i32>} : memref<400x64xf32, #tpu.memory_space<vmem>>, vector<1x16xf32>,
        %get3A_1403 = vector.shape_cast %get3A_1402 : vector<1x16xf32> to vector<16xf32>
        %add3A_1404 = arith.addf %scan3A_1370, %get3A_1403 : vector<16xf32>
        %add3A_1405 = arith.constant 50 : i32
        %add3A_1406 = arith.addi %add3A_1405, %scan3A_1367 : i32
        %get3A_1407 = arith.constant 0 : i32
        %get3A_1408 = arith.constant 0 : i32
        %get3A_1409 = tpu.memref_slice %arg7[%scan3A_181, %get3A_1407, %get3A_1408] : memref<2x400x64xf32, #tpu.memory_space<vmem>> -> memref<1x400x64xf32, #tpu.memory_space<vmem>>
        %get3A_1410 = tpu.memref_squeeze %get3A_1409 : memref<1x400x64xf32, #tpu.memory_space<vmem>> -> memref<400x64xf32, #tpu.memory_space<vmem>>
        %get3A_1411 = arith.index_cast %add3A_1406 : i32 to index
        %get3A_1412 = arith.constant 48 : index
        %get3A_1413 = tpu.vector_load %get3A_1410[%get3A_1411, %get3A_1412] {strides = array<i32>} : memref<400x64xf32, #tpu.memory_space<vmem>>, vector<1x16xf32>,
        %get3A_1414 = vector.shape_cast %get3A_1413 : vector<1x16xf32> to vector<16xf32>
        %add3A_1415 = arith.addf %scan3A_1371, %get3A_1414 : vector<16xf32>
        scf.yield %add3A_1382, %add3A_1393, %add3A_1404, %add3A_1415 : vector<16xf32>, vector<16xf32>, vector<16xf32>, vector<16xf32>
      }
      %scan3A_187 = arith.constant 49 : i32
      %mul3A_188 = arith.constant 4 : i32
      %mul3A_189 = arith.muli %add3A_53, %mul3A_188 : i32
      %add3A_190 = arith.constant 0 : i32
      %add3A_191 = arith.addi %mul3A_189, %add3A_190 : i32
      %mul3A_192 = vector.broadcast %scan3A_22 : f32 to vector<16xf32>
      %mul3A_193 = arith.mulf %scan3A_186#0, %mul3A_192 : vector<16xf32>
      %swap3A_194 = arith.index_cast %add3A_191 : i32 to index
      %swap3A_195 = arith.constant 64 : index
      %swap3A_196 = tpu.vector_load %arg8[%swap3A_194, %swap3A_195] {strides = array<i32>} : memref<64x128xf32, #tpu.memory_space<vmem>>, vector<1x16xf32>,
      %swap3A_197 = vector.shape_cast %swap3A_196 : vector<1x16xf32> to vector<16xf32>
      %swap3A_198 = vector.shape_cast %mul3A_193 : vector<16xf32> to vector<1x16xf32>
      tpu.vector_store %arg8[%swap3A_194, %swap3A_195], %swap3A_198 {strides = array<i32>} : memref<64x128xf32, #tpu.memory_space<vmem>>, vector<1x16xf32>,
      %mul3A_199 = vector.broadcast %scan3A_22 : f32 to vector<16xf32>
      %mul3A_200 = arith.mulf %scan3A_186#1, %mul3A_199 : vector<16xf32>
      %swap3A_201 = arith.index_cast %add3A_191 : i32 to index
      %swap3A_202 = arith.constant 80 : index
      %swap3A_203 = tpu.vector_load %arg8[%swap3A_201, %swap3A_202] {strides = array<i32>} : memref<64x128xf32, #tpu.memory_space<vmem>>, vector<1x16xf32>,
      %swap3A_204 = vector.shape_cast %swap3A_203 : vector<1x16xf32> to vector<16xf32>
      %swap3A_205 = vector.shape_cast %mul3A_200 : vector<16xf32> to vector<1x16xf32>
      tpu.vector_store %arg8[%swap3A_201, %swap3A_202], %swap3A_205 {strides = array<i32>} : memref<64x128xf32, #tpu.memory_space<vmem>>, vector<1x16xf32>,
      %mul3A_206 = vector.broadcast %scan3A_22 : f32 to vector<16xf32>
      %mul3A_207 = arith.mulf %scan3A_186#2, %mul3A_206 : vector<16xf32>
      %swap3A_208 = arith.index_cast %add3A_191 : i32 to index
      %swap3A_209 = arith.constant 96 : index
      %swap3A_210 = tpu.vector_load %arg8[%swap3A_208, %swap3A_209] {strides = array<i32>} : memref<64x128xf32, #tpu.memory_space<vmem>>, vector<1x16xf32>,
      %swap3A_211 = vector.shape_cast %swap3A_210 : vector<1x16xf32> to vector<16xf32>
      %swap3A_212 = vector.shape_cast %mul3A_207 : vector<16xf32> to vector<1x16xf32>
      tpu.vector_store %arg8[%swap3A_208, %swap3A_209], %swap3A_212 {strides = array<i32>} : memref<64x128xf32, #tpu.memory_space<vmem>>, vector<1x16xf32>,
      %mul3A_213 = vector.broadcast %scan3A_22 : f32 to vector<16xf32>
      %mul3A_214 = arith.mulf %scan3A_186#3, %mul3A_213 : vector<16xf32>
      %swap3A_215 = arith.index_cast %add3A_191 : i32 to index
      %swap3A_216 = arith.constant 112 : index
      %swap3A_217 = tpu.vector_load %arg8[%swap3A_215, %swap3A_216] {strides = array<i32>} : memref<64x128xf32, #tpu.memory_space<vmem>>, vector<1x16xf32>,
      %swap3A_218 = vector.shape_cast %swap3A_217 : vector<1x16xf32> to vector<16xf32>
      %swap3A_219 = vector.shape_cast %mul3A_214 : vector<16xf32> to vector<1x16xf32>
      tpu.vector_store %arg8[%swap3A_215, %swap3A_216], %swap3A_219 {strides = array<i32>} : memref<64x128xf32, #tpu.memory_space<vmem>>, vector<1x16xf32>,
      %get3A_220 = arith.constant 0 : i32
      %get3A_221 = arith.constant 100 : i32
      %get3A_222 = arith.constant 0 : i32
      %get3A_223 = arith.constant 0 : i32
      %get3A_224 = tpu.memref_slice %arg7[%get3A_220, %get3A_222, %get3A_223] : memref<2x400x64xf32, #tpu.memory_space<vmem>> -> memref<1x400x64xf32, #tpu.memory_space<vmem>>
      %get3A_225 = tpu.memref_squeeze %get3A_224 : memref<1x400x64xf32, #tpu.memory_space<vmem>> -> memref<400x64xf32, #tpu.memory_space<vmem>>
      %get3A_226 = arith.index_cast %get3A_221 : i32 to index
      %get3A_227 = arith.constant 0 : index
      %get3A_228 = tpu.vector_load %get3A_225[%get3A_226, %get3A_227] {strides = array<i32>} : memref<400x64xf32, #tpu.memory_space<vmem>>, vector<1x16xf32>,
      %get3A_229 = vector.shape_cast %get3A_228 : vector<1x16xf32> to vector<16xf32>
      %get3A_230 = arith.constant 0 : i32
      %get3A_231 = arith.constant 100 : i32
      %get3A_232 = arith.constant 0 : i32
      %get3A_233 = arith.constant 0 : i32
      %get3A_234 = tpu.memref_slice %arg7[%get3A_230, %get3A_232, %get3A_233] : memref<2x400x64xf32, #tpu.memory_space<vmem>> -> memref<1x400x64xf32, #tpu.memory_space<vmem>>
      %get3A_235 = tpu.memref_squeeze %get3A_234 : memref<1x400x64xf32, #tpu.memory_space<vmem>> -> memref<400x64xf32, #tpu.memory_space<vmem>>
      %get3A_236 = arith.index_cast %get3A_231 : i32 to index
      %get3A_237 = arith.constant 16 : index
      %get3A_238 = tpu.vector_load %get3A_235[%get3A_236, %get3A_237] {strides = array<i32>} : memref<400x64xf32, #tpu.memory_space<vmem>>, vector<1x16xf32>,
      %get3A_239 = vector.shape_cast %get3A_238 : vector<1x16xf32> to vector<16xf32>
      %get3A_240 = arith.constant 0 : i32
      %get3A_241 = arith.constant 100 : i32
      %get3A_242 = arith.constant 0 : i32
      %get3A_243 = arith.constant 0 : i32
      %get3A_244 = tpu.memref_slice %arg7[%get3A_240, %get3A_242, %get3A_243] : memref<2x400x64xf32, #tpu.memory_space<vmem>> -> memref<1x400x64xf32, #tpu.memory_space<vmem>>
      %get3A_245 = tpu.memref_squeeze %get3A_244 : memref<1x400x64xf32, #tpu.memory_space<vmem>> -> memref<400x64xf32, #tpu.memory_space<vmem>>
      %get3A_246 = arith.index_cast %get3A_241 : i32 to index
      %get3A_247 = arith.constant 32 : index
      %get3A_248 = tpu.vector_load %get3A_245[%get3A_246, %get3A_247] {strides = array<i32>} : memref<400x64xf32, #tpu.memory_space<vmem>>, vector<1x16xf32>,
      %get3A_249 = vector.shape_cast %get3A_248 : vector<1x16xf32> to vector<16xf32>
      %get3A_250 = arith.constant 0 : i32
      %get3A_251 = arith.constant 100 : i32
      %get3A_252 = arith.constant 0 : i32
      %get3A_253 = arith.constant 0 : i32
      %get3A_254 = tpu.memref_slice %arg7[%get3A_250, %get3A_252, %get3A_253] : memref<2x400x64xf32, #tpu.memory_space<vmem>> -> memref<1x400x64xf32, #tpu.memory_space<vmem>>
      %get3A_255 = tpu.memref_squeeze %get3A_254 : memref<1x400x64xf32, #tpu.memory_space<vmem>> -> memref<400x64xf32, #tpu.memory_space<vmem>>
      %get3A_256 = arith.index_cast %get3A_251 : i32 to index
      %get3A_257 = arith.constant 48 : index
      %get3A_258 = tpu.vector_load %get3A_255[%get3A_256, %get3A_257] {strides = array<i32>} : memref<400x64xf32, #tpu.memory_space<vmem>>, vector<1x16xf32>,
      %get3A_259 = vector.shape_cast %get3A_258 : vector<1x16xf32> to vector<16xf32>
      %scan3A_260 = arith.constant 0 : i32
      %scan3A_261 = arith.constant 1 : i32
      %scan3A_262 = arith.constant 49 : i32
      %scan3A_263 = arith.addi %scan3A_261, %scan3A_262 : i32
      %scan3A_264 = arith.constant 1 : i32
      %scan3A_265:4 = scf.for %scan3A_1367 = %scan3A_261 to %scan3A_263 step %scan3A_264 iter_args(%scan3A_1368 = %get3A_229, %scan3A_1369 = %get3A_239, %scan3A_1370 = %get3A_249, %scan3A_1371 = %get3A_259) -> (vector<16xf32>, vector<16xf32>, vector<16xf32>, vector<16xf32>)  : i32 {
        %add3A_1372 = arith.constant 100 : i32
        %add3A_1373 = arith.addi %add3A_1372, %scan3A_1367 : i32
        %get3A_1374 = arith.constant 0 : i32
        %get3A_1375 = arith.constant 0 : i32
        %get3A_1376 = tpu.memref_slice %arg7[%scan3A_260, %get3A_1374, %get3A_1375] : memref<2x400x64xf32, #tpu.memory_space<vmem>> -> memref<1x400x64xf32, #tpu.memory_space<vmem>>
        %get3A_1377 = tpu.memref_squeeze %get3A_1376 : memref<1x400x64xf32, #tpu.memory_space<vmem>> -> memref<400x64xf32, #tpu.memory_space<vmem>>
        %get3A_1378 = arith.index_cast %add3A_1373 : i32 to index
        %get3A_1379 = arith.constant 0 : index
        %get3A_1380 = tpu.vector_load %get3A_1377[%get3A_1378, %get3A_1379] {strides = array<i32>} : memref<400x64xf32, #tpu.memory_space<vmem>>, vector<1x16xf32>,
        %get3A_1381 = vector.shape_cast %get3A_1380 : vector<1x16xf32> to vector<16xf32>
        %add3A_1382 = arith.addf %scan3A_1368, %get3A_1381 : vector<16xf32>
        %add3A_1383 = arith.constant 100 : i32
        %add3A_1384 = arith.addi %add3A_1383, %scan3A_1367 : i32
        %get3A_1385 = arith.constant 0 : i32
        %get3A_1386 = arith.constant 0 : i32
        %get3A_1387 = tpu.memref_slice %arg7[%scan3A_260, %get3A_1385, %get3A_1386] : memref<2x400x64xf32, #tpu.memory_space<vmem>> -> memref<1x400x64xf32, #tpu.memory_space<vmem>>
        %get3A_1388 = tpu.memref_squeeze %get3A_1387 : memref<1x400x64xf32, #tpu.memory_space<vmem>> -> memref<400x64xf32, #tpu.memory_space<vmem>>
        %get3A_1389 = arith.index_cast %add3A_1384 : i32 to index
        %get3A_1390 = arith.constant 16 : index
        %get3A_1391 = tpu.vector_load %get3A_1388[%get3A_1389, %get3A_1390] {strides = array<i32>} : memref<400x64xf32, #tpu.memory_space<vmem>>, vector<1x16xf32>,
        %get3A_1392 = vector.shape_cast %get3A_1391 : vector<1x16xf32> to vector<16xf32>
        %add3A_1393 = arith.addf %scan3A_1369, %get3A_1392 : vector<16xf32>
        %add3A_1394 = arith.constant 100 : i32
        %add3A_1395 = arith.addi %add3A_1394, %scan3A_1367 : i32
        %get3A_1396 = arith.constant 0 : i32
        %get3A_1397 = arith.constant 0 : i32
        %get3A_1398 = tpu.memref_slice %arg7[%scan3A_260, %get3A_1396, %get3A_1397] : memref<2x400x64xf32, #tpu.memory_space<vmem>> -> memref<1x400x64xf32, #tpu.memory_space<vmem>>
        %get3A_1399 = tpu.memref_squeeze %get3A_1398 : memref<1x400x64xf32, #tpu.memory_space<vmem>> -> memref<400x64xf32, #tpu.memory_space<vmem>>
        %get3A_1400 = arith.index_cast %add3A_1395 : i32 to index
        %get3A_1401 = arith.constant 32 : index
        %get3A_1402 = tpu.vector_load %get3A_1399[%get3A_1400, %get3A_1401] {strides = array<i32>} : memref<400x64xf32, #tpu.memory_space<vmem>>, vector<1x16xf32>,
        %get3A_1403 = vector.shape_cast %get3A_1402 : vector<1x16xf32> to vector<16xf32>
        %add3A_1404 = arith.addf %scan3A_1370, %get3A_1403 : vector<16xf32>
        %add3A_1405 = arith.constant 100 : i32
        %add3A_1406 = arith.addi %add3A_1405, %scan3A_1367 : i32
        %get3A_1407 = arith.constant 0 : i32
        %get3A_1408 = arith.constant 0 : i32
        %get3A_1409 = tpu.memref_slice %arg7[%scan3A_260, %get3A_1407, %get3A_1408] : memref<2x400x64xf32, #tpu.memory_space<vmem>> -> memref<1x400x64xf32, #tpu.memory_space<vmem>>
        %get3A_1410 = tpu.memref_squeeze %get3A_1409 : memref<1x400x64xf32, #tpu.memory_space<vmem>> -> memref<400x64xf32, #tpu.memory_space<vmem>>
        %get3A_1411 = arith.index_cast %add3A_1406 : i32 to index
        %get3A_1412 = arith.constant 48 : index
        %get3A_1413 = tpu.vector_load %get3A_1410[%get3A_1411, %get3A_1412] {strides = array<i32>} : memref<400x64xf32, #tpu.memory_space<vmem>>, vector<1x16xf32>,
        %get3A_1414 = vector.shape_cast %get3A_1413 : vector<1x16xf32> to vector<16xf32>
        %add3A_1415 = arith.addf %scan3A_1371, %get3A_1414 : vector<16xf32>
        scf.yield %add3A_1382, %add3A_1393, %add3A_1404, %add3A_1415 : vector<16xf32>, vector<16xf32>, vector<16xf32>, vector<16xf32>
      }
      %scan3A_266 = arith.constant 49 : i32
      %mul3A_267 = arith.constant 4 : i32
      %mul3A_268 = arith.muli %add3A_53, %mul3A_267 : i32
      %add3A_269 = arith.constant 1 : i32
      %add3A_270 = arith.addi %mul3A_268, %add3A_269 : i32
      %mul3A_271 = vector.broadcast %scan3A_22 : f32 to vector<16xf32>
      %mul3A_272 = arith.mulf %scan3A_265#0, %mul3A_271 : vector<16xf32>
      %swap3A_273 = arith.index_cast %add3A_270 : i32 to index
      %swap3A_274 = arith.constant 0 : index
      %swap3A_275 = tpu.vector_load %arg8[%swap3A_273, %swap3A_274] {strides = array<i32>} : memref<64x128xf32, #tpu.memory_space<vmem>>, vector<1x16xf32>,
      %swap3A_276 = vector.shape_cast %swap3A_275 : vector<1x16xf32> to vector<16xf32>
      %swap3A_277 = vector.shape_cast %mul3A_272 : vector<16xf32> to vector<1x16xf32>
      tpu.vector_store %arg8[%swap3A_273, %swap3A_274], %swap3A_277 {strides = array<i32>} : memref<64x128xf32, #tpu.memory_space<vmem>>, vector<1x16xf32>,
      %mul3A_278 = vector.broadcast %scan3A_22 : f32 to vector<16xf32>
      %mul3A_279 = arith.mulf %scan3A_265#1, %mul3A_278 : vector<16xf32>
      %swap3A_280 = arith.index_cast %add3A_270 : i32 to index
      %swap3A_281 = arith.constant 16 : index
      %swap3A_282 = tpu.vector_load %arg8[%swap3A_280, %swap3A_281] {strides = array<i32>} : memref<64x128xf32, #tpu.memory_space<vmem>>, vector<1x16xf32>,
      %swap3A_283 = vector.shape_cast %swap3A_282 : vector<1x16xf32> to vector<16xf32>
      %swap3A_284 = vector.shape_cast %mul3A_279 : vector<16xf32> to vector<1x16xf32>
      tpu.vector_store %arg8[%swap3A_280, %swap3A_281], %swap3A_284 {strides = array<i32>} : memref<64x128xf32, #tpu.memory_space<vmem>>, vector<1x16xf32>,
      %mul3A_285 = vector.broadcast %scan3A_22 : f32 to vector<16xf32>
      %mul3A_286 = arith.mulf %scan3A_265#2, %mul3A_285 : vector<16xf32>
      %swap3A_287 = arith.index_cast %add3A_270 : i32 to index
      %swap3A_288 = arith.constant 32 : index
      %swap3A_289 = tpu.vector_load %arg8[%swap3A_287, %swap3A_288] {strides = array<i32>} : memref<64x128xf32, #tpu.memory_space<vmem>>, vector<1x16xf32>,
      %swap3A_290 = vector.shape_cast %swap3A_289 : vector<1x16xf32> to vector<16xf32>
      %swap3A_291 = vector.shape_cast %mul3A_286 : vector<16xf32> to vector<1x16xf32>
      tpu.vector_store %arg8[%swap3A_287, %swap3A_288], %swap3A_291 {strides = array<i32>} : memref<64x128xf32, #tpu.memory_space<vmem>>, vector<1x16xf32>,
      %mul3A_292 = vector.broadcast %scan3A_22 : f32 to vector<16xf32>
      %mul3A_293 = arith.mulf %scan3A_265#3, %mul3A_292 : vector<16xf32>
      %swap3A_294 = arith.index_cast %add3A_270 : i32 to index
      %swap3A_295 = arith.constant 48 : index
      %swap3A_296 = tpu.vector_load %arg8[%swap3A_294, %swap3A_295] {strides = array<i32>} : memref<64x128xf32, #tpu.memory_space<vmem>>, vector<1x16xf32>,
      %swap3A_297 = vector.shape_cast %swap3A_296 : vector<1x16xf32> to vector<16xf32>
      %swap3A_298 = vector.shape_cast %mul3A_293 : vector<16xf32> to vector<1x16xf32>
      tpu.vector_store %arg8[%swap3A_294, %swap3A_295], %swap3A_298 {strides = array<i32>} : memref<64x128xf32, #tpu.memory_space<vmem>>, vector<1x16xf32>,
      %get3A_299 = arith.constant 0 : i32
      %get3A_300 = arith.constant 150 : i32
      %get3A_301 = arith.constant 0 : i32
      %get3A_302 = arith.constant 0 : i32
      %get3A_303 = tpu.memref_slice %arg7[%get3A_299, %get3A_301, %get3A_302] : memref<2x400x64xf32, #tpu.memory_space<vmem>> -> memref<1x400x64xf32, #tpu.memory_space<vmem>>
      %get3A_304 = tpu.memref_squeeze %get3A_303 : memref<1x400x64xf32, #tpu.memory_space<vmem>> -> memref<400x64xf32, #tpu.memory_space<vmem>>
      %get3A_305 = arith.index_cast %get3A_300 : i32 to index
      %get3A_306 = arith.constant 0 : index
      %get3A_307 = tpu.vector_load %get3A_304[%get3A_305, %get3A_306] {strides = array<i32>} : memref<400x64xf32, #tpu.memory_space<vmem>>, vector<1x16xf32>,
      %get3A_308 = vector.shape_cast %get3A_307 : vector<1x16xf32> to vector<16xf32>
      %get3A_309 = arith.constant 0 : i32
      %get3A_310 = arith.constant 150 : i32
      %get3A_311 = arith.constant 0 : i32
      %get3A_312 = arith.constant 0 : i32
      %get3A_313 = tpu.memref_slice %arg7[%get3A_309, %get3A_311, %get3A_312] : memref<2x400x64xf32, #tpu.memory_space<vmem>> -> memref<1x400x64xf32, #tpu.memory_space<vmem>>
      %get3A_314 = tpu.memref_squeeze %get3A_313 : memref<1x400x64xf32, #tpu.memory_space<vmem>> -> memref<400x64xf32, #tpu.memory_space<vmem>>
      %get3A_315 = arith.index_cast %get3A_310 : i32 to index
      %get3A_316 = arith.constant 16 : index
      %get3A_317 = tpu.vector_load %get3A_314[%get3A_315, %get3A_316] {strides = array<i32>} : memref<400x64xf32, #tpu.memory_space<vmem>>, vector<1x16xf32>,
      %get3A_318 = vector.shape_cast %get3A_317 : vector<1x16xf32> to vector<16xf32>
      %get3A_319 = arith.constant 0 : i32
      %get3A_320 = arith.constant 150 : i32
      %get3A_321 = arith.constant 0 : i32
      %get3A_322 = arith.constant 0 : i32
      %get3A_323 = tpu.memref_slice %arg7[%get3A_319, %get3A_321, %get3A_322] : memref<2x400x64xf32, #tpu.memory_space<vmem>> -> memref<1x400x64xf32, #tpu.memory_space<vmem>>
      %get3A_324 = tpu.memref_squeeze %get3A_323 : memref<1x400x64xf32, #tpu.memory_space<vmem>> -> memref<400x64xf32, #tpu.memory_space<vmem>>
      %get3A_325 = arith.index_cast %get3A_320 : i32 to index
      %get3A_326 = arith.constant 32 : index
      %get3A_327 = tpu.vector_load %get3A_324[%get3A_325, %get3A_326] {strides = array<i32>} : memref<400x64xf32, #tpu.memory_space<vmem>>, vector<1x16xf32>,
      %get3A_328 = vector.shape_cast %get3A_327 : vector<1x16xf32> to vector<16xf32>
      %get3A_329 = arith.constant 0 : i32
      %get3A_330 = arith.constant 150 : i32
      %get3A_331 = arith.constant 0 : i32
      %get3A_332 = arith.constant 0 : i32
      %get3A_333 = tpu.memref_slice %arg7[%get3A_329, %get3A_331, %get3A_332] : memref<2x400x64xf32, #tpu.memory_space<vmem>> -> memref<1x400x64xf32, #tpu.memory_space<vmem>>
      %get3A_334 = tpu.memref_squeeze %get3A_333 : memref<1x400x64xf32, #tpu.memory_space<vmem>> -> memref<400x64xf32, #tpu.memory_space<vmem>>
      %get3A_335 = arith.index_cast %get3A_330 : i32 to index
      %get3A_336 = arith.constant 48 : index
      %get3A_337 = tpu.vector_load %get3A_334[%get3A_335, %get3A_336] {strides = array<i32>} : memref<400x64xf32, #tpu.memory_space<vmem>>, vector<1x16xf32>,
      %get3A_338 = vector.shape_cast %get3A_337 : vector<1x16xf32> to vector<16xf32>
      %scan3A_339 = arith.constant 0 : i32
      %scan3A_340 = arith.constant 1 : i32
      %scan3A_341 = arith.constant 49 : i32
      %scan3A_342 = arith.addi %scan3A_340, %scan3A_341 : i32
      %scan3A_343 = arith.constant 1 : i32
      %scan3A_344:4 = scf.for %scan3A_1367 = %scan3A_340 to %scan3A_342 step %scan3A_343 iter_args(%scan3A_1368 = %get3A_308, %scan3A_1369 = %get3A_318, %scan3A_1370 = %get3A_328, %scan3A_1371 = %get3A_338) -> (vector<16xf32>, vector<16xf32>, vector<16xf32>, vector<16xf32>)  : i32 {
        %add3A_1372 = arith.constant 150 : i32
        %add3A_1373 = arith.addi %add3A_1372, %scan3A_1367 : i32
        %get3A_1374 = arith.constant 0 : i32
        %get3A_1375 = arith.constant 0 : i32
        %get3A_1376 = tpu.memref_slice %arg7[%scan3A_339, %get3A_1374, %get3A_1375] : memref<2x400x64xf32, #tpu.memory_space<vmem>> -> memref<1x400x64xf32, #tpu.memory_space<vmem>>
        %get3A_1377 = tpu.memref_squeeze %get3A_1376 : memref<1x400x64xf32, #tpu.memory_space<vmem>> -> memref<400x64xf32, #tpu.memory_space<vmem>>
        %get3A_1378 = arith.index_cast %add3A_1373 : i32 to index
        %get3A_1379 = arith.constant 0 : index
        %get3A_1380 = tpu.vector_load %get3A_1377[%get3A_1378, %get3A_1379] {strides = array<i32>} : memref<400x64xf32, #tpu.memory_space<vmem>>, vector<1x16xf32>,
        %get3A_1381 = vector.shape_cast %get3A_1380 : vector<1x16xf32> to vector<16xf32>
        %add3A_1382 = arith.addf %scan3A_1368, %get3A_1381 : vector<16xf32>
        %add3A_1383 = arith.constant 150 : i32
        %add3A_1384 = arith.addi %add3A_1383, %scan3A_1367 : i32
        %get3A_1385 = arith.constant 0 : i32
        %get3A_1386 = arith.constant 0 : i32
        %get3A_1387 = tpu.memref_slice %arg7[%scan3A_339, %get3A_1385, %get3A_1386] : memref<2x400x64xf32, #tpu.memory_space<vmem>> -> memref<1x400x64xf32, #tpu.memory_space<vmem>>
        %get3A_1388 = tpu.memref_squeeze %get3A_1387 : memref<1x400x64xf32, #tpu.memory_space<vmem>> -> memref<400x64xf32, #tpu.memory_space<vmem>>
        %get3A_1389 = arith.index_cast %add3A_1384 : i32 to index
        %get3A_1390 = arith.constant 16 : index
        %get3A_1391 = tpu.vector_load %get3A_1388[%get3A_1389, %get3A_1390] {strides = array<i32>} : memref<400x64xf32, #tpu.memory_space<vmem>>, vector<1x16xf32>,
        %get3A_1392 = vector.shape_cast %get3A_1391 : vector<1x16xf32> to vector<16xf32>
        %add3A_1393 = arith.addf %scan3A_1369, %get3A_1392 : vector<16xf32>
        %add3A_1394 = arith.constant 150 : i32
        %add3A_1395 = arith.addi %add3A_1394, %scan3A_1367 : i32
        %get3A_1396 = arith.constant 0 : i32
        %get3A_1397 = arith.constant 0 : i32
        %get3A_1398 = tpu.memref_slice %arg7[%scan3A_339, %get3A_1396, %get3A_1397] : memref<2x400x64xf32, #tpu.memory_space<vmem>> -> memref<1x400x64xf32, #tpu.memory_space<vmem>>
        %get3A_1399 = tpu.memref_squeeze %get3A_1398 : memref<1x400x64xf32, #tpu.memory_space<vmem>> -> memref<400x64xf32, #tpu.memory_space<vmem>>
        %get3A_1400 = arith.index_cast %add3A_1395 : i32 to index
        %get3A_1401 = arith.constant 32 : index
        %get3A_1402 = tpu.vector_load %get3A_1399[%get3A_1400, %get3A_1401] {strides = array<i32>} : memref<400x64xf32, #tpu.memory_space<vmem>>, vector<1x16xf32>,
        %get3A_1403 = vector.shape_cast %get3A_1402 : vector<1x16xf32> to vector<16xf32>
        %add3A_1404 = arith.addf %scan3A_1370, %get3A_1403 : vector<16xf32>
        %add3A_1405 = arith.constant 150 : i32
        %add3A_1406 = arith.addi %add3A_1405, %scan3A_1367 : i32
        %get3A_1407 = arith.constant 0 : i32
        %get3A_1408 = arith.constant 0 : i32
        %get3A_1409 = tpu.memref_slice %arg7[%scan3A_339, %get3A_1407, %get3A_1408] : memref<2x400x64xf32, #tpu.memory_space<vmem>> -> memref<1x400x64xf32, #tpu.memory_space<vmem>>
        %get3A_1410 = tpu.memref_squeeze %get3A_1409 : memref<1x400x64xf32, #tpu.memory_space<vmem>> -> memref<400x64xf32, #tpu.memory_space<vmem>>
        %get3A_1411 = arith.index_cast %add3A_1406 : i32 to index
        %get3A_1412 = arith.constant 48 : index
        %get3A_1413 = tpu.vector_load %get3A_1410[%get3A_1411, %get3A_1412] {strides = array<i32>} : memref<400x64xf32, #tpu.memory_space<vmem>>, vector<1x16xf32>,
        %get3A_1414 = vector.shape_cast %get3A_1413 : vector<1x16xf32> to vector<16xf32>
        %add3A_1415 = arith.addf %scan3A_1371, %get3A_1414 : vector<16xf32>
        scf.yield %add3A_1382, %add3A_1393, %add3A_1404, %add3A_1415 : vector<16xf32>, vector<16xf32>, vector<16xf32>, vector<16xf32>
      }
      %scan3A_345 = arith.constant 49 : i32
      %mul3A_346 = arith.constant 4 : i32
      %mul3A_347 = arith.muli %add3A_53, %mul3A_346 : i32
      %add3A_348 = arith.constant 1 : i32
      %add3A_349 = arith.addi %mul3A_347, %add3A_348 : i32
      %mul3A_350 = vector.broadcast %scan3A_22 : f32 to vector<16xf32>
      %mul3A_351 = arith.mulf %scan3A_344#0, %mul3A_350 : vector<16xf32>
      %swap3A_352 = arith.index_cast %add3A_349 : i32 to index
      %swap3A_353 = arith.constant 64 : index
      %swap3A_354 = tpu.vector_load %arg8[%swap3A_352, %swap3A_353] {strides = array<i32>} : memref<64x128xf32, #tpu.memory_space<vmem>>, vector<1x16xf32>,
      %swap3A_355 = vector.shape_cast %swap3A_354 : vector<1x16xf32> to vector<16xf32>
      %swap3A_356 = vector.shape_cast %mul3A_351 : vector<16xf32> to vector<1x16xf32>
      tpu.vector_store %arg8[%swap3A_352, %swap3A_353], %swap3A_356 {strides = array<i32>} : memref<64x128xf32, #tpu.memory_space<vmem>>, vector<1x16xf32>,
      %mul3A_357 = vector.broadcast %scan3A_22 : f32 to vector<16xf32>
      %mul3A_358 = arith.mulf %scan3A_344#1, %mul3A_357 : vector<16xf32>
      %swap3A_359 = arith.index_cast %add3A_349 : i32 to index
      %swap3A_360 = arith.constant 80 : index
      %swap3A_361 = tpu.vector_load %arg8[%swap3A_359, %swap3A_360] {strides = array<i32>} : memref<64x128xf32, #tpu.memory_space<vmem>>, vector<1x16xf32>,
      %swap3A_362 = vector.shape_cast %swap3A_361 : vector<1x16xf32> to vector<16xf32>
      %swap3A_363 = vector.shape_cast %mul3A_358 : vector<16xf32> to vector<1x16xf32>
      tpu.vector_store %arg8[%swap3A_359, %swap3A_360], %swap3A_363 {strides = array<i32>} : memref<64x128xf32, #tpu.memory_space<vmem>>, vector<1x16xf32>,
      %mul3A_364 = vector.broadcast %scan3A_22 : f32 to vector<16xf32>
      %mul3A_365 = arith.mulf %scan3A_344#2, %mul3A_364 : vector<16xf32>
      %swap3A_366 = arith.index_cast %add3A_349 : i32 to index
      %swap3A_367 = arith.constant 96 : index
      %swap3A_368 = tpu.vector_load %arg8[%swap3A_366, %swap3A_367] {strides = array<i32>} : memref<64x128xf32, #tpu.memory_space<vmem>>, vector<1x16xf32>,
      %swap3A_369 = vector.shape_cast %swap3A_368 : vector<1x16xf32> to vector<16xf32>
      %swap3A_370 = vector.shape_cast %mul3A_365 : vector<16xf32> to vector<1x16xf32>
      tpu.vector_store %arg8[%swap3A_366, %swap3A_367], %swap3A_370 {strides = array<i32>} : memref<64x128xf32, #tpu.memory_space<vmem>>, vector<1x16xf32>,
      %mul3A_371 = vector.broadcast %scan3A_22 : f32 to vector<16xf32>
      %mul3A_372 = arith.mulf %scan3A_344#3, %mul3A_371 : vector<16xf32>
      %swap3A_373 = arith.index_cast %add3A_349 : i32 to index
      %swap3A_374 = arith.constant 112 : index
      %swap3A_375 = tpu.vector_load %arg8[%swap3A_373, %swap3A_374] {strides = array<i32>} : memref<64x128xf32, #tpu.memory_space<vmem>>, vector<1x16xf32>,
      %swap3A_376 = vector.shape_cast %swap3A_375 : vector<1x16xf32> to vector<16xf32>
      %swap3A_377 = vector.shape_cast %mul3A_372 : vector<16xf32> to vector<1x16xf32>
      tpu.vector_store %arg8[%swap3A_373, %swap3A_374], %swap3A_377 {strides = array<i32>} : memref<64x128xf32, #tpu.memory_space<vmem>>, vector<1x16xf32>,
      %get3A_378 = arith.constant 0 : i32
      %get3A_379 = arith.constant 200 : i32
      %get3A_380 = arith.constant 0 : i32
      %get3A_381 = arith.constant 0 : i32
      %get3A_382 = tpu.memref_slice %arg7[%get3A_378, %get3A_380, %get3A_381] : memref<2x400x64xf32, #tpu.memory_space<vmem>> -> memref<1x400x64xf32, #tpu.memory_space<vmem>>
      %get3A_383 = tpu.memref_squeeze %get3A_382 : memref<1x400x64xf32, #tpu.memory_space<vmem>> -> memref<400x64xf32, #tpu.memory_space<vmem>>
      %get3A_384 = arith.index_cast %get3A_379 : i32 to index
      %get3A_385 = arith.constant 0 : index
      %get3A_386 = tpu.vector_load %get3A_383[%get3A_384, %get3A_385] {strides = array<i32>} : memref<400x64xf32, #tpu.memory_space<vmem>>, vector<1x16xf32>,
      %get3A_387 = vector.shape_cast %get3A_386 : vector<1x16xf32> to vector<16xf32>
      %get3A_388 = arith.constant 0 : i32
      %get3A_389 = arith.constant 200 : i32
      %get3A_390 = arith.constant 0 : i32
      %get3A_391 = arith.constant 0 : i32
      %get3A_392 = tpu.memref_slice %arg7[%get3A_388, %get3A_390, %get3A_391] : memref<2x400x64xf32, #tpu.memory_space<vmem>> -> memref<1x400x64xf32, #tpu.memory_space<vmem>>
      %get3A_393 = tpu.memref_squeeze %get3A_392 : memref<1x400x64xf32, #tpu.memory_space<vmem>> -> memref<400x64xf32, #tpu.memory_space<vmem>>
      %get3A_394 = arith.index_cast %get3A_389 : i32 to index
      %get3A_395 = arith.constant 16 : index
      %get3A_396 = tpu.vector_load %get3A_393[%get3A_394, %get3A_395] {strides = array<i32>} : memref<400x64xf32, #tpu.memory_space<vmem>>, vector<1x16xf32>,
      %get3A_397 = vector.shape_cast %get3A_396 : vector<1x16xf32> to vector<16xf32>
      %get3A_398 = arith.constant 0 : i32
      %get3A_399 = arith.constant 200 : i32
      %get3A_400 = arith.constant 0 : i32
      %get3A_401 = arith.constant 0 : i32
      %get3A_402 = tpu.memref_slice %arg7[%get3A_398, %get3A_400, %get3A_401] : memref<2x400x64xf32, #tpu.memory_space<vmem>> -> memref<1x400x64xf32, #tpu.memory_space<vmem>>
      %get3A_403 = tpu.memref_squeeze %get3A_402 : memref<1x400x64xf32, #tpu.memory_space<vmem>> -> memref<400x64xf32, #tpu.memory_space<vmem>>
      %get3A_404 = arith.index_cast %get3A_399 : i32 to index
      %get3A_405 = arith.constant 32 : index
      %get3A_406 = tpu.vector_load %get3A_403[%get3A_404, %get3A_405] {strides = array<i32>} : memref<400x64xf32, #tpu.memory_space<vmem>>, vector<1x16xf32>,
      %get3A_407 = vector.shape_cast %get3A_406 : vector<1x16xf32> to vector<16xf32>
      %get3A_408 = arith.constant 0 : i32
      %get3A_409 = arith.constant 200 : i32
      %get3A_410 = arith.constant 0 : i32
      %get3A_411 = arith.constant 0 : i32
      %get3A_412 = tpu.memref_slice %arg7[%get3A_408, %get3A_410, %get3A_411] : memref<2x400x64xf32, #tpu.memory_space<vmem>> -> memref<1x400x64xf32, #tpu.memory_space<vmem>>
      %get3A_413 = tpu.memref_squeeze %get3A_412 : memref<1x400x64xf32, #tpu.memory_space<vmem>> -> memref<400x64xf32, #tpu.memory_space<vmem>>
      %get3A_414 = arith.index_cast %get3A_409 : i32 to index
      %get3A_415 = arith.constant 48 : index
      %get3A_416 = tpu.vector_load %get3A_413[%get3A_414, %get3A_415] {strides = array<i32>} : memref<400x64xf32, #tpu.memory_space<vmem>>, vector<1x16xf32>,
      %get3A_417 = vector.shape_cast %get3A_416 : vector<1x16xf32> to vector<16xf32>
      %scan3A_418 = arith.constant 0 : i32
      %scan3A_419 = arith.constant 1 : i32
      %scan3A_420 = arith.constant 49 : i32
      %scan3A_421 = arith.addi %scan3A_419, %scan3A_420 : i32
      %scan3A_422 = arith.constant 1 : i32
      %scan3A_423:4 = scf.for %scan3A_1367 = %scan3A_419 to %scan3A_421 step %scan3A_422 iter_args(%scan3A_1368 = %get3A_387, %scan3A_1369 = %get3A_397, %scan3A_1370 = %get3A_407, %scan3A_1371 = %get3A_417) -> (vector<16xf32>, vector<16xf32>, vector<16xf32>, vector<16xf32>)  : i32 {
        %add3A_1372 = arith.constant 200 : i32
        %add3A_1373 = arith.addi %add3A_1372, %scan3A_1367 : i32
        %get3A_1374 = arith.constant 0 : i32
        %get3A_1375 = arith.constant 0 : i32
        %get3A_1376 = tpu.memref_slice %arg7[%scan3A_418, %get3A_1374, %get3A_1375] : memref<2x400x64xf32, #tpu.memory_space<vmem>> -> memref<1x400x64xf32, #tpu.memory_space<vmem>>
        %get3A_1377 = tpu.memref_squeeze %get3A_1376 : memref<1x400x64xf32, #tpu.memory_space<vmem>> -> memref<400x64xf32, #tpu.memory_space<vmem>>
        %get3A_1378 = arith.index_cast %add3A_1373 : i32 to index
        %get3A_1379 = arith.constant 0 : index
        %get3A_1380 = tpu.vector_load %get3A_1377[%get3A_1378, %get3A_1379] {strides = array<i32>} : memref<400x64xf32, #tpu.memory_space<vmem>>, vector<1x16xf32>,
        %get3A_1381 = vector.shape_cast %get3A_1380 : vector<1x16xf32> to vector<16xf32>
        %add3A_1382 = arith.addf %scan3A_1368, %get3A_1381 : vector<16xf32>
        %add3A_1383 = arith.constant 200 : i32
        %add3A_1384 = arith.addi %add3A_1383, %scan3A_1367 : i32
        %get3A_1385 = arith.constant 0 : i32
        %get3A_1386 = arith.constant 0 : i32
        %get3A_1387 = tpu.memref_slice %arg7[%scan3A_418, %get3A_1385, %get3A_1386] : memref<2x400x64xf32, #tpu.memory_space<vmem>> -> memref<1x400x64xf32, #tpu.memory_space<vmem>>
        %get3A_1388 = tpu.memref_squeeze %get3A_1387 : memref<1x400x64xf32, #tpu.memory_space<vmem>> -> memref<400x64xf32, #tpu.memory_space<vmem>>
        %get3A_1389 = arith.index_cast %add3A_1384 : i32 to index
        %get3A_1390 = arith.constant 16 : index
        %get3A_1391 = tpu.vector_load %get3A_1388[%get3A_1389, %get3A_1390] {strides = array<i32>} : memref<400x64xf32, #tpu.memory_space<vmem>>, vector<1x16xf32>,
        %get3A_1392 = vector.shape_cast %get3A_1391 : vector<1x16xf32> to vector<16xf32>
        %add3A_1393 = arith.addf %scan3A_1369, %get3A_1392 : vector<16xf32>
        %add3A_1394 = arith.constant 200 : i32
        %add3A_1395 = arith.addi %add3A_1394, %scan3A_1367 : i32
        %get3A_1396 = arith.constant 0 : i32
        %get3A_1397 = arith.constant 0 : i32
        %get3A_1398 = tpu.memref_slice %arg7[%scan3A_418, %get3A_1396, %get3A_1397] : memref<2x400x64xf32, #tpu.memory_space<vmem>> -> memref<1x400x64xf32, #tpu.memory_space<vmem>>
        %get3A_1399 = tpu.memref_squeeze %get3A_1398 : memref<1x400x64xf32, #tpu.memory_space<vmem>> -> memref<400x64xf32, #tpu.memory_space<vmem>>
        %get3A_1400 = arith.index_cast %add3A_1395 : i32 to index
        %get3A_1401 = arith.constant 32 : index
        %get3A_1402 = tpu.vector_load %get3A_1399[%get3A_1400, %get3A_1401] {strides = array<i32>} : memref<400x64xf32, #tpu.memory_space<vmem>>, vector<1x16xf32>,
        %get3A_1403 = vector.shape_cast %get3A_1402 : vector<1x16xf32> to vector<16xf32>
        %add3A_1404 = arith.addf %scan3A_1370, %get3A_1403 : vector<16xf32>
        %add3A_1405 = arith.constant 200 : i32
        %add3A_1406 = arith.addi %add3A_1405, %scan3A_1367 : i32
        %get3A_1407 = arith.constant 0 : i32
        %get3A_1408 = arith.constant 0 : i32
        %get3A_1409 = tpu.memref_slice %arg7[%scan3A_418, %get3A_1407, %get3A_1408] : memref<2x400x64xf32, #tpu.memory_space<vmem>> -> memref<1x400x64xf32, #tpu.memory_space<vmem>>
        %get3A_1410 = tpu.memref_squeeze %get3A_1409 : memref<1x400x64xf32, #tpu.memory_space<vmem>> -> memref<400x64xf32, #tpu.memory_space<vmem>>
        %get3A_1411 = arith.index_cast %add3A_1406 : i32 to index
        %get3A_1412 = arith.constant 48 : index
        %get3A_1413 = tpu.vector_load %get3A_1410[%get3A_1411, %get3A_1412] {strides = array<i32>} : memref<400x64xf32, #tpu.memory_space<vmem>>, vector<1x16xf32>,
        %get3A_1414 = vector.shape_cast %get3A_1413 : vector<1x16xf32> to vector<16xf32>
        %add3A_1415 = arith.addf %scan3A_1371, %get3A_1414 : vector<16xf32>
        scf.yield %add3A_1382, %add3A_1393, %add3A_1404, %add3A_1415 : vector<16xf32>, vector<16xf32>, vector<16xf32>, vector<16xf32>
      }
      %scan3A_424 = arith.constant 49 : i32
      %mul3A_425 = arith.constant 4 : i32
      %mul3A_426 = arith.muli %add3A_53, %mul3A_425 : i32
      %add3A_427 = arith.constant 2 : i32
      %add3A_428 = arith.addi %mul3A_426, %add3A_427 : i32
      %mul3A_429 = vector.broadcast %scan3A_22 : f32 to vector<16xf32>
      %mul3A_430 = arith.mulf %scan3A_423#0, %mul3A_429 : vector<16xf32>
      %swap3A_431 = arith.index_cast %add3A_428 : i32 to index
      %swap3A_432 = arith.constant 0 : index
      %swap3A_433 = tpu.vector_load %arg8[%swap3A_431, %swap3A_432] {strides = array<i32>} : memref<64x128xf32, #tpu.memory_space<vmem>>, vector<1x16xf32>,
      %swap3A_434 = vector.shape_cast %swap3A_433 : vector<1x16xf32> to vector<16xf32>
      %swap3A_435 = vector.shape_cast %mul3A_430 : vector<16xf32> to vector<1x16xf32>
      tpu.vector_store %arg8[%swap3A_431, %swap3A_432], %swap3A_435 {strides = array<i32>} : memref<64x128xf32, #tpu.memory_space<vmem>>, vector<1x16xf32>,
      %mul3A_436 = vector.broadcast %scan3A_22 : f32 to vector<16xf32>
      %mul3A_437 = arith.mulf %scan3A_423#1, %mul3A_436 : vector<16xf32>
      %swap3A_438 = arith.index_cast %add3A_428 : i32 to index
      %swap3A_439 = arith.constant 16 : index
      %swap3A_440 = tpu.vector_load %arg8[%swap3A_438, %swap3A_439] {strides = array<i32>} : memref<64x128xf32, #tpu.memory_space<vmem>>, vector<1x16xf32>,
      %swap3A_441 = vector.shape_cast %swap3A_440 : vector<1x16xf32> to vector<16xf32>
      %swap3A_442 = vector.shape_cast %mul3A_437 : vector<16xf32> to vector<1x16xf32>
      tpu.vector_store %arg8[%swap3A_438, %swap3A_439], %swap3A_442 {strides = array<i32>} : memref<64x128xf32, #tpu.memory_space<vmem>>, vector<1x16xf32>,
      %mul3A_443 = vector.broadcast %scan3A_22 : f32 to vector<16xf32>
      %mul3A_444 = arith.mulf %scan3A_423#2, %mul3A_443 : vector<16xf32>
      %swap3A_445 = arith.index_cast %add3A_428 : i32 to index
      %swap3A_446 = arith.constant 32 : index
      %swap3A_447 = tpu.vector_load %arg8[%swap3A_445, %swap3A_446] {strides = array<i32>} : memref<64x128xf32, #tpu.memory_space<vmem>>, vector<1x16xf32>,
      %swap3A_448 = vector.shape_cast %swap3A_447 : vector<1x16xf32> to vector<16xf32>
      %swap3A_449 = vector.shape_cast %mul3A_444 : vector<16xf32> to vector<1x16xf32>
      tpu.vector_store %arg8[%swap3A_445, %swap3A_446], %swap3A_449 {strides = array<i32>} : memref<64x128xf32, #tpu.memory_space<vmem>>, vector<1x16xf32>,
      %mul3A_450 = vector.broadcast %scan3A_22 : f32 to vector<16xf32>
      %mul3A_451 = arith.mulf %scan3A_423#3, %mul3A_450 : vector<16xf32>
      %swap3A_452 = arith.index_cast %add3A_428 : i32 to index
      %swap3A_453 = arith.constant 48 : index
      %swap3A_454 = tpu.vector_load %arg8[%swap3A_452, %swap3A_453] {strides = array<i32>} : memref<64x128xf32, #tpu.memory_space<vmem>>, vector<1x16xf32>,
      %swap3A_455 = vector.shape_cast %swap3A_454 : vector<1x16xf32> to vector<16xf32>
      %swap3A_456 = vector.shape_cast %mul3A_451 : vector<16xf32> to vector<1x16xf32>
      tpu.vector_store %arg8[%swap3A_452, %swap3A_453], %swap3A_456 {strides = array<i32>} : memref<64x128xf32, #tpu.memory_space<vmem>>, vector<1x16xf32>,
      %get3A_457 = arith.constant 0 : i32
      %get3A_458 = arith.constant 250 : i32
      %get3A_459 = arith.constant 0 : i32
      %get3A_460 = arith.constant 0 : i32
      %get3A_461 = tpu.memref_slice %arg7[%get3A_457, %get3A_459, %get3A_460] : memref<2x400x64xf32, #tpu.memory_space<vmem>> -> memref<1x400x64xf32, #tpu.memory_space<vmem>>
      %get3A_462 = tpu.memref_squeeze %get3A_461 : memref<1x400x64xf32, #tpu.memory_space<vmem>> -> memref<400x64xf32, #tpu.memory_space<vmem>>
      %get3A_463 = arith.index_cast %get3A_458 : i32 to index
      %get3A_464 = arith.constant 0 : index
      %get3A_465 = tpu.vector_load %get3A_462[%get3A_463, %get3A_464] {strides = array<i32>} : memref<400x64xf32, #tpu.memory_space<vmem>>, vector<1x16xf32>,
      %get3A_466 = vector.shape_cast %get3A_465 : vector<1x16xf32> to vector<16xf32>
      %get3A_467 = arith.constant 0 : i32
      %get3A_468 = arith.constant 250 : i32
      %get3A_469 = arith.constant 0 : i32
      %get3A_470 = arith.constant 0 : i32
      %get3A_471 = tpu.memref_slice %arg7[%get3A_467, %get3A_469, %get3A_470] : memref<2x400x64xf32, #tpu.memory_space<vmem>> -> memref<1x400x64xf32, #tpu.memory_space<vmem>>
      %get3A_472 = tpu.memref_squeeze %get3A_471 : memref<1x400x64xf32, #tpu.memory_space<vmem>> -> memref<400x64xf32, #tpu.memory_space<vmem>>
      %get3A_473 = arith.index_cast %get3A_468 : i32 to index
      %get3A_474 = arith.constant 16 : index
      %get3A_475 = tpu.vector_load %get3A_472[%get3A_473, %get3A_474] {strides = array<i32>} : memref<400x64xf32, #tpu.memory_space<vmem>>, vector<1x16xf32>,
      %get3A_476 = vector.shape_cast %get3A_475 : vector<1x16xf32> to vector<16xf32>
      %get3A_477 = arith.constant 0 : i32
      %get3A_478 = arith.constant 250 : i32
      %get3A_479 = arith.constant 0 : i32
      %get3A_480 = arith.constant 0 : i32
      %get3A_481 = tpu.memref_slice %arg7[%get3A_477, %get3A_479, %get3A_480] : memref<2x400x64xf32, #tpu.memory_space<vmem>> -> memref<1x400x64xf32, #tpu.memory_space<vmem>>
      %get3A_482 = tpu.memref_squeeze %get3A_481 : memref<1x400x64xf32, #tpu.memory_space<vmem>> -> memref<400x64xf32, #tpu.memory_space<vmem>>
      %get3A_483 = arith.index_cast %get3A_478 : i32 to index
      %get3A_484 = arith.constant 32 : index
      %get3A_485 = tpu.vector_load %get3A_482[%get3A_483, %get3A_484] {strides = array<i32>} : memref<400x64xf32, #tpu.memory_space<vmem>>, vector<1x16xf32>,
      %get3A_486 = vector.shape_cast %get3A_485 : vector<1x16xf32> to vector<16xf32>
      %get3A_487 = arith.constant 0 : i32
      %get3A_488 = arith.constant 250 : i32
      %get3A_489 = arith.constant 0 : i32
      %get3A_490 = arith.constant 0 : i32
      %get3A_491 = tpu.memref_slice %arg7[%get3A_487, %get3A_489, %get3A_490] : memref<2x400x64xf32, #tpu.memory_space<vmem>> -> memref<1x400x64xf32, #tpu.memory_space<vmem>>
      %get3A_492 = tpu.memref_squeeze %get3A_491 : memref<1x400x64xf32, #tpu.memory_space<vmem>> -> memref<400x64xf32, #tpu.memory_space<vmem>>
      %get3A_493 = arith.index_cast %get3A_488 : i32 to index
      %get3A_494 = arith.constant 48 : index
      %get3A_495 = tpu.vector_load %get3A_492[%get3A_493, %get3A_494] {strides = array<i32>} : memref<400x64xf32, #tpu.memory_space<vmem>>, vector<1x16xf32>,
      %get3A_496 = vector.shape_cast %get3A_495 : vector<1x16xf32> to vector<16xf32>
      %scan3A_497 = arith.constant 0 : i32
      %scan3A_498 = arith.constant 1 : i32
      %scan3A_499 = arith.constant 49 : i32
      %scan3A_500 = arith.addi %scan3A_498, %scan3A_499 : i32
      %scan3A_501 = arith.constant 1 : i32
      %scan3A_502:4 = scf.for %scan3A_1367 = %scan3A_498 to %scan3A_500 step %scan3A_501 iter_args(%scan3A_1368 = %get3A_466, %scan3A_1369 = %get3A_476, %scan3A_1370 = %get3A_486, %scan3A_1371 = %get3A_496) -> (vector<16xf32>, vector<16xf32>, vector<16xf32>, vector<16xf32>)  : i32 {
        %add3A_1372 = arith.constant 250 : i32
        %add3A_1373 = arith.addi %add3A_1372, %scan3A_1367 : i32
        %get3A_1374 = arith.constant 0 : i32
        %get3A_1375 = arith.constant 0 : i32
        %get3A_1376 = tpu.memref_slice %arg7[%scan3A_497, %get3A_1374, %get3A_1375] : memref<2x400x64xf32, #tpu.memory_space<vmem>> -> memref<1x400x64xf32, #tpu.memory_space<vmem>>
        %get3A_1377 = tpu.memref_squeeze %get3A_1376 : memref<1x400x64xf32, #tpu.memory_space<vmem>> -> memref<400x64xf32, #tpu.memory_space<vmem>>
        %get3A_1378 = arith.index_cast %add3A_1373 : i32 to index
        %get3A_1379 = arith.constant 0 : index
        %get3A_1380 = tpu.vector_load %get3A_1377[%get3A_1378, %get3A_1379] {strides = array<i32>} : memref<400x64xf32, #tpu.memory_space<vmem>>, vector<1x16xf32>,
        %get3A_1381 = vector.shape_cast %get3A_1380 : vector<1x16xf32> to vector<16xf32>
        %add3A_1382 = arith.addf %scan3A_1368, %get3A_1381 : vector<16xf32>
        %add3A_1383 = arith.constant 250 : i32
        %add3A_1384 = arith.addi %add3A_1383, %scan3A_1367 : i32
        %get3A_1385 = arith.constant 0 : i32
        %get3A_1386 = arith.constant 0 : i32
        %get3A_1387 = tpu.memref_slice %arg7[%scan3A_497, %get3A_1385, %get3A_1386] : memref<2x400x64xf32, #tpu.memory_space<vmem>> -> memref<1x400x64xf32, #tpu.memory_space<vmem>>
        %get3A_1388 = tpu.memref_squeeze %get3A_1387 : memref<1x400x64xf32, #tpu.memory_space<vmem>> -> memref<400x64xf32, #tpu.memory_space<vmem>>
        %get3A_1389 = arith.index_cast %add3A_1384 : i32 to index
        %get3A_1390 = arith.constant 16 : index
        %get3A_1391 = tpu.vector_load %get3A_1388[%get3A_1389, %get3A_1390] {strides = array<i32>} : memref<400x64xf32, #tpu.memory_space<vmem>>, vector<1x16xf32>,
        %get3A_1392 = vector.shape_cast %get3A_1391 : vector<1x16xf32> to vector<16xf32>
        %add3A_1393 = arith.addf %scan3A_1369, %get3A_1392 : vector<16xf32>
        %add3A_1394 = arith.constant 250 : i32
        %add3A_1395 = arith.addi %add3A_1394, %scan3A_1367 : i32
        %get3A_1396 = arith.constant 0 : i32
        %get3A_1397 = arith.constant 0 : i32
        %get3A_1398 = tpu.memref_slice %arg7[%scan3A_497, %get3A_1396, %get3A_1397] : memref<2x400x64xf32, #tpu.memory_space<vmem>> -> memref<1x400x64xf32, #tpu.memory_space<vmem>>
        %get3A_1399 = tpu.memref_squeeze %get3A_1398 : memref<1x400x64xf32, #tpu.memory_space<vmem>> -> memref<400x64xf32, #tpu.memory_space<vmem>>
        %get3A_1400 = arith.index_cast %add3A_1395 : i32 to index
        %get3A_1401 = arith.constant 32 : index
        %get3A_1402 = tpu.vector_load %get3A_1399[%get3A_1400, %get3A_1401] {strides = array<i32>} : memref<400x64xf32, #tpu.memory_space<vmem>>, vector<1x16xf32>,
        %get3A_1403 = vector.shape_cast %get3A_1402 : vector<1x16xf32> to vector<16xf32>
        %add3A_1404 = arith.addf %scan3A_1370, %get3A_1403 : vector<16xf32>
        %add3A_1405 = arith.constant 250 : i32
        %add3A_1406 = arith.addi %add3A_1405, %scan3A_1367 : i32
        %get3A_1407 = arith.constant 0 : i32
        %get3A_1408 = arith.constant 0 : i32
        %get3A_1409 = tpu.memref_slice %arg7[%scan3A_497, %get3A_1407, %get3A_1408] : memref<2x400x64xf32, #tpu.memory_space<vmem>> -> memref<1x400x64xf32, #tpu.memory_space<vmem>>
        %get3A_1410 = tpu.memref_squeeze %get3A_1409 : memref<1x400x64xf32, #tpu.memory_space<vmem>> -> memref<400x64xf32, #tpu.memory_space<vmem>>
        %get3A_1411 = arith.index_cast %add3A_1406 : i32 to index
        %get3A_1412 = arith.constant 48 : index
        %get3A_1413 = tpu.vector_load %get3A_1410[%get3A_1411, %get3A_1412] {strides = array<i32>} : memref<400x64xf32, #tpu.memory_space<vmem>>, vector<1x16xf32>,
        %get3A_1414 = vector.shape_cast %get3A_1413 : vector<1x16xf32> to vector<16xf32>
        %add3A_1415 = arith.addf %scan3A_1371, %get3A_1414 : vector<16xf32>
        scf.yield %add3A_1382, %add3A_1393, %add3A_1404, %add3A_1415 : vector<16xf32>, vector<16xf32>, vector<16xf32>, vector<16xf32>
      }
      %scan3A_503 = arith.constant 49 : i32
      %mul3A_504 = arith.constant 4 : i32
      %mul3A_505 = arith.muli %add3A_53, %mul3A_504 : i32
      %add3A_506 = arith.constant 2 : i32
      %add3A_507 = arith.addi %mul3A_505, %add3A_506 : i32
      %mul3A_508 = vector.broadcast %scan3A_22 : f32 to vector<16xf32>
      %mul3A_509 = arith.mulf %scan3A_502#0, %mul3A_508 : vector<16xf32>
      %swap3A_510 = arith.index_cast %add3A_507 : i32 to index
      %swap3A_511 = arith.constant 64 : index
      %swap3A_512 = tpu.vector_load %arg8[%swap3A_510, %swap3A_511] {strides = array<i32>} : memref<64x128xf32, #tpu.memory_space<vmem>>, vector<1x16xf32>,
      %swap3A_513 = vector.shape_cast %swap3A_512 : vector<1x16xf32> to vector<16xf32>
      %swap3A_514 = vector.shape_cast %mul3A_509 : vector<16xf32> to vector<1x16xf32>
      tpu.vector_store %arg8[%swap3A_510, %swap3A_511], %swap3A_514 {strides = array<i32>} : memref<64x128xf32, #tpu.memory_space<vmem>>, vector<1x16xf32>,
      %mul3A_515 = vector.broadcast %scan3A_22 : f32 to vector<16xf32>
      %mul3A_516 = arith.mulf %scan3A_502#1, %mul3A_515 : vector<16xf32>
      %swap3A_517 = arith.index_cast %add3A_507 : i32 to index
      %swap3A_518 = arith.constant 80 : index
      %swap3A_519 = tpu.vector_load %arg8[%swap3A_517, %swap3A_518] {strides = array<i32>} : memref<64x128xf32, #tpu.memory_space<vmem>>, vector<1x16xf32>,
      %swap3A_520 = vector.shape_cast %swap3A_519 : vector<1x16xf32> to vector<16xf32>
      %swap3A_521 = vector.shape_cast %mul3A_516 : vector<16xf32> to vector<1x16xf32>
      tpu.vector_store %arg8[%swap3A_517, %swap3A_518], %swap3A_521 {strides = array<i32>} : memref<64x128xf32, #tpu.memory_space<vmem>>, vector<1x16xf32>,
      %mul3A_522 = vector.broadcast %scan3A_22 : f32 to vector<16xf32>
      %mul3A_523 = arith.mulf %scan3A_502#2, %mul3A_522 : vector<16xf32>
      %swap3A_524 = arith.index_cast %add3A_507 : i32 to index
      %swap3A_525 = arith.constant 96 : index
      %swap3A_526 = tpu.vector_load %arg8[%swap3A_524, %swap3A_525] {strides = array<i32>} : memref<64x128xf32, #tpu.memory_space<vmem>>, vector<1x16xf32>,
      %swap3A_527 = vector.shape_cast %swap3A_526 : vector<1x16xf32> to vector<16xf32>
      %swap3A_528 = vector.shape_cast %mul3A_523 : vector<16xf32> to vector<1x16xf32>
      tpu.vector_store %arg8[%swap3A_524, %swap3A_525], %swap3A_528 {strides = array<i32>} : memref<64x128xf32, #tpu.memory_space<vmem>>, vector<1x16xf32>,
      %mul3A_529 = vector.broadcast %scan3A_22 : f32 to vector<16xf32>
      %mul3A_530 = arith.mulf %scan3A_502#3, %mul3A_529 : vector<16xf32>
      %swap3A_531 = arith.index_cast %add3A_507 : i32 to index
      %swap3A_532 = arith.constant 112 : index
      %swap3A_533 = tpu.vector_load %arg8[%swap3A_531, %swap3A_532] {strides = array<i32>} : memref<64x128xf32, #tpu.memory_space<vmem>>, vector<1x16xf32>,
      %swap3A_534 = vector.shape_cast %swap3A_533 : vector<1x16xf32> to vector<16xf32>
      %swap3A_535 = vector.shape_cast %mul3A_530 : vector<16xf32> to vector<1x16xf32>
      tpu.vector_store %arg8[%swap3A_531, %swap3A_532], %swap3A_535 {strides = array<i32>} : memref<64x128xf32, #tpu.memory_space<vmem>>, vector<1x16xf32>,
      %get3A_536 = arith.constant 0 : i32
      %get3A_537 = arith.constant 300 : i32
      %get3A_538 = arith.constant 0 : i32
      %get3A_539 = arith.constant 0 : i32
      %get3A_540 = tpu.memref_slice %arg7[%get3A_536, %get3A_538, %get3A_539] : memref<2x400x64xf32, #tpu.memory_space<vmem>> -> memref<1x400x64xf32, #tpu.memory_space<vmem>>
      %get3A_541 = tpu.memref_squeeze %get3A_540 : memref<1x400x64xf32, #tpu.memory_space<vmem>> -> memref<400x64xf32, #tpu.memory_space<vmem>>
      %get3A_542 = arith.index_cast %get3A_537 : i32 to index
      %get3A_543 = arith.constant 0 : index
      %get3A_544 = tpu.vector_load %get3A_541[%get3A_542, %get3A_543] {strides = array<i32>} : memref<400x64xf32, #tpu.memory_space<vmem>>, vector<1x16xf32>,
      %get3A_545 = vector.shape_cast %get3A_544 : vector<1x16xf32> to vector<16xf32>
      %get3A_546 = arith.constant 0 : i32
      %get3A_547 = arith.constant 300 : i32
      %get3A_548 = arith.constant 0 : i32
      %get3A_549 = arith.constant 0 : i32
      %get3A_550 = tpu.memref_slice %arg7[%get3A_546, %get3A_548, %get3A_549] : memref<2x400x64xf32, #tpu.memory_space<vmem>> -> memref<1x400x64xf32, #tpu.memory_space<vmem>>
      %get3A_551 = tpu.memref_squeeze %get3A_550 : memref<1x400x64xf32, #tpu.memory_space<vmem>> -> memref<400x64xf32, #tpu.memory_space<vmem>>
      %get3A_552 = arith.index_cast %get3A_547 : i32 to index
      %get3A_553 = arith.constant 16 : index
      %get3A_554 = tpu.vector_load %get3A_551[%get3A_552, %get3A_553] {strides = array<i32>} : memref<400x64xf32, #tpu.memory_space<vmem>>, vector<1x16xf32>,
      %get3A_555 = vector.shape_cast %get3A_554 : vector<1x16xf32> to vector<16xf32>
      %get3A_556 = arith.constant 0 : i32
      %get3A_557 = arith.constant 300 : i32
      %get3A_558 = arith.constant 0 : i32
      %get3A_559 = arith.constant 0 : i32
      %get3A_560 = tpu.memref_slice %arg7[%get3A_556, %get3A_558, %get3A_559] : memref<2x400x64xf32, #tpu.memory_space<vmem>> -> memref<1x400x64xf32, #tpu.memory_space<vmem>>
      %get3A_561 = tpu.memref_squeeze %get3A_560 : memref<1x400x64xf32, #tpu.memory_space<vmem>> -> memref<400x64xf32, #tpu.memory_space<vmem>>
      %get3A_562 = arith.index_cast %get3A_557 : i32 to index
      %get3A_563 = arith.constant 32 : index
      %get3A_564 = tpu.vector_load %get3A_561[%get3A_562, %get3A_563] {strides = array<i32>} : memref<400x64xf32, #tpu.memory_space<vmem>>, vector<1x16xf32>,
      %get3A_565 = vector.shape_cast %get3A_564 : vector<1x16xf32> to vector<16xf32>
      %get3A_566 = arith.constant 0 : i32
      %get3A_567 = arith.constant 300 : i32
      %get3A_568 = arith.constant 0 : i32
      %get3A_569 = arith.constant 0 : i32
      %get3A_570 = tpu.memref_slice %arg7[%get3A_566, %get3A_568, %get3A_569] : memref<2x400x64xf32, #tpu.memory_space<vmem>> -> memref<1x400x64xf32, #tpu.memory_space<vmem>>
      %get3A_571 = tpu.memref_squeeze %get3A_570 : memref<1x400x64xf32, #tpu.memory_space<vmem>> -> memref<400x64xf32, #tpu.memory_space<vmem>>
      %get3A_572 = arith.index_cast %get3A_567 : i32 to index
      %get3A_573 = arith.constant 48 : index
      %get3A_574 = tpu.vector_load %get3A_571[%get3A_572, %get3A_573] {strides = array<i32>} : memref<400x64xf32, #tpu.memory_space<vmem>>, vector<1x16xf32>,
      %get3A_575 = vector.shape_cast %get3A_574 : vector<1x16xf32> to vector<16xf32>
      %scan3A_576 = arith.constant 0 : i32
      %scan3A_577 = arith.constant 1 : i32
      %scan3A_578 = arith.constant 49 : i32
      %scan3A_579 = arith.addi %scan3A_577, %scan3A_578 : i32
      %scan3A_580 = arith.constant 1 : i32
      %scan3A_581:4 = scf.for %scan3A_1367 = %scan3A_577 to %scan3A_579 step %scan3A_580 iter_args(%scan3A_1368 = %get3A_545, %scan3A_1369 = %get3A_555, %scan3A_1370 = %get3A_565, %scan3A_1371 = %get3A_575) -> (vector<16xf32>, vector<16xf32>, vector<16xf32>, vector<16xf32>)  : i32 {
        %add3A_1372 = arith.constant 300 : i32
        %add3A_1373 = arith.addi %add3A_1372, %scan3A_1367 : i32
        %get3A_1374 = arith.constant 0 : i32
        %get3A_1375 = arith.constant 0 : i32
        %get3A_1376 = tpu.memref_slice %arg7[%scan3A_576, %get3A_1374, %get3A_1375] : memref<2x400x64xf32, #tpu.memory_space<vmem>> -> memref<1x400x64xf32, #tpu.memory_space<vmem>>
        %get3A_1377 = tpu.memref_squeeze %get3A_1376 : memref<1x400x64xf32, #tpu.memory_space<vmem>> -> memref<400x64xf32, #tpu.memory_space<vmem>>
        %get3A_1378 = arith.index_cast %add3A_1373 : i32 to index
        %get3A_1379 = arith.constant 0 : index
        %get3A_1380 = tpu.vector_load %get3A_1377[%get3A_1378, %get3A_1379] {strides = array<i32>} : memref<400x64xf32, #tpu.memory_space<vmem>>, vector<1x16xf32>,
        %get3A_1381 = vector.shape_cast %get3A_1380 : vector<1x16xf32> to vector<16xf32>
        %add3A_1382 = arith.addf %scan3A_1368, %get3A_1381 : vector<16xf32>
        %add3A_1383 = arith.constant 300 : i32
        %add3A_1384 = arith.addi %add3A_1383, %scan3A_1367 : i32
        %get3A_1385 = arith.constant 0 : i32
        %get3A_1386 = arith.constant 0 : i32
        %get3A_1387 = tpu.memref_slice %arg7[%scan3A_576, %get3A_1385, %get3A_1386] : memref<2x400x64xf32, #tpu.memory_space<vmem>> -> memref<1x400x64xf32, #tpu.memory_space<vmem>>
        %get3A_1388 = tpu.memref_squeeze %get3A_1387 : memref<1x400x64xf32, #tpu.memory_space<vmem>> -> memref<400x64xf32, #tpu.memory_space<vmem>>
        %get3A_1389 = arith.index_cast %add3A_1384 : i32 to index
        %get3A_1390 = arith.constant 16 : index
        %get3A_1391 = tpu.vector_load %get3A_1388[%get3A_1389, %get3A_1390] {strides = array<i32>} : memref<400x64xf32, #tpu.memory_space<vmem>>, vector<1x16xf32>,
        %get3A_1392 = vector.shape_cast %get3A_1391 : vector<1x16xf32> to vector<16xf32>
        %add3A_1393 = arith.addf %scan3A_1369, %get3A_1392 : vector<16xf32>
        %add3A_1394 = arith.constant 300 : i32
        %add3A_1395 = arith.addi %add3A_1394, %scan3A_1367 : i32
        %get3A_1396 = arith.constant 0 : i32
        %get3A_1397 = arith.constant 0 : i32
        %get3A_1398 = tpu.memref_slice %arg7[%scan3A_576, %get3A_1396, %get3A_1397] : memref<2x400x64xf32, #tpu.memory_space<vmem>> -> memref<1x400x64xf32, #tpu.memory_space<vmem>>
        %get3A_1399 = tpu.memref_squeeze %get3A_1398 : memref<1x400x64xf32, #tpu.memory_space<vmem>> -> memref<400x64xf32, #tpu.memory_space<vmem>>
        %get3A_1400 = arith.index_cast %add3A_1395 : i32 to index
        %get3A_1401 = arith.constant 32 : index
        %get3A_1402 = tpu.vector_load %get3A_1399[%get3A_1400, %get3A_1401] {strides = array<i32>} : memref<400x64xf32, #tpu.memory_space<vmem>>, vector<1x16xf32>,
        %get3A_1403 = vector.shape_cast %get3A_1402 : vector<1x16xf32> to vector<16xf32>
        %add3A_1404 = arith.addf %scan3A_1370, %get3A_1403 : vector<16xf32>
        %add3A_1405 = arith.constant 300 : i32
        %add3A_1406 = arith.addi %add3A_1405, %scan3A_1367 : i32
        %get3A_1407 = arith.constant 0 : i32
        %get3A_1408 = arith.constant 0 : i32
        %get3A_1409 = tpu.memref_slice %arg7[%scan3A_576, %get3A_1407, %get3A_1408] : memref<2x400x64xf32, #tpu.memory_space<vmem>> -> memref<1x400x64xf32, #tpu.memory_space<vmem>>
        %get3A_1410 = tpu.memref_squeeze %get3A_1409 : memref<1x400x64xf32, #tpu.memory_space<vmem>> -> memref<400x64xf32, #tpu.memory_space<vmem>>
        %get3A_1411 = arith.index_cast %add3A_1406 : i32 to index
        %get3A_1412 = arith.constant 48 : index
        %get3A_1413 = tpu.vector_load %get3A_1410[%get3A_1411, %get3A_1412] {strides = array<i32>} : memref<400x64xf32, #tpu.memory_space<vmem>>, vector<1x16xf32>,
        %get3A_1414 = vector.shape_cast %get3A_1413 : vector<1x16xf32> to vector<16xf32>
        %add3A_1415 = arith.addf %scan3A_1371, %get3A_1414 : vector<16xf32>
        scf.yield %add3A_1382, %add3A_1393, %add3A_1404, %add3A_1415 : vector<16xf32>, vector<16xf32>, vector<16xf32>, vector<16xf32>
      }
      %scan3A_582 = arith.constant 49 : i32
      %mul3A_583 = arith.constant 4 : i32
      %mul3A_584 = arith.muli %add3A_53, %mul3A_583 : i32
      %add3A_585 = arith.constant 3 : i32
      %add3A_586 = arith.addi %mul3A_584, %add3A_585 : i32
      %mul3A_587 = vector.broadcast %scan3A_22 : f32 to vector<16xf32>
      %mul3A_588 = arith.mulf %scan3A_581#0, %mul3A_587 : vector<16xf32>
      %swap3A_589 = arith.index_cast %add3A_586 : i32 to index
      %swap3A_590 = arith.constant 0 : index
      %swap3A_591 = tpu.vector_load %arg8[%swap3A_589, %swap3A_590] {strides = array<i32>} : memref<64x128xf32, #tpu.memory_space<vmem>>, vector<1x16xf32>,
      %swap3A_592 = vector.shape_cast %swap3A_591 : vector<1x16xf32> to vector<16xf32>
      %swap3A_593 = vector.shape_cast %mul3A_588 : vector<16xf32> to vector<1x16xf32>
      tpu.vector_store %arg8[%swap3A_589, %swap3A_590], %swap3A_593 {strides = array<i32>} : memref<64x128xf32, #tpu.memory_space<vmem>>, vector<1x16xf32>,
      %mul3A_594 = vector.broadcast %scan3A_22 : f32 to vector<16xf32>
      %mul3A_595 = arith.mulf %scan3A_581#1, %mul3A_594 : vector<16xf32>
      %swap3A_596 = arith.index_cast %add3A_586 : i32 to index
      %swap3A_597 = arith.constant 16 : index
      %swap3A_598 = tpu.vector_load %arg8[%swap3A_596, %swap3A_597] {strides = array<i32>} : memref<64x128xf32, #tpu.memory_space<vmem>>, vector<1x16xf32>,
      %swap3A_599 = vector.shape_cast %swap3A_598 : vector<1x16xf32> to vector<16xf32>
      %swap3A_600 = vector.shape_cast %mul3A_595 : vector<16xf32> to vector<1x16xf32>
      tpu.vector_store %arg8[%swap3A_596, %swap3A_597], %swap3A_600 {strides = array<i32>} : memref<64x128xf32, #tpu.memory_space<vmem>>, vector<1x16xf32>,
      %mul3A_601 = vector.broadcast %scan3A_22 : f32 to vector<16xf32>
      %mul3A_602 = arith.mulf %scan3A_581#2, %mul3A_601 : vector<16xf32>
      %swap3A_603 = arith.index_cast %add3A_586 : i32 to index
      %swap3A_604 = arith.constant 32 : index
      %swap3A_605 = tpu.vector_load %arg8[%swap3A_603, %swap3A_604] {strides = array<i32>} : memref<64x128xf32, #tpu.memory_space<vmem>>, vector<1x16xf32>,
      %swap3A_606 = vector.shape_cast %swap3A_605 : vector<1x16xf32> to vector<16xf32>
      %swap3A_607 = vector.shape_cast %mul3A_602 : vector<16xf32> to vector<1x16xf32>
      tpu.vector_store %arg8[%swap3A_603, %swap3A_604], %swap3A_607 {strides = array<i32>} : memref<64x128xf32, #tpu.memory_space<vmem>>, vector<1x16xf32>,
      %mul3A_608 = vector.broadcast %scan3A_22 : f32 to vector<16xf32>
      %mul3A_609 = arith.mulf %scan3A_581#3, %mul3A_608 : vector<16xf32>
      %swap3A_610 = arith.index_cast %add3A_586 : i32 to index
      %swap3A_611 = arith.constant 48 : index
      %swap3A_612 = tpu.vector_load %arg8[%swap3A_610, %swap3A_611] {strides = array<i32>} : memref<64x128xf32, #tpu.memory_space<vmem>>, vector<1x16xf32>,
      %swap3A_613 = vector.shape_cast %swap3A_612 : vector<1x16xf32> to vector<16xf32>
      %swap3A_614 = vector.shape_cast %mul3A_609 : vector<16xf32> to vector<1x16xf32>
      tpu.vector_store %arg8[%swap3A_610, %swap3A_611], %swap3A_614 {strides = array<i32>} : memref<64x128xf32, #tpu.memory_space<vmem>>, vector<1x16xf32>,
      %get3A_615 = arith.constant 0 : i32
      %get3A_616 = arith.constant 350 : i32
      %get3A_617 = arith.constant 0 : i32
      %get3A_618 = arith.constant 0 : i32
      %get3A_619 = tpu.memref_slice %arg7[%get3A_615, %get3A_617, %get3A_618] : memref<2x400x64xf32, #tpu.memory_space<vmem>> -> memref<1x400x64xf32, #tpu.memory_space<vmem>>
      %get3A_620 = tpu.memref_squeeze %get3A_619 : memref<1x400x64xf32, #tpu.memory_space<vmem>> -> memref<400x64xf32, #tpu.memory_space<vmem>>
      %get3A_621 = arith.index_cast %get3A_616 : i32 to index
      %get3A_622 = arith.constant 0 : index
      %get3A_623 = tpu.vector_load %get3A_620[%get3A_621, %get3A_622] {strides = array<i32>} : memref<400x64xf32, #tpu.memory_space<vmem>>, vector<1x16xf32>,
      %get3A_624 = vector.shape_cast %get3A_623 : vector<1x16xf32> to vector<16xf32>
      %get3A_625 = arith.constant 0 : i32
      %get3A_626 = arith.constant 350 : i32
      %get3A_627 = arith.constant 0 : i32
      %get3A_628 = arith.constant 0 : i32
      %get3A_629 = tpu.memref_slice %arg7[%get3A_625, %get3A_627, %get3A_628] : memref<2x400x64xf32, #tpu.memory_space<vmem>> -> memref<1x400x64xf32, #tpu.memory_space<vmem>>
      %get3A_630 = tpu.memref_squeeze %get3A_629 : memref<1x400x64xf32, #tpu.memory_space<vmem>> -> memref<400x64xf32, #tpu.memory_space<vmem>>
      %get3A_631 = arith.index_cast %get3A_626 : i32 to index
      %get3A_632 = arith.constant 16 : index
      %get3A_633 = tpu.vector_load %get3A_630[%get3A_631, %get3A_632] {strides = array<i32>} : memref<400x64xf32, #tpu.memory_space<vmem>>, vector<1x16xf32>,
      %get3A_634 = vector.shape_cast %get3A_633 : vector<1x16xf32> to vector<16xf32>
      %get3A_635 = arith.constant 0 : i32
      %get3A_636 = arith.constant 350 : i32
      %get3A_637 = arith.constant 0 : i32
      %get3A_638 = arith.constant 0 : i32
      %get3A_639 = tpu.memref_slice %arg7[%get3A_635, %get3A_637, %get3A_638] : memref<2x400x64xf32, #tpu.memory_space<vmem>> -> memref<1x400x64xf32, #tpu.memory_space<vmem>>
      %get3A_640 = tpu.memref_squeeze %get3A_639 : memref<1x400x64xf32, #tpu.memory_space<vmem>> -> memref<400x64xf32, #tpu.memory_space<vmem>>
      %get3A_641 = arith.index_cast %get3A_636 : i32 to index
      %get3A_642 = arith.constant 32 : index
      %get3A_643 = tpu.vector_load %get3A_640[%get3A_641, %get3A_642] {strides = array<i32>} : memref<400x64xf32, #tpu.memory_space<vmem>>, vector<1x16xf32>,
      %get3A_644 = vector.shape_cast %get3A_643 : vector<1x16xf32> to vector<16xf32>
      %get3A_645 = arith.constant 0 : i32
      %get3A_646 = arith.constant 350 : i32
      %get3A_647 = arith.constant 0 : i32
      %get3A_648 = arith.constant 0 : i32
      %get3A_649 = tpu.memref_slice %arg7[%get3A_645, %get3A_647, %get3A_648] : memref<2x400x64xf32, #tpu.memory_space<vmem>> -> memref<1x400x64xf32, #tpu.memory_space<vmem>>
      %get3A_650 = tpu.memref_squeeze %get3A_649 : memref<1x400x64xf32, #tpu.memory_space<vmem>> -> memref<400x64xf32, #tpu.memory_space<vmem>>
      %get3A_651 = arith.index_cast %get3A_646 : i32 to index
      %get3A_652 = arith.constant 48 : index
      %get3A_653 = tpu.vector_load %get3A_650[%get3A_651, %get3A_652] {strides = array<i32>} : memref<400x64xf32, #tpu.memory_space<vmem>>, vector<1x16xf32>,
      %get3A_654 = vector.shape_cast %get3A_653 : vector<1x16xf32> to vector<16xf32>
      %scan3A_655 = arith.constant 0 : i32
      %scan3A_656 = arith.constant 1 : i32
      %scan3A_657 = arith.constant 49 : i32
      %scan3A_658 = arith.addi %scan3A_656, %scan3A_657 : i32
      %scan3A_659 = arith.constant 1 : i32
      %scan3A_660:4 = scf.for %scan3A_1367 = %scan3A_656 to %scan3A_658 step %scan3A_659 iter_args(%scan3A_1368 = %get3A_624, %scan3A_1369 = %get3A_634, %scan3A_1370 = %get3A_644, %scan3A_1371 = %get3A_654) -> (vector<16xf32>, vector<16xf32>, vector<16xf32>, vector<16xf32>)  : i32 {
        %add3A_1372 = arith.constant 350 : i32
        %add3A_1373 = arith.addi %add3A_1372, %scan3A_1367 : i32
        %get3A_1374 = arith.constant 0 : i32
        %get3A_1375 = arith.constant 0 : i32
        %get3A_1376 = tpu.memref_slice %arg7[%scan3A_655, %get3A_1374, %get3A_1375] : memref<2x400x64xf32, #tpu.memory_space<vmem>> -> memref<1x400x64xf32, #tpu.memory_space<vmem>>
        %get3A_1377 = tpu.memref_squeeze %get3A_1376 : memref<1x400x64xf32, #tpu.memory_space<vmem>> -> memref<400x64xf32, #tpu.memory_space<vmem>>
        %get3A_1378 = arith.index_cast %add3A_1373 : i32 to index
        %get3A_1379 = arith.constant 0 : index
        %get3A_1380 = tpu.vector_load %get3A_1377[%get3A_1378, %get3A_1379] {strides = array<i32>} : memref<400x64xf32, #tpu.memory_space<vmem>>, vector<1x16xf32>,
        %get3A_1381 = vector.shape_cast %get3A_1380 : vector<1x16xf32> to vector<16xf32>
        %add3A_1382 = arith.addf %scan3A_1368, %get3A_1381 : vector<16xf32>
        %add3A_1383 = arith.constant 350 : i32
        %add3A_1384 = arith.addi %add3A_1383, %scan3A_1367 : i32
        %get3A_1385 = arith.constant 0 : i32
        %get3A_1386 = arith.constant 0 : i32
        %get3A_1387 = tpu.memref_slice %arg7[%scan3A_655, %get3A_1385, %get3A_1386] : memref<2x400x64xf32, #tpu.memory_space<vmem>> -> memref<1x400x64xf32, #tpu.memory_space<vmem>>
        %get3A_1388 = tpu.memref_squeeze %get3A_1387 : memref<1x400x64xf32, #tpu.memory_space<vmem>> -> memref<400x64xf32, #tpu.memory_space<vmem>>
        %get3A_1389 = arith.index_cast %add3A_1384 : i32 to index
        %get3A_1390 = arith.constant 16 : index
        %get3A_1391 = tpu.vector_load %get3A_1388[%get3A_1389, %get3A_1390] {strides = array<i32>} : memref<400x64xf32, #tpu.memory_space<vmem>>, vector<1x16xf32>,
        %get3A_1392 = vector.shape_cast %get3A_1391 : vector<1x16xf32> to vector<16xf32>
        %add3A_1393 = arith.addf %scan3A_1369, %get3A_1392 : vector<16xf32>
        %add3A_1394 = arith.constant 350 : i32
        %add3A_1395 = arith.addi %add3A_1394, %scan3A_1367 : i32
        %get3A_1396 = arith.constant 0 : i32
        %get3A_1397 = arith.constant 0 : i32
        %get3A_1398 = tpu.memref_slice %arg7[%scan3A_655, %get3A_1396, %get3A_1397] : memref<2x400x64xf32, #tpu.memory_space<vmem>> -> memref<1x400x64xf32, #tpu.memory_space<vmem>>
        %get3A_1399 = tpu.memref_squeeze %get3A_1398 : memref<1x400x64xf32, #tpu.memory_space<vmem>> -> memref<400x64xf32, #tpu.memory_space<vmem>>
        %get3A_1400 = arith.index_cast %add3A_1395 : i32 to index
        %get3A_1401 = arith.constant 32 : index
        %get3A_1402 = tpu.vector_load %get3A_1399[%get3A_1400, %get3A_1401] {strides = array<i32>} : memref<400x64xf32, #tpu.memory_space<vmem>>, vector<1x16xf32>,
        %get3A_1403 = vector.shape_cast %get3A_1402 : vector<1x16xf32> to vector<16xf32>
        %add3A_1404 = arith.addf %scan3A_1370, %get3A_1403 : vector<16xf32>
        %add3A_1405 = arith.constant 350 : i32
        %add3A_1406 = arith.addi %add3A_1405, %scan3A_1367 : i32
        %get3A_1407 = arith.constant 0 : i32
        %get3A_1408 = arith.constant 0 : i32
        %get3A_1409 = tpu.memref_slice %arg7[%scan3A_655, %get3A_1407, %get3A_1408] : memref<2x400x64xf32, #tpu.memory_space<vmem>> -> memref<1x400x64xf32, #tpu.memory_space<vmem>>
        %get3A_1410 = tpu.memref_squeeze %get3A_1409 : memref<1x400x64xf32, #tpu.memory_space<vmem>> -> memref<400x64xf32, #tpu.memory_space<vmem>>
        %get3A_1411 = arith.index_cast %add3A_1406 : i32 to index
        %get3A_1412 = arith.constant 48 : index
        %get3A_1413 = tpu.vector_load %get3A_1410[%get3A_1411, %get3A_1412] {strides = array<i32>} : memref<400x64xf32, #tpu.memory_space<vmem>>, vector<1x16xf32>,
        %get3A_1414 = vector.shape_cast %get3A_1413 : vector<1x16xf32> to vector<16xf32>
        %add3A_1415 = arith.addf %scan3A_1371, %get3A_1414 : vector<16xf32>
        scf.yield %add3A_1382, %add3A_1393, %add3A_1404, %add3A_1415 : vector<16xf32>, vector<16xf32>, vector<16xf32>, vector<16xf32>
      }
      %scan3A_661 = arith.constant 49 : i32
      %mul3A_662 = arith.constant 4 : i32
      %mul3A_663 = arith.muli %add3A_53, %mul3A_662 : i32
      %add3A_664 = arith.constant 3 : i32
      %add3A_665 = arith.addi %mul3A_663, %add3A_664 : i32
      %mul3A_666 = vector.broadcast %scan3A_22 : f32 to vector<16xf32>
      %mul3A_667 = arith.mulf %scan3A_660#0, %mul3A_666 : vector<16xf32>
      %swap3A_668 = arith.index_cast %add3A_665 : i32 to index
      %swap3A_669 = arith.constant 64 : index
      %swap3A_670 = tpu.vector_load %arg8[%swap3A_668, %swap3A_669] {strides = array<i32>} : memref<64x128xf32, #tpu.memory_space<vmem>>, vector<1x16xf32>,
      %swap3A_671 = vector.shape_cast %swap3A_670 : vector<1x16xf32> to vector<16xf32>
      %swap3A_672 = vector.shape_cast %mul3A_667 : vector<16xf32> to vector<1x16xf32>
      tpu.vector_store %arg8[%swap3A_668, %swap3A_669], %swap3A_672 {strides = array<i32>} : memref<64x128xf32, #tpu.memory_space<vmem>>, vector<1x16xf32>,
      %mul3A_673 = vector.broadcast %scan3A_22 : f32 to vector<16xf32>
      %mul3A_674 = arith.mulf %scan3A_660#1, %mul3A_673 : vector<16xf32>
      %swap3A_675 = arith.index_cast %add3A_665 : i32 to index
      %swap3A_676 = arith.constant 80 : index
      %swap3A_677 = tpu.vector_load %arg8[%swap3A_675, %swap3A_676] {strides = array<i32>} : memref<64x128xf32, #tpu.memory_space<vmem>>, vector<1x16xf32>,
      %swap3A_678 = vector.shape_cast %swap3A_677 : vector<1x16xf32> to vector<16xf32>
      %swap3A_679 = vector.shape_cast %mul3A_674 : vector<16xf32> to vector<1x16xf32>
      tpu.vector_store %arg8[%swap3A_675, %swap3A_676], %swap3A_679 {strides = array<i32>} : memref<64x128xf32, #tpu.memory_space<vmem>>, vector<1x16xf32>,
      %mul3A_680 = vector.broadcast %scan3A_22 : f32 to vector<16xf32>
      %mul3A_681 = arith.mulf %scan3A_660#2, %mul3A_680 : vector<16xf32>
      %swap3A_682 = arith.index_cast %add3A_665 : i32 to index
      %swap3A_683 = arith.constant 96 : index
      %swap3A_684 = tpu.vector_load %arg8[%swap3A_682, %swap3A_683] {strides = array<i32>} : memref<64x128xf32, #tpu.memory_space<vmem>>, vector<1x16xf32>,
      %swap3A_685 = vector.shape_cast %swap3A_684 : vector<1x16xf32> to vector<16xf32>
      %swap3A_686 = vector.shape_cast %mul3A_681 : vector<16xf32> to vector<1x16xf32>
      tpu.vector_store %arg8[%swap3A_682, %swap3A_683], %swap3A_686 {strides = array<i32>} : memref<64x128xf32, #tpu.memory_space<vmem>>, vector<1x16xf32>,
      %mul3A_687 = vector.broadcast %scan3A_22 : f32 to vector<16xf32>
      %mul3A_688 = arith.mulf %scan3A_660#3, %mul3A_687 : vector<16xf32>
      %swap3A_689 = arith.index_cast %add3A_665 : i32 to index
      %swap3A_690 = arith.constant 112 : index
      %swap3A_691 = tpu.vector_load %arg8[%swap3A_689, %swap3A_690] {strides = array<i32>} : memref<64x128xf32, #tpu.memory_space<vmem>>, vector<1x16xf32>,
      %swap3A_692 = vector.shape_cast %swap3A_691 : vector<1x16xf32> to vector<16xf32>
      %swap3A_693 = vector.shape_cast %mul3A_688 : vector<16xf32> to vector<1x16xf32>
      tpu.vector_store %arg8[%swap3A_689, %swap3A_690], %swap3A_693 {strides = array<i32>} : memref<64x128xf32, #tpu.memory_space<vmem>>, vector<1x16xf32>,
      %add3A_694 = arith.constant 2 : i32
      %add3A_695 = arith.addi %add3A_53, %add3A_694 : i32
      %min3A = arith.constant 15 : i32
      %min3A_696 = arith.minsi %add3A_695, %min3A : i32
      %mul3A_697 = arith.constant 400 : i32
      %mul3A_698 = arith.muli %min3A_696, %mul3A_697 : i32
      %dma_start3A_699 = arith.constant 0 : i32
      %dma_start3A_700 = arith.constant 0 : i32
      %dma_start3A_701 = arith.constant 0 : i32
      %dma_start3A_702 = tpu.memref_slice %arg7[%dma_start3A_699, %dma_start3A_700, %dma_start3A_701] : memref<2x400x64xf32, #tpu.memory_space<vmem>> -> memref<1x400x64xf32, #tpu.memory_space<vmem>>
      %dma_start3A_703 = tpu.memref_squeeze %dma_start3A_702 : memref<1x400x64xf32, #tpu.memory_space<vmem>> -> memref<400x64xf32, #tpu.memory_space<vmem>>
      %dma_start3A_704 = tpu.memref_slice %arg6[%mul3A_698] : memref<6400xi32, #tpu.memory_space<vmem>> -> memref<400xi32, #tpu.memory_space<vmem>>
      %dma_start3A_705 = arith.constant 0 : i32
      %dma_start3A_706 = arith.constant 0 : i32
      %dma_start3A_707 = tpu.memref_slice %arg3[%dma_start3A_705, %dma_start3A_706] : memref<100000x64xf32, #tpu.memory_space<hbm>> -> memref<100000x64xf32, #tpu.memory_space<hbm>>
      tpu.enqueue_indirect_dma source(%dma_start3A_707 : memref<100000x64xf32, #tpu.memory_space<hbm>>) target(%dma_start3A_703 : memref<400x64xf32, #tpu.memory_space<vmem>>) offsets(%dma_start3A_704 : memref<400xi32, #tpu.memory_space<vmem>>) semaphore(%arg9 : memref<!tpu.dma_semaphore, #tpu.memory_space<semaphore_mem>>)
      %add3A_708 = arith.constant 1 : i32
      %add3A_709 = arith.addi %mul3A_51, %add3A_708 : i32
      %dma_wait3A_710 = arith.constant 1 : i32
      %dma_wait3A_711 = arith.constant 0 : i32
      %dma_wait3A_712 = arith.constant 0 : i32
      %dma_wait3A_713 = tpu.memref_slice %arg7[%dma_wait3A_710, %dma_wait3A_711, %dma_wait3A_712] : memref<2x400x64xf32, #tpu.memory_space<vmem>> -> memref<1x400x64xf32, #tpu.memory_space<vmem>>
      %dma_wait3A_714 = tpu.memref_squeeze %dma_wait3A_713 : memref<1x400x64xf32, #tpu.memory_space<vmem>> -> memref<400x64xf32, #tpu.memory_space<vmem>>
      %dma_wait3A_715 = arith.constant 0 : i32
      %dma_wait3A_716 = tpu.memref_slice %arg6[%dma_wait3A_715] : memref<6400xi32, #tpu.memory_space<vmem>> -> memref<400xi32, #tpu.memory_space<vmem>>
      %dma_wait3A_717 = arith.constant 0 : i32
      %dma_wait3A_718 = arith.constant 0 : i32
      %dma_wait3A_719 = tpu.memref_slice %arg3[%dma_wait3A_717, %dma_wait3A_718] : memref<100000x64xf32, #tpu.memory_space<hbm>> -> memref<100000x64xf32, #tpu.memory_space<hbm>>
      tpu.wait_indirect_dma semaphore(%arg10 : memref<!tpu.dma_semaphore, #tpu.memory_space<semaphore_mem>>) src(%dma_wait3A_719 : memref<100000x64xf32, #tpu.memory_space<hbm>>) dst(%dma_wait3A_714 : memref<400x64xf32, #tpu.memory_space<vmem>>)
      %get3A_720 = arith.constant 1 : i32
      %get3A_721 = arith.constant 0 : i32
      %get3A_722 = arith.constant 0 : i32
      %get3A_723 = arith.constant 0 : i32
      %get3A_724 = tpu.memref_slice %arg7[%get3A_720, %get3A_722, %get3A_723] : memref<2x400x64xf32, #tpu.memory_space<vmem>> -> memref<1x400x64xf32, #tpu.memory_space<vmem>>
      %get3A_725 = tpu.memref_squeeze %get3A_724 : memref<1x400x64xf32, #tpu.memory_space<vmem>> -> memref<400x64xf32, #tpu.memory_space<vmem>>
      %get3A_726 = arith.index_cast %get3A_721 : i32 to index
      %get3A_727 = arith.constant 0 : index
      %get3A_728 = tpu.vector_load %get3A_725[%get3A_726, %get3A_727] {strides = array<i32>} : memref<400x64xf32, #tpu.memory_space<vmem>>, vector<1x16xf32>,
      %get3A_729 = vector.shape_cast %get3A_728 : vector<1x16xf32> to vector<16xf32>
      %get3A_730 = arith.constant 1 : i32
      %get3A_731 = arith.constant 0 : i32
      %get3A_732 = arith.constant 0 : i32
      %get3A_733 = arith.constant 0 : i32
      %get3A_734 = tpu.memref_slice %arg7[%get3A_730, %get3A_732, %get3A_733] : memref<2x400x64xf32, #tpu.memory_space<vmem>> -> memref<1x400x64xf32, #tpu.memory_space<vmem>>
      %get3A_735 = tpu.memref_squeeze %get3A_734 : memref<1x400x64xf32, #tpu.memory_space<vmem>> -> memref<400x64xf32, #tpu.memory_space<vmem>>
      %get3A_736 = arith.index_cast %get3A_731 : i32 to index
      %get3A_737 = arith.constant 16 : index
      %get3A_738 = tpu.vector_load %get3A_735[%get3A_736, %get3A_737] {strides = array<i32>} : memref<400x64xf32, #tpu.memory_space<vmem>>, vector<1x16xf32>,
      %get3A_739 = vector.shape_cast %get3A_738 : vector<1x16xf32> to vector<16xf32>
      %get3A_740 = arith.constant 1 : i32
      %get3A_741 = arith.constant 0 : i32
      %get3A_742 = arith.constant 0 : i32
      %get3A_743 = arith.constant 0 : i32
      %get3A_744 = tpu.memref_slice %arg7[%get3A_740, %get3A_742, %get3A_743] : memref<2x400x64xf32, #tpu.memory_space<vmem>> -> memref<1x400x64xf32, #tpu.memory_space<vmem>>
      %get3A_745 = tpu.memref_squeeze %get3A_744 : memref<1x400x64xf32, #tpu.memory_space<vmem>> -> memref<400x64xf32, #tpu.memory_space<vmem>>
      %get3A_746 = arith.index_cast %get3A_741 : i32 to index
      %get3A_747 = arith.constant 32 : index
      %get3A_748 = tpu.vector_load %get3A_745[%get3A_746, %get3A_747] {strides = array<i32>} : memref<400x64xf32, #tpu.memory_space<vmem>>, vector<1x16xf32>,
      %get3A_749 = vector.shape_cast %get3A_748 : vector<1x16xf32> to vector<16xf32>
      %get3A_750 = arith.constant 1 : i32
      %get3A_751 = arith.constant 0 : i32
      %get3A_752 = arith.constant 0 : i32
      %get3A_753 = arith.constant 0 : i32
      %get3A_754 = tpu.memref_slice %arg7[%get3A_750, %get3A_752, %get3A_753] : memref<2x400x64xf32, #tpu.memory_space<vmem>> -> memref<1x400x64xf32, #tpu.memory_space<vmem>>
      %get3A_755 = tpu.memref_squeeze %get3A_754 : memref<1x400x64xf32, #tpu.memory_space<vmem>> -> memref<400x64xf32, #tpu.memory_space<vmem>>
      %get3A_756 = arith.index_cast %get3A_751 : i32 to index
      %get3A_757 = arith.constant 48 : index
      %get3A_758 = tpu.vector_load %get3A_755[%get3A_756, %get3A_757] {strides = array<i32>} : memref<400x64xf32, #tpu.memory_space<vmem>>, vector<1x16xf32>,
      %get3A_759 = vector.shape_cast %get3A_758 : vector<1x16xf32> to vector<16xf32>
      %scan3A_760 = arith.constant 1 : i32
      %scan3A_761 = arith.constant 1 : i32
      %scan3A_762 = arith.constant 49 : i32
      %scan3A_763 = arith.addi %scan3A_761, %scan3A_762 : i32
      %scan3A_764 = arith.constant 1 : i32
      %scan3A_765:4 = scf.for %scan3A_1367 = %scan3A_761 to %scan3A_763 step %scan3A_764 iter_args(%scan3A_1368 = %get3A_729, %scan3A_1369 = %get3A_739, %scan3A_1370 = %get3A_749, %scan3A_1371 = %get3A_759) -> (vector<16xf32>, vector<16xf32>, vector<16xf32>, vector<16xf32>)  : i32 {
        %add3A_1372 = arith.constant 0 : i32
        %add3A_1373 = arith.addi %add3A_1372, %scan3A_1367 : i32
        %get3A_1374 = arith.constant 0 : i32
        %get3A_1375 = arith.constant 0 : i32
        %get3A_1376 = tpu.memref_slice %arg7[%scan3A_760, %get3A_1374, %get3A_1375] : memref<2x400x64xf32, #tpu.memory_space<vmem>> -> memref<1x400x64xf32, #tpu.memory_space<vmem>>
        %get3A_1377 = tpu.memref_squeeze %get3A_1376 : memref<1x400x64xf32, #tpu.memory_space<vmem>> -> memref<400x64xf32, #tpu.memory_space<vmem>>
        %get3A_1378 = arith.index_cast %add3A_1373 : i32 to index
        %get3A_1379 = arith.constant 0 : index
        %get3A_1380 = tpu.vector_load %get3A_1377[%get3A_1378, %get3A_1379] {strides = array<i32>} : memref<400x64xf32, #tpu.memory_space<vmem>>, vector<1x16xf32>,
        %get3A_1381 = vector.shape_cast %get3A_1380 : vector<1x16xf32> to vector<16xf32>
        %add3A_1382 = arith.addf %scan3A_1368, %get3A_1381 : vector<16xf32>
        %add3A_1383 = arith.constant 0 : i32
        %add3A_1384 = arith.addi %add3A_1383, %scan3A_1367 : i32
        %get3A_1385 = arith.constant 0 : i32
        %get3A_1386 = arith.constant 0 : i32
        %get3A_1387 = tpu.memref_slice %arg7[%scan3A_760, %get3A_1385, %get3A_1386] : memref<2x400x64xf32, #tpu.memory_space<vmem>> -> memref<1x400x64xf32, #tpu.memory_space<vmem>>
        %get3A_1388 = tpu.memref_squeeze %get3A_1387 : memref<1x400x64xf32, #tpu.memory_space<vmem>> -> memref<400x64xf32, #tpu.memory_space<vmem>>
        %get3A_1389 = arith.index_cast %add3A_1384 : i32 to index
        %get3A_1390 = arith.constant 16 : index
        %get3A_1391 = tpu.vector_load %get3A_1388[%get3A_1389, %get3A_1390] {strides = array<i32>} : memref<400x64xf32, #tpu.memory_space<vmem>>, vector<1x16xf32>,
        %get3A_1392 = vector.shape_cast %get3A_1391 : vector<1x16xf32> to vector<16xf32>
        %add3A_1393 = arith.addf %scan3A_1369, %get3A_1392 : vector<16xf32>
        %add3A_1394 = arith.constant 0 : i32
        %add3A_1395 = arith.addi %add3A_1394, %scan3A_1367 : i32
        %get3A_1396 = arith.constant 0 : i32
        %get3A_1397 = arith.constant 0 : i32
        %get3A_1398 = tpu.memref_slice %arg7[%scan3A_760, %get3A_1396, %get3A_1397] : memref<2x400x64xf32, #tpu.memory_space<vmem>> -> memref<1x400x64xf32, #tpu.memory_space<vmem>>
        %get3A_1399 = tpu.memref_squeeze %get3A_1398 : memref<1x400x64xf32, #tpu.memory_space<vmem>> -> memref<400x64xf32, #tpu.memory_space<vmem>>
        %get3A_1400 = arith.index_cast %add3A_1395 : i32 to index
        %get3A_1401 = arith.constant 32 : index
        %get3A_1402 = tpu.vector_load %get3A_1399[%get3A_1400, %get3A_1401] {strides = array<i32>} : memref<400x64xf32, #tpu.memory_space<vmem>>, vector<1x16xf32>,
        %get3A_1403 = vector.shape_cast %get3A_1402 : vector<1x16xf32> to vector<16xf32>
        %add3A_1404 = arith.addf %scan3A_1370, %get3A_1403 : vector<16xf32>
        %add3A_1405 = arith.constant 0 : i32
        %add3A_1406 = arith.addi %add3A_1405, %scan3A_1367 : i32
        %get3A_1407 = arith.constant 0 : i32
        %get3A_1408 = arith.constant 0 : i32
        %get3A_1409 = tpu.memref_slice %arg7[%scan3A_760, %get3A_1407, %get3A_1408] : memref<2x400x64xf32, #tpu.memory_space<vmem>> -> memref<1x400x64xf32, #tpu.memory_space<vmem>>
        %get3A_1410 = tpu.memref_squeeze %get3A_1409 : memref<1x400x64xf32, #tpu.memory_space<vmem>> -> memref<400x64xf32, #tpu.memory_space<vmem>>
        %get3A_1411 = arith.index_cast %add3A_1406 : i32 to index
        %get3A_1412 = arith.constant 48 : index
        %get3A_1413 = tpu.vector_load %get3A_1410[%get3A_1411, %get3A_1412] {strides = array<i32>} : memref<400x64xf32, #tpu.memory_space<vmem>>, vector<1x16xf32>,
        %get3A_1414 = vector.shape_cast %get3A_1413 : vector<1x16xf32> to vector<16xf32>
        %add3A_1415 = arith.addf %scan3A_1371, %get3A_1414 : vector<16xf32>
        scf.yield %add3A_1382, %add3A_1393, %add3A_1404, %add3A_1415 : vector<16xf32>, vector<16xf32>, vector<16xf32>, vector<16xf32>
      }
      %scan3A_766 = arith.constant 49 : i32
      %mul3A_767 = arith.constant 4 : i32
      %mul3A_768 = arith.muli %add3A_709, %mul3A_767 : i32
      %add3A_769 = arith.constant 0 : i32
      %add3A_770 = arith.addi %mul3A_768, %add3A_769 : i32
      %mul3A_771 = vector.broadcast %scan3A_22 : f32 to vector<16xf32>
      %mul3A_772 = arith.mulf %scan3A_765#0, %mul3A_771 : vector<16xf32>
      %swap3A_773 = arith.index_cast %add3A_770 : i32 to index
      %swap3A_774 = arith.constant 0 : index
      %swap3A_775 = tpu.vector_load %arg8[%swap3A_773, %swap3A_774] {strides = array<i32>} : memref<64x128xf32, #tpu.memory_space<vmem>>, vector<1x16xf32>,
      %swap3A_776 = vector.shape_cast %swap3A_775 : vector<1x16xf32> to vector<16xf32>
      %swap3A_777 = vector.shape_cast %mul3A_772 : vector<16xf32> to vector<1x16xf32>
      tpu.vector_store %arg8[%swap3A_773, %swap3A_774], %swap3A_777 {strides = array<i32>} : memref<64x128xf32, #tpu.memory_space<vmem>>, vector<1x16xf32>,
      %mul3A_778 = vector.broadcast %scan3A_22 : f32 to vector<16xf32>
      %mul3A_779 = arith.mulf %scan3A_765#1, %mul3A_778 : vector<16xf32>
      %swap3A_780 = arith.index_cast %add3A_770 : i32 to index
      %swap3A_781 = arith.constant 16 : index
      %swap3A_782 = tpu.vector_load %arg8[%swap3A_780, %swap3A_781] {strides = array<i32>} : memref<64x128xf32, #tpu.memory_space<vmem>>, vector<1x16xf32>,
      %swap3A_783 = vector.shape_cast %swap3A_782 : vector<1x16xf32> to vector<16xf32>
      %swap3A_784 = vector.shape_cast %mul3A_779 : vector<16xf32> to vector<1x16xf32>
      tpu.vector_store %arg8[%swap3A_780, %swap3A_781], %swap3A_784 {strides = array<i32>} : memref<64x128xf32, #tpu.memory_space<vmem>>, vector<1x16xf32>,
      %mul3A_785 = vector.broadcast %scan3A_22 : f32 to vector<16xf32>
      %mul3A_786 = arith.mulf %scan3A_765#2, %mul3A_785 : vector<16xf32>
      %swap3A_787 = arith.index_cast %add3A_770 : i32 to index
      %swap3A_788 = arith.constant 32 : index
      %swap3A_789 = tpu.vector_load %arg8[%swap3A_787, %swap3A_788] {strides = array<i32>} : memref<64x128xf32, #tpu.memory_space<vmem>>, vector<1x16xf32>,
      %swap3A_790 = vector.shape_cast %swap3A_789 : vector<1x16xf32> to vector<16xf32>
      %swap3A_791 = vector.shape_cast %mul3A_786 : vector<16xf32> to vector<1x16xf32>
      tpu.vector_store %arg8[%swap3A_787, %swap3A_788], %swap3A_791 {strides = array<i32>} : memref<64x128xf32, #tpu.memory_space<vmem>>, vector<1x16xf32>,
      %mul3A_792 = vector.broadcast %scan3A_22 : f32 to vector<16xf32>
      %mul3A_793 = arith.mulf %scan3A_765#3, %mul3A_792 : vector<16xf32>
      %swap3A_794 = arith.index_cast %add3A_770 : i32 to index
      %swap3A_795 = arith.constant 48 : index
      %swap3A_796 = tpu.vector_load %arg8[%swap3A_794, %swap3A_795] {strides = array<i32>} : memref<64x128xf32, #tpu.memory_space<vmem>>, vector<1x16xf32>,
      %swap3A_797 = vector.shape_cast %swap3A_796 : vector<1x16xf32> to vector<16xf32>
      %swap3A_798 = vector.shape_cast %mul3A_793 : vector<16xf32> to vector<1x16xf32>
      tpu.vector_store %arg8[%swap3A_794, %swap3A_795], %swap3A_798 {strides = array<i32>} : memref<64x128xf32, #tpu.memory_space<vmem>>, vector<1x16xf32>,
      %get3A_799 = arith.constant 1 : i32
      %get3A_800 = arith.constant 50 : i32
      %get3A_801 = arith.constant 0 : i32
      %get3A_802 = arith.constant 0 : i32
      %get3A_803 = tpu.memref_slice %arg7[%get3A_799, %get3A_801, %get3A_802] : memref<2x400x64xf32, #tpu.memory_space<vmem>> -> memref<1x400x64xf32, #tpu.memory_space<vmem>>
      %get3A_804 = tpu.memref_squeeze %get3A_803 : memref<1x400x64xf32, #tpu.memory_space<vmem>> -> memref<400x64xf32, #tpu.memory_space<vmem>>
      %get3A_805 = arith.index_cast %get3A_800 : i32 to index
      %get3A_806 = arith.constant 0 : index
      %get3A_807 = tpu.vector_load %get3A_804[%get3A_805, %get3A_806] {strides = array<i32>} : memref<400x64xf32, #tpu.memory_space<vmem>>, vector<1x16xf32>,
      %get3A_808 = vector.shape_cast %get3A_807 : vector<1x16xf32> to vector<16xf32>
      %get3A_809 = arith.constant 1 : i32
      %get3A_810 = arith.constant 50 : i32
      %get3A_811 = arith.constant 0 : i32
      %get3A_812 = arith.constant 0 : i32
      %get3A_813 = tpu.memref_slice %arg7[%get3A_809, %get3A_811, %get3A_812] : memref<2x400x64xf32, #tpu.memory_space<vmem>> -> memref<1x400x64xf32, #tpu.memory_space<vmem>>
      %get3A_814 = tpu.memref_squeeze %get3A_813 : memref<1x400x64xf32, #tpu.memory_space<vmem>> -> memref<400x64xf32, #tpu.memory_space<vmem>>
      %get3A_815 = arith.index_cast %get3A_810 : i32 to index
      %get3A_816 = arith.constant 16 : index
      %get3A_817 = tpu.vector_load %get3A_814[%get3A_815, %get3A_816] {strides = array<i32>} : memref<400x64xf32, #tpu.memory_space<vmem>>, vector<1x16xf32>,
      %get3A_818 = vector.shape_cast %get3A_817 : vector<1x16xf32> to vector<16xf32>
      %get3A_819 = arith.constant 1 : i32
      %get3A_820 = arith.constant 50 : i32
      %get3A_821 = arith.constant 0 : i32
      %get3A_822 = arith.constant 0 : i32
      %get3A_823 = tpu.memref_slice %arg7[%get3A_819, %get3A_821, %get3A_822] : memref<2x400x64xf32, #tpu.memory_space<vmem>> -> memref<1x400x64xf32, #tpu.memory_space<vmem>>
      %get3A_824 = tpu.memref_squeeze %get3A_823 : memref<1x400x64xf32, #tpu.memory_space<vmem>> -> memref<400x64xf32, #tpu.memory_space<vmem>>
      %get3A_825 = arith.index_cast %get3A_820 : i32 to index
      %get3A_826 = arith.constant 32 : index
      %get3A_827 = tpu.vector_load %get3A_824[%get3A_825, %get3A_826] {strides = array<i32>} : memref<400x64xf32, #tpu.memory_space<vmem>>, vector<1x16xf32>,
      %get3A_828 = vector.shape_cast %get3A_827 : vector<1x16xf32> to vector<16xf32>
      %get3A_829 = arith.constant 1 : i32
      %get3A_830 = arith.constant 50 : i32
      %get3A_831 = arith.constant 0 : i32
      %get3A_832 = arith.constant 0 : i32
      %get3A_833 = tpu.memref_slice %arg7[%get3A_829, %get3A_831, %get3A_832] : memref<2x400x64xf32, #tpu.memory_space<vmem>> -> memref<1x400x64xf32, #tpu.memory_space<vmem>>
      %get3A_834 = tpu.memref_squeeze %get3A_833 : memref<1x400x64xf32, #tpu.memory_space<vmem>> -> memref<400x64xf32, #tpu.memory_space<vmem>>
      %get3A_835 = arith.index_cast %get3A_830 : i32 to index
      %get3A_836 = arith.constant 48 : index
      %get3A_837 = tpu.vector_load %get3A_834[%get3A_835, %get3A_836] {strides = array<i32>} : memref<400x64xf32, #tpu.memory_space<vmem>>, vector<1x16xf32>,
      %get3A_838 = vector.shape_cast %get3A_837 : vector<1x16xf32> to vector<16xf32>
      %scan3A_839 = arith.constant 1 : i32
      %scan3A_840 = arith.constant 1 : i32
      %scan3A_841 = arith.constant 49 : i32
      %scan3A_842 = arith.addi %scan3A_840, %scan3A_841 : i32
      %scan3A_843 = arith.constant 1 : i32
      %scan3A_844:4 = scf.for %scan3A_1367 = %scan3A_840 to %scan3A_842 step %scan3A_843 iter_args(%scan3A_1368 = %get3A_808, %scan3A_1369 = %get3A_818, %scan3A_1370 = %get3A_828, %scan3A_1371 = %get3A_838) -> (vector<16xf32>, vector<16xf32>, vector<16xf32>, vector<16xf32>)  : i32 {
        %add3A_1372 = arith.constant 50 : i32
        %add3A_1373 = arith.addi %add3A_1372, %scan3A_1367 : i32
        %get3A_1374 = arith.constant 0 : i32
        %get3A_1375 = arith.constant 0 : i32
        %get3A_1376 = tpu.memref_slice %arg7[%scan3A_839, %get3A_1374, %get3A_1375] : memref<2x400x64xf32, #tpu.memory_space<vmem>> -> memref<1x400x64xf32, #tpu.memory_space<vmem>>
        %get3A_1377 = tpu.memref_squeeze %get3A_1376 : memref<1x400x64xf32, #tpu.memory_space<vmem>> -> memref<400x64xf32, #tpu.memory_space<vmem>>
        %get3A_1378 = arith.index_cast %add3A_1373 : i32 to index
        %get3A_1379 = arith.constant 0 : index
        %get3A_1380 = tpu.vector_load %get3A_1377[%get3A_1378, %get3A_1379] {strides = array<i32>} : memref<400x64xf32, #tpu.memory_space<vmem>>, vector<1x16xf32>,
        %get3A_1381 = vector.shape_cast %get3A_1380 : vector<1x16xf32> to vector<16xf32>
        %add3A_1382 = arith.addf %scan3A_1368, %get3A_1381 : vector<16xf32>
        %add3A_1383 = arith.constant 50 : i32
        %add3A_1384 = arith.addi %add3A_1383, %scan3A_1367 : i32
        %get3A_1385 = arith.constant 0 : i32
        %get3A_1386 = arith.constant 0 : i32
        %get3A_1387 = tpu.memref_slice %arg7[%scan3A_839, %get3A_1385, %get3A_1386] : memref<2x400x64xf32, #tpu.memory_space<vmem>> -> memref<1x400x64xf32, #tpu.memory_space<vmem>>
        %get3A_1388 = tpu.memref_squeeze %get3A_1387 : memref<1x400x64xf32, #tpu.memory_space<vmem>> -> memref<400x64xf32, #tpu.memory_space<vmem>>
        %get3A_1389 = arith.index_cast %add3A_1384 : i32 to index
        %get3A_1390 = arith.constant 16 : index
        %get3A_1391 = tpu.vector_load %get3A_1388[%get3A_1389, %get3A_1390] {strides = array<i32>} : memref<400x64xf32, #tpu.memory_space<vmem>>, vector<1x16xf32>,
        %get3A_1392 = vector.shape_cast %get3A_1391 : vector<1x16xf32> to vector<16xf32>
        %add3A_1393 = arith.addf %scan3A_1369, %get3A_1392 : vector<16xf32>
        %add3A_1394 = arith.constant 50 : i32
        %add3A_1395 = arith.addi %add3A_1394, %scan3A_1367 : i32
        %get3A_1396 = arith.constant 0 : i32
        %get3A_1397 = arith.constant 0 : i32
        %get3A_1398 = tpu.memref_slice %arg7[%scan3A_839, %get3A_1396, %get3A_1397] : memref<2x400x64xf32, #tpu.memory_space<vmem>> -> memref<1x400x64xf32, #tpu.memory_space<vmem>>
        %get3A_1399 = tpu.memref_squeeze %get3A_1398 : memref<1x400x64xf32, #tpu.memory_space<vmem>> -> memref<400x64xf32, #tpu.memory_space<vmem>>
        %get3A_1400 = arith.index_cast %add3A_1395 : i32 to index
        %get3A_1401 = arith.constant 32 : index
        %get3A_1402 = tpu.vector_load %get3A_1399[%get3A_1400, %get3A_1401] {strides = array<i32>} : memref<400x64xf32, #tpu.memory_space<vmem>>, vector<1x16xf32>,
        %get3A_1403 = vector.shape_cast %get3A_1402 : vector<1x16xf32> to vector<16xf32>
        %add3A_1404 = arith.addf %scan3A_1370, %get3A_1403 : vector<16xf32>
        %add3A_1405 = arith.constant 50 : i32
        %add3A_1406 = arith.addi %add3A_1405, %scan3A_1367 : i32
        %get3A_1407 = arith.constant 0 : i32
        %get3A_1408 = arith.constant 0 : i32
        %get3A_1409 = tpu.memref_slice %arg7[%scan3A_839, %get3A_1407, %get3A_1408] : memref<2x400x64xf32, #tpu.memory_space<vmem>> -> memref<1x400x64xf32, #tpu.memory_space<vmem>>
        %get3A_1410 = tpu.memref_squeeze %get3A_1409 : memref<1x400x64xf32, #tpu.memory_space<vmem>> -> memref<400x64xf32, #tpu.memory_space<vmem>>
        %get3A_1411 = arith.index_cast %add3A_1406 : i32 to index
        %get3A_1412 = arith.constant 48 : index
        %get3A_1413 = tpu.vector_load %get3A_1410[%get3A_1411, %get3A_1412] {strides = array<i32>} : memref<400x64xf32, #tpu.memory_space<vmem>>, vector<1x16xf32>,
        %get3A_1414 = vector.shape_cast %get3A_1413 : vector<1x16xf32> to vector<16xf32>
        %add3A_1415 = arith.addf %scan3A_1371, %get3A_1414 : vector<16xf32>
        scf.yield %add3A_1382, %add3A_1393, %add3A_1404, %add3A_1415 : vector<16xf32>, vector<16xf32>, vector<16xf32>, vector<16xf32>
      }
      %scan3A_845 = arith.constant 49 : i32
      %mul3A_846 = arith.constant 4 : i32
      %mul3A_847 = arith.muli %add3A_709, %mul3A_846 : i32
      %add3A_848 = arith.constant 0 : i32
      %add3A_849 = arith.addi %mul3A_847, %add3A_848 : i32
      %mul3A_850 = vector.broadcast %scan3A_22 : f32 to vector<16xf32>
      %mul3A_851 = arith.mulf %scan3A_844#0, %mul3A_850 : vector<16xf32>
      %swap3A_852 = arith.index_cast %add3A_849 : i32 to index
      %swap3A_853 = arith.constant 64 : index
      %swap3A_854 = tpu.vector_load %arg8[%swap3A_852, %swap3A_853] {strides = array<i32>} : memref<64x128xf32, #tpu.memory_space<vmem>>, vector<1x16xf32>,
      %swap3A_855 = vector.shape_cast %swap3A_854 : vector<1x16xf32> to vector<16xf32>
      %swap3A_856 = vector.shape_cast %mul3A_851 : vector<16xf32> to vector<1x16xf32>
      tpu.vector_store %arg8[%swap3A_852, %swap3A_853], %swap3A_856 {strides = array<i32>} : memref<64x128xf32, #tpu.memory_space<vmem>>, vector<1x16xf32>,
      %mul3A_857 = vector.broadcast %scan3A_22 : f32 to vector<16xf32>
      %mul3A_858 = arith.mulf %scan3A_844#1, %mul3A_857 : vector<16xf32>
      %swap3A_859 = arith.index_cast %add3A_849 : i32 to index
      %swap3A_860 = arith.constant 80 : index
      %swap3A_861 = tpu.vector_load %arg8[%swap3A_859, %swap3A_860] {strides = array<i32>} : memref<64x128xf32, #tpu.memory_space<vmem>>, vector<1x16xf32>,
      %swap3A_862 = vector.shape_cast %swap3A_861 : vector<1x16xf32> to vector<16xf32>
      %swap3A_863 = vector.shape_cast %mul3A_858 : vector<16xf32> to vector<1x16xf32>
      tpu.vector_store %arg8[%swap3A_859, %swap3A_860], %swap3A_863 {strides = array<i32>} : memref<64x128xf32, #tpu.memory_space<vmem>>, vector<1x16xf32>,
      %mul3A_864 = vector.broadcast %scan3A_22 : f32 to vector<16xf32>
      %mul3A_865 = arith.mulf %scan3A_844#2, %mul3A_864 : vector<16xf32>
      %swap3A_866 = arith.index_cast %add3A_849 : i32 to index
      %swap3A_867 = arith.constant 96 : index
      %swap3A_868 = tpu.vector_load %arg8[%swap3A_866, %swap3A_867] {strides = array<i32>} : memref<64x128xf32, #tpu.memory_space<vmem>>, vector<1x16xf32>,
      %swap3A_869 = vector.shape_cast %swap3A_868 : vector<1x16xf32> to vector<16xf32>
      %swap3A_870 = vector.shape_cast %mul3A_865 : vector<16xf32> to vector<1x16xf32>
      tpu.vector_store %arg8[%swap3A_866, %swap3A_867], %swap3A_870 {strides = array<i32>} : memref<64x128xf32, #tpu.memory_space<vmem>>, vector<1x16xf32>,
      %mul3A_871 = vector.broadcast %scan3A_22 : f32 to vector<16xf32>
      %mul3A_872 = arith.mulf %scan3A_844#3, %mul3A_871 : vector<16xf32>
      %swap3A_873 = arith.index_cast %add3A_849 : i32 to index
      %swap3A_874 = arith.constant 112 : index
      %swap3A_875 = tpu.vector_load %arg8[%swap3A_873, %swap3A_874] {strides = array<i32>} : memref<64x128xf32, #tpu.memory_space<vmem>>, vector<1x16xf32>,
      %swap3A_876 = vector.shape_cast %swap3A_875 : vector<1x16xf32> to vector<16xf32>
      %swap3A_877 = vector.shape_cast %mul3A_872 : vector<16xf32> to vector<1x16xf32>
      tpu.vector_store %arg8[%swap3A_873, %swap3A_874], %swap3A_877 {strides = array<i32>} : memref<64x128xf32, #tpu.memory_space<vmem>>, vector<1x16xf32>,
      %get3A_878 = arith.constant 1 : i32
      %get3A_879 = arith.constant 100 : i32
      %get3A_880 = arith.constant 0 : i32
      %get3A_881 = arith.constant 0 : i32
      %get3A_882 = tpu.memref_slice %arg7[%get3A_878, %get3A_880, %get3A_881] : memref<2x400x64xf32, #tpu.memory_space<vmem>> -> memref<1x400x64xf32, #tpu.memory_space<vmem>>
      %get3A_883 = tpu.memref_squeeze %get3A_882 : memref<1x400x64xf32, #tpu.memory_space<vmem>> -> memref<400x64xf32, #tpu.memory_space<vmem>>
      %get3A_884 = arith.index_cast %get3A_879 : i32 to index
      %get3A_885 = arith.constant 0 : index
      %get3A_886 = tpu.vector_load %get3A_883[%get3A_884, %get3A_885] {strides = array<i32>} : memref<400x64xf32, #tpu.memory_space<vmem>>, vector<1x16xf32>,
      %get3A_887 = vector.shape_cast %get3A_886 : vector<1x16xf32> to vector<16xf32>
      %get3A_888 = arith.constant 1 : i32
      %get3A_889 = arith.constant 100 : i32
      %get3A_890 = arith.constant 0 : i32
      %get3A_891 = arith.constant 0 : i32
      %get3A_892 = tpu.memref_slice %arg7[%get3A_888, %get3A_890, %get3A_891] : memref<2x400x64xf32, #tpu.memory_space<vmem>> -> memref<1x400x64xf32, #tpu.memory_space<vmem>>
      %get3A_893 = tpu.memref_squeeze %get3A_892 : memref<1x400x64xf32, #tpu.memory_space<vmem>> -> memref<400x64xf32, #tpu.memory_space<vmem>>
      %get3A_894 = arith.index_cast %get3A_889 : i32 to index
      %get3A_895 = arith.constant 16 : index
      %get3A_896 = tpu.vector_load %get3A_893[%get3A_894, %get3A_895] {strides = array<i32>} : memref<400x64xf32, #tpu.memory_space<vmem>>, vector<1x16xf32>,
      %get3A_897 = vector.shape_cast %get3A_896 : vector<1x16xf32> to vector<16xf32>
      %get3A_898 = arith.constant 1 : i32
      %get3A_899 = arith.constant 100 : i32
      %get3A_900 = arith.constant 0 : i32
      %get3A_901 = arith.constant 0 : i32
      %get3A_902 = tpu.memref_slice %arg7[%get3A_898, %get3A_900, %get3A_901] : memref<2x400x64xf32, #tpu.memory_space<vmem>> -> memref<1x400x64xf32, #tpu.memory_space<vmem>>
      %get3A_903 = tpu.memref_squeeze %get3A_902 : memref<1x400x64xf32, #tpu.memory_space<vmem>> -> memref<400x64xf32, #tpu.memory_space<vmem>>
      %get3A_904 = arith.index_cast %get3A_899 : i32 to index
      %get3A_905 = arith.constant 32 : index
      %get3A_906 = tpu.vector_load %get3A_903[%get3A_904, %get3A_905] {strides = array<i32>} : memref<400x64xf32, #tpu.memory_space<vmem>>, vector<1x16xf32>,
      %get3A_907 = vector.shape_cast %get3A_906 : vector<1x16xf32> to vector<16xf32>
      %get3A_908 = arith.constant 1 : i32
      %get3A_909 = arith.constant 100 : i32
      %get3A_910 = arith.constant 0 : i32
      %get3A_911 = arith.constant 0 : i32
      %get3A_912 = tpu.memref_slice %arg7[%get3A_908, %get3A_910, %get3A_911] : memref<2x400x64xf32, #tpu.memory_space<vmem>> -> memref<1x400x64xf32, #tpu.memory_space<vmem>>
      %get3A_913 = tpu.memref_squeeze %get3A_912 : memref<1x400x64xf32, #tpu.memory_space<vmem>> -> memref<400x64xf32, #tpu.memory_space<vmem>>
      %get3A_914 = arith.index_cast %get3A_909 : i32 to index
      %get3A_915 = arith.constant 48 : index
      %get3A_916 = tpu.vector_load %get3A_913[%get3A_914, %get3A_915] {strides = array<i32>} : memref<400x64xf32, #tpu.memory_space<vmem>>, vector<1x16xf32>,
      %get3A_917 = vector.shape_cast %get3A_916 : vector<1x16xf32> to vector<16xf32>
      %scan3A_918 = arith.constant 1 : i32
      %scan3A_919 = arith.constant 1 : i32
      %scan3A_920 = arith.constant 49 : i32
      %scan3A_921 = arith.addi %scan3A_919, %scan3A_920 : i32
      %scan3A_922 = arith.constant 1 : i32
      %scan3A_923:4 = scf.for %scan3A_1367 = %scan3A_919 to %scan3A_921 step %scan3A_922 iter_args(%scan3A_1368 = %get3A_887, %scan3A_1369 = %get3A_897, %scan3A_1370 = %get3A_907, %scan3A_1371 = %get3A_917) -> (vector<16xf32>, vector<16xf32>, vector<16xf32>, vector<16xf32>)  : i32 {
        %add3A_1372 = arith.constant 100 : i32
        %add3A_1373 = arith.addi %add3A_1372, %scan3A_1367 : i32
        %get3A_1374 = arith.constant 0 : i32
        %get3A_1375 = arith.constant 0 : i32
        %get3A_1376 = tpu.memref_slice %arg7[%scan3A_918, %get3A_1374, %get3A_1375] : memref<2x400x64xf32, #tpu.memory_space<vmem>> -> memref<1x400x64xf32, #tpu.memory_space<vmem>>
        %get3A_1377 = tpu.memref_squeeze %get3A_1376 : memref<1x400x64xf32, #tpu.memory_space<vmem>> -> memref<400x64xf32, #tpu.memory_space<vmem>>
        %get3A_1378 = arith.index_cast %add3A_1373 : i32 to index
        %get3A_1379 = arith.constant 0 : index
        %get3A_1380 = tpu.vector_load %get3A_1377[%get3A_1378, %get3A_1379] {strides = array<i32>} : memref<400x64xf32, #tpu.memory_space<vmem>>, vector<1x16xf32>,
        %get3A_1381 = vector.shape_cast %get3A_1380 : vector<1x16xf32> to vector<16xf32>
        %add3A_1382 = arith.addf %scan3A_1368, %get3A_1381 : vector<16xf32>
        %add3A_1383 = arith.constant 100 : i32
        %add3A_1384 = arith.addi %add3A_1383, %scan3A_1367 : i32
        %get3A_1385 = arith.constant 0 : i32
        %get3A_1386 = arith.constant 0 : i32
        %get3A_1387 = tpu.memref_slice %arg7[%scan3A_918, %get3A_1385, %get3A_1386] : memref<2x400x64xf32, #tpu.memory_space<vmem>> -> memref<1x400x64xf32, #tpu.memory_space<vmem>>
        %get3A_1388 = tpu.memref_squeeze %get3A_1387 : memref<1x400x64xf32, #tpu.memory_space<vmem>> -> memref<400x64xf32, #tpu.memory_space<vmem>>
        %get3A_1389 = arith.index_cast %add3A_1384 : i32 to index
        %get3A_1390 = arith.constant 16 : index
        %get3A_1391 = tpu.vector_load %get3A_1388[%get3A_1389, %get3A_1390] {strides = array<i32>} : memref<400x64xf32, #tpu.memory_space<vmem>>, vector<1x16xf32>,
        %get3A_1392 = vector.shape_cast %get3A_1391 : vector<1x16xf32> to vector<16xf32>
        %add3A_1393 = arith.addf %scan3A_1369, %get3A_1392 : vector<16xf32>
        %add3A_1394 = arith.constant 100 : i32
        %add3A_1395 = arith.addi %add3A_1394, %scan3A_1367 : i32
        %get3A_1396 = arith.constant 0 : i32
        %get3A_1397 = arith.constant 0 : i32
        %get3A_1398 = tpu.memref_slice %arg7[%scan3A_918, %get3A_1396, %get3A_1397] : memref<2x400x64xf32, #tpu.memory_space<vmem>> -> memref<1x400x64xf32, #tpu.memory_space<vmem>>
        %get3A_1399 = tpu.memref_squeeze %get3A_1398 : memref<1x400x64xf32, #tpu.memory_space<vmem>> -> memref<400x64xf32, #tpu.memory_space<vmem>>
        %get3A_1400 = arith.index_cast %add3A_1395 : i32 to index
        %get3A_1401 = arith.constant 32 : index
        %get3A_1402 = tpu.vector_load %get3A_1399[%get3A_1400, %get3A_1401] {strides = array<i32>} : memref<400x64xf32, #tpu.memory_space<vmem>>, vector<1x16xf32>,
        %get3A_1403 = vector.shape_cast %get3A_1402 : vector<1x16xf32> to vector<16xf32>
        %add3A_1404 = arith.addf %scan3A_1370, %get3A_1403 : vector<16xf32>
        %add3A_1405 = arith.constant 100 : i32
        %add3A_1406 = arith.addi %add3A_1405, %scan3A_1367 : i32
        %get3A_1407 = arith.constant 0 : i32
        %get3A_1408 = arith.constant 0 : i32
        %get3A_1409 = tpu.memref_slice %arg7[%scan3A_918, %get3A_1407, %get3A_1408] : memref<2x400x64xf32, #tpu.memory_space<vmem>> -> memref<1x400x64xf32, #tpu.memory_space<vmem>>
        %get3A_1410 = tpu.memref_squeeze %get3A_1409 : memref<1x400x64xf32, #tpu.memory_space<vmem>> -> memref<400x64xf32, #tpu.memory_space<vmem>>
        %get3A_1411 = arith.index_cast %add3A_1406 : i32 to index
        %get3A_1412 = arith.constant 48 : index
        %get3A_1413 = tpu.vector_load %get3A_1410[%get3A_1411, %get3A_1412] {strides = array<i32>} : memref<400x64xf32, #tpu.memory_space<vmem>>, vector<1x16xf32>,
        %get3A_1414 = vector.shape_cast %get3A_1413 : vector<1x16xf32> to vector<16xf32>
        %add3A_1415 = arith.addf %scan3A_1371, %get3A_1414 : vector<16xf32>
        scf.yield %add3A_1382, %add3A_1393, %add3A_1404, %add3A_1415 : vector<16xf32>, vector<16xf32>, vector<16xf32>, vector<16xf32>
      }
      %scan3A_924 = arith.constant 49 : i32
      %mul3A_925 = arith.constant 4 : i32
      %mul3A_926 = arith.muli %add3A_709, %mul3A_925 : i32
      %add3A_927 = arith.constant 1 : i32
      %add3A_928 = arith.addi %mul3A_926, %add3A_927 : i32
      %mul3A_929 = vector.broadcast %scan3A_22 : f32 to vector<16xf32>
      %mul3A_930 = arith.mulf %scan3A_923#0, %mul3A_929 : vector<16xf32>
      %swap3A_931 = arith.index_cast %add3A_928 : i32 to index
      %swap3A_932 = arith.constant 0 : index
      %swap3A_933 = tpu.vector_load %arg8[%swap3A_931, %swap3A_932] {strides = array<i32>} : memref<64x128xf32, #tpu.memory_space<vmem>>, vector<1x16xf32>,
      %swap3A_934 = vector.shape_cast %swap3A_933 : vector<1x16xf32> to vector<16xf32>
      %swap3A_935 = vector.shape_cast %mul3A_930 : vector<16xf32> to vector<1x16xf32>
      tpu.vector_store %arg8[%swap3A_931, %swap3A_932], %swap3A_935 {strides = array<i32>} : memref<64x128xf32, #tpu.memory_space<vmem>>, vector<1x16xf32>,
      %mul3A_936 = vector.broadcast %scan3A_22 : f32 to vector<16xf32>
      %mul3A_937 = arith.mulf %scan3A_923#1, %mul3A_936 : vector<16xf32>
      %swap3A_938 = arith.index_cast %add3A_928 : i32 to index
      %swap3A_939 = arith.constant 16 : index
      %swap3A_940 = tpu.vector_load %arg8[%swap3A_938, %swap3A_939] {strides = array<i32>} : memref<64x128xf32, #tpu.memory_space<vmem>>, vector<1x16xf32>,
      %swap3A_941 = vector.shape_cast %swap3A_940 : vector<1x16xf32> to vector<16xf32>
      %swap3A_942 = vector.shape_cast %mul3A_937 : vector<16xf32> to vector<1x16xf32>
      tpu.vector_store %arg8[%swap3A_938, %swap3A_939], %swap3A_942 {strides = array<i32>} : memref<64x128xf32, #tpu.memory_space<vmem>>, vector<1x16xf32>,
      %mul3A_943 = vector.broadcast %scan3A_22 : f32 to vector<16xf32>
      %mul3A_944 = arith.mulf %scan3A_923#2, %mul3A_943 : vector<16xf32>
      %swap3A_945 = arith.index_cast %add3A_928 : i32 to index
      %swap3A_946 = arith.constant 32 : index
      %swap3A_947 = tpu.vector_load %arg8[%swap3A_945, %swap3A_946] {strides = array<i32>} : memref<64x128xf32, #tpu.memory_space<vmem>>, vector<1x16xf32>,
      %swap3A_948 = vector.shape_cast %swap3A_947 : vector<1x16xf32> to vector<16xf32>
      %swap3A_949 = vector.shape_cast %mul3A_944 : vector<16xf32> to vector<1x16xf32>
      tpu.vector_store %arg8[%swap3A_945, %swap3A_946], %swap3A_949 {strides = array<i32>} : memref<64x128xf32, #tpu.memory_space<vmem>>, vector<1x16xf32>,
      %mul3A_950 = vector.broadcast %scan3A_22 : f32 to vector<16xf32>
      %mul3A_951 = arith.mulf %scan3A_923#3, %mul3A_950 : vector<16xf32>
      %swap3A_952 = arith.index_cast %add3A_928 : i32 to index
      %swap3A_953 = arith.constant 48 : index
      %swap3A_954 = tpu.vector_load %arg8[%swap3A_952, %swap3A_953] {strides = array<i32>} : memref<64x128xf32, #tpu.memory_space<vmem>>, vector<1x16xf32>,
      %swap3A_955 = vector.shape_cast %swap3A_954 : vector<1x16xf32> to vector<16xf32>
      %swap3A_956 = vector.shape_cast %mul3A_951 : vector<16xf32> to vector<1x16xf32>
      tpu.vector_store %arg8[%swap3A_952, %swap3A_953], %swap3A_956 {strides = array<i32>} : memref<64x128xf32, #tpu.memory_space<vmem>>, vector<1x16xf32>,
      %get3A_957 = arith.constant 1 : i32
      %get3A_958 = arith.constant 150 : i32
      %get3A_959 = arith.constant 0 : i32
      %get3A_960 = arith.constant 0 : i32
      %get3A_961 = tpu.memref_slice %arg7[%get3A_957, %get3A_959, %get3A_960] : memref<2x400x64xf32, #tpu.memory_space<vmem>> -> memref<1x400x64xf32, #tpu.memory_space<vmem>>
      %get3A_962 = tpu.memref_squeeze %get3A_961 : memref<1x400x64xf32, #tpu.memory_space<vmem>> -> memref<400x64xf32, #tpu.memory_space<vmem>>
      %get3A_963 = arith.index_cast %get3A_958 : i32 to index
      %get3A_964 = arith.constant 0 : index
      %get3A_965 = tpu.vector_load %get3A_962[%get3A_963, %get3A_964] {strides = array<i32>} : memref<400x64xf32, #tpu.memory_space<vmem>>, vector<1x16xf32>,
      %get3A_966 = vector.shape_cast %get3A_965 : vector<1x16xf32> to vector<16xf32>
      %get3A_967 = arith.constant 1 : i32
      %get3A_968 = arith.constant 150 : i32
      %get3A_969 = arith.constant 0 : i32
      %get3A_970 = arith.constant 0 : i32
      %get3A_971 = tpu.memref_slice %arg7[%get3A_967, %get3A_969, %get3A_970] : memref<2x400x64xf32, #tpu.memory_space<vmem>> -> memref<1x400x64xf32, #tpu.memory_space<vmem>>
      %get3A_972 = tpu.memref_squeeze %get3A_971 : memref<1x400x64xf32, #tpu.memory_space<vmem>> -> memref<400x64xf32, #tpu.memory_space<vmem>>
      %get3A_973 = arith.index_cast %get3A_968 : i32 to index
      %get3A_974 = arith.constant 16 : index
      %get3A_975 = tpu.vector_load %get3A_972[%get3A_973, %get3A_974] {strides = array<i32>} : memref<400x64xf32, #tpu.memory_space<vmem>>, vector<1x16xf32>,
      %get3A_976 = vector.shape_cast %get3A_975 : vector<1x16xf32> to vector<16xf32>
      %get3A_977 = arith.constant 1 : i32
      %get3A_978 = arith.constant 150 : i32
      %get3A_979 = arith.constant 0 : i32
      %get3A_980 = arith.constant 0 : i32
      %get3A_981 = tpu.memref_slice %arg7[%get3A_977, %get3A_979, %get3A_980] : memref<2x400x64xf32, #tpu.memory_space<vmem>> -> memref<1x400x64xf32, #tpu.memory_space<vmem>>
      %get3A_982 = tpu.memref_squeeze %get3A_981 : memref<1x400x64xf32, #tpu.memory_space<vmem>> -> memref<400x64xf32, #tpu.memory_space<vmem>>
      %get3A_983 = arith.index_cast %get3A_978 : i32 to index
      %get3A_984 = arith.constant 32 : index
      %get3A_985 = tpu.vector_load %get3A_982[%get3A_983, %get3A_984] {strides = array<i32>} : memref<400x64xf32, #tpu.memory_space<vmem>>, vector<1x16xf32>,
      %get3A_986 = vector.shape_cast %get3A_985 : vector<1x16xf32> to vector<16xf32>
      %get3A_987 = arith.constant 1 : i32
      %get3A_988 = arith.constant 150 : i32
      %get3A_989 = arith.constant 0 : i32
      %get3A_990 = arith.constant 0 : i32
      %get3A_991 = tpu.memref_slice %arg7[%get3A_987, %get3A_989, %get3A_990] : memref<2x400x64xf32, #tpu.memory_space<vmem>> -> memref<1x400x64xf32, #tpu.memory_space<vmem>>
      %get3A_992 = tpu.memref_squeeze %get3A_991 : memref<1x400x64xf32, #tpu.memory_space<vmem>> -> memref<400x64xf32, #tpu.memory_space<vmem>>
      %get3A_993 = arith.index_cast %get3A_988 : i32 to index
      %get3A_994 = arith.constant 48 : index
      %get3A_995 = tpu.vector_load %get3A_992[%get3A_993, %get3A_994] {strides = array<i32>} : memref<400x64xf32, #tpu.memory_space<vmem>>, vector<1x16xf32>,
      %get3A_996 = vector.shape_cast %get3A_995 : vector<1x16xf32> to vector<16xf32>
      %scan3A_997 = arith.constant 1 : i32
      %scan3A_998 = arith.constant 1 : i32
      %scan3A_999 = arith.constant 49 : i32
      %scan3A_1000 = arith.addi %scan3A_998, %scan3A_999 : i32
      %scan3A_1001 = arith.constant 1 : i32
      %scan3A_1002:4 = scf.for %scan3A_1367 = %scan3A_998 to %scan3A_1000 step %scan3A_1001 iter_args(%scan3A_1368 = %get3A_966, %scan3A_1369 = %get3A_976, %scan3A_1370 = %get3A_986, %scan3A_1371 = %get3A_996) -> (vector<16xf32>, vector<16xf32>, vector<16xf32>, vector<16xf32>)  : i32 {
        %add3A_1372 = arith.constant 150 : i32
        %add3A_1373 = arith.addi %add3A_1372, %scan3A_1367 : i32
        %get3A_1374 = arith.constant 0 : i32
        %get3A_1375 = arith.constant 0 : i32
        %get3A_1376 = tpu.memref_slice %arg7[%scan3A_997, %get3A_1374, %get3A_1375] : memref<2x400x64xf32, #tpu.memory_space<vmem>> -> memref<1x400x64xf32, #tpu.memory_space<vmem>>
        %get3A_1377 = tpu.memref_squeeze %get3A_1376 : memref<1x400x64xf32, #tpu.memory_space<vmem>> -> memref<400x64xf32, #tpu.memory_space<vmem>>
        %get3A_1378 = arith.index_cast %add3A_1373 : i32 to index
        %get3A_1379 = arith.constant 0 : index
        %get3A_1380 = tpu.vector_load %get3A_1377[%get3A_1378, %get3A_1379] {strides = array<i32>} : memref<400x64xf32, #tpu.memory_space<vmem>>, vector<1x16xf32>,
        %get3A_1381 = vector.shape_cast %get3A_1380 : vector<1x16xf32> to vector<16xf32>
        %add3A_1382 = arith.addf %scan3A_1368, %get3A_1381 : vector<16xf32>
        %add3A_1383 = arith.constant 150 : i32
        %add3A_1384 = arith.addi %add3A_1383, %scan3A_1367 : i32
        %get3A_1385 = arith.constant 0 : i32
        %get3A_1386 = arith.constant 0 : i32
        %get3A_1387 = tpu.memref_slice %arg7[%scan3A_997, %get3A_1385, %get3A_1386] : memref<2x400x64xf32, #tpu.memory_space<vmem>> -> memref<1x400x64xf32, #tpu.memory_space<vmem>>
        %get3A_1388 = tpu.memref_squeeze %get3A_1387 : memref<1x400x64xf32, #tpu.memory_space<vmem>> -> memref<400x64xf32, #tpu.memory_space<vmem>>
        %get3A_1389 = arith.index_cast %add3A_1384 : i32 to index
        %get3A_1390 = arith.constant 16 : index
        %get3A_1391 = tpu.vector_load %get3A_1388[%get3A_1389, %get3A_1390] {strides = array<i32>} : memref<400x64xf32, #tpu.memory_space<vmem>>, vector<1x16xf32>,
        %get3A_1392 = vector.shape_cast %get3A_1391 : vector<1x16xf32> to vector<16xf32>
        %add3A_1393 = arith.addf %scan3A_1369, %get3A_1392 : vector<16xf32>
        %add3A_1394 = arith.constant 150 : i32
        %add3A_1395 = arith.addi %add3A_1394, %scan3A_1367 : i32
        %get3A_1396 = arith.constant 0 : i32
        %get3A_1397 = arith.constant 0 : i32
        %get3A_1398 = tpu.memref_slice %arg7[%scan3A_997, %get3A_1396, %get3A_1397] : memref<2x400x64xf32, #tpu.memory_space<vmem>> -> memref<1x400x64xf32, #tpu.memory_space<vmem>>
        %get3A_1399 = tpu.memref_squeeze %get3A_1398 : memref<1x400x64xf32, #tpu.memory_space<vmem>> -> memref<400x64xf32, #tpu.memory_space<vmem>>
        %get3A_1400 = arith.index_cast %add3A_1395 : i32 to index
        %get3A_1401 = arith.constant 32 : index
        %get3A_1402 = tpu.vector_load %get3A_1399[%get3A_1400, %get3A_1401] {strides = array<i32>} : memref<400x64xf32, #tpu.memory_space<vmem>>, vector<1x16xf32>,
        %get3A_1403 = vector.shape_cast %get3A_1402 : vector<1x16xf32> to vector<16xf32>
        %add3A_1404 = arith.addf %scan3A_1370, %get3A_1403 : vector<16xf32>
        %add3A_1405 = arith.constant 150 : i32
        %add3A_1406 = arith.addi %add3A_1405, %scan3A_1367 : i32
        %get3A_1407 = arith.constant 0 : i32
        %get3A_1408 = arith.constant 0 : i32
        %get3A_1409 = tpu.memref_slice %arg7[%scan3A_997, %get3A_1407, %get3A_1408] : memref<2x400x64xf32, #tpu.memory_space<vmem>> -> memref<1x400x64xf32, #tpu.memory_space<vmem>>
        %get3A_1410 = tpu.memref_squeeze %get3A_1409 : memref<1x400x64xf32, #tpu.memory_space<vmem>> -> memref<400x64xf32, #tpu.memory_space<vmem>>
        %get3A_1411 = arith.index_cast %add3A_1406 : i32 to index
        %get3A_1412 = arith.constant 48 : index
        %get3A_1413 = tpu.vector_load %get3A_1410[%get3A_1411, %get3A_1412] {strides = array<i32>} : memref<400x64xf32, #tpu.memory_space<vmem>>, vector<1x16xf32>,
        %get3A_1414 = vector.shape_cast %get3A_1413 : vector<1x16xf32> to vector<16xf32>
        %add3A_1415 = arith.addf %scan3A_1371, %get3A_1414 : vector<16xf32>
        scf.yield %add3A_1382, %add3A_1393, %add3A_1404, %add3A_1415 : vector<16xf32>, vector<16xf32>, vector<16xf32>, vector<16xf32>
      }
      %scan3A_1003 = arith.constant 49 : i32
      %mul3A_1004 = arith.constant 4 : i32
      %mul3A_1005 = arith.muli %add3A_709, %mul3A_1004 : i32
      %add3A_1006 = arith.constant 1 : i32
      %add3A_1007 = arith.addi %mul3A_1005, %add3A_1006 : i32
      %mul3A_1008 = vector.broadcast %scan3A_22 : f32 to vector<16xf32>
      %mul3A_1009 = arith.mulf %scan3A_1002#0, %mul3A_1008 : vector<16xf32>
      %swap3A_1010 = arith.index_cast %add3A_1007 : i32 to index
      %swap3A_1011 = arith.constant 64 : index
      %swap3A_1012 = tpu.vector_load %arg8[%swap3A_1010, %swap3A_1011] {strides = array<i32>} : memref<64x128xf32, #tpu.memory_space<vmem>>, vector<1x16xf32>,
      %swap3A_1013 = vector.shape_cast %swap3A_1012 : vector<1x16xf32> to vector<16xf32>
      %swap3A_1014 = vector.shape_cast %mul3A_1009 : vector<16xf32> to vector<1x16xf32>
      tpu.vector_store %arg8[%swap3A_1010, %swap3A_1011], %swap3A_1014 {strides = array<i32>} : memref<64x128xf32, #tpu.memory_space<vmem>>, vector<1x16xf32>,
      %mul3A_1015 = vector.broadcast %scan3A_22 : f32 to vector<16xf32>
      %mul3A_1016 = arith.mulf %scan3A_1002#1, %mul3A_1015 : vector<16xf32>
      %swap3A_1017 = arith.index_cast %add3A_1007 : i32 to index
      %swap3A_1018 = arith.constant 80 : index
      %swap3A_1019 = tpu.vector_load %arg8[%swap3A_1017, %swap3A_1018] {strides = array<i32>} : memref<64x128xf32, #tpu.memory_space<vmem>>, vector<1x16xf32>,
      %swap3A_1020 = vector.shape_cast %swap3A_1019 : vector<1x16xf32> to vector<16xf32>
      %swap3A_1021 = vector.shape_cast %mul3A_1016 : vector<16xf32> to vector<1x16xf32>
      tpu.vector_store %arg8[%swap3A_1017, %swap3A_1018], %swap3A_1021 {strides = array<i32>} : memref<64x128xf32, #tpu.memory_space<vmem>>, vector<1x16xf32>,
      %mul3A_1022 = vector.broadcast %scan3A_22 : f32 to vector<16xf32>
      %mul3A_1023 = arith.mulf %scan3A_1002#2, %mul3A_1022 : vector<16xf32>
      %swap3A_1024 = arith.index_cast %add3A_1007 : i32 to index
      %swap3A_1025 = arith.constant 96 : index
      %swap3A_1026 = tpu.vector_load %arg8[%swap3A_1024, %swap3A_1025] {strides = array<i32>} : memref<64x128xf32, #tpu.memory_space<vmem>>, vector<1x16xf32>,
      %swap3A_1027 = vector.shape_cast %swap3A_1026 : vector<1x16xf32> to vector<16xf32>
      %swap3A_1028 = vector.shape_cast %mul3A_1023 : vector<16xf32> to vector<1x16xf32>
      tpu.vector_store %arg8[%swap3A_1024, %swap3A_1025], %swap3A_1028 {strides = array<i32>} : memref<64x128xf32, #tpu.memory_space<vmem>>, vector<1x16xf32>,
      %mul3A_1029 = vector.broadcast %scan3A_22 : f32 to vector<16xf32>
      %mul3A_1030 = arith.mulf %scan3A_1002#3, %mul3A_1029 : vector<16xf32>
      %swap3A_1031 = arith.index_cast %add3A_1007 : i32 to index
      %swap3A_1032 = arith.constant 112 : index
      %swap3A_1033 = tpu.vector_load %arg8[%swap3A_1031, %swap3A_1032] {strides = array<i32>} : memref<64x128xf32, #tpu.memory_space<vmem>>, vector<1x16xf32>,
      %swap3A_1034 = vector.shape_cast %swap3A_1033 : vector<1x16xf32> to vector<16xf32>
      %swap3A_1035 = vector.shape_cast %mul3A_1030 : vector<16xf32> to vector<1x16xf32>
      tpu.vector_store %arg8[%swap3A_1031, %swap3A_1032], %swap3A_1035 {strides = array<i32>} : memref<64x128xf32, #tpu.memory_space<vmem>>, vector<1x16xf32>,
      %get3A_1036 = arith.constant 1 : i32
      %get3A_1037 = arith.constant 200 : i32
      %get3A_1038 = arith.constant 0 : i32
      %get3A_1039 = arith.constant 0 : i32
      %get3A_1040 = tpu.memref_slice %arg7[%get3A_1036, %get3A_1038, %get3A_1039] : memref<2x400x64xf32, #tpu.memory_space<vmem>> -> memref<1x400x64xf32, #tpu.memory_space<vmem>>
      %get3A_1041 = tpu.memref_squeeze %get3A_1040 : memref<1x400x64xf32, #tpu.memory_space<vmem>> -> memref<400x64xf32, #tpu.memory_space<vmem>>
      %get3A_1042 = arith.index_cast %get3A_1037 : i32 to index
      %get3A_1043 = arith.constant 0 : index
      %get3A_1044 = tpu.vector_load %get3A_1041[%get3A_1042, %get3A_1043] {strides = array<i32>} : memref<400x64xf32, #tpu.memory_space<vmem>>, vector<1x16xf32>,
      %get3A_1045 = vector.shape_cast %get3A_1044 : vector<1x16xf32> to vector<16xf32>
      %get3A_1046 = arith.constant 1 : i32
      %get3A_1047 = arith.constant 200 : i32
      %get3A_1048 = arith.constant 0 : i32
      %get3A_1049 = arith.constant 0 : i32
      %get3A_1050 = tpu.memref_slice %arg7[%get3A_1046, %get3A_1048, %get3A_1049] : memref<2x400x64xf32, #tpu.memory_space<vmem>> -> memref<1x400x64xf32, #tpu.memory_space<vmem>>
      %get3A_1051 = tpu.memref_squeeze %get3A_1050 : memref<1x400x64xf32, #tpu.memory_space<vmem>> -> memref<400x64xf32, #tpu.memory_space<vmem>>
      %get3A_1052 = arith.index_cast %get3A_1047 : i32 to index
      %get3A_1053 = arith.constant 16 : index
      %get3A_1054 = tpu.vector_load %get3A_1051[%get3A_1052, %get3A_1053] {strides = array<i32>} : memref<400x64xf32, #tpu.memory_space<vmem>>, vector<1x16xf32>,
      %get3A_1055 = vector.shape_cast %get3A_1054 : vector<1x16xf32> to vector<16xf32>
      %get3A_1056 = arith.constant 1 : i32
      %get3A_1057 = arith.constant 200 : i32
      %get3A_1058 = arith.constant 0 : i32
      %get3A_1059 = arith.constant 0 : i32
      %get3A_1060 = tpu.memref_slice %arg7[%get3A_1056, %get3A_1058, %get3A_1059] : memref<2x400x64xf32, #tpu.memory_space<vmem>> -> memref<1x400x64xf32, #tpu.memory_space<vmem>>
      %get3A_1061 = tpu.memref_squeeze %get3A_1060 : memref<1x400x64xf32, #tpu.memory_space<vmem>> -> memref<400x64xf32, #tpu.memory_space<vmem>>
      %get3A_1062 = arith.index_cast %get3A_1057 : i32 to index
      %get3A_1063 = arith.constant 32 : index
      %get3A_1064 = tpu.vector_load %get3A_1061[%get3A_1062, %get3A_1063] {strides = array<i32>} : memref<400x64xf32, #tpu.memory_space<vmem>>, vector<1x16xf32>,
      %get3A_1065 = vector.shape_cast %get3A_1064 : vector<1x16xf32> to vector<16xf32>
      %get3A_1066 = arith.constant 1 : i32
      %get3A_1067 = arith.constant 200 : i32
      %get3A_1068 = arith.constant 0 : i32
      %get3A_1069 = arith.constant 0 : i32
      %get3A_1070 = tpu.memref_slice %arg7[%get3A_1066, %get3A_1068, %get3A_1069] : memref<2x400x64xf32, #tpu.memory_space<vmem>> -> memref<1x400x64xf32, #tpu.memory_space<vmem>>
      %get3A_1071 = tpu.memref_squeeze %get3A_1070 : memref<1x400x64xf32, #tpu.memory_space<vmem>> -> memref<400x64xf32, #tpu.memory_space<vmem>>
      %get3A_1072 = arith.index_cast %get3A_1067 : i32 to index
      %get3A_1073 = arith.constant 48 : index
      %get3A_1074 = tpu.vector_load %get3A_1071[%get3A_1072, %get3A_1073] {strides = array<i32>} : memref<400x64xf32, #tpu.memory_space<vmem>>, vector<1x16xf32>,
      %get3A_1075 = vector.shape_cast %get3A_1074 : vector<1x16xf32> to vector<16xf32>
      %scan3A_1076 = arith.constant 1 : i32
      %scan3A_1077 = arith.constant 1 : i32
      %scan3A_1078 = arith.constant 49 : i32
      %scan3A_1079 = arith.addi %scan3A_1077, %scan3A_1078 : i32
      %scan3A_1080 = arith.constant 1 : i32
      %scan3A_1081:4 = scf.for %scan3A_1367 = %scan3A_1077 to %scan3A_1079 step %scan3A_1080 iter_args(%scan3A_1368 = %get3A_1045, %scan3A_1369 = %get3A_1055, %scan3A_1370 = %get3A_1065, %scan3A_1371 = %get3A_1075) -> (vector<16xf32>, vector<16xf32>, vector<16xf32>, vector<16xf32>)  : i32 {
        %add3A_1372 = arith.constant 200 : i32
        %add3A_1373 = arith.addi %add3A_1372, %scan3A_1367 : i32
        %get3A_1374 = arith.constant 0 : i32
        %get3A_1375 = arith.constant 0 : i32
        %get3A_1376 = tpu.memref_slice %arg7[%scan3A_1076, %get3A_1374, %get3A_1375] : memref<2x400x64xf32, #tpu.memory_space<vmem>> -> memref<1x400x64xf32, #tpu.memory_space<vmem>>
        %get3A_1377 = tpu.memref_squeeze %get3A_1376 : memref<1x400x64xf32, #tpu.memory_space<vmem>> -> memref<400x64xf32, #tpu.memory_space<vmem>>
        %get3A_1378 = arith.index_cast %add3A_1373 : i32 to index
        %get3A_1379 = arith.constant 0 : index
        %get3A_1380 = tpu.vector_load %get3A_1377[%get3A_1378, %get3A_1379] {strides = array<i32>} : memref<400x64xf32, #tpu.memory_space<vmem>>, vector<1x16xf32>,
        %get3A_1381 = vector.shape_cast %get3A_1380 : vector<1x16xf32> to vector<16xf32>
        %add3A_1382 = arith.addf %scan3A_1368, %get3A_1381 : vector<16xf32>
        %add3A_1383 = arith.constant 200 : i32
        %add3A_1384 = arith.addi %add3A_1383, %scan3A_1367 : i32
        %get3A_1385 = arith.constant 0 : i32
        %get3A_1386 = arith.constant 0 : i32
        %get3A_1387 = tpu.memref_slice %arg7[%scan3A_1076, %get3A_1385, %get3A_1386] : memref<2x400x64xf32, #tpu.memory_space<vmem>> -> memref<1x400x64xf32, #tpu.memory_space<vmem>>
        %get3A_1388 = tpu.memref_squeeze %get3A_1387 : memref<1x400x64xf32, #tpu.memory_space<vmem>> -> memref<400x64xf32, #tpu.memory_space<vmem>>
        %get3A_1389 = arith.index_cast %add3A_1384 : i32 to index
        %get3A_1390 = arith.constant 16 : index
        %get3A_1391 = tpu.vector_load %get3A_1388[%get3A_1389, %get3A_1390] {strides = array<i32>} : memref<400x64xf32, #tpu.memory_space<vmem>>, vector<1x16xf32>,
        %get3A_1392 = vector.shape_cast %get3A_1391 : vector<1x16xf32> to vector<16xf32>
        %add3A_1393 = arith.addf %scan3A_1369, %get3A_1392 : vector<16xf32>
        %add3A_1394 = arith.constant 200 : i32
        %add3A_1395 = arith.addi %add3A_1394, %scan3A_1367 : i32
        %get3A_1396 = arith.constant 0 : i32
        %get3A_1397 = arith.constant 0 : i32
        %get3A_1398 = tpu.memref_slice %arg7[%scan3A_1076, %get3A_1396, %get3A_1397] : memref<2x400x64xf32, #tpu.memory_space<vmem>> -> memref<1x400x64xf32, #tpu.memory_space<vmem>>
        %get3A_1399 = tpu.memref_squeeze %get3A_1398 : memref<1x400x64xf32, #tpu.memory_space<vmem>> -> memref<400x64xf32, #tpu.memory_space<vmem>>
        %get3A_1400 = arith.index_cast %add3A_1395 : i32 to index
        %get3A_1401 = arith.constant 32 : index
        %get3A_1402 = tpu.vector_load %get3A_1399[%get3A_1400, %get3A_1401] {strides = array<i32>} : memref<400x64xf32, #tpu.memory_space<vmem>>, vector<1x16xf32>,
        %get3A_1403 = vector.shape_cast %get3A_1402 : vector<1x16xf32> to vector<16xf32>
        %add3A_1404 = arith.addf %scan3A_1370, %get3A_1403 : vector<16xf32>
        %add3A_1405 = arith.constant 200 : i32
        %add3A_1406 = arith.addi %add3A_1405, %scan3A_1367 : i32
        %get3A_1407 = arith.constant 0 : i32
        %get3A_1408 = arith.constant 0 : i32
        %get3A_1409 = tpu.memref_slice %arg7[%scan3A_1076, %get3A_1407, %get3A_1408] : memref<2x400x64xf32, #tpu.memory_space<vmem>> -> memref<1x400x64xf32, #tpu.memory_space<vmem>>
        %get3A_1410 = tpu.memref_squeeze %get3A_1409 : memref<1x400x64xf32, #tpu.memory_space<vmem>> -> memref<400x64xf32, #tpu.memory_space<vmem>>
        %get3A_1411 = arith.index_cast %add3A_1406 : i32 to index
        %get3A_1412 = arith.constant 48 : index
        %get3A_1413 = tpu.vector_load %get3A_1410[%get3A_1411, %get3A_1412] {strides = array<i32>} : memref<400x64xf32, #tpu.memory_space<vmem>>, vector<1x16xf32>,
        %get3A_1414 = vector.shape_cast %get3A_1413 : vector<1x16xf32> to vector<16xf32>
        %add3A_1415 = arith.addf %scan3A_1371, %get3A_1414 : vector<16xf32>
        scf.yield %add3A_1382, %add3A_1393, %add3A_1404, %add3A_1415 : vector<16xf32>, vector<16xf32>, vector<16xf32>, vector<16xf32>
      }
      %scan3A_1082 = arith.constant 49 : i32
      %mul3A_1083 = arith.constant 4 : i32
      %mul3A_1084 = arith.muli %add3A_709, %mul3A_1083 : i32
      %add3A_1085 = arith.constant 2 : i32
      %add3A_1086 = arith.addi %mul3A_1084, %add3A_1085 : i32
      %mul3A_1087 = vector.broadcast %scan3A_22 : f32 to vector<16xf32>
      %mul3A_1088 = arith.mulf %scan3A_1081#0, %mul3A_1087 : vector<16xf32>
      %swap3A_1089 = arith.index_cast %add3A_1086 : i32 to index
      %swap3A_1090 = arith.constant 0 : index
      %swap3A_1091 = tpu.vector_load %arg8[%swap3A_1089, %swap3A_1090] {strides = array<i32>} : memref<64x128xf32, #tpu.memory_space<vmem>>, vector<1x16xf32>,
      %swap3A_1092 = vector.shape_cast %swap3A_1091 : vector<1x16xf32> to vector<16xf32>
      %swap3A_1093 = vector.shape_cast %mul3A_1088 : vector<16xf32> to vector<1x16xf32>
      tpu.vector_store %arg8[%swap3A_1089, %swap3A_1090], %swap3A_1093 {strides = array<i32>} : memref<64x128xf32, #tpu.memory_space<vmem>>, vector<1x16xf32>,
      %mul3A_1094 = vector.broadcast %scan3A_22 : f32 to vector<16xf32>
      %mul3A_1095 = arith.mulf %scan3A_1081#1, %mul3A_1094 : vector<16xf32>
      %swap3A_1096 = arith.index_cast %add3A_1086 : i32 to index
      %swap3A_1097 = arith.constant 16 : index
      %swap3A_1098 = tpu.vector_load %arg8[%swap3A_1096, %swap3A_1097] {strides = array<i32>} : memref<64x128xf32, #tpu.memory_space<vmem>>, vector<1x16xf32>,
      %swap3A_1099 = vector.shape_cast %swap3A_1098 : vector<1x16xf32> to vector<16xf32>
      %swap3A_1100 = vector.shape_cast %mul3A_1095 : vector<16xf32> to vector<1x16xf32>
      tpu.vector_store %arg8[%swap3A_1096, %swap3A_1097], %swap3A_1100 {strides = array<i32>} : memref<64x128xf32, #tpu.memory_space<vmem>>, vector<1x16xf32>,
      %mul3A_1101 = vector.broadcast %scan3A_22 : f32 to vector<16xf32>
      %mul3A_1102 = arith.mulf %scan3A_1081#2, %mul3A_1101 : vector<16xf32>
      %swap3A_1103 = arith.index_cast %add3A_1086 : i32 to index
      %swap3A_1104 = arith.constant 32 : index
      %swap3A_1105 = tpu.vector_load %arg8[%swap3A_1103, %swap3A_1104] {strides = array<i32>} : memref<64x128xf32, #tpu.memory_space<vmem>>, vector<1x16xf32>,
      %swap3A_1106 = vector.shape_cast %swap3A_1105 : vector<1x16xf32> to vector<16xf32>
      %swap3A_1107 = vector.shape_cast %mul3A_1102 : vector<16xf32> to vector<1x16xf32>
      tpu.vector_store %arg8[%swap3A_1103, %swap3A_1104], %swap3A_1107 {strides = array<i32>} : memref<64x128xf32, #tpu.memory_space<vmem>>, vector<1x16xf32>,
      %mul3A_1108 = vector.broadcast %scan3A_22 : f32 to vector<16xf32>
      %mul3A_1109 = arith.mulf %scan3A_1081#3, %mul3A_1108 : vector<16xf32>
      %swap3A_1110 = arith.index_cast %add3A_1086 : i32 to index
      %swap3A_1111 = arith.constant 48 : index
      %swap3A_1112 = tpu.vector_load %arg8[%swap3A_1110, %swap3A_1111] {strides = array<i32>} : memref<64x128xf32, #tpu.memory_space<vmem>>, vector<1x16xf32>,
      %swap3A_1113 = vector.shape_cast %swap3A_1112 : vector<1x16xf32> to vector<16xf32>
      %swap3A_1114 = vector.shape_cast %mul3A_1109 : vector<16xf32> to vector<1x16xf32>
      tpu.vector_store %arg8[%swap3A_1110, %swap3A_1111], %swap3A_1114 {strides = array<i32>} : memref<64x128xf32, #tpu.memory_space<vmem>>, vector<1x16xf32>,
      %get3A_1115 = arith.constant 1 : i32
      %get3A_1116 = arith.constant 250 : i32
      %get3A_1117 = arith.constant 0 : i32
      %get3A_1118 = arith.constant 0 : i32
      %get3A_1119 = tpu.memref_slice %arg7[%get3A_1115, %get3A_1117, %get3A_1118] : memref<2x400x64xf32, #tpu.memory_space<vmem>> -> memref<1x400x64xf32, #tpu.memory_space<vmem>>
      %get3A_1120 = tpu.memref_squeeze %get3A_1119 : memref<1x400x64xf32, #tpu.memory_space<vmem>> -> memref<400x64xf32, #tpu.memory_space<vmem>>
      %get3A_1121 = arith.index_cast %get3A_1116 : i32 to index
      %get3A_1122 = arith.constant 0 : index
      %get3A_1123 = tpu.vector_load %get3A_1120[%get3A_1121, %get3A_1122] {strides = array<i32>} : memref<400x64xf32, #tpu.memory_space<vmem>>, vector<1x16xf32>,
      %get3A_1124 = vector.shape_cast %get3A_1123 : vector<1x16xf32> to vector<16xf32>
      %get3A_1125 = arith.constant 1 : i32
      %get3A_1126 = arith.constant 250 : i32
      %get3A_1127 = arith.constant 0 : i32
      %get3A_1128 = arith.constant 0 : i32
      %get3A_1129 = tpu.memref_slice %arg7[%get3A_1125, %get3A_1127, %get3A_1128] : memref<2x400x64xf32, #tpu.memory_space<vmem>> -> memref<1x400x64xf32, #tpu.memory_space<vmem>>
      %get3A_1130 = tpu.memref_squeeze %get3A_1129 : memref<1x400x64xf32, #tpu.memory_space<vmem>> -> memref<400x64xf32, #tpu.memory_space<vmem>>
      %get3A_1131 = arith.index_cast %get3A_1126 : i32 to index
      %get3A_1132 = arith.constant 16 : index
      %get3A_1133 = tpu.vector_load %get3A_1130[%get3A_1131, %get3A_1132] {strides = array<i32>} : memref<400x64xf32, #tpu.memory_space<vmem>>, vector<1x16xf32>,
      %get3A_1134 = vector.shape_cast %get3A_1133 : vector<1x16xf32> to vector<16xf32>
      %get3A_1135 = arith.constant 1 : i32
      %get3A_1136 = arith.constant 250 : i32
      %get3A_1137 = arith.constant 0 : i32
      %get3A_1138 = arith.constant 0 : i32
      %get3A_1139 = tpu.memref_slice %arg7[%get3A_1135, %get3A_1137, %get3A_1138] : memref<2x400x64xf32, #tpu.memory_space<vmem>> -> memref<1x400x64xf32, #tpu.memory_space<vmem>>
      %get3A_1140 = tpu.memref_squeeze %get3A_1139 : memref<1x400x64xf32, #tpu.memory_space<vmem>> -> memref<400x64xf32, #tpu.memory_space<vmem>>
      %get3A_1141 = arith.index_cast %get3A_1136 : i32 to index
      %get3A_1142 = arith.constant 32 : index
      %get3A_1143 = tpu.vector_load %get3A_1140[%get3A_1141, %get3A_1142] {strides = array<i32>} : memref<400x64xf32, #tpu.memory_space<vmem>>, vector<1x16xf32>,
      %get3A_1144 = vector.shape_cast %get3A_1143 : vector<1x16xf32> to vector<16xf32>
      %get3A_1145 = arith.constant 1 : i32
      %get3A_1146 = arith.constant 250 : i32
      %get3A_1147 = arith.constant 0 : i32
      %get3A_1148 = arith.constant 0 : i32
      %get3A_1149 = tpu.memref_slice %arg7[%get3A_1145, %get3A_1147, %get3A_1148] : memref<2x400x64xf32, #tpu.memory_space<vmem>> -> memref<1x400x64xf32, #tpu.memory_space<vmem>>
      %get3A_1150 = tpu.memref_squeeze %get3A_1149 : memref<1x400x64xf32, #tpu.memory_space<vmem>> -> memref<400x64xf32, #tpu.memory_space<vmem>>
      %get3A_1151 = arith.index_cast %get3A_1146 : i32 to index
      %get3A_1152 = arith.constant 48 : index
      %get3A_1153 = tpu.vector_load %get3A_1150[%get3A_1151, %get3A_1152] {strides = array<i32>} : memref<400x64xf32, #tpu.memory_space<vmem>>, vector<1x16xf32>,
      %get3A_1154 = vector.shape_cast %get3A_1153 : vector<1x16xf32> to vector<16xf32>
      %scan3A_1155 = arith.constant 1 : i32
      %scan3A_1156 = arith.constant 1 : i32
      %scan3A_1157 = arith.constant 49 : i32
      %scan3A_1158 = arith.addi %scan3A_1156, %scan3A_1157 : i32
      %scan3A_1159 = arith.constant 1 : i32
      %scan3A_1160:4 = scf.for %scan3A_1367 = %scan3A_1156 to %scan3A_1158 step %scan3A_1159 iter_args(%scan3A_1368 = %get3A_1124, %scan3A_1369 = %get3A_1134, %scan3A_1370 = %get3A_1144, %scan3A_1371 = %get3A_1154) -> (vector<16xf32>, vector<16xf32>, vector<16xf32>, vector<16xf32>)  : i32 {
        %add3A_1372 = arith.constant 250 : i32
        %add3A_1373 = arith.addi %add3A_1372, %scan3A_1367 : i32
        %get3A_1374 = arith.constant 0 : i32
        %get3A_1375 = arith.constant 0 : i32
        %get3A_1376 = tpu.memref_slice %arg7[%scan3A_1155, %get3A_1374, %get3A_1375] : memref<2x400x64xf32, #tpu.memory_space<vmem>> -> memref<1x400x64xf32, #tpu.memory_space<vmem>>
        %get3A_1377 = tpu.memref_squeeze %get3A_1376 : memref<1x400x64xf32, #tpu.memory_space<vmem>> -> memref<400x64xf32, #tpu.memory_space<vmem>>
        %get3A_1378 = arith.index_cast %add3A_1373 : i32 to index
        %get3A_1379 = arith.constant 0 : index
        %get3A_1380 = tpu.vector_load %get3A_1377[%get3A_1378, %get3A_1379] {strides = array<i32>} : memref<400x64xf32, #tpu.memory_space<vmem>>, vector<1x16xf32>,
        %get3A_1381 = vector.shape_cast %get3A_1380 : vector<1x16xf32> to vector<16xf32>
        %add3A_1382 = arith.addf %scan3A_1368, %get3A_1381 : vector<16xf32>
        %add3A_1383 = arith.constant 250 : i32
        %add3A_1384 = arith.addi %add3A_1383, %scan3A_1367 : i32
        %get3A_1385 = arith.constant 0 : i32
        %get3A_1386 = arith.constant 0 : i32
        %get3A_1387 = tpu.memref_slice %arg7[%scan3A_1155, %get3A_1385, %get3A_1386] : memref<2x400x64xf32, #tpu.memory_space<vmem>> -> memref<1x400x64xf32, #tpu.memory_space<vmem>>
        %get3A_1388 = tpu.memref_squeeze %get3A_1387 : memref<1x400x64xf32, #tpu.memory_space<vmem>> -> memref<400x64xf32, #tpu.memory_space<vmem>>
        %get3A_1389 = arith.index_cast %add3A_1384 : i32 to index
        %get3A_1390 = arith.constant 16 : index
        %get3A_1391 = tpu.vector_load %get3A_1388[%get3A_1389, %get3A_1390] {strides = array<i32>} : memref<400x64xf32, #tpu.memory_space<vmem>>, vector<1x16xf32>,
        %get3A_1392 = vector.shape_cast %get3A_1391 : vector<1x16xf32> to vector<16xf32>
        %add3A_1393 = arith.addf %scan3A_1369, %get3A_1392 : vector<16xf32>
        %add3A_1394 = arith.constant 250 : i32
        %add3A_1395 = arith.addi %add3A_1394, %scan3A_1367 : i32
        %get3A_1396 = arith.constant 0 : i32
        %get3A_1397 = arith.constant 0 : i32
        %get3A_1398 = tpu.memref_slice %arg7[%scan3A_1155, %get3A_1396, %get3A_1397] : memref<2x400x64xf32, #tpu.memory_space<vmem>> -> memref<1x400x64xf32, #tpu.memory_space<vmem>>
        %get3A_1399 = tpu.memref_squeeze %get3A_1398 : memref<1x400x64xf32, #tpu.memory_space<vmem>> -> memref<400x64xf32, #tpu.memory_space<vmem>>
        %get3A_1400 = arith.index_cast %add3A_1395 : i32 to index
        %get3A_1401 = arith.constant 32 : index
        %get3A_1402 = tpu.vector_load %get3A_1399[%get3A_1400, %get3A_1401] {strides = array<i32>} : memref<400x64xf32, #tpu.memory_space<vmem>>, vector<1x16xf32>,
        %get3A_1403 = vector.shape_cast %get3A_1402 : vector<1x16xf32> to vector<16xf32>
        %add3A_1404 = arith.addf %scan3A_1370, %get3A_1403 : vector<16xf32>
        %add3A_1405 = arith.constant 250 : i32
        %add3A_1406 = arith.addi %add3A_1405, %scan3A_1367 : i32
        %get3A_1407 = arith.constant 0 : i32
        %get3A_1408 = arith.constant 0 : i32
        %get3A_1409 = tpu.memref_slice %arg7[%scan3A_1155, %get3A_1407, %get3A_1408] : memref<2x400x64xf32, #tpu.memory_space<vmem>> -> memref<1x400x64xf32, #tpu.memory_space<vmem>>
        %get3A_1410 = tpu.memref_squeeze %get3A_1409 : memref<1x400x64xf32, #tpu.memory_space<vmem>> -> memref<400x64xf32, #tpu.memory_space<vmem>>
        %get3A_1411 = arith.index_cast %add3A_1406 : i32 to index
        %get3A_1412 = arith.constant 48 : index
        %get3A_1413 = tpu.vector_load %get3A_1410[%get3A_1411, %get3A_1412] {strides = array<i32>} : memref<400x64xf32, #tpu.memory_space<vmem>>, vector<1x16xf32>,
        %get3A_1414 = vector.shape_cast %get3A_1413 : vector<1x16xf32> to vector<16xf32>
        %add3A_1415 = arith.addf %scan3A_1371, %get3A_1414 : vector<16xf32>
        scf.yield %add3A_1382, %add3A_1393, %add3A_1404, %add3A_1415 : vector<16xf32>, vector<16xf32>, vector<16xf32>, vector<16xf32>
      }
      %scan3A_1161 = arith.constant 49 : i32
      %mul3A_1162 = arith.constant 4 : i32
      %mul3A_1163 = arith.muli %add3A_709, %mul3A_1162 : i32
      %add3A_1164 = arith.constant 2 : i32
      %add3A_1165 = arith.addi %mul3A_1163, %add3A_1164 : i32
      %mul3A_1166 = vector.broadcast %scan3A_22 : f32 to vector<16xf32>
      %mul3A_1167 = arith.mulf %scan3A_1160#0, %mul3A_1166 : vector<16xf32>
      %swap3A_1168 = arith.index_cast %add3A_1165 : i32 to index
      %swap3A_1169 = arith.constant 64 : index
      %swap3A_1170 = tpu.vector_load %arg8[%swap3A_1168, %swap3A_1169] {strides = array<i32>} : memref<64x128xf32, #tpu.memory_space<vmem>>, vector<1x16xf32>,
      %swap3A_1171 = vector.shape_cast %swap3A_1170 : vector<1x16xf32> to vector<16xf32>
      %swap3A_1172 = vector.shape_cast %mul3A_1167 : vector<16xf32> to vector<1x16xf32>
      tpu.vector_store %arg8[%swap3A_1168, %swap3A_1169], %swap3A_1172 {strides = array<i32>} : memref<64x128xf32, #tpu.memory_space<vmem>>, vector<1x16xf32>,
      %mul3A_1173 = vector.broadcast %scan3A_22 : f32 to vector<16xf32>
      %mul3A_1174 = arith.mulf %scan3A_1160#1, %mul3A_1173 : vector<16xf32>
      %swap3A_1175 = arith.index_cast %add3A_1165 : i32 to index
      %swap3A_1176 = arith.constant 80 : index
      %swap3A_1177 = tpu.vector_load %arg8[%swap3A_1175, %swap3A_1176] {strides = array<i32>} : memref<64x128xf32, #tpu.memory_space<vmem>>, vector<1x16xf32>,
      %swap3A_1178 = vector.shape_cast %swap3A_1177 : vector<1x16xf32> to vector<16xf32>
      %swap3A_1179 = vector.shape_cast %mul3A_1174 : vector<16xf32> to vector<1x16xf32>
      tpu.vector_store %arg8[%swap3A_1175, %swap3A_1176], %swap3A_1179 {strides = array<i32>} : memref<64x128xf32, #tpu.memory_space<vmem>>, vector<1x16xf32>,
      %mul3A_1180 = vector.broadcast %scan3A_22 : f32 to vector<16xf32>
      %mul3A_1181 = arith.mulf %scan3A_1160#2, %mul3A_1180 : vector<16xf32>
      %swap3A_1182 = arith.index_cast %add3A_1165 : i32 to index
      %swap3A_1183 = arith.constant 96 : index
      %swap3A_1184 = tpu.vector_load %arg8[%swap3A_1182, %swap3A_1183] {strides = array<i32>} : memref<64x128xf32, #tpu.memory_space<vmem>>, vector<1x16xf32>,
      %swap3A_1185 = vector.shape_cast %swap3A_1184 : vector<1x16xf32> to vector<16xf32>
      %swap3A_1186 = vector.shape_cast %mul3A_1181 : vector<16xf32> to vector<1x16xf32>
      tpu.vector_store %arg8[%swap3A_1182, %swap3A_1183], %swap3A_1186 {strides = array<i32>} : memref<64x128xf32, #tpu.memory_space<vmem>>, vector<1x16xf32>,
      %mul3A_1187 = vector.broadcast %scan3A_22 : f32 to vector<16xf32>
      %mul3A_1188 = arith.mulf %scan3A_1160#3, %mul3A_1187 : vector<16xf32>
      %swap3A_1189 = arith.index_cast %add3A_1165 : i32 to index
      %swap3A_1190 = arith.constant 112 : index
      %swap3A_1191 = tpu.vector_load %arg8[%swap3A_1189, %swap3A_1190] {strides = array<i32>} : memref<64x128xf32, #tpu.memory_space<vmem>>, vector<1x16xf32>,
      %swap3A_1192 = vector.shape_cast %swap3A_1191 : vector<1x16xf32> to vector<16xf32>
      %swap3A_1193 = vector.shape_cast %mul3A_1188 : vector<16xf32> to vector<1x16xf32>
      tpu.vector_store %arg8[%swap3A_1189, %swap3A_1190], %swap3A_1193 {strides = array<i32>} : memref<64x128xf32, #tpu.memory_space<vmem>>, vector<1x16xf32>,
      %get3A_1194 = arith.constant 1 : i32
      %get3A_1195 = arith.constant 300 : i32
      %get3A_1196 = arith.constant 0 : i32
      %get3A_1197 = arith.constant 0 : i32
      %get3A_1198 = tpu.memref_slice %arg7[%get3A_1194, %get3A_1196, %get3A_1197] : memref<2x400x64xf32, #tpu.memory_space<vmem>> -> memref<1x400x64xf32, #tpu.memory_space<vmem>>
      %get3A_1199 = tpu.memref_squeeze %get3A_1198 : memref<1x400x64xf32, #tpu.memory_space<vmem>> -> memref<400x64xf32, #tpu.memory_space<vmem>>
      %get3A_1200 = arith.index_cast %get3A_1195 : i32 to index
      %get3A_1201 = arith.constant 0 : index
      %get3A_1202 = tpu.vector_load %get3A_1199[%get3A_1200, %get3A_1201] {strides = array<i32>} : memref<400x64xf32, #tpu.memory_space<vmem>>, vector<1x16xf32>,
      %get3A_1203 = vector.shape_cast %get3A_1202 : vector<1x16xf32> to vector<16xf32>
      %get3A_1204 = arith.constant 1 : i32
      %get3A_1205 = arith.constant 300 : i32
      %get3A_1206 = arith.constant 0 : i32
      %get3A_1207 = arith.constant 0 : i32
      %get3A_1208 = tpu.memref_slice %arg7[%get3A_1204, %get3A_1206, %get3A_1207] : memref<2x400x64xf32, #tpu.memory_space<vmem>> -> memref<1x400x64xf32, #tpu.memory_space<vmem>>
      %get3A_1209 = tpu.memref_squeeze %get3A_1208 : memref<1x400x64xf32, #tpu.memory_space<vmem>> -> memref<400x64xf32, #tpu.memory_space<vmem>>
      %get3A_1210 = arith.index_cast %get3A_1205 : i32 to index
      %get3A_1211 = arith.constant 16 : index
      %get3A_1212 = tpu.vector_load %get3A_1209[%get3A_1210, %get3A_1211] {strides = array<i32>} : memref<400x64xf32, #tpu.memory_space<vmem>>, vector<1x16xf32>,
      %get3A_1213 = vector.shape_cast %get3A_1212 : vector<1x16xf32> to vector<16xf32>
      %get3A_1214 = arith.constant 1 : i32
      %get3A_1215 = arith.constant 300 : i32
      %get3A_1216 = arith.constant 0 : i32
      %get3A_1217 = arith.constant 0 : i32
      %get3A_1218 = tpu.memref_slice %arg7[%get3A_1214, %get3A_1216, %get3A_1217] : memref<2x400x64xf32, #tpu.memory_space<vmem>> -> memref<1x400x64xf32, #tpu.memory_space<vmem>>
      %get3A_1219 = tpu.memref_squeeze %get3A_1218 : memref<1x400x64xf32, #tpu.memory_space<vmem>> -> memref<400x64xf32, #tpu.memory_space<vmem>>
      %get3A_1220 = arith.index_cast %get3A_1215 : i32 to index
      %get3A_1221 = arith.constant 32 : index
      %get3A_1222 = tpu.vector_load %get3A_1219[%get3A_1220, %get3A_1221] {strides = array<i32>} : memref<400x64xf32, #tpu.memory_space<vmem>>, vector<1x16xf32>,
      %get3A_1223 = vector.shape_cast %get3A_1222 : vector<1x16xf32> to vector<16xf32>
      %get3A_1224 = arith.constant 1 : i32
      %get3A_1225 = arith.constant 300 : i32
      %get3A_1226 = arith.constant 0 : i32
      %get3A_1227 = arith.constant 0 : i32
      %get3A_1228 = tpu.memref_slice %arg7[%get3A_1224, %get3A_1226, %get3A_1227] : memref<2x400x64xf32, #tpu.memory_space<vmem>> -> memref<1x400x64xf32, #tpu.memory_space<vmem>>
      %get3A_1229 = tpu.memref_squeeze %get3A_1228 : memref<1x400x64xf32, #tpu.memory_space<vmem>> -> memref<400x64xf32, #tpu.memory_space<vmem>>
      %get3A_1230 = arith.index_cast %get3A_1225 : i32 to index
      %get3A_1231 = arith.constant 48 : index
      %get3A_1232 = tpu.vector_load %get3A_1229[%get3A_1230, %get3A_1231] {strides = array<i32>} : memref<400x64xf32, #tpu.memory_space<vmem>>, vector<1x16xf32>,
      %get3A_1233 = vector.shape_cast %get3A_1232 : vector<1x16xf32> to vector<16xf32>
      %scan3A_1234 = arith.constant 1 : i32
      %scan3A_1235 = arith.constant 1 : i32
      %scan3A_1236 = arith.constant 49 : i32
      %scan3A_1237 = arith.addi %scan3A_1235, %scan3A_1236 : i32
      %scan3A_1238 = arith.constant 1 : i32
      %scan3A_1239:4 = scf.for %scan3A_1367 = %scan3A_1235 to %scan3A_1237 step %scan3A_1238 iter_args(%scan3A_1368 = %get3A_1203, %scan3A_1369 = %get3A_1213, %scan3A_1370 = %get3A_1223, %scan3A_1371 = %get3A_1233) -> (vector<16xf32>, vector<16xf32>, vector<16xf32>, vector<16xf32>)  : i32 {
        %add3A_1372 = arith.constant 300 : i32
        %add3A_1373 = arith.addi %add3A_1372, %scan3A_1367 : i32
        %get3A_1374 = arith.constant 0 : i32
        %get3A_1375 = arith.constant 0 : i32
        %get3A_1376 = tpu.memref_slice %arg7[%scan3A_1234, %get3A_1374, %get3A_1375] : memref<2x400x64xf32, #tpu.memory_space<vmem>> -> memref<1x400x64xf32, #tpu.memory_space<vmem>>
        %get3A_1377 = tpu.memref_squeeze %get3A_1376 : memref<1x400x64xf32, #tpu.memory_space<vmem>> -> memref<400x64xf32, #tpu.memory_space<vmem>>
        %get3A_1378 = arith.index_cast %add3A_1373 : i32 to index
        %get3A_1379 = arith.constant 0 : index
        %get3A_1380 = tpu.vector_load %get3A_1377[%get3A_1378, %get3A_1379] {strides = array<i32>} : memref<400x64xf32, #tpu.memory_space<vmem>>, vector<1x16xf32>,
        %get3A_1381 = vector.shape_cast %get3A_1380 : vector<1x16xf32> to vector<16xf32>
        %add3A_1382 = arith.addf %scan3A_1368, %get3A_1381 : vector<16xf32>
        %add3A_1383 = arith.constant 300 : i32
        %add3A_1384 = arith.addi %add3A_1383, %scan3A_1367 : i32
        %get3A_1385 = arith.constant 0 : i32
        %get3A_1386 = arith.constant 0 : i32
        %get3A_1387 = tpu.memref_slice %arg7[%scan3A_1234, %get3A_1385, %get3A_1386] : memref<2x400x64xf32, #tpu.memory_space<vmem>> -> memref<1x400x64xf32, #tpu.memory_space<vmem>>
        %get3A_1388 = tpu.memref_squeeze %get3A_1387 : memref<1x400x64xf32, #tpu.memory_space<vmem>> -> memref<400x64xf32, #tpu.memory_space<vmem>>
        %get3A_1389 = arith.index_cast %add3A_1384 : i32 to index
        %get3A_1390 = arith.constant 16 : index
        %get3A_1391 = tpu.vector_load %get3A_1388[%get3A_1389, %get3A_1390] {strides = array<i32>} : memref<400x64xf32, #tpu.memory_space<vmem>>, vector<1x16xf32>,
        %get3A_1392 = vector.shape_cast %get3A_1391 : vector<1x16xf32> to vector<16xf32>
        %add3A_1393 = arith.addf %scan3A_1369, %get3A_1392 : vector<16xf32>
        %add3A_1394 = arith.constant 300 : i32
        %add3A_1395 = arith.addi %add3A_1394, %scan3A_1367 : i32
        %get3A_1396 = arith.constant 0 : i32
        %get3A_1397 = arith.constant 0 : i32
        %get3A_1398 = tpu.memref_slice %arg7[%scan3A_1234, %get3A_1396, %get3A_1397] : memref<2x400x64xf32, #tpu.memory_space<vmem>> -> memref<1x400x64xf32, #tpu.memory_space<vmem>>
        %get3A_1399 = tpu.memref_squeeze %get3A_1398 : memref<1x400x64xf32, #tpu.memory_space<vmem>> -> memref<400x64xf32, #tpu.memory_space<vmem>>
        %get3A_1400 = arith.index_cast %add3A_1395 : i32 to index
        %get3A_1401 = arith.constant 32 : index
        %get3A_1402 = tpu.vector_load %get3A_1399[%get3A_1400, %get3A_1401] {strides = array<i32>} : memref<400x64xf32, #tpu.memory_space<vmem>>, vector<1x16xf32>,
        %get3A_1403 = vector.shape_cast %get3A_1402 : vector<1x16xf32> to vector<16xf32>
        %add3A_1404 = arith.addf %scan3A_1370, %get3A_1403 : vector<16xf32>
        %add3A_1405 = arith.constant 300 : i32
        %add3A_1406 = arith.addi %add3A_1405, %scan3A_1367 : i32
        %get3A_1407 = arith.constant 0 : i32
        %get3A_1408 = arith.constant 0 : i32
        %get3A_1409 = tpu.memref_slice %arg7[%scan3A_1234, %get3A_1407, %get3A_1408] : memref<2x400x64xf32, #tpu.memory_space<vmem>> -> memref<1x400x64xf32, #tpu.memory_space<vmem>>
        %get3A_1410 = tpu.memref_squeeze %get3A_1409 : memref<1x400x64xf32, #tpu.memory_space<vmem>> -> memref<400x64xf32, #tpu.memory_space<vmem>>
        %get3A_1411 = arith.index_cast %add3A_1406 : i32 to index
        %get3A_1412 = arith.constant 48 : index
        %get3A_1413 = tpu.vector_load %get3A_1410[%get3A_1411, %get3A_1412] {strides = array<i32>} : memref<400x64xf32, #tpu.memory_space<vmem>>, vector<1x16xf32>,
        %get3A_1414 = vector.shape_cast %get3A_1413 : vector<1x16xf32> to vector<16xf32>
        %add3A_1415 = arith.addf %scan3A_1371, %get3A_1414 : vector<16xf32>
        scf.yield %add3A_1382, %add3A_1393, %add3A_1404, %add3A_1415 : vector<16xf32>, vector<16xf32>, vector<16xf32>, vector<16xf32>
      }
      %scan3A_1240 = arith.constant 49 : i32
      %mul3A_1241 = arith.constant 4 : i32
      %mul3A_1242 = arith.muli %add3A_709, %mul3A_1241 : i32
      %add3A_1243 = arith.constant 3 : i32
      %add3A_1244 = arith.addi %mul3A_1242, %add3A_1243 : i32
      %mul3A_1245 = vector.broadcast %scan3A_22 : f32 to vector<16xf32>
      %mul3A_1246 = arith.mulf %scan3A_1239#0, %mul3A_1245 : vector<16xf32>
      %swap3A_1247 = arith.index_cast %add3A_1244 : i32 to index
      %swap3A_1248 = arith.constant 0 : index
      %swap3A_1249 = tpu.vector_load %arg8[%swap3A_1247, %swap3A_1248] {strides = array<i32>} : memref<64x128xf32, #tpu.memory_space<vmem>>, vector<1x16xf32>,
      %swap3A_1250 = vector.shape_cast %swap3A_1249 : vector<1x16xf32> to vector<16xf32>
      %swap3A_1251 = vector.shape_cast %mul3A_1246 : vector<16xf32> to vector<1x16xf32>
      tpu.vector_store %arg8[%swap3A_1247, %swap3A_1248], %swap3A_1251 {strides = array<i32>} : memref<64x128xf32, #tpu.memory_space<vmem>>, vector<1x16xf32>,
      %mul3A_1252 = vector.broadcast %scan3A_22 : f32 to vector<16xf32>
      %mul3A_1253 = arith.mulf %scan3A_1239#1, %mul3A_1252 : vector<16xf32>
      %swap3A_1254 = arith.index_cast %add3A_1244 : i32 to index
      %swap3A_1255 = arith.constant 16 : index
      %swap3A_1256 = tpu.vector_load %arg8[%swap3A_1254, %swap3A_1255] {strides = array<i32>} : memref<64x128xf32, #tpu.memory_space<vmem>>, vector<1x16xf32>,
      %swap3A_1257 = vector.shape_cast %swap3A_1256 : vector<1x16xf32> to vector<16xf32>
      %swap3A_1258 = vector.shape_cast %mul3A_1253 : vector<16xf32> to vector<1x16xf32>
      tpu.vector_store %arg8[%swap3A_1254, %swap3A_1255], %swap3A_1258 {strides = array<i32>} : memref<64x128xf32, #tpu.memory_space<vmem>>, vector<1x16xf32>,
      %mul3A_1259 = vector.broadcast %scan3A_22 : f32 to vector<16xf32>
      %mul3A_1260 = arith.mulf %scan3A_1239#2, %mul3A_1259 : vector<16xf32>
      %swap3A_1261 = arith.index_cast %add3A_1244 : i32 to index
      %swap3A_1262 = arith.constant 32 : index
      %swap3A_1263 = tpu.vector_load %arg8[%swap3A_1261, %swap3A_1262] {strides = array<i32>} : memref<64x128xf32, #tpu.memory_space<vmem>>, vector<1x16xf32>,
      %swap3A_1264 = vector.shape_cast %swap3A_1263 : vector<1x16xf32> to vector<16xf32>
      %swap3A_1265 = vector.shape_cast %mul3A_1260 : vector<16xf32> to vector<1x16xf32>
      tpu.vector_store %arg8[%swap3A_1261, %swap3A_1262], %swap3A_1265 {strides = array<i32>} : memref<64x128xf32, #tpu.memory_space<vmem>>, vector<1x16xf32>,
      %mul3A_1266 = vector.broadcast %scan3A_22 : f32 to vector<16xf32>
      %mul3A_1267 = arith.mulf %scan3A_1239#3, %mul3A_1266 : vector<16xf32>
      %swap3A_1268 = arith.index_cast %add3A_1244 : i32 to index
      %swap3A_1269 = arith.constant 48 : index
      %swap3A_1270 = tpu.vector_load %arg8[%swap3A_1268, %swap3A_1269] {strides = array<i32>} : memref<64x128xf32, #tpu.memory_space<vmem>>, vector<1x16xf32>,
      %swap3A_1271 = vector.shape_cast %swap3A_1270 : vector<1x16xf32> to vector<16xf32>
      %swap3A_1272 = vector.shape_cast %mul3A_1267 : vector<16xf32> to vector<1x16xf32>
      tpu.vector_store %arg8[%swap3A_1268, %swap3A_1269], %swap3A_1272 {strides = array<i32>} : memref<64x128xf32, #tpu.memory_space<vmem>>, vector<1x16xf32>,
      %get3A_1273 = arith.constant 1 : i32
      %get3A_1274 = arith.constant 350 : i32
      %get3A_1275 = arith.constant 0 : i32
      %get3A_1276 = arith.constant 0 : i32
      %get3A_1277 = tpu.memref_slice %arg7[%get3A_1273, %get3A_1275, %get3A_1276] : memref<2x400x64xf32, #tpu.memory_space<vmem>> -> memref<1x400x64xf32, #tpu.memory_space<vmem>>
      %get3A_1278 = tpu.memref_squeeze %get3A_1277 : memref<1x400x64xf32, #tpu.memory_space<vmem>> -> memref<400x64xf32, #tpu.memory_space<vmem>>
      %get3A_1279 = arith.index_cast %get3A_1274 : i32 to index
      %get3A_1280 = arith.constant 0 : index
      %get3A_1281 = tpu.vector_load %get3A_1278[%get3A_1279, %get3A_1280] {strides = array<i32>} : memref<400x64xf32, #tpu.memory_space<vmem>>, vector<1x16xf32>,
      %get3A_1282 = vector.shape_cast %get3A_1281 : vector<1x16xf32> to vector<16xf32>
      %get3A_1283 = arith.constant 1 : i32
      %get3A_1284 = arith.constant 350 : i32
      %get3A_1285 = arith.constant 0 : i32
      %get3A_1286 = arith.constant 0 : i32
      %get3A_1287 = tpu.memref_slice %arg7[%get3A_1283, %get3A_1285, %get3A_1286] : memref<2x400x64xf32, #tpu.memory_space<vmem>> -> memref<1x400x64xf32, #tpu.memory_space<vmem>>
      %get3A_1288 = tpu.memref_squeeze %get3A_1287 : memref<1x400x64xf32, #tpu.memory_space<vmem>> -> memref<400x64xf32, #tpu.memory_space<vmem>>
      %get3A_1289 = arith.index_cast %get3A_1284 : i32 to index
      %get3A_1290 = arith.constant 16 : index
      %get3A_1291 = tpu.vector_load %get3A_1288[%get3A_1289, %get3A_1290] {strides = array<i32>} : memref<400x64xf32, #tpu.memory_space<vmem>>, vector<1x16xf32>,
      %get3A_1292 = vector.shape_cast %get3A_1291 : vector<1x16xf32> to vector<16xf32>
      %get3A_1293 = arith.constant 1 : i32
      %get3A_1294 = arith.constant 350 : i32
      %get3A_1295 = arith.constant 0 : i32
      %get3A_1296 = arith.constant 0 : i32
      %get3A_1297 = tpu.memref_slice %arg7[%get3A_1293, %get3A_1295, %get3A_1296] : memref<2x400x64xf32, #tpu.memory_space<vmem>> -> memref<1x400x64xf32, #tpu.memory_space<vmem>>
      %get3A_1298 = tpu.memref_squeeze %get3A_1297 : memref<1x400x64xf32, #tpu.memory_space<vmem>> -> memref<400x64xf32, #tpu.memory_space<vmem>>
      %get3A_1299 = arith.index_cast %get3A_1294 : i32 to index
      %get3A_1300 = arith.constant 32 : index
      %get3A_1301 = tpu.vector_load %get3A_1298[%get3A_1299, %get3A_1300] {strides = array<i32>} : memref<400x64xf32, #tpu.memory_space<vmem>>, vector<1x16xf32>,
      %get3A_1302 = vector.shape_cast %get3A_1301 : vector<1x16xf32> to vector<16xf32>
      %get3A_1303 = arith.constant 1 : i32
      %get3A_1304 = arith.constant 350 : i32
      %get3A_1305 = arith.constant 0 : i32
      %get3A_1306 = arith.constant 0 : i32
      %get3A_1307 = tpu.memref_slice %arg7[%get3A_1303, %get3A_1305, %get3A_1306] : memref<2x400x64xf32, #tpu.memory_space<vmem>> -> memref<1x400x64xf32, #tpu.memory_space<vmem>>
      %get3A_1308 = tpu.memref_squeeze %get3A_1307 : memref<1x400x64xf32, #tpu.memory_space<vmem>> -> memref<400x64xf32, #tpu.memory_space<vmem>>
      %get3A_1309 = arith.index_cast %get3A_1304 : i32 to index
      %get3A_1310 = arith.constant 48 : index
      %get3A_1311 = tpu.vector_load %get3A_1308[%get3A_1309, %get3A_1310] {strides = array<i32>} : memref<400x64xf32, #tpu.memory_space<vmem>>, vector<1x16xf32>,
      %get3A_1312 = vector.shape_cast %get3A_1311 : vector<1x16xf32> to vector<16xf32>
      %scan3A_1313 = arith.constant 1 : i32
      %scan3A_1314 = arith.constant 1 : i32
      %scan3A_1315 = arith.constant 49 : i32
      %scan3A_1316 = arith.addi %scan3A_1314, %scan3A_1315 : i32
      %scan3A_1317 = arith.constant 1 : i32
      %scan3A_1318:4 = scf.for %scan3A_1367 = %scan3A_1314 to %scan3A_1316 step %scan3A_1317 iter_args(%scan3A_1368 = %get3A_1282, %scan3A_1369 = %get3A_1292, %scan3A_1370 = %get3A_1302, %scan3A_1371 = %get3A_1312) -> (vector<16xf32>, vector<16xf32>, vector<16xf32>, vector<16xf32>)  : i32 {
        %add3A_1372 = arith.constant 350 : i32
        %add3A_1373 = arith.addi %add3A_1372, %scan3A_1367 : i32
        %get3A_1374 = arith.constant 0 : i32
        %get3A_1375 = arith.constant 0 : i32
        %get3A_1376 = tpu.memref_slice %arg7[%scan3A_1313, %get3A_1374, %get3A_1375] : memref<2x400x64xf32, #tpu.memory_space<vmem>> -> memref<1x400x64xf32, #tpu.memory_space<vmem>>
        %get3A_1377 = tpu.memref_squeeze %get3A_1376 : memref<1x400x64xf32, #tpu.memory_space<vmem>> -> memref<400x64xf32, #tpu.memory_space<vmem>>
        %get3A_1378 = arith.index_cast %add3A_1373 : i32 to index
        %get3A_1379 = arith.constant 0 : index
        %get3A_1380 = tpu.vector_load %get3A_1377[%get3A_1378, %get3A_1379] {strides = array<i32>} : memref<400x64xf32, #tpu.memory_space<vmem>>, vector<1x16xf32>,
        %get3A_1381 = vector.shape_cast %get3A_1380 : vector<1x16xf32> to vector<16xf32>
        %add3A_1382 = arith.addf %scan3A_1368, %get3A_1381 : vector<16xf32>
        %add3A_1383 = arith.constant 350 : i32
        %add3A_1384 = arith.addi %add3A_1383, %scan3A_1367 : i32
        %get3A_1385 = arith.constant 0 : i32
        %get3A_1386 = arith.constant 0 : i32
        %get3A_1387 = tpu.memref_slice %arg7[%scan3A_1313, %get3A_1385, %get3A_1386] : memref<2x400x64xf32, #tpu.memory_space<vmem>> -> memref<1x400x64xf32, #tpu.memory_space<vmem>>
        %get3A_1388 = tpu.memref_squeeze %get3A_1387 : memref<1x400x64xf32, #tpu.memory_space<vmem>> -> memref<400x64xf32, #tpu.memory_space<vmem>>
        %get3A_1389 = arith.index_cast %add3A_1384 : i32 to index
        %get3A_1390 = arith.constant 16 : index
        %get3A_1391 = tpu.vector_load %get3A_1388[%get3A_1389, %get3A_1390] {strides = array<i32>} : memref<400x64xf32, #tpu.memory_space<vmem>>, vector<1x16xf32>,
        %get3A_1392 = vector.shape_cast %get3A_1391 : vector<1x16xf32> to vector<16xf32>
        %add3A_1393 = arith.addf %scan3A_1369, %get3A_1392 : vector<16xf32>
        %add3A_1394 = arith.constant 350 : i32
        %add3A_1395 = arith.addi %add3A_1394, %scan3A_1367 : i32
        %get3A_1396 = arith.constant 0 : i32
        %get3A_1397 = arith.constant 0 : i32
        %get3A_1398 = tpu.memref_slice %arg7[%scan3A_1313, %get3A_1396, %get3A_1397] : memref<2x400x64xf32, #tpu.memory_space<vmem>> -> memref<1x400x64xf32, #tpu.memory_space<vmem>>
        %get3A_1399 = tpu.memref_squeeze %get3A_1398 : memref<1x400x64xf32, #tpu.memory_space<vmem>> -> memref<400x64xf32, #tpu.memory_space<vmem>>
        %get3A_1400 = arith.index_cast %add3A_1395 : i32 to index
        %get3A_1401 = arith.constant 32 : index
        %get3A_1402 = tpu.vector_load %get3A_1399[%get3A_1400, %get3A_1401] {strides = array<i32>} : memref<400x64xf32, #tpu.memory_space<vmem>>, vector<1x16xf32>,
        %get3A_1403 = vector.shape_cast %get3A_1402 : vector<1x16xf32> to vector<16xf32>
        %add3A_1404 = arith.addf %scan3A_1370, %get3A_1403 : vector<16xf32>
        %add3A_1405 = arith.constant 350 : i32
        %add3A_1406 = arith.addi %add3A_1405, %scan3A_1367 : i32
        %get3A_1407 = arith.constant 0 : i32
        %get3A_1408 = arith.constant 0 : i32
        %get3A_1409 = tpu.memref_slice %arg7[%scan3A_1313, %get3A_1407, %get3A_1408] : memref<2x400x64xf32, #tpu.memory_space<vmem>> -> memref<1x400x64xf32, #tpu.memory_space<vmem>>
        %get3A_1410 = tpu.memref_squeeze %get3A_1409 : memref<1x400x64xf32, #tpu.memory_space<vmem>> -> memref<400x64xf32, #tpu.memory_space<vmem>>
        %get3A_1411 = arith.index_cast %add3A_1406 : i32 to index
        %get3A_1412 = arith.constant 48 : index
        %get3A_1413 = tpu.vector_load %get3A_1410[%get3A_1411, %get3A_1412] {strides = array<i32>} : memref<400x64xf32, #tpu.memory_space<vmem>>, vector<1x16xf32>,
        %get3A_1414 = vector.shape_cast %get3A_1413 : vector<1x16xf32> to vector<16xf32>
        %add3A_1415 = arith.addf %scan3A_1371, %get3A_1414 : vector<16xf32>
        scf.yield %add3A_1382, %add3A_1393, %add3A_1404, %add3A_1415 : vector<16xf32>, vector<16xf32>, vector<16xf32>, vector<16xf32>
      }
      %scan3A_1319 = arith.constant 49 : i32
      %mul3A_1320 = arith.constant 4 : i32
      %mul3A_1321 = arith.muli %add3A_709, %mul3A_1320 : i32
      %add3A_1322 = arith.constant 3 : i32
      %add3A_1323 = arith.addi %mul3A_1321, %add3A_1322 : i32
      %mul3A_1324 = vector.broadcast %scan3A_22 : f32 to vector<16xf32>
      %mul3A_1325 = arith.mulf %scan3A_1318#0, %mul3A_1324 : vector<16xf32>
      %swap3A_1326 = arith.index_cast %add3A_1323 : i32 to index
      %swap3A_1327 = arith.constant 64 : index
      %swap3A_1328 = tpu.vector_load %arg8[%swap3A_1326, %swap3A_1327] {strides = array<i32>} : memref<64x128xf32, #tpu.memory_space<vmem>>, vector<1x16xf32>,
      %swap3A_1329 = vector.shape_cast %swap3A_1328 : vector<1x16xf32> to vector<16xf32>
      %swap3A_1330 = vector.shape_cast %mul3A_1325 : vector<16xf32> to vector<1x16xf32>
      tpu.vector_store %arg8[%swap3A_1326, %swap3A_1327], %swap3A_1330 {strides = array<i32>} : memref<64x128xf32, #tpu.memory_space<vmem>>, vector<1x16xf32>,
      %mul3A_1331 = vector.broadcast %scan3A_22 : f32 to vector<16xf32>
      %mul3A_1332 = arith.mulf %scan3A_1318#1, %mul3A_1331 : vector<16xf32>
      %swap3A_1333 = arith.index_cast %add3A_1323 : i32 to index
      %swap3A_1334 = arith.constant 80 : index
      %swap3A_1335 = tpu.vector_load %arg8[%swap3A_1333, %swap3A_1334] {strides = array<i32>} : memref<64x128xf32, #tpu.memory_space<vmem>>, vector<1x16xf32>,
      %swap3A_1336 = vector.shape_cast %swap3A_1335 : vector<1x16xf32> to vector<16xf32>
      %swap3A_1337 = vector.shape_cast %mul3A_1332 : vector<16xf32> to vector<1x16xf32>
      tpu.vector_store %arg8[%swap3A_1333, %swap3A_1334], %swap3A_1337 {strides = array<i32>} : memref<64x128xf32, #tpu.memory_space<vmem>>, vector<1x16xf32>,
      %mul3A_1338 = vector.broadcast %scan3A_22 : f32 to vector<16xf32>
      %mul3A_1339 = arith.mulf %scan3A_1318#2, %mul3A_1338 : vector<16xf32>
      %swap3A_1340 = arith.index_cast %add3A_1323 : i32 to index
      %swap3A_1341 = arith.constant 96 : index
      %swap3A_1342 = tpu.vector_load %arg8[%swap3A_1340, %swap3A_1341] {strides = array<i32>} : memref<64x128xf32, #tpu.memory_space<vmem>>, vector<1x16xf32>,
      %swap3A_1343 = vector.shape_cast %swap3A_1342 : vector<1x16xf32> to vector<16xf32>
      %swap3A_1344 = vector.shape_cast %mul3A_1339 : vector<16xf32> to vector<1x16xf32>
      tpu.vector_store %arg8[%swap3A_1340, %swap3A_1341], %swap3A_1344 {strides = array<i32>} : memref<64x128xf32, #tpu.memory_space<vmem>>, vector<1x16xf32>,
      %mul3A_1345 = vector.broadcast %scan3A_22 : f32 to vector<16xf32>
      %mul3A_1346 = arith.mulf %scan3A_1318#3, %mul3A_1345 : vector<16xf32>
      %swap3A_1347 = arith.index_cast %add3A_1323 : i32 to index
      %swap3A_1348 = arith.constant 112 : index
      %swap3A_1349 = tpu.vector_load %arg8[%swap3A_1347, %swap3A_1348] {strides = array<i32>} : memref<64x128xf32, #tpu.memory_space<vmem>>, vector<1x16xf32>,
      %swap3A_1350 = vector.shape_cast %swap3A_1349 : vector<1x16xf32> to vector<16xf32>
      %swap3A_1351 = vector.shape_cast %mul3A_1346 : vector<16xf32> to vector<1x16xf32>
      tpu.vector_store %arg8[%swap3A_1347, %swap3A_1348], %swap3A_1351 {strides = array<i32>} : memref<64x128xf32, #tpu.memory_space<vmem>>, vector<1x16xf32>,
      %add3A_1352 = arith.constant 2 : i32
      %add3A_1353 = arith.addi %add3A_709, %add3A_1352 : i32
      %min3A_1354 = arith.constant 15 : i32
      %min3A_1355 = arith.minsi %add3A_1353, %min3A_1354 : i32
      %mul3A_1356 = arith.constant 400 : i32
      %mul3A_1357 = arith.muli %min3A_1355, %mul3A_1356 : i32
      %dma_start3A_1358 = arith.constant 1 : i32
      %dma_start3A_1359 = arith.constant 0 : i32
      %dma_start3A_1360 = arith.constant 0 : i32
      %dma_start3A_1361 = tpu.memref_slice %arg7[%dma_start3A_1358, %dma_start3A_1359, %dma_start3A_1360] : memref<2x400x64xf32, #tpu.memory_space<vmem>> -> memref<1x400x64xf32, #tpu.memory_space<vmem>>
      %dma_start3A_1362 = tpu.memref_squeeze %dma_start3A_1361 : memref<1x400x64xf32, #tpu.memory_space<vmem>> -> memref<400x64xf32, #tpu.memory_space<vmem>>
      %dma_start3A_1363 = tpu.memref_slice %arg6[%mul3A_1357] : memref<6400xi32, #tpu.memory_space<vmem>> -> memref<400xi32, #tpu.memory_space<vmem>>
      %dma_start3A_1364 = arith.constant 0 : i32
      %dma_start3A_1365 = arith.constant 0 : i32
      %dma_start3A_1366 = tpu.memref_slice %arg3[%dma_start3A_1364, %dma_start3A_1365] : memref<100000x64xf32, #tpu.memory_space<hbm>> -> memref<100000x64xf32, #tpu.memory_space<hbm>>
      tpu.enqueue_indirect_dma source(%dma_start3A_1366 : memref<100000x64xf32, #tpu.memory_space<hbm>>) target(%dma_start3A_1362 : memref<400x64xf32, #tpu.memory_space<vmem>>) offsets(%dma_start3A_1363 : memref<400xi32, #tpu.memory_space<vmem>>) semaphore(%arg10 : memref<!tpu.dma_semaphore, #tpu.memory_space<semaphore_mem>>)
    }
    %scan3A_27 = arith.constant 8 : i32
    %dma_wait3A = arith.constant 0 : i32
    %dma_wait3A_28 = arith.constant 0 : i32
    %dma_wait3A_29 = arith.constant 0 : i32
    %dma_wait3A_30 = tpu.memref_slice %arg7[%dma_wait3A, %dma_wait3A_28, %dma_wait3A_29] : memref<2x400x64xf32, #tpu.memory_space<vmem>> -> memref<1x400x64xf32, #tpu.memory_space<vmem>>
    %dma_wait3A_31 = tpu.memref_squeeze %dma_wait3A_30 : memref<1x400x64xf32, #tpu.memory_space<vmem>> -> memref<400x64xf32, #tpu.memory_space<vmem>>
    %dma_wait3A_32 = arith.constant 0 : i32
    %dma_wait3A_33 = tpu.memref_slice %arg6[%dma_wait3A_32] : memref<6400xi32, #tpu.memory_space<vmem>> -> memref<400xi32, #tpu.memory_space<vmem>>
    %dma_wait3A_34 = arith.constant 0 : i32
    %dma_wait3A_35 = arith.constant 0 : i32
    %dma_wait3A_36 = tpu.memref_slice %arg3[%dma_wait3A_34, %dma_wait3A_35] : memref<100000x64xf32, #tpu.memory_space<hbm>> -> memref<100000x64xf32, #tpu.memory_space<hbm>>
    tpu.wait_indirect_dma semaphore(%arg9 : memref<!tpu.dma_semaphore, #tpu.memory_space<semaphore_mem>>) src(%dma_wait3A_36 : memref<100000x64xf32, #tpu.memory_space<hbm>>) dst(%dma_wait3A_31 : memref<400x64xf32, #tpu.memory_space<vmem>>)
    %dma_wait3A_37 = arith.constant 1 : i32
    %dma_wait3A_38 = arith.constant 0 : i32
    %dma_wait3A_39 = arith.constant 0 : i32
    %dma_wait3A_40 = tpu.memref_slice %arg7[%dma_wait3A_37, %dma_wait3A_38, %dma_wait3A_39] : memref<2x400x64xf32, #tpu.memory_space<vmem>> -> memref<1x400x64xf32, #tpu.memory_space<vmem>>
    %dma_wait3A_41 = tpu.memref_squeeze %dma_wait3A_40 : memref<1x400x64xf32, #tpu.memory_space<vmem>> -> memref<400x64xf32, #tpu.memory_space<vmem>>
    %dma_wait3A_42 = arith.constant 0 : i32
    %dma_wait3A_43 = tpu.memref_slice %arg6[%dma_wait3A_42] : memref<6400xi32, #tpu.memory_space<vmem>> -> memref<400xi32, #tpu.memory_space<vmem>>
    %dma_wait3A_44 = arith.constant 0 : i32
    %dma_wait3A_45 = arith.constant 0 : i32
    %dma_wait3A_46 = tpu.memref_slice %arg3[%dma_wait3A_44, %dma_wait3A_45] : memref<100000x64xf32, #tpu.memory_space<hbm>> -> memref<100000x64xf32, #tpu.memory_space<hbm>>
    tpu.wait_indirect_dma semaphore(%arg10 : memref<!tpu.dma_semaphore, #tpu.memory_space<semaphore_mem>>) src(%dma_wait3A_46 : memref<100000x64xf32, #tpu.memory_space<hbm>>) dst(%dma_wait3A_41 : memref<400x64xf32, #tpu.memory_space<vmem>>)
    %mul3A_47 = arith.constant 64 : i32
    %mul3A_48 = arith.muli %add3A, %mul3A_47 : i32
    "tpu.region"() ({
      %run_scoped3A = tpu.sem_alloc : memref<!tpu.dma_semaphore, #tpu.memory_space<semaphore_mem>>
      %dma_start3A_49 = arith.constant 0 : i32
      %dma_start3A_50 = tpu.memref_slice %arg5[%mul3A_48, %dma_start3A_49] : memref<2048x128xf32, #tpu.memory_space<hbm>> -> memref<64x128xf32, #tpu.memory_space<hbm>>
      %dma_start3A_51 = arith.constant 0 : i32
      %dma_start3A_52 = tpu.memref_slice %arg5[%mul3A_48, %dma_start3A_51] : memref<2048x128xf32, #tpu.memory_space<hbm>> -> memref<64x128xf32, #tpu.memory_space<hbm>>
      tpu.enqueue_dma source(%arg8 : memref<64x128xf32, #tpu.memory_space<vmem>>) target(%dma_start3A_52 : memref<64x128xf32, #tpu.memory_space<hbm>>) target_semaphore(%run_scoped3A : memref<!tpu.dma_semaphore, #tpu.memory_space<semaphore_mem>>)
      %dma_wait3A_53 = arith.constant 0 : i32
      %dma_wait3A_54 = tpu.memref_slice %arg5[%mul3A_48, %dma_wait3A_53] : memref<2048x128xf32, #tpu.memory_space<hbm>> -> memref<64x128xf32, #tpu.memory_space<hbm>>
      %dma_wait3A_55 = arith.constant 0 : i32
      %dma_wait3A_56 = tpu.memref_slice %arg5[%mul3A_48, %dma_wait3A_55] : memref<2048x128xf32, #tpu.memory_space<hbm>> -> memref<64x128xf32, #tpu.memory_space<hbm>>
      tpu.wait_dma2 semaphore(%run_scoped3A : memref<!tpu.dma_semaphore, #tpu.memory_space<semaphore_mem>>) src(%arg8 : memref<64x128xf32, #tpu.memory_space<vmem>>) dst(%dma_wait3A_56 : memref<64x128xf32, #tpu.memory_space<hbm>>)
      tpu.yield
    }) : () -> ()
    return
  }
}

#map = affine_map<(d0, d1) -> (0)>
#map1 = affine_map<(d0, d1) -> (0, 0)>
module attributes {stable_mosaic.version = 14 : i64} {
  func.func @pool(%arg0: i32, %arg1: i32, %arg2: memref<204800xi32, #tpu.memory_space<hbm>>, %arg3: memref<100000x128xf32, #tpu.memory_space<hbm>>, %arg4: memref<4096x128xf32, #tpu.memory_space<hbm>>, %arg5: memref<6400xi32, #tpu.memory_space<vmem>>, %arg6: memref<2x200x128xf32, #tpu.memory_space<vmem>>, %arg7: memref<128x128xf32, #tpu.memory_space<vmem>>, %arg8: memref<!tpu.dma_semaphore, #tpu.memory_space<semaphore_mem>>, %arg9: memref<!tpu.dma_semaphore, #tpu.memory_space<semaphore_mem>>) attributes {dimension_semantics = [#tpu.dimension_semantics<core_parallel>, #tpu.dimension_semantics<subcore_parallel>], iteration_bounds = array<i64: 2, 16>, scalar_prefetch = 0 : i64, scratch_operands = 5 : i64, tpu.core_type = #tpu.core_type<sc_vector_subcore>, window_params = [{transform_indices = #map}, {transform_indices = #map1}, {transform_indices = #map1}]} {
    %mul3A = arith.constant 2 : i32
    %mul3A_0 = arith.muli %arg1, %mul3A : i32
    %add3A = arith.addi %mul3A_0, %arg0 : i32
    %mul3A_1 = arith.constant 6400 : i32
    %mul3A_2 = arith.muli %add3A, %mul3A_1 : i32
    "tpu.region"() ({
      %run_scoped3A = tpu.sem_alloc : memref<!tpu.dma_semaphore, #tpu.memory_space<semaphore_mem>>
      %dma_start3A_49 = tpu.memref_slice %arg2[%mul3A_2] : memref<204800xi32, #tpu.memory_space<hbm>> -> memref<6400xi32, #tpu.memory_space<hbm>>
      %dma_start3A_50 = tpu.memref_slice %arg2[%mul3A_2] : memref<204800xi32, #tpu.memory_space<hbm>> -> memref<6400xi32, #tpu.memory_space<hbm>>
      tpu.enqueue_dma source(%dma_start3A_50 : memref<6400xi32, #tpu.memory_space<hbm>>) target(%arg5 : memref<6400xi32, #tpu.memory_space<vmem>>) target_semaphore(%run_scoped3A : memref<!tpu.dma_semaphore, #tpu.memory_space<semaphore_mem>>)
      %dma_wait3A_51 = tpu.memref_slice %arg2[%mul3A_2] : memref<204800xi32, #tpu.memory_space<hbm>> -> memref<6400xi32, #tpu.memory_space<hbm>>
      %dma_wait3A_52 = tpu.memref_slice %arg2[%mul3A_2] : memref<204800xi32, #tpu.memory_space<hbm>> -> memref<6400xi32, #tpu.memory_space<hbm>>
      tpu.wait_dma2 semaphore(%run_scoped3A : memref<!tpu.dma_semaphore, #tpu.memory_space<semaphore_mem>>) src(%dma_wait3A_52 : memref<6400xi32, #tpu.memory_space<hbm>>) dst(%arg5 : memref<6400xi32, #tpu.memory_space<vmem>>)
      tpu.yield
    }) : () -> ()
    %dma_start3A = arith.constant 0 : i32
    %dma_start3A_3 = arith.constant 0 : i32
    %dma_start3A_4 = arith.constant 0 : i32
    %dma_start3A_5 = tpu.memref_slice %arg6[%dma_start3A, %dma_start3A_3, %dma_start3A_4] : memref<2x200x128xf32, #tpu.memory_space<vmem>> -> memref<1x200x128xf32, #tpu.memory_space<vmem>>
    %dma_start3A_6 = tpu.memref_squeeze %dma_start3A_5 : memref<1x200x128xf32, #tpu.memory_space<vmem>> -> memref<200x128xf32, #tpu.memory_space<vmem>>
    %dma_start3A_7 = arith.constant 0 : i32
    %dma_start3A_8 = tpu.memref_slice %arg5[%dma_start3A_7] : memref<6400xi32, #tpu.memory_space<vmem>> -> memref<200xi32, #tpu.memory_space<vmem>>
    %dma_start3A_9 = arith.constant 0 : i32
    %dma_start3A_10 = arith.constant 0 : i32
    %dma_start3A_11 = tpu.memref_slice %arg3[%dma_start3A_9, %dma_start3A_10] : memref<100000x128xf32, #tpu.memory_space<hbm>> -> memref<100000x128xf32, #tpu.memory_space<hbm>>
    tpu.enqueue_indirect_dma source(%dma_start3A_11 : memref<100000x128xf32, #tpu.memory_space<hbm>>) target(%dma_start3A_6 : memref<200x128xf32, #tpu.memory_space<vmem>>) offsets(%dma_start3A_8 : memref<200xi32, #tpu.memory_space<vmem>>) semaphore(%arg8 : memref<!tpu.dma_semaphore, #tpu.memory_space<semaphore_mem>>)
    %dma_start3A_12 = arith.constant 1 : i32
    %dma_start3A_13 = arith.constant 0 : i32
    %dma_start3A_14 = arith.constant 0 : i32
    %dma_start3A_15 = tpu.memref_slice %arg6[%dma_start3A_12, %dma_start3A_13, %dma_start3A_14] : memref<2x200x128xf32, #tpu.memory_space<vmem>> -> memref<1x200x128xf32, #tpu.memory_space<vmem>>
    %dma_start3A_16 = tpu.memref_squeeze %dma_start3A_15 : memref<1x200x128xf32, #tpu.memory_space<vmem>> -> memref<200x128xf32, #tpu.memory_space<vmem>>
    %dma_start3A_17 = arith.constant 200 : i32
    %dma_start3A_18 = tpu.memref_slice %arg5[%dma_start3A_17] : memref<6400xi32, #tpu.memory_space<vmem>> -> memref<200xi32, #tpu.memory_space<vmem>>
    %dma_start3A_19 = arith.constant 0 : i32
    %dma_start3A_20 = arith.constant 0 : i32
    %dma_start3A_21 = tpu.memref_slice %arg3[%dma_start3A_19, %dma_start3A_20] : memref<100000x128xf32, #tpu.memory_space<hbm>> -> memref<100000x128xf32, #tpu.memory_space<hbm>>
    tpu.enqueue_indirect_dma source(%dma_start3A_21 : memref<100000x128xf32, #tpu.memory_space<hbm>>) target(%dma_start3A_16 : memref<200x128xf32, #tpu.memory_space<vmem>>) offsets(%dma_start3A_18 : memref<200xi32, #tpu.memory_space<vmem>>) semaphore(%arg9 : memref<!tpu.dma_semaphore, #tpu.memory_space<semaphore_mem>>)
    %scan3A = arith.constant 0 : i32
    %scan3A_22 = arith.constant 2.000000e-02 : f32
    %scan3A_23 = arith.constant 0 : i32
    %scan3A_24 = arith.constant 16 : i32
    %scan3A_25 = arith.addi %scan3A_23, %scan3A_24 : i32
    %scan3A_26 = arith.constant 1 : i32
    scf.for %scan3A_49 = %scan3A_23 to %scan3A_25 step %scan3A_26  : i32 {
      %mul3A_50 = arith.constant 2 : i32
      %mul3A_51 = arith.muli %mul3A_50, %scan3A_49 : i32
      %add3A_52 = arith.constant 0 : i32
      %add3A_53 = arith.addi %mul3A_51, %add3A_52 : i32
      %dma_wait3A_54 = arith.constant 0 : i32
      %dma_wait3A_55 = arith.constant 0 : i32
      %dma_wait3A_56 = arith.constant 0 : i32
      %dma_wait3A_57 = tpu.memref_slice %arg6[%dma_wait3A_54, %dma_wait3A_55, %dma_wait3A_56] : memref<2x200x128xf32, #tpu.memory_space<vmem>> -> memref<1x200x128xf32, #tpu.memory_space<vmem>>
      %dma_wait3A_58 = tpu.memref_squeeze %dma_wait3A_57 : memref<1x200x128xf32, #tpu.memory_space<vmem>> -> memref<200x128xf32, #tpu.memory_space<vmem>>
      %dma_wait3A_59 = arith.constant 0 : i32
      %dma_wait3A_60 = tpu.memref_slice %arg5[%dma_wait3A_59] : memref<6400xi32, #tpu.memory_space<vmem>> -> memref<200xi32, #tpu.memory_space<vmem>>
      %dma_wait3A_61 = arith.constant 0 : i32
      %dma_wait3A_62 = arith.constant 0 : i32
      %dma_wait3A_63 = tpu.memref_slice %arg3[%dma_wait3A_61, %dma_wait3A_62] : memref<100000x128xf32, #tpu.memory_space<hbm>> -> memref<100000x128xf32, #tpu.memory_space<hbm>>
      tpu.wait_indirect_dma semaphore(%arg8 : memref<!tpu.dma_semaphore, #tpu.memory_space<semaphore_mem>>) src(%dma_wait3A_63 : memref<100000x128xf32, #tpu.memory_space<hbm>>) dst(%dma_wait3A_58 : memref<200x128xf32, #tpu.memory_space<vmem>>)
      %get3A = arith.constant 0 : i32
      %get3A_64 = arith.constant 0 : i32
      %get3A_65 = arith.constant 0 : i32
      %get3A_66 = arith.constant 0 : i32
      %get3A_67 = tpu.memref_slice %arg6[%get3A, %get3A_65, %get3A_66] : memref<2x200x128xf32, #tpu.memory_space<vmem>> -> memref<1x200x128xf32, #tpu.memory_space<vmem>>
      %get3A_68 = tpu.memref_squeeze %get3A_67 : memref<1x200x128xf32, #tpu.memory_space<vmem>> -> memref<200x128xf32, #tpu.memory_space<vmem>>
      %get3A_69 = arith.index_cast %get3A_64 : i32 to index
      %get3A_70 = arith.constant 0 : index
      %get3A_71 = tpu.vector_load %get3A_68[%get3A_69, %get3A_70] {strides = array<i32>} : memref<200x128xf32, #tpu.memory_space<vmem>>, vector<1x16xf32>,
      %get3A_72 = vector.shape_cast %get3A_71 : vector<1x16xf32> to vector<16xf32>
      %get3A_73 = arith.constant 0 : i32
      %get3A_74 = arith.constant 0 : i32
      %get3A_75 = arith.constant 0 : i32
      %get3A_76 = arith.constant 0 : i32
      %get3A_77 = tpu.memref_slice %arg6[%get3A_73, %get3A_75, %get3A_76] : memref<2x200x128xf32, #tpu.memory_space<vmem>> -> memref<1x200x128xf32, #tpu.memory_space<vmem>>
      %get3A_78 = tpu.memref_squeeze %get3A_77 : memref<1x200x128xf32, #tpu.memory_space<vmem>> -> memref<200x128xf32, #tpu.memory_space<vmem>>
      %get3A_79 = arith.index_cast %get3A_74 : i32 to index
      %get3A_80 = arith.constant 16 : index
      %get3A_81 = tpu.vector_load %get3A_78[%get3A_79, %get3A_80] {strides = array<i32>} : memref<200x128xf32, #tpu.memory_space<vmem>>, vector<1x16xf32>,
      %get3A_82 = vector.shape_cast %get3A_81 : vector<1x16xf32> to vector<16xf32>
      %get3A_83 = arith.constant 0 : i32
      %get3A_84 = arith.constant 0 : i32
      %get3A_85 = arith.constant 0 : i32
      %get3A_86 = arith.constant 0 : i32
      %get3A_87 = tpu.memref_slice %arg6[%get3A_83, %get3A_85, %get3A_86] : memref<2x200x128xf32, #tpu.memory_space<vmem>> -> memref<1x200x128xf32, #tpu.memory_space<vmem>>
      %get3A_88 = tpu.memref_squeeze %get3A_87 : memref<1x200x128xf32, #tpu.memory_space<vmem>> -> memref<200x128xf32, #tpu.memory_space<vmem>>
      %get3A_89 = arith.index_cast %get3A_84 : i32 to index
      %get3A_90 = arith.constant 32 : index
      %get3A_91 = tpu.vector_load %get3A_88[%get3A_89, %get3A_90] {strides = array<i32>} : memref<200x128xf32, #tpu.memory_space<vmem>>, vector<1x16xf32>,
      %get3A_92 = vector.shape_cast %get3A_91 : vector<1x16xf32> to vector<16xf32>
      %get3A_93 = arith.constant 0 : i32
      %get3A_94 = arith.constant 0 : i32
      %get3A_95 = arith.constant 0 : i32
      %get3A_96 = arith.constant 0 : i32
      %get3A_97 = tpu.memref_slice %arg6[%get3A_93, %get3A_95, %get3A_96] : memref<2x200x128xf32, #tpu.memory_space<vmem>> -> memref<1x200x128xf32, #tpu.memory_space<vmem>>
      %get3A_98 = tpu.memref_squeeze %get3A_97 : memref<1x200x128xf32, #tpu.memory_space<vmem>> -> memref<200x128xf32, #tpu.memory_space<vmem>>
      %get3A_99 = arith.index_cast %get3A_94 : i32 to index
      %get3A_100 = arith.constant 48 : index
      %get3A_101 = tpu.vector_load %get3A_98[%get3A_99, %get3A_100] {strides = array<i32>} : memref<200x128xf32, #tpu.memory_space<vmem>>, vector<1x16xf32>,
      %get3A_102 = vector.shape_cast %get3A_101 : vector<1x16xf32> to vector<16xf32>
      %get3A_103 = arith.constant 0 : i32
      %get3A_104 = arith.constant 0 : i32
      %get3A_105 = arith.constant 0 : i32
      %get3A_106 = arith.constant 0 : i32
      %get3A_107 = tpu.memref_slice %arg6[%get3A_103, %get3A_105, %get3A_106] : memref<2x200x128xf32, #tpu.memory_space<vmem>> -> memref<1x200x128xf32, #tpu.memory_space<vmem>>
      %get3A_108 = tpu.memref_squeeze %get3A_107 : memref<1x200x128xf32, #tpu.memory_space<vmem>> -> memref<200x128xf32, #tpu.memory_space<vmem>>
      %get3A_109 = arith.index_cast %get3A_104 : i32 to index
      %get3A_110 = arith.constant 64 : index
      %get3A_111 = tpu.vector_load %get3A_108[%get3A_109, %get3A_110] {strides = array<i32>} : memref<200x128xf32, #tpu.memory_space<vmem>>, vector<1x16xf32>,
      %get3A_112 = vector.shape_cast %get3A_111 : vector<1x16xf32> to vector<16xf32>
      %get3A_113 = arith.constant 0 : i32
      %get3A_114 = arith.constant 0 : i32
      %get3A_115 = arith.constant 0 : i32
      %get3A_116 = arith.constant 0 : i32
      %get3A_117 = tpu.memref_slice %arg6[%get3A_113, %get3A_115, %get3A_116] : memref<2x200x128xf32, #tpu.memory_space<vmem>> -> memref<1x200x128xf32, #tpu.memory_space<vmem>>
      %get3A_118 = tpu.memref_squeeze %get3A_117 : memref<1x200x128xf32, #tpu.memory_space<vmem>> -> memref<200x128xf32, #tpu.memory_space<vmem>>
      %get3A_119 = arith.index_cast %get3A_114 : i32 to index
      %get3A_120 = arith.constant 80 : index
      %get3A_121 = tpu.vector_load %get3A_118[%get3A_119, %get3A_120] {strides = array<i32>} : memref<200x128xf32, #tpu.memory_space<vmem>>, vector<1x16xf32>,
      %get3A_122 = vector.shape_cast %get3A_121 : vector<1x16xf32> to vector<16xf32>
      %get3A_123 = arith.constant 0 : i32
      %get3A_124 = arith.constant 0 : i32
      %get3A_125 = arith.constant 0 : i32
      %get3A_126 = arith.constant 0 : i32
      %get3A_127 = tpu.memref_slice %arg6[%get3A_123, %get3A_125, %get3A_126] : memref<2x200x128xf32, #tpu.memory_space<vmem>> -> memref<1x200x128xf32, #tpu.memory_space<vmem>>
      %get3A_128 = tpu.memref_squeeze %get3A_127 : memref<1x200x128xf32, #tpu.memory_space<vmem>> -> memref<200x128xf32, #tpu.memory_space<vmem>>
      %get3A_129 = arith.index_cast %get3A_124 : i32 to index
      %get3A_130 = arith.constant 96 : index
      %get3A_131 = tpu.vector_load %get3A_128[%get3A_129, %get3A_130] {strides = array<i32>} : memref<200x128xf32, #tpu.memory_space<vmem>>, vector<1x16xf32>,
      %get3A_132 = vector.shape_cast %get3A_131 : vector<1x16xf32> to vector<16xf32>
      %get3A_133 = arith.constant 0 : i32
      %get3A_134 = arith.constant 0 : i32
      %get3A_135 = arith.constant 0 : i32
      %get3A_136 = arith.constant 0 : i32
      %get3A_137 = tpu.memref_slice %arg6[%get3A_133, %get3A_135, %get3A_136] : memref<2x200x128xf32, #tpu.memory_space<vmem>> -> memref<1x200x128xf32, #tpu.memory_space<vmem>>
      %get3A_138 = tpu.memref_squeeze %get3A_137 : memref<1x200x128xf32, #tpu.memory_space<vmem>> -> memref<200x128xf32, #tpu.memory_space<vmem>>
      %get3A_139 = arith.index_cast %get3A_134 : i32 to index
      %get3A_140 = arith.constant 112 : index
      %get3A_141 = tpu.vector_load %get3A_138[%get3A_139, %get3A_140] {strides = array<i32>} : memref<200x128xf32, #tpu.memory_space<vmem>>, vector<1x16xf32>,
      %get3A_142 = vector.shape_cast %get3A_141 : vector<1x16xf32> to vector<16xf32>
      %scan3A_143 = arith.constant 0 : i32
      %scan3A_144 = arith.constant 1 : i32
      %scan3A_145 = arith.constant 49 : i32
      %scan3A_146 = arith.addi %scan3A_144, %scan3A_145 : i32
      %scan3A_147 = arith.constant 1 : i32
      %scan3A_148:8 = scf.for %scan3A_1279 = %scan3A_144 to %scan3A_146 step %scan3A_147 iter_args(%scan3A_1280 = %get3A_72, %scan3A_1281 = %get3A_82, %scan3A_1282 = %get3A_92, %scan3A_1283 = %get3A_102, %scan3A_1284 = %get3A_112, %scan3A_1285 = %get3A_122, %scan3A_1286 = %get3A_132, %scan3A_1287 = %get3A_142) -> (vector<16xf32>, vector<16xf32>, vector<16xf32>, vector<16xf32>, vector<16xf32>, vector<16xf32>, vector<16xf32>, vector<16xf32>)  : i32 {
        %add3A_1288 = arith.constant 0 : i32
        %add3A_1289 = arith.addi %add3A_1288, %scan3A_1279 : i32
        %get3A_1290 = arith.constant 0 : i32
        %get3A_1291 = arith.constant 0 : i32
        %get3A_1292 = tpu.memref_slice %arg6[%scan3A_143, %get3A_1290, %get3A_1291] : memref<2x200x128xf32, #tpu.memory_space<vmem>> -> memref<1x200x128xf32, #tpu.memory_space<vmem>>
        %get3A_1293 = tpu.memref_squeeze %get3A_1292 : memref<1x200x128xf32, #tpu.memory_space<vmem>> -> memref<200x128xf32, #tpu.memory_space<vmem>>
        %get3A_1294 = arith.index_cast %add3A_1289 : i32 to index
        %get3A_1295 = arith.constant 0 : index
        %get3A_1296 = tpu.vector_load %get3A_1293[%get3A_1294, %get3A_1295] {strides = array<i32>} : memref<200x128xf32, #tpu.memory_space<vmem>>, vector<1x16xf32>,
        %get3A_1297 = vector.shape_cast %get3A_1296 : vector<1x16xf32> to vector<16xf32>
        %add3A_1298 = arith.addf %scan3A_1280, %get3A_1297 : vector<16xf32>
        %add3A_1299 = arith.constant 0 : i32
        %add3A_1300 = arith.addi %add3A_1299, %scan3A_1279 : i32
        %get3A_1301 = arith.constant 0 : i32
        %get3A_1302 = arith.constant 0 : i32
        %get3A_1303 = tpu.memref_slice %arg6[%scan3A_143, %get3A_1301, %get3A_1302] : memref<2x200x128xf32, #tpu.memory_space<vmem>> -> memref<1x200x128xf32, #tpu.memory_space<vmem>>
        %get3A_1304 = tpu.memref_squeeze %get3A_1303 : memref<1x200x128xf32, #tpu.memory_space<vmem>> -> memref<200x128xf32, #tpu.memory_space<vmem>>
        %get3A_1305 = arith.index_cast %add3A_1300 : i32 to index
        %get3A_1306 = arith.constant 16 : index
        %get3A_1307 = tpu.vector_load %get3A_1304[%get3A_1305, %get3A_1306] {strides = array<i32>} : memref<200x128xf32, #tpu.memory_space<vmem>>, vector<1x16xf32>,
        %get3A_1308 = vector.shape_cast %get3A_1307 : vector<1x16xf32> to vector<16xf32>
        %add3A_1309 = arith.addf %scan3A_1281, %get3A_1308 : vector<16xf32>
        %add3A_1310 = arith.constant 0 : i32
        %add3A_1311 = arith.addi %add3A_1310, %scan3A_1279 : i32
        %get3A_1312 = arith.constant 0 : i32
        %get3A_1313 = arith.constant 0 : i32
        %get3A_1314 = tpu.memref_slice %arg6[%scan3A_143, %get3A_1312, %get3A_1313] : memref<2x200x128xf32, #tpu.memory_space<vmem>> -> memref<1x200x128xf32, #tpu.memory_space<vmem>>
        %get3A_1315 = tpu.memref_squeeze %get3A_1314 : memref<1x200x128xf32, #tpu.memory_space<vmem>> -> memref<200x128xf32, #tpu.memory_space<vmem>>
        %get3A_1316 = arith.index_cast %add3A_1311 : i32 to index
        %get3A_1317 = arith.constant 32 : index
        %get3A_1318 = tpu.vector_load %get3A_1315[%get3A_1316, %get3A_1317] {strides = array<i32>} : memref<200x128xf32, #tpu.memory_space<vmem>>, vector<1x16xf32>,
        %get3A_1319 = vector.shape_cast %get3A_1318 : vector<1x16xf32> to vector<16xf32>
        %add3A_1320 = arith.addf %scan3A_1282, %get3A_1319 : vector<16xf32>
        %add3A_1321 = arith.constant 0 : i32
        %add3A_1322 = arith.addi %add3A_1321, %scan3A_1279 : i32
        %get3A_1323 = arith.constant 0 : i32
        %get3A_1324 = arith.constant 0 : i32
        %get3A_1325 = tpu.memref_slice %arg6[%scan3A_143, %get3A_1323, %get3A_1324] : memref<2x200x128xf32, #tpu.memory_space<vmem>> -> memref<1x200x128xf32, #tpu.memory_space<vmem>>
        %get3A_1326 = tpu.memref_squeeze %get3A_1325 : memref<1x200x128xf32, #tpu.memory_space<vmem>> -> memref<200x128xf32, #tpu.memory_space<vmem>>
        %get3A_1327 = arith.index_cast %add3A_1322 : i32 to index
        %get3A_1328 = arith.constant 48 : index
        %get3A_1329 = tpu.vector_load %get3A_1326[%get3A_1327, %get3A_1328] {strides = array<i32>} : memref<200x128xf32, #tpu.memory_space<vmem>>, vector<1x16xf32>,
        %get3A_1330 = vector.shape_cast %get3A_1329 : vector<1x16xf32> to vector<16xf32>
        %add3A_1331 = arith.addf %scan3A_1283, %get3A_1330 : vector<16xf32>
        %add3A_1332 = arith.constant 0 : i32
        %add3A_1333 = arith.addi %add3A_1332, %scan3A_1279 : i32
        %get3A_1334 = arith.constant 0 : i32
        %get3A_1335 = arith.constant 0 : i32
        %get3A_1336 = tpu.memref_slice %arg6[%scan3A_143, %get3A_1334, %get3A_1335] : memref<2x200x128xf32, #tpu.memory_space<vmem>> -> memref<1x200x128xf32, #tpu.memory_space<vmem>>
        %get3A_1337 = tpu.memref_squeeze %get3A_1336 : memref<1x200x128xf32, #tpu.memory_space<vmem>> -> memref<200x128xf32, #tpu.memory_space<vmem>>
        %get3A_1338 = arith.index_cast %add3A_1333 : i32 to index
        %get3A_1339 = arith.constant 64 : index
        %get3A_1340 = tpu.vector_load %get3A_1337[%get3A_1338, %get3A_1339] {strides = array<i32>} : memref<200x128xf32, #tpu.memory_space<vmem>>, vector<1x16xf32>,
        %get3A_1341 = vector.shape_cast %get3A_1340 : vector<1x16xf32> to vector<16xf32>
        %add3A_1342 = arith.addf %scan3A_1284, %get3A_1341 : vector<16xf32>
        %add3A_1343 = arith.constant 0 : i32
        %add3A_1344 = arith.addi %add3A_1343, %scan3A_1279 : i32
        %get3A_1345 = arith.constant 0 : i32
        %get3A_1346 = arith.constant 0 : i32
        %get3A_1347 = tpu.memref_slice %arg6[%scan3A_143, %get3A_1345, %get3A_1346] : memref<2x200x128xf32, #tpu.memory_space<vmem>> -> memref<1x200x128xf32, #tpu.memory_space<vmem>>
        %get3A_1348 = tpu.memref_squeeze %get3A_1347 : memref<1x200x128xf32, #tpu.memory_space<vmem>> -> memref<200x128xf32, #tpu.memory_space<vmem>>
        %get3A_1349 = arith.index_cast %add3A_1344 : i32 to index
        %get3A_1350 = arith.constant 80 : index
        %get3A_1351 = tpu.vector_load %get3A_1348[%get3A_1349, %get3A_1350] {strides = array<i32>} : memref<200x128xf32, #tpu.memory_space<vmem>>, vector<1x16xf32>,
        %get3A_1352 = vector.shape_cast %get3A_1351 : vector<1x16xf32> to vector<16xf32>
        %add3A_1353 = arith.addf %scan3A_1285, %get3A_1352 : vector<16xf32>
        %add3A_1354 = arith.constant 0 : i32
        %add3A_1355 = arith.addi %add3A_1354, %scan3A_1279 : i32
        %get3A_1356 = arith.constant 0 : i32
        %get3A_1357 = arith.constant 0 : i32
        %get3A_1358 = tpu.memref_slice %arg6[%scan3A_143, %get3A_1356, %get3A_1357] : memref<2x200x128xf32, #tpu.memory_space<vmem>> -> memref<1x200x128xf32, #tpu.memory_space<vmem>>
        %get3A_1359 = tpu.memref_squeeze %get3A_1358 : memref<1x200x128xf32, #tpu.memory_space<vmem>> -> memref<200x128xf32, #tpu.memory_space<vmem>>
        %get3A_1360 = arith.index_cast %add3A_1355 : i32 to index
        %get3A_1361 = arith.constant 96 : index
        %get3A_1362 = tpu.vector_load %get3A_1359[%get3A_1360, %get3A_1361] {strides = array<i32>} : memref<200x128xf32, #tpu.memory_space<vmem>>, vector<1x16xf32>,
        %get3A_1363 = vector.shape_cast %get3A_1362 : vector<1x16xf32> to vector<16xf32>
        %add3A_1364 = arith.addf %scan3A_1286, %get3A_1363 : vector<16xf32>
        %add3A_1365 = arith.constant 0 : i32
        %add3A_1366 = arith.addi %add3A_1365, %scan3A_1279 : i32
        %get3A_1367 = arith.constant 0 : i32
        %get3A_1368 = arith.constant 0 : i32
        %get3A_1369 = tpu.memref_slice %arg6[%scan3A_143, %get3A_1367, %get3A_1368] : memref<2x200x128xf32, #tpu.memory_space<vmem>> -> memref<1x200x128xf32, #tpu.memory_space<vmem>>
        %get3A_1370 = tpu.memref_squeeze %get3A_1369 : memref<1x200x128xf32, #tpu.memory_space<vmem>> -> memref<200x128xf32, #tpu.memory_space<vmem>>
        %get3A_1371 = arith.index_cast %add3A_1366 : i32 to index
        %get3A_1372 = arith.constant 112 : index
        %get3A_1373 = tpu.vector_load %get3A_1370[%get3A_1371, %get3A_1372] {strides = array<i32>} : memref<200x128xf32, #tpu.memory_space<vmem>>, vector<1x16xf32>,
        %get3A_1374 = vector.shape_cast %get3A_1373 : vector<1x16xf32> to vector<16xf32>
        %add3A_1375 = arith.addf %scan3A_1287, %get3A_1374 : vector<16xf32>
        scf.yield %add3A_1298, %add3A_1309, %add3A_1320, %add3A_1331, %add3A_1342, %add3A_1353, %add3A_1364, %add3A_1375 : vector<16xf32>, vector<16xf32>, vector<16xf32>, vector<16xf32>, vector<16xf32>, vector<16xf32>, vector<16xf32>, vector<16xf32>
      }
      %scan3A_149 = arith.constant 49 : i32
      %mul3A_150 = arith.constant 4 : i32
      %mul3A_151 = arith.muli %add3A_53, %mul3A_150 : i32
      %add3A_152 = arith.constant 0 : i32
      %add3A_153 = arith.addi %mul3A_151, %add3A_152 : i32
      %mul3A_154 = vector.broadcast %scan3A_22 : f32 to vector<16xf32>
      %mul3A_155 = arith.mulf %scan3A_148#0, %mul3A_154 : vector<16xf32>
      %swap3A = arith.index_cast %add3A_153 : i32 to index
      %swap3A_156 = arith.constant 0 : index
      %swap3A_157 = tpu.vector_load %arg7[%swap3A, %swap3A_156] {strides = array<i32>} : memref<128x128xf32, #tpu.memory_space<vmem>>, vector<1x16xf32>,
      %swap3A_158 = vector.shape_cast %swap3A_157 : vector<1x16xf32> to vector<16xf32>
      %swap3A_159 = vector.shape_cast %mul3A_155 : vector<16xf32> to vector<1x16xf32>
      tpu.vector_store %arg7[%swap3A, %swap3A_156], %swap3A_159 {strides = array<i32>} : memref<128x128xf32, #tpu.memory_space<vmem>>, vector<1x16xf32>,
      %mul3A_160 = vector.broadcast %scan3A_22 : f32 to vector<16xf32>
      %mul3A_161 = arith.mulf %scan3A_148#1, %mul3A_160 : vector<16xf32>
      %swap3A_162 = arith.index_cast %add3A_153 : i32 to index
      %swap3A_163 = arith.constant 16 : index
      %swap3A_164 = tpu.vector_load %arg7[%swap3A_162, %swap3A_163] {strides = array<i32>} : memref<128x128xf32, #tpu.memory_space<vmem>>, vector<1x16xf32>,
      %swap3A_165 = vector.shape_cast %swap3A_164 : vector<1x16xf32> to vector<16xf32>
      %swap3A_166 = vector.shape_cast %mul3A_161 : vector<16xf32> to vector<1x16xf32>
      tpu.vector_store %arg7[%swap3A_162, %swap3A_163], %swap3A_166 {strides = array<i32>} : memref<128x128xf32, #tpu.memory_space<vmem>>, vector<1x16xf32>,
      %mul3A_167 = vector.broadcast %scan3A_22 : f32 to vector<16xf32>
      %mul3A_168 = arith.mulf %scan3A_148#2, %mul3A_167 : vector<16xf32>
      %swap3A_169 = arith.index_cast %add3A_153 : i32 to index
      %swap3A_170 = arith.constant 32 : index
      %swap3A_171 = tpu.vector_load %arg7[%swap3A_169, %swap3A_170] {strides = array<i32>} : memref<128x128xf32, #tpu.memory_space<vmem>>, vector<1x16xf32>,
      %swap3A_172 = vector.shape_cast %swap3A_171 : vector<1x16xf32> to vector<16xf32>
      %swap3A_173 = vector.shape_cast %mul3A_168 : vector<16xf32> to vector<1x16xf32>
      tpu.vector_store %arg7[%swap3A_169, %swap3A_170], %swap3A_173 {strides = array<i32>} : memref<128x128xf32, #tpu.memory_space<vmem>>, vector<1x16xf32>,
      %mul3A_174 = vector.broadcast %scan3A_22 : f32 to vector<16xf32>
      %mul3A_175 = arith.mulf %scan3A_148#3, %mul3A_174 : vector<16xf32>
      %swap3A_176 = arith.index_cast %add3A_153 : i32 to index
      %swap3A_177 = arith.constant 48 : index
      %swap3A_178 = tpu.vector_load %arg7[%swap3A_176, %swap3A_177] {strides = array<i32>} : memref<128x128xf32, #tpu.memory_space<vmem>>, vector<1x16xf32>,
      %swap3A_179 = vector.shape_cast %swap3A_178 : vector<1x16xf32> to vector<16xf32>
      %swap3A_180 = vector.shape_cast %mul3A_175 : vector<16xf32> to vector<1x16xf32>
      tpu.vector_store %arg7[%swap3A_176, %swap3A_177], %swap3A_180 {strides = array<i32>} : memref<128x128xf32, #tpu.memory_space<vmem>>, vector<1x16xf32>,
      %mul3A_181 = vector.broadcast %scan3A_22 : f32 to vector<16xf32>
      %mul3A_182 = arith.mulf %scan3A_148#4, %mul3A_181 : vector<16xf32>
      %swap3A_183 = arith.index_cast %add3A_153 : i32 to index
      %swap3A_184 = arith.constant 64 : index
      %swap3A_185 = tpu.vector_load %arg7[%swap3A_183, %swap3A_184] {strides = array<i32>} : memref<128x128xf32, #tpu.memory_space<vmem>>, vector<1x16xf32>,
      %swap3A_186 = vector.shape_cast %swap3A_185 : vector<1x16xf32> to vector<16xf32>
      %swap3A_187 = vector.shape_cast %mul3A_182 : vector<16xf32> to vector<1x16xf32>
      tpu.vector_store %arg7[%swap3A_183, %swap3A_184], %swap3A_187 {strides = array<i32>} : memref<128x128xf32, #tpu.memory_space<vmem>>, vector<1x16xf32>,
      %mul3A_188 = vector.broadcast %scan3A_22 : f32 to vector<16xf32>
      %mul3A_189 = arith.mulf %scan3A_148#5, %mul3A_188 : vector<16xf32>
      %swap3A_190 = arith.index_cast %add3A_153 : i32 to index
      %swap3A_191 = arith.constant 80 : index
      %swap3A_192 = tpu.vector_load %arg7[%swap3A_190, %swap3A_191] {strides = array<i32>} : memref<128x128xf32, #tpu.memory_space<vmem>>, vector<1x16xf32>,
      %swap3A_193 = vector.shape_cast %swap3A_192 : vector<1x16xf32> to vector<16xf32>
      %swap3A_194 = vector.shape_cast %mul3A_189 : vector<16xf32> to vector<1x16xf32>
      tpu.vector_store %arg7[%swap3A_190, %swap3A_191], %swap3A_194 {strides = array<i32>} : memref<128x128xf32, #tpu.memory_space<vmem>>, vector<1x16xf32>,
      %mul3A_195 = vector.broadcast %scan3A_22 : f32 to vector<16xf32>
      %mul3A_196 = arith.mulf %scan3A_148#6, %mul3A_195 : vector<16xf32>
      %swap3A_197 = arith.index_cast %add3A_153 : i32 to index
      %swap3A_198 = arith.constant 96 : index
      %swap3A_199 = tpu.vector_load %arg7[%swap3A_197, %swap3A_198] {strides = array<i32>} : memref<128x128xf32, #tpu.memory_space<vmem>>, vector<1x16xf32>,
      %swap3A_200 = vector.shape_cast %swap3A_199 : vector<1x16xf32> to vector<16xf32>
      %swap3A_201 = vector.shape_cast %mul3A_196 : vector<16xf32> to vector<1x16xf32>
      tpu.vector_store %arg7[%swap3A_197, %swap3A_198], %swap3A_201 {strides = array<i32>} : memref<128x128xf32, #tpu.memory_space<vmem>>, vector<1x16xf32>,
      %mul3A_202 = vector.broadcast %scan3A_22 : f32 to vector<16xf32>
      %mul3A_203 = arith.mulf %scan3A_148#7, %mul3A_202 : vector<16xf32>
      %swap3A_204 = arith.index_cast %add3A_153 : i32 to index
      %swap3A_205 = arith.constant 112 : index
      %swap3A_206 = tpu.vector_load %arg7[%swap3A_204, %swap3A_205] {strides = array<i32>} : memref<128x128xf32, #tpu.memory_space<vmem>>, vector<1x16xf32>,
      %swap3A_207 = vector.shape_cast %swap3A_206 : vector<1x16xf32> to vector<16xf32>
      %swap3A_208 = vector.shape_cast %mul3A_203 : vector<16xf32> to vector<1x16xf32>
      tpu.vector_store %arg7[%swap3A_204, %swap3A_205], %swap3A_208 {strides = array<i32>} : memref<128x128xf32, #tpu.memory_space<vmem>>, vector<1x16xf32>,
      %get3A_209 = arith.constant 0 : i32
      %get3A_210 = arith.constant 50 : i32
      %get3A_211 = arith.constant 0 : i32
      %get3A_212 = arith.constant 0 : i32
      %get3A_213 = tpu.memref_slice %arg6[%get3A_209, %get3A_211, %get3A_212] : memref<2x200x128xf32, #tpu.memory_space<vmem>> -> memref<1x200x128xf32, #tpu.memory_space<vmem>>
      %get3A_214 = tpu.memref_squeeze %get3A_213 : memref<1x200x128xf32, #tpu.memory_space<vmem>> -> memref<200x128xf32, #tpu.memory_space<vmem>>
      %get3A_215 = arith.index_cast %get3A_210 : i32 to index
      %get3A_216 = arith.constant 0 : index
      %get3A_217 = tpu.vector_load %get3A_214[%get3A_215, %get3A_216] {strides = array<i32>} : memref<200x128xf32, #tpu.memory_space<vmem>>, vector<1x16xf32>,
      %get3A_218 = vector.shape_cast %get3A_217 : vector<1x16xf32> to vector<16xf32>
      %get3A_219 = arith.constant 0 : i32
      %get3A_220 = arith.constant 50 : i32
      %get3A_221 = arith.constant 0 : i32
      %get3A_222 = arith.constant 0 : i32
      %get3A_223 = tpu.memref_slice %arg6[%get3A_219, %get3A_221, %get3A_222] : memref<2x200x128xf32, #tpu.memory_space<vmem>> -> memref<1x200x128xf32, #tpu.memory_space<vmem>>
      %get3A_224 = tpu.memref_squeeze %get3A_223 : memref<1x200x128xf32, #tpu.memory_space<vmem>> -> memref<200x128xf32, #tpu.memory_space<vmem>>
      %get3A_225 = arith.index_cast %get3A_220 : i32 to index
      %get3A_226 = arith.constant 16 : index
      %get3A_227 = tpu.vector_load %get3A_224[%get3A_225, %get3A_226] {strides = array<i32>} : memref<200x128xf32, #tpu.memory_space<vmem>>, vector<1x16xf32>,
      %get3A_228 = vector.shape_cast %get3A_227 : vector<1x16xf32> to vector<16xf32>
      %get3A_229 = arith.constant 0 : i32
      %get3A_230 = arith.constant 50 : i32
      %get3A_231 = arith.constant 0 : i32
      %get3A_232 = arith.constant 0 : i32
      %get3A_233 = tpu.memref_slice %arg6[%get3A_229, %get3A_231, %get3A_232] : memref<2x200x128xf32, #tpu.memory_space<vmem>> -> memref<1x200x128xf32, #tpu.memory_space<vmem>>
      %get3A_234 = tpu.memref_squeeze %get3A_233 : memref<1x200x128xf32, #tpu.memory_space<vmem>> -> memref<200x128xf32, #tpu.memory_space<vmem>>
      %get3A_235 = arith.index_cast %get3A_230 : i32 to index
      %get3A_236 = arith.constant 32 : index
      %get3A_237 = tpu.vector_load %get3A_234[%get3A_235, %get3A_236] {strides = array<i32>} : memref<200x128xf32, #tpu.memory_space<vmem>>, vector<1x16xf32>,
      %get3A_238 = vector.shape_cast %get3A_237 : vector<1x16xf32> to vector<16xf32>
      %get3A_239 = arith.constant 0 : i32
      %get3A_240 = arith.constant 50 : i32
      %get3A_241 = arith.constant 0 : i32
      %get3A_242 = arith.constant 0 : i32
      %get3A_243 = tpu.memref_slice %arg6[%get3A_239, %get3A_241, %get3A_242] : memref<2x200x128xf32, #tpu.memory_space<vmem>> -> memref<1x200x128xf32, #tpu.memory_space<vmem>>
      %get3A_244 = tpu.memref_squeeze %get3A_243 : memref<1x200x128xf32, #tpu.memory_space<vmem>> -> memref<200x128xf32, #tpu.memory_space<vmem>>
      %get3A_245 = arith.index_cast %get3A_240 : i32 to index
      %get3A_246 = arith.constant 48 : index
      %get3A_247 = tpu.vector_load %get3A_244[%get3A_245, %get3A_246] {strides = array<i32>} : memref<200x128xf32, #tpu.memory_space<vmem>>, vector<1x16xf32>,
      %get3A_248 = vector.shape_cast %get3A_247 : vector<1x16xf32> to vector<16xf32>
      %get3A_249 = arith.constant 0 : i32
      %get3A_250 = arith.constant 50 : i32
      %get3A_251 = arith.constant 0 : i32
      %get3A_252 = arith.constant 0 : i32
      %get3A_253 = tpu.memref_slice %arg6[%get3A_249, %get3A_251, %get3A_252] : memref<2x200x128xf32, #tpu.memory_space<vmem>> -> memref<1x200x128xf32, #tpu.memory_space<vmem>>
      %get3A_254 = tpu.memref_squeeze %get3A_253 : memref<1x200x128xf32, #tpu.memory_space<vmem>> -> memref<200x128xf32, #tpu.memory_space<vmem>>
      %get3A_255 = arith.index_cast %get3A_250 : i32 to index
      %get3A_256 = arith.constant 64 : index
      %get3A_257 = tpu.vector_load %get3A_254[%get3A_255, %get3A_256] {strides = array<i32>} : memref<200x128xf32, #tpu.memory_space<vmem>>, vector<1x16xf32>,
      %get3A_258 = vector.shape_cast %get3A_257 : vector<1x16xf32> to vector<16xf32>
      %get3A_259 = arith.constant 0 : i32
      %get3A_260 = arith.constant 50 : i32
      %get3A_261 = arith.constant 0 : i32
      %get3A_262 = arith.constant 0 : i32
      %get3A_263 = tpu.memref_slice %arg6[%get3A_259, %get3A_261, %get3A_262] : memref<2x200x128xf32, #tpu.memory_space<vmem>> -> memref<1x200x128xf32, #tpu.memory_space<vmem>>
      %get3A_264 = tpu.memref_squeeze %get3A_263 : memref<1x200x128xf32, #tpu.memory_space<vmem>> -> memref<200x128xf32, #tpu.memory_space<vmem>>
      %get3A_265 = arith.index_cast %get3A_260 : i32 to index
      %get3A_266 = arith.constant 80 : index
      %get3A_267 = tpu.vector_load %get3A_264[%get3A_265, %get3A_266] {strides = array<i32>} : memref<200x128xf32, #tpu.memory_space<vmem>>, vector<1x16xf32>,
      %get3A_268 = vector.shape_cast %get3A_267 : vector<1x16xf32> to vector<16xf32>
      %get3A_269 = arith.constant 0 : i32
      %get3A_270 = arith.constant 50 : i32
      %get3A_271 = arith.constant 0 : i32
      %get3A_272 = arith.constant 0 : i32
      %get3A_273 = tpu.memref_slice %arg6[%get3A_269, %get3A_271, %get3A_272] : memref<2x200x128xf32, #tpu.memory_space<vmem>> -> memref<1x200x128xf32, #tpu.memory_space<vmem>>
      %get3A_274 = tpu.memref_squeeze %get3A_273 : memref<1x200x128xf32, #tpu.memory_space<vmem>> -> memref<200x128xf32, #tpu.memory_space<vmem>>
      %get3A_275 = arith.index_cast %get3A_270 : i32 to index
      %get3A_276 = arith.constant 96 : index
      %get3A_277 = tpu.vector_load %get3A_274[%get3A_275, %get3A_276] {strides = array<i32>} : memref<200x128xf32, #tpu.memory_space<vmem>>, vector<1x16xf32>,
      %get3A_278 = vector.shape_cast %get3A_277 : vector<1x16xf32> to vector<16xf32>
      %get3A_279 = arith.constant 0 : i32
      %get3A_280 = arith.constant 50 : i32
      %get3A_281 = arith.constant 0 : i32
      %get3A_282 = arith.constant 0 : i32
      %get3A_283 = tpu.memref_slice %arg6[%get3A_279, %get3A_281, %get3A_282] : memref<2x200x128xf32, #tpu.memory_space<vmem>> -> memref<1x200x128xf32, #tpu.memory_space<vmem>>
      %get3A_284 = tpu.memref_squeeze %get3A_283 : memref<1x200x128xf32, #tpu.memory_space<vmem>> -> memref<200x128xf32, #tpu.memory_space<vmem>>
      %get3A_285 = arith.index_cast %get3A_280 : i32 to index
      %get3A_286 = arith.constant 112 : index
      %get3A_287 = tpu.vector_load %get3A_284[%get3A_285, %get3A_286] {strides = array<i32>} : memref<200x128xf32, #tpu.memory_space<vmem>>, vector<1x16xf32>,
      %get3A_288 = vector.shape_cast %get3A_287 : vector<1x16xf32> to vector<16xf32>
      %scan3A_289 = arith.constant 0 : i32
      %scan3A_290 = arith.constant 1 : i32
      %scan3A_291 = arith.constant 49 : i32
      %scan3A_292 = arith.addi %scan3A_290, %scan3A_291 : i32
      %scan3A_293 = arith.constant 1 : i32
      %scan3A_294:8 = scf.for %scan3A_1279 = %scan3A_290 to %scan3A_292 step %scan3A_293 iter_args(%scan3A_1280 = %get3A_218, %scan3A_1281 = %get3A_228, %scan3A_1282 = %get3A_238, %scan3A_1283 = %get3A_248, %scan3A_1284 = %get3A_258, %scan3A_1285 = %get3A_268, %scan3A_1286 = %get3A_278, %scan3A_1287 = %get3A_288) -> (vector<16xf32>, vector<16xf32>, vector<16xf32>, vector<16xf32>, vector<16xf32>, vector<16xf32>, vector<16xf32>, vector<16xf32>)  : i32 {
        %add3A_1288 = arith.constant 50 : i32
        %add3A_1289 = arith.addi %add3A_1288, %scan3A_1279 : i32
        %get3A_1290 = arith.constant 0 : i32
        %get3A_1291 = arith.constant 0 : i32
        %get3A_1292 = tpu.memref_slice %arg6[%scan3A_289, %get3A_1290, %get3A_1291] : memref<2x200x128xf32, #tpu.memory_space<vmem>> -> memref<1x200x128xf32, #tpu.memory_space<vmem>>
        %get3A_1293 = tpu.memref_squeeze %get3A_1292 : memref<1x200x128xf32, #tpu.memory_space<vmem>> -> memref<200x128xf32, #tpu.memory_space<vmem>>
        %get3A_1294 = arith.index_cast %add3A_1289 : i32 to index
        %get3A_1295 = arith.constant 0 : index
        %get3A_1296 = tpu.vector_load %get3A_1293[%get3A_1294, %get3A_1295] {strides = array<i32>} : memref<200x128xf32, #tpu.memory_space<vmem>>, vector<1x16xf32>,
        %get3A_1297 = vector.shape_cast %get3A_1296 : vector<1x16xf32> to vector<16xf32>
        %add3A_1298 = arith.addf %scan3A_1280, %get3A_1297 : vector<16xf32>
        %add3A_1299 = arith.constant 50 : i32
        %add3A_1300 = arith.addi %add3A_1299, %scan3A_1279 : i32
        %get3A_1301 = arith.constant 0 : i32
        %get3A_1302 = arith.constant 0 : i32
        %get3A_1303 = tpu.memref_slice %arg6[%scan3A_289, %get3A_1301, %get3A_1302] : memref<2x200x128xf32, #tpu.memory_space<vmem>> -> memref<1x200x128xf32, #tpu.memory_space<vmem>>
        %get3A_1304 = tpu.memref_squeeze %get3A_1303 : memref<1x200x128xf32, #tpu.memory_space<vmem>> -> memref<200x128xf32, #tpu.memory_space<vmem>>
        %get3A_1305 = arith.index_cast %add3A_1300 : i32 to index
        %get3A_1306 = arith.constant 16 : index
        %get3A_1307 = tpu.vector_load %get3A_1304[%get3A_1305, %get3A_1306] {strides = array<i32>} : memref<200x128xf32, #tpu.memory_space<vmem>>, vector<1x16xf32>,
        %get3A_1308 = vector.shape_cast %get3A_1307 : vector<1x16xf32> to vector<16xf32>
        %add3A_1309 = arith.addf %scan3A_1281, %get3A_1308 : vector<16xf32>
        %add3A_1310 = arith.constant 50 : i32
        %add3A_1311 = arith.addi %add3A_1310, %scan3A_1279 : i32
        %get3A_1312 = arith.constant 0 : i32
        %get3A_1313 = arith.constant 0 : i32
        %get3A_1314 = tpu.memref_slice %arg6[%scan3A_289, %get3A_1312, %get3A_1313] : memref<2x200x128xf32, #tpu.memory_space<vmem>> -> memref<1x200x128xf32, #tpu.memory_space<vmem>>
        %get3A_1315 = tpu.memref_squeeze %get3A_1314 : memref<1x200x128xf32, #tpu.memory_space<vmem>> -> memref<200x128xf32, #tpu.memory_space<vmem>>
        %get3A_1316 = arith.index_cast %add3A_1311 : i32 to index
        %get3A_1317 = arith.constant 32 : index
        %get3A_1318 = tpu.vector_load %get3A_1315[%get3A_1316, %get3A_1317] {strides = array<i32>} : memref<200x128xf32, #tpu.memory_space<vmem>>, vector<1x16xf32>,
        %get3A_1319 = vector.shape_cast %get3A_1318 : vector<1x16xf32> to vector<16xf32>
        %add3A_1320 = arith.addf %scan3A_1282, %get3A_1319 : vector<16xf32>
        %add3A_1321 = arith.constant 50 : i32
        %add3A_1322 = arith.addi %add3A_1321, %scan3A_1279 : i32
        %get3A_1323 = arith.constant 0 : i32
        %get3A_1324 = arith.constant 0 : i32
        %get3A_1325 = tpu.memref_slice %arg6[%scan3A_289, %get3A_1323, %get3A_1324] : memref<2x200x128xf32, #tpu.memory_space<vmem>> -> memref<1x200x128xf32, #tpu.memory_space<vmem>>
        %get3A_1326 = tpu.memref_squeeze %get3A_1325 : memref<1x200x128xf32, #tpu.memory_space<vmem>> -> memref<200x128xf32, #tpu.memory_space<vmem>>
        %get3A_1327 = arith.index_cast %add3A_1322 : i32 to index
        %get3A_1328 = arith.constant 48 : index
        %get3A_1329 = tpu.vector_load %get3A_1326[%get3A_1327, %get3A_1328] {strides = array<i32>} : memref<200x128xf32, #tpu.memory_space<vmem>>, vector<1x16xf32>,
        %get3A_1330 = vector.shape_cast %get3A_1329 : vector<1x16xf32> to vector<16xf32>
        %add3A_1331 = arith.addf %scan3A_1283, %get3A_1330 : vector<16xf32>
        %add3A_1332 = arith.constant 50 : i32
        %add3A_1333 = arith.addi %add3A_1332, %scan3A_1279 : i32
        %get3A_1334 = arith.constant 0 : i32
        %get3A_1335 = arith.constant 0 : i32
        %get3A_1336 = tpu.memref_slice %arg6[%scan3A_289, %get3A_1334, %get3A_1335] : memref<2x200x128xf32, #tpu.memory_space<vmem>> -> memref<1x200x128xf32, #tpu.memory_space<vmem>>
        %get3A_1337 = tpu.memref_squeeze %get3A_1336 : memref<1x200x128xf32, #tpu.memory_space<vmem>> -> memref<200x128xf32, #tpu.memory_space<vmem>>
        %get3A_1338 = arith.index_cast %add3A_1333 : i32 to index
        %get3A_1339 = arith.constant 64 : index
        %get3A_1340 = tpu.vector_load %get3A_1337[%get3A_1338, %get3A_1339] {strides = array<i32>} : memref<200x128xf32, #tpu.memory_space<vmem>>, vector<1x16xf32>,
        %get3A_1341 = vector.shape_cast %get3A_1340 : vector<1x16xf32> to vector<16xf32>
        %add3A_1342 = arith.addf %scan3A_1284, %get3A_1341 : vector<16xf32>
        %add3A_1343 = arith.constant 50 : i32
        %add3A_1344 = arith.addi %add3A_1343, %scan3A_1279 : i32
        %get3A_1345 = arith.constant 0 : i32
        %get3A_1346 = arith.constant 0 : i32
        %get3A_1347 = tpu.memref_slice %arg6[%scan3A_289, %get3A_1345, %get3A_1346] : memref<2x200x128xf32, #tpu.memory_space<vmem>> -> memref<1x200x128xf32, #tpu.memory_space<vmem>>
        %get3A_1348 = tpu.memref_squeeze %get3A_1347 : memref<1x200x128xf32, #tpu.memory_space<vmem>> -> memref<200x128xf32, #tpu.memory_space<vmem>>
        %get3A_1349 = arith.index_cast %add3A_1344 : i32 to index
        %get3A_1350 = arith.constant 80 : index
        %get3A_1351 = tpu.vector_load %get3A_1348[%get3A_1349, %get3A_1350] {strides = array<i32>} : memref<200x128xf32, #tpu.memory_space<vmem>>, vector<1x16xf32>,
        %get3A_1352 = vector.shape_cast %get3A_1351 : vector<1x16xf32> to vector<16xf32>
        %add3A_1353 = arith.addf %scan3A_1285, %get3A_1352 : vector<16xf32>
        %add3A_1354 = arith.constant 50 : i32
        %add3A_1355 = arith.addi %add3A_1354, %scan3A_1279 : i32
        %get3A_1356 = arith.constant 0 : i32
        %get3A_1357 = arith.constant 0 : i32
        %get3A_1358 = tpu.memref_slice %arg6[%scan3A_289, %get3A_1356, %get3A_1357] : memref<2x200x128xf32, #tpu.memory_space<vmem>> -> memref<1x200x128xf32, #tpu.memory_space<vmem>>
        %get3A_1359 = tpu.memref_squeeze %get3A_1358 : memref<1x200x128xf32, #tpu.memory_space<vmem>> -> memref<200x128xf32, #tpu.memory_space<vmem>>
        %get3A_1360 = arith.index_cast %add3A_1355 : i32 to index
        %get3A_1361 = arith.constant 96 : index
        %get3A_1362 = tpu.vector_load %get3A_1359[%get3A_1360, %get3A_1361] {strides = array<i32>} : memref<200x128xf32, #tpu.memory_space<vmem>>, vector<1x16xf32>,
        %get3A_1363 = vector.shape_cast %get3A_1362 : vector<1x16xf32> to vector<16xf32>
        %add3A_1364 = arith.addf %scan3A_1286, %get3A_1363 : vector<16xf32>
        %add3A_1365 = arith.constant 50 : i32
        %add3A_1366 = arith.addi %add3A_1365, %scan3A_1279 : i32
        %get3A_1367 = arith.constant 0 : i32
        %get3A_1368 = arith.constant 0 : i32
        %get3A_1369 = tpu.memref_slice %arg6[%scan3A_289, %get3A_1367, %get3A_1368] : memref<2x200x128xf32, #tpu.memory_space<vmem>> -> memref<1x200x128xf32, #tpu.memory_space<vmem>>
        %get3A_1370 = tpu.memref_squeeze %get3A_1369 : memref<1x200x128xf32, #tpu.memory_space<vmem>> -> memref<200x128xf32, #tpu.memory_space<vmem>>
        %get3A_1371 = arith.index_cast %add3A_1366 : i32 to index
        %get3A_1372 = arith.constant 112 : index
        %get3A_1373 = tpu.vector_load %get3A_1370[%get3A_1371, %get3A_1372] {strides = array<i32>} : memref<200x128xf32, #tpu.memory_space<vmem>>, vector<1x16xf32>,
        %get3A_1374 = vector.shape_cast %get3A_1373 : vector<1x16xf32> to vector<16xf32>
        %add3A_1375 = arith.addf %scan3A_1287, %get3A_1374 : vector<16xf32>
        scf.yield %add3A_1298, %add3A_1309, %add3A_1320, %add3A_1331, %add3A_1342, %add3A_1353, %add3A_1364, %add3A_1375 : vector<16xf32>, vector<16xf32>, vector<16xf32>, vector<16xf32>, vector<16xf32>, vector<16xf32>, vector<16xf32>, vector<16xf32>
      }
      %scan3A_295 = arith.constant 49 : i32
      %mul3A_296 = arith.constant 4 : i32
      %mul3A_297 = arith.muli %add3A_53, %mul3A_296 : i32
      %add3A_298 = arith.constant 1 : i32
      %add3A_299 = arith.addi %mul3A_297, %add3A_298 : i32
      %mul3A_300 = vector.broadcast %scan3A_22 : f32 to vector<16xf32>
      %mul3A_301 = arith.mulf %scan3A_294#0, %mul3A_300 : vector<16xf32>
      %swap3A_302 = arith.index_cast %add3A_299 : i32 to index
      %swap3A_303 = arith.constant 0 : index
      %swap3A_304 = tpu.vector_load %arg7[%swap3A_302, %swap3A_303] {strides = array<i32>} : memref<128x128xf32, #tpu.memory_space<vmem>>, vector<1x16xf32>,
      %swap3A_305 = vector.shape_cast %swap3A_304 : vector<1x16xf32> to vector<16xf32>
      %swap3A_306 = vector.shape_cast %mul3A_301 : vector<16xf32> to vector<1x16xf32>
      tpu.vector_store %arg7[%swap3A_302, %swap3A_303], %swap3A_306 {strides = array<i32>} : memref<128x128xf32, #tpu.memory_space<vmem>>, vector<1x16xf32>,
      %mul3A_307 = vector.broadcast %scan3A_22 : f32 to vector<16xf32>
      %mul3A_308 = arith.mulf %scan3A_294#1, %mul3A_307 : vector<16xf32>
      %swap3A_309 = arith.index_cast %add3A_299 : i32 to index
      %swap3A_310 = arith.constant 16 : index
      %swap3A_311 = tpu.vector_load %arg7[%swap3A_309, %swap3A_310] {strides = array<i32>} : memref<128x128xf32, #tpu.memory_space<vmem>>, vector<1x16xf32>,
      %swap3A_312 = vector.shape_cast %swap3A_311 : vector<1x16xf32> to vector<16xf32>
      %swap3A_313 = vector.shape_cast %mul3A_308 : vector<16xf32> to vector<1x16xf32>
      tpu.vector_store %arg7[%swap3A_309, %swap3A_310], %swap3A_313 {strides = array<i32>} : memref<128x128xf32, #tpu.memory_space<vmem>>, vector<1x16xf32>,
      %mul3A_314 = vector.broadcast %scan3A_22 : f32 to vector<16xf32>
      %mul3A_315 = arith.mulf %scan3A_294#2, %mul3A_314 : vector<16xf32>
      %swap3A_316 = arith.index_cast %add3A_299 : i32 to index
      %swap3A_317 = arith.constant 32 : index
      %swap3A_318 = tpu.vector_load %arg7[%swap3A_316, %swap3A_317] {strides = array<i32>} : memref<128x128xf32, #tpu.memory_space<vmem>>, vector<1x16xf32>,
      %swap3A_319 = vector.shape_cast %swap3A_318 : vector<1x16xf32> to vector<16xf32>
      %swap3A_320 = vector.shape_cast %mul3A_315 : vector<16xf32> to vector<1x16xf32>
      tpu.vector_store %arg7[%swap3A_316, %swap3A_317], %swap3A_320 {strides = array<i32>} : memref<128x128xf32, #tpu.memory_space<vmem>>, vector<1x16xf32>,
      %mul3A_321 = vector.broadcast %scan3A_22 : f32 to vector<16xf32>
      %mul3A_322 = arith.mulf %scan3A_294#3, %mul3A_321 : vector<16xf32>
      %swap3A_323 = arith.index_cast %add3A_299 : i32 to index
      %swap3A_324 = arith.constant 48 : index
      %swap3A_325 = tpu.vector_load %arg7[%swap3A_323, %swap3A_324] {strides = array<i32>} : memref<128x128xf32, #tpu.memory_space<vmem>>, vector<1x16xf32>,
      %swap3A_326 = vector.shape_cast %swap3A_325 : vector<1x16xf32> to vector<16xf32>
      %swap3A_327 = vector.shape_cast %mul3A_322 : vector<16xf32> to vector<1x16xf32>
      tpu.vector_store %arg7[%swap3A_323, %swap3A_324], %swap3A_327 {strides = array<i32>} : memref<128x128xf32, #tpu.memory_space<vmem>>, vector<1x16xf32>,
      %mul3A_328 = vector.broadcast %scan3A_22 : f32 to vector<16xf32>
      %mul3A_329 = arith.mulf %scan3A_294#4, %mul3A_328 : vector<16xf32>
      %swap3A_330 = arith.index_cast %add3A_299 : i32 to index
      %swap3A_331 = arith.constant 64 : index
      %swap3A_332 = tpu.vector_load %arg7[%swap3A_330, %swap3A_331] {strides = array<i32>} : memref<128x128xf32, #tpu.memory_space<vmem>>, vector<1x16xf32>,
      %swap3A_333 = vector.shape_cast %swap3A_332 : vector<1x16xf32> to vector<16xf32>
      %swap3A_334 = vector.shape_cast %mul3A_329 : vector<16xf32> to vector<1x16xf32>
      tpu.vector_store %arg7[%swap3A_330, %swap3A_331], %swap3A_334 {strides = array<i32>} : memref<128x128xf32, #tpu.memory_space<vmem>>, vector<1x16xf32>,
      %mul3A_335 = vector.broadcast %scan3A_22 : f32 to vector<16xf32>
      %mul3A_336 = arith.mulf %scan3A_294#5, %mul3A_335 : vector<16xf32>
      %swap3A_337 = arith.index_cast %add3A_299 : i32 to index
      %swap3A_338 = arith.constant 80 : index
      %swap3A_339 = tpu.vector_load %arg7[%swap3A_337, %swap3A_338] {strides = array<i32>} : memref<128x128xf32, #tpu.memory_space<vmem>>, vector<1x16xf32>,
      %swap3A_340 = vector.shape_cast %swap3A_339 : vector<1x16xf32> to vector<16xf32>
      %swap3A_341 = vector.shape_cast %mul3A_336 : vector<16xf32> to vector<1x16xf32>
      tpu.vector_store %arg7[%swap3A_337, %swap3A_338], %swap3A_341 {strides = array<i32>} : memref<128x128xf32, #tpu.memory_space<vmem>>, vector<1x16xf32>,
      %mul3A_342 = vector.broadcast %scan3A_22 : f32 to vector<16xf32>
      %mul3A_343 = arith.mulf %scan3A_294#6, %mul3A_342 : vector<16xf32>
      %swap3A_344 = arith.index_cast %add3A_299 : i32 to index
      %swap3A_345 = arith.constant 96 : index
      %swap3A_346 = tpu.vector_load %arg7[%swap3A_344, %swap3A_345] {strides = array<i32>} : memref<128x128xf32, #tpu.memory_space<vmem>>, vector<1x16xf32>,
      %swap3A_347 = vector.shape_cast %swap3A_346 : vector<1x16xf32> to vector<16xf32>
      %swap3A_348 = vector.shape_cast %mul3A_343 : vector<16xf32> to vector<1x16xf32>
      tpu.vector_store %arg7[%swap3A_344, %swap3A_345], %swap3A_348 {strides = array<i32>} : memref<128x128xf32, #tpu.memory_space<vmem>>, vector<1x16xf32>,
      %mul3A_349 = vector.broadcast %scan3A_22 : f32 to vector<16xf32>
      %mul3A_350 = arith.mulf %scan3A_294#7, %mul3A_349 : vector<16xf32>
      %swap3A_351 = arith.index_cast %add3A_299 : i32 to index
      %swap3A_352 = arith.constant 112 : index
      %swap3A_353 = tpu.vector_load %arg7[%swap3A_351, %swap3A_352] {strides = array<i32>} : memref<128x128xf32, #tpu.memory_space<vmem>>, vector<1x16xf32>,
      %swap3A_354 = vector.shape_cast %swap3A_353 : vector<1x16xf32> to vector<16xf32>
      %swap3A_355 = vector.shape_cast %mul3A_350 : vector<16xf32> to vector<1x16xf32>
      tpu.vector_store %arg7[%swap3A_351, %swap3A_352], %swap3A_355 {strides = array<i32>} : memref<128x128xf32, #tpu.memory_space<vmem>>, vector<1x16xf32>,
      %get3A_356 = arith.constant 0 : i32
      %get3A_357 = arith.constant 100 : i32
      %get3A_358 = arith.constant 0 : i32
      %get3A_359 = arith.constant 0 : i32
      %get3A_360 = tpu.memref_slice %arg6[%get3A_356, %get3A_358, %get3A_359] : memref<2x200x128xf32, #tpu.memory_space<vmem>> -> memref<1x200x128xf32, #tpu.memory_space<vmem>>
      %get3A_361 = tpu.memref_squeeze %get3A_360 : memref<1x200x128xf32, #tpu.memory_space<vmem>> -> memref<200x128xf32, #tpu.memory_space<vmem>>
      %get3A_362 = arith.index_cast %get3A_357 : i32 to index
      %get3A_363 = arith.constant 0 : index
      %get3A_364 = tpu.vector_load %get3A_361[%get3A_362, %get3A_363] {strides = array<i32>} : memref<200x128xf32, #tpu.memory_space<vmem>>, vector<1x16xf32>,
      %get3A_365 = vector.shape_cast %get3A_364 : vector<1x16xf32> to vector<16xf32>
      %get3A_366 = arith.constant 0 : i32
      %get3A_367 = arith.constant 100 : i32
      %get3A_368 = arith.constant 0 : i32
      %get3A_369 = arith.constant 0 : i32
      %get3A_370 = tpu.memref_slice %arg6[%get3A_366, %get3A_368, %get3A_369] : memref<2x200x128xf32, #tpu.memory_space<vmem>> -> memref<1x200x128xf32, #tpu.memory_space<vmem>>
      %get3A_371 = tpu.memref_squeeze %get3A_370 : memref<1x200x128xf32, #tpu.memory_space<vmem>> -> memref<200x128xf32, #tpu.memory_space<vmem>>
      %get3A_372 = arith.index_cast %get3A_367 : i32 to index
      %get3A_373 = arith.constant 16 : index
      %get3A_374 = tpu.vector_load %get3A_371[%get3A_372, %get3A_373] {strides = array<i32>} : memref<200x128xf32, #tpu.memory_space<vmem>>, vector<1x16xf32>,
      %get3A_375 = vector.shape_cast %get3A_374 : vector<1x16xf32> to vector<16xf32>
      %get3A_376 = arith.constant 0 : i32
      %get3A_377 = arith.constant 100 : i32
      %get3A_378 = arith.constant 0 : i32
      %get3A_379 = arith.constant 0 : i32
      %get3A_380 = tpu.memref_slice %arg6[%get3A_376, %get3A_378, %get3A_379] : memref<2x200x128xf32, #tpu.memory_space<vmem>> -> memref<1x200x128xf32, #tpu.memory_space<vmem>>
      %get3A_381 = tpu.memref_squeeze %get3A_380 : memref<1x200x128xf32, #tpu.memory_space<vmem>> -> memref<200x128xf32, #tpu.memory_space<vmem>>
      %get3A_382 = arith.index_cast %get3A_377 : i32 to index
      %get3A_383 = arith.constant 32 : index
      %get3A_384 = tpu.vector_load %get3A_381[%get3A_382, %get3A_383] {strides = array<i32>} : memref<200x128xf32, #tpu.memory_space<vmem>>, vector<1x16xf32>,
      %get3A_385 = vector.shape_cast %get3A_384 : vector<1x16xf32> to vector<16xf32>
      %get3A_386 = arith.constant 0 : i32
      %get3A_387 = arith.constant 100 : i32
      %get3A_388 = arith.constant 0 : i32
      %get3A_389 = arith.constant 0 : i32
      %get3A_390 = tpu.memref_slice %arg6[%get3A_386, %get3A_388, %get3A_389] : memref<2x200x128xf32, #tpu.memory_space<vmem>> -> memref<1x200x128xf32, #tpu.memory_space<vmem>>
      %get3A_391 = tpu.memref_squeeze %get3A_390 : memref<1x200x128xf32, #tpu.memory_space<vmem>> -> memref<200x128xf32, #tpu.memory_space<vmem>>
      %get3A_392 = arith.index_cast %get3A_387 : i32 to index
      %get3A_393 = arith.constant 48 : index
      %get3A_394 = tpu.vector_load %get3A_391[%get3A_392, %get3A_393] {strides = array<i32>} : memref<200x128xf32, #tpu.memory_space<vmem>>, vector<1x16xf32>,
      %get3A_395 = vector.shape_cast %get3A_394 : vector<1x16xf32> to vector<16xf32>
      %get3A_396 = arith.constant 0 : i32
      %get3A_397 = arith.constant 100 : i32
      %get3A_398 = arith.constant 0 : i32
      %get3A_399 = arith.constant 0 : i32
      %get3A_400 = tpu.memref_slice %arg6[%get3A_396, %get3A_398, %get3A_399] : memref<2x200x128xf32, #tpu.memory_space<vmem>> -> memref<1x200x128xf32, #tpu.memory_space<vmem>>
      %get3A_401 = tpu.memref_squeeze %get3A_400 : memref<1x200x128xf32, #tpu.memory_space<vmem>> -> memref<200x128xf32, #tpu.memory_space<vmem>>
      %get3A_402 = arith.index_cast %get3A_397 : i32 to index
      %get3A_403 = arith.constant 64 : index
      %get3A_404 = tpu.vector_load %get3A_401[%get3A_402, %get3A_403] {strides = array<i32>} : memref<200x128xf32, #tpu.memory_space<vmem>>, vector<1x16xf32>,
      %get3A_405 = vector.shape_cast %get3A_404 : vector<1x16xf32> to vector<16xf32>
      %get3A_406 = arith.constant 0 : i32
      %get3A_407 = arith.constant 100 : i32
      %get3A_408 = arith.constant 0 : i32
      %get3A_409 = arith.constant 0 : i32
      %get3A_410 = tpu.memref_slice %arg6[%get3A_406, %get3A_408, %get3A_409] : memref<2x200x128xf32, #tpu.memory_space<vmem>> -> memref<1x200x128xf32, #tpu.memory_space<vmem>>
      %get3A_411 = tpu.memref_squeeze %get3A_410 : memref<1x200x128xf32, #tpu.memory_space<vmem>> -> memref<200x128xf32, #tpu.memory_space<vmem>>
      %get3A_412 = arith.index_cast %get3A_407 : i32 to index
      %get3A_413 = arith.constant 80 : index
      %get3A_414 = tpu.vector_load %get3A_411[%get3A_412, %get3A_413] {strides = array<i32>} : memref<200x128xf32, #tpu.memory_space<vmem>>, vector<1x16xf32>,
      %get3A_415 = vector.shape_cast %get3A_414 : vector<1x16xf32> to vector<16xf32>
      %get3A_416 = arith.constant 0 : i32
      %get3A_417 = arith.constant 100 : i32
      %get3A_418 = arith.constant 0 : i32
      %get3A_419 = arith.constant 0 : i32
      %get3A_420 = tpu.memref_slice %arg6[%get3A_416, %get3A_418, %get3A_419] : memref<2x200x128xf32, #tpu.memory_space<vmem>> -> memref<1x200x128xf32, #tpu.memory_space<vmem>>
      %get3A_421 = tpu.memref_squeeze %get3A_420 : memref<1x200x128xf32, #tpu.memory_space<vmem>> -> memref<200x128xf32, #tpu.memory_space<vmem>>
      %get3A_422 = arith.index_cast %get3A_417 : i32 to index
      %get3A_423 = arith.constant 96 : index
      %get3A_424 = tpu.vector_load %get3A_421[%get3A_422, %get3A_423] {strides = array<i32>} : memref<200x128xf32, #tpu.memory_space<vmem>>, vector<1x16xf32>,
      %get3A_425 = vector.shape_cast %get3A_424 : vector<1x16xf32> to vector<16xf32>
      %get3A_426 = arith.constant 0 : i32
      %get3A_427 = arith.constant 100 : i32
      %get3A_428 = arith.constant 0 : i32
      %get3A_429 = arith.constant 0 : i32
      %get3A_430 = tpu.memref_slice %arg6[%get3A_426, %get3A_428, %get3A_429] : memref<2x200x128xf32, #tpu.memory_space<vmem>> -> memref<1x200x128xf32, #tpu.memory_space<vmem>>
      %get3A_431 = tpu.memref_squeeze %get3A_430 : memref<1x200x128xf32, #tpu.memory_space<vmem>> -> memref<200x128xf32, #tpu.memory_space<vmem>>
      %get3A_432 = arith.index_cast %get3A_427 : i32 to index
      %get3A_433 = arith.constant 112 : index
      %get3A_434 = tpu.vector_load %get3A_431[%get3A_432, %get3A_433] {strides = array<i32>} : memref<200x128xf32, #tpu.memory_space<vmem>>, vector<1x16xf32>,
      %get3A_435 = vector.shape_cast %get3A_434 : vector<1x16xf32> to vector<16xf32>
      %scan3A_436 = arith.constant 0 : i32
      %scan3A_437 = arith.constant 1 : i32
      %scan3A_438 = arith.constant 49 : i32
      %scan3A_439 = arith.addi %scan3A_437, %scan3A_438 : i32
      %scan3A_440 = arith.constant 1 : i32
      %scan3A_441:8 = scf.for %scan3A_1279 = %scan3A_437 to %scan3A_439 step %scan3A_440 iter_args(%scan3A_1280 = %get3A_365, %scan3A_1281 = %get3A_375, %scan3A_1282 = %get3A_385, %scan3A_1283 = %get3A_395, %scan3A_1284 = %get3A_405, %scan3A_1285 = %get3A_415, %scan3A_1286 = %get3A_425, %scan3A_1287 = %get3A_435) -> (vector<16xf32>, vector<16xf32>, vector<16xf32>, vector<16xf32>, vector<16xf32>, vector<16xf32>, vector<16xf32>, vector<16xf32>)  : i32 {
        %add3A_1288 = arith.constant 100 : i32
        %add3A_1289 = arith.addi %add3A_1288, %scan3A_1279 : i32
        %get3A_1290 = arith.constant 0 : i32
        %get3A_1291 = arith.constant 0 : i32
        %get3A_1292 = tpu.memref_slice %arg6[%scan3A_436, %get3A_1290, %get3A_1291] : memref<2x200x128xf32, #tpu.memory_space<vmem>> -> memref<1x200x128xf32, #tpu.memory_space<vmem>>
        %get3A_1293 = tpu.memref_squeeze %get3A_1292 : memref<1x200x128xf32, #tpu.memory_space<vmem>> -> memref<200x128xf32, #tpu.memory_space<vmem>>
        %get3A_1294 = arith.index_cast %add3A_1289 : i32 to index
        %get3A_1295 = arith.constant 0 : index
        %get3A_1296 = tpu.vector_load %get3A_1293[%get3A_1294, %get3A_1295] {strides = array<i32>} : memref<200x128xf32, #tpu.memory_space<vmem>>, vector<1x16xf32>,
        %get3A_1297 = vector.shape_cast %get3A_1296 : vector<1x16xf32> to vector<16xf32>
        %add3A_1298 = arith.addf %scan3A_1280, %get3A_1297 : vector<16xf32>
        %add3A_1299 = arith.constant 100 : i32
        %add3A_1300 = arith.addi %add3A_1299, %scan3A_1279 : i32
        %get3A_1301 = arith.constant 0 : i32
        %get3A_1302 = arith.constant 0 : i32
        %get3A_1303 = tpu.memref_slice %arg6[%scan3A_436, %get3A_1301, %get3A_1302] : memref<2x200x128xf32, #tpu.memory_space<vmem>> -> memref<1x200x128xf32, #tpu.memory_space<vmem>>
        %get3A_1304 = tpu.memref_squeeze %get3A_1303 : memref<1x200x128xf32, #tpu.memory_space<vmem>> -> memref<200x128xf32, #tpu.memory_space<vmem>>
        %get3A_1305 = arith.index_cast %add3A_1300 : i32 to index
        %get3A_1306 = arith.constant 16 : index
        %get3A_1307 = tpu.vector_load %get3A_1304[%get3A_1305, %get3A_1306] {strides = array<i32>} : memref<200x128xf32, #tpu.memory_space<vmem>>, vector<1x16xf32>,
        %get3A_1308 = vector.shape_cast %get3A_1307 : vector<1x16xf32> to vector<16xf32>
        %add3A_1309 = arith.addf %scan3A_1281, %get3A_1308 : vector<16xf32>
        %add3A_1310 = arith.constant 100 : i32
        %add3A_1311 = arith.addi %add3A_1310, %scan3A_1279 : i32
        %get3A_1312 = arith.constant 0 : i32
        %get3A_1313 = arith.constant 0 : i32
        %get3A_1314 = tpu.memref_slice %arg6[%scan3A_436, %get3A_1312, %get3A_1313] : memref<2x200x128xf32, #tpu.memory_space<vmem>> -> memref<1x200x128xf32, #tpu.memory_space<vmem>>
        %get3A_1315 = tpu.memref_squeeze %get3A_1314 : memref<1x200x128xf32, #tpu.memory_space<vmem>> -> memref<200x128xf32, #tpu.memory_space<vmem>>
        %get3A_1316 = arith.index_cast %add3A_1311 : i32 to index
        %get3A_1317 = arith.constant 32 : index
        %get3A_1318 = tpu.vector_load %get3A_1315[%get3A_1316, %get3A_1317] {strides = array<i32>} : memref<200x128xf32, #tpu.memory_space<vmem>>, vector<1x16xf32>,
        %get3A_1319 = vector.shape_cast %get3A_1318 : vector<1x16xf32> to vector<16xf32>
        %add3A_1320 = arith.addf %scan3A_1282, %get3A_1319 : vector<16xf32>
        %add3A_1321 = arith.constant 100 : i32
        %add3A_1322 = arith.addi %add3A_1321, %scan3A_1279 : i32
        %get3A_1323 = arith.constant 0 : i32
        %get3A_1324 = arith.constant 0 : i32
        %get3A_1325 = tpu.memref_slice %arg6[%scan3A_436, %get3A_1323, %get3A_1324] : memref<2x200x128xf32, #tpu.memory_space<vmem>> -> memref<1x200x128xf32, #tpu.memory_space<vmem>>
        %get3A_1326 = tpu.memref_squeeze %get3A_1325 : memref<1x200x128xf32, #tpu.memory_space<vmem>> -> memref<200x128xf32, #tpu.memory_space<vmem>>
        %get3A_1327 = arith.index_cast %add3A_1322 : i32 to index
        %get3A_1328 = arith.constant 48 : index
        %get3A_1329 = tpu.vector_load %get3A_1326[%get3A_1327, %get3A_1328] {strides = array<i32>} : memref<200x128xf32, #tpu.memory_space<vmem>>, vector<1x16xf32>,
        %get3A_1330 = vector.shape_cast %get3A_1329 : vector<1x16xf32> to vector<16xf32>
        %add3A_1331 = arith.addf %scan3A_1283, %get3A_1330 : vector<16xf32>
        %add3A_1332 = arith.constant 100 : i32
        %add3A_1333 = arith.addi %add3A_1332, %scan3A_1279 : i32
        %get3A_1334 = arith.constant 0 : i32
        %get3A_1335 = arith.constant 0 : i32
        %get3A_1336 = tpu.memref_slice %arg6[%scan3A_436, %get3A_1334, %get3A_1335] : memref<2x200x128xf32, #tpu.memory_space<vmem>> -> memref<1x200x128xf32, #tpu.memory_space<vmem>>
        %get3A_1337 = tpu.memref_squeeze %get3A_1336 : memref<1x200x128xf32, #tpu.memory_space<vmem>> -> memref<200x128xf32, #tpu.memory_space<vmem>>
        %get3A_1338 = arith.index_cast %add3A_1333 : i32 to index
        %get3A_1339 = arith.constant 64 : index
        %get3A_1340 = tpu.vector_load %get3A_1337[%get3A_1338, %get3A_1339] {strides = array<i32>} : memref<200x128xf32, #tpu.memory_space<vmem>>, vector<1x16xf32>,
        %get3A_1341 = vector.shape_cast %get3A_1340 : vector<1x16xf32> to vector<16xf32>
        %add3A_1342 = arith.addf %scan3A_1284, %get3A_1341 : vector<16xf32>
        %add3A_1343 = arith.constant 100 : i32
        %add3A_1344 = arith.addi %add3A_1343, %scan3A_1279 : i32
        %get3A_1345 = arith.constant 0 : i32
        %get3A_1346 = arith.constant 0 : i32
        %get3A_1347 = tpu.memref_slice %arg6[%scan3A_436, %get3A_1345, %get3A_1346] : memref<2x200x128xf32, #tpu.memory_space<vmem>> -> memref<1x200x128xf32, #tpu.memory_space<vmem>>
        %get3A_1348 = tpu.memref_squeeze %get3A_1347 : memref<1x200x128xf32, #tpu.memory_space<vmem>> -> memref<200x128xf32, #tpu.memory_space<vmem>>
        %get3A_1349 = arith.index_cast %add3A_1344 : i32 to index
        %get3A_1350 = arith.constant 80 : index
        %get3A_1351 = tpu.vector_load %get3A_1348[%get3A_1349, %get3A_1350] {strides = array<i32>} : memref<200x128xf32, #tpu.memory_space<vmem>>, vector<1x16xf32>,
        %get3A_1352 = vector.shape_cast %get3A_1351 : vector<1x16xf32> to vector<16xf32>
        %add3A_1353 = arith.addf %scan3A_1285, %get3A_1352 : vector<16xf32>
        %add3A_1354 = arith.constant 100 : i32
        %add3A_1355 = arith.addi %add3A_1354, %scan3A_1279 : i32
        %get3A_1356 = arith.constant 0 : i32
        %get3A_1357 = arith.constant 0 : i32
        %get3A_1358 = tpu.memref_slice %arg6[%scan3A_436, %get3A_1356, %get3A_1357] : memref<2x200x128xf32, #tpu.memory_space<vmem>> -> memref<1x200x128xf32, #tpu.memory_space<vmem>>
        %get3A_1359 = tpu.memref_squeeze %get3A_1358 : memref<1x200x128xf32, #tpu.memory_space<vmem>> -> memref<200x128xf32, #tpu.memory_space<vmem>>
        %get3A_1360 = arith.index_cast %add3A_1355 : i32 to index
        %get3A_1361 = arith.constant 96 : index
        %get3A_1362 = tpu.vector_load %get3A_1359[%get3A_1360, %get3A_1361] {strides = array<i32>} : memref<200x128xf32, #tpu.memory_space<vmem>>, vector<1x16xf32>,
        %get3A_1363 = vector.shape_cast %get3A_1362 : vector<1x16xf32> to vector<16xf32>
        %add3A_1364 = arith.addf %scan3A_1286, %get3A_1363 : vector<16xf32>
        %add3A_1365 = arith.constant 100 : i32
        %add3A_1366 = arith.addi %add3A_1365, %scan3A_1279 : i32
        %get3A_1367 = arith.constant 0 : i32
        %get3A_1368 = arith.constant 0 : i32
        %get3A_1369 = tpu.memref_slice %arg6[%scan3A_436, %get3A_1367, %get3A_1368] : memref<2x200x128xf32, #tpu.memory_space<vmem>> -> memref<1x200x128xf32, #tpu.memory_space<vmem>>
        %get3A_1370 = tpu.memref_squeeze %get3A_1369 : memref<1x200x128xf32, #tpu.memory_space<vmem>> -> memref<200x128xf32, #tpu.memory_space<vmem>>
        %get3A_1371 = arith.index_cast %add3A_1366 : i32 to index
        %get3A_1372 = arith.constant 112 : index
        %get3A_1373 = tpu.vector_load %get3A_1370[%get3A_1371, %get3A_1372] {strides = array<i32>} : memref<200x128xf32, #tpu.memory_space<vmem>>, vector<1x16xf32>,
        %get3A_1374 = vector.shape_cast %get3A_1373 : vector<1x16xf32> to vector<16xf32>
        %add3A_1375 = arith.addf %scan3A_1287, %get3A_1374 : vector<16xf32>
        scf.yield %add3A_1298, %add3A_1309, %add3A_1320, %add3A_1331, %add3A_1342, %add3A_1353, %add3A_1364, %add3A_1375 : vector<16xf32>, vector<16xf32>, vector<16xf32>, vector<16xf32>, vector<16xf32>, vector<16xf32>, vector<16xf32>, vector<16xf32>
      }
      %scan3A_442 = arith.constant 49 : i32
      %mul3A_443 = arith.constant 4 : i32
      %mul3A_444 = arith.muli %add3A_53, %mul3A_443 : i32
      %add3A_445 = arith.constant 2 : i32
      %add3A_446 = arith.addi %mul3A_444, %add3A_445 : i32
      %mul3A_447 = vector.broadcast %scan3A_22 : f32 to vector<16xf32>
      %mul3A_448 = arith.mulf %scan3A_441#0, %mul3A_447 : vector<16xf32>
      %swap3A_449 = arith.index_cast %add3A_446 : i32 to index
      %swap3A_450 = arith.constant 0 : index
      %swap3A_451 = tpu.vector_load %arg7[%swap3A_449, %swap3A_450] {strides = array<i32>} : memref<128x128xf32, #tpu.memory_space<vmem>>, vector<1x16xf32>,
      %swap3A_452 = vector.shape_cast %swap3A_451 : vector<1x16xf32> to vector<16xf32>
      %swap3A_453 = vector.shape_cast %mul3A_448 : vector<16xf32> to vector<1x16xf32>
      tpu.vector_store %arg7[%swap3A_449, %swap3A_450], %swap3A_453 {strides = array<i32>} : memref<128x128xf32, #tpu.memory_space<vmem>>, vector<1x16xf32>,
      %mul3A_454 = vector.broadcast %scan3A_22 : f32 to vector<16xf32>
      %mul3A_455 = arith.mulf %scan3A_441#1, %mul3A_454 : vector<16xf32>
      %swap3A_456 = arith.index_cast %add3A_446 : i32 to index
      %swap3A_457 = arith.constant 16 : index
      %swap3A_458 = tpu.vector_load %arg7[%swap3A_456, %swap3A_457] {strides = array<i32>} : memref<128x128xf32, #tpu.memory_space<vmem>>, vector<1x16xf32>,
      %swap3A_459 = vector.shape_cast %swap3A_458 : vector<1x16xf32> to vector<16xf32>
      %swap3A_460 = vector.shape_cast %mul3A_455 : vector<16xf32> to vector<1x16xf32>
      tpu.vector_store %arg7[%swap3A_456, %swap3A_457], %swap3A_460 {strides = array<i32>} : memref<128x128xf32, #tpu.memory_space<vmem>>, vector<1x16xf32>,
      %mul3A_461 = vector.broadcast %scan3A_22 : f32 to vector<16xf32>
      %mul3A_462 = arith.mulf %scan3A_441#2, %mul3A_461 : vector<16xf32>
      %swap3A_463 = arith.index_cast %add3A_446 : i32 to index
      %swap3A_464 = arith.constant 32 : index
      %swap3A_465 = tpu.vector_load %arg7[%swap3A_463, %swap3A_464] {strides = array<i32>} : memref<128x128xf32, #tpu.memory_space<vmem>>, vector<1x16xf32>,
      %swap3A_466 = vector.shape_cast %swap3A_465 : vector<1x16xf32> to vector<16xf32>
      %swap3A_467 = vector.shape_cast %mul3A_462 : vector<16xf32> to vector<1x16xf32>
      tpu.vector_store %arg7[%swap3A_463, %swap3A_464], %swap3A_467 {strides = array<i32>} : memref<128x128xf32, #tpu.memory_space<vmem>>, vector<1x16xf32>,
      %mul3A_468 = vector.broadcast %scan3A_22 : f32 to vector<16xf32>
      %mul3A_469 = arith.mulf %scan3A_441#3, %mul3A_468 : vector<16xf32>
      %swap3A_470 = arith.index_cast %add3A_446 : i32 to index
      %swap3A_471 = arith.constant 48 : index
      %swap3A_472 = tpu.vector_load %arg7[%swap3A_470, %swap3A_471] {strides = array<i32>} : memref<128x128xf32, #tpu.memory_space<vmem>>, vector<1x16xf32>,
      %swap3A_473 = vector.shape_cast %swap3A_472 : vector<1x16xf32> to vector<16xf32>
      %swap3A_474 = vector.shape_cast %mul3A_469 : vector<16xf32> to vector<1x16xf32>
      tpu.vector_store %arg7[%swap3A_470, %swap3A_471], %swap3A_474 {strides = array<i32>} : memref<128x128xf32, #tpu.memory_space<vmem>>, vector<1x16xf32>,
      %mul3A_475 = vector.broadcast %scan3A_22 : f32 to vector<16xf32>
      %mul3A_476 = arith.mulf %scan3A_441#4, %mul3A_475 : vector<16xf32>
      %swap3A_477 = arith.index_cast %add3A_446 : i32 to index
      %swap3A_478 = arith.constant 64 : index
      %swap3A_479 = tpu.vector_load %arg7[%swap3A_477, %swap3A_478] {strides = array<i32>} : memref<128x128xf32, #tpu.memory_space<vmem>>, vector<1x16xf32>,
      %swap3A_480 = vector.shape_cast %swap3A_479 : vector<1x16xf32> to vector<16xf32>
      %swap3A_481 = vector.shape_cast %mul3A_476 : vector<16xf32> to vector<1x16xf32>
      tpu.vector_store %arg7[%swap3A_477, %swap3A_478], %swap3A_481 {strides = array<i32>} : memref<128x128xf32, #tpu.memory_space<vmem>>, vector<1x16xf32>,
      %mul3A_482 = vector.broadcast %scan3A_22 : f32 to vector<16xf32>
      %mul3A_483 = arith.mulf %scan3A_441#5, %mul3A_482 : vector<16xf32>
      %swap3A_484 = arith.index_cast %add3A_446 : i32 to index
      %swap3A_485 = arith.constant 80 : index
      %swap3A_486 = tpu.vector_load %arg7[%swap3A_484, %swap3A_485] {strides = array<i32>} : memref<128x128xf32, #tpu.memory_space<vmem>>, vector<1x16xf32>,
      %swap3A_487 = vector.shape_cast %swap3A_486 : vector<1x16xf32> to vector<16xf32>
      %swap3A_488 = vector.shape_cast %mul3A_483 : vector<16xf32> to vector<1x16xf32>
      tpu.vector_store %arg7[%swap3A_484, %swap3A_485], %swap3A_488 {strides = array<i32>} : memref<128x128xf32, #tpu.memory_space<vmem>>, vector<1x16xf32>,
      %mul3A_489 = vector.broadcast %scan3A_22 : f32 to vector<16xf32>
      %mul3A_490 = arith.mulf %scan3A_441#6, %mul3A_489 : vector<16xf32>
      %swap3A_491 = arith.index_cast %add3A_446 : i32 to index
      %swap3A_492 = arith.constant 96 : index
      %swap3A_493 = tpu.vector_load %arg7[%swap3A_491, %swap3A_492] {strides = array<i32>} : memref<128x128xf32, #tpu.memory_space<vmem>>, vector<1x16xf32>,
      %swap3A_494 = vector.shape_cast %swap3A_493 : vector<1x16xf32> to vector<16xf32>
      %swap3A_495 = vector.shape_cast %mul3A_490 : vector<16xf32> to vector<1x16xf32>
      tpu.vector_store %arg7[%swap3A_491, %swap3A_492], %swap3A_495 {strides = array<i32>} : memref<128x128xf32, #tpu.memory_space<vmem>>, vector<1x16xf32>,
      %mul3A_496 = vector.broadcast %scan3A_22 : f32 to vector<16xf32>
      %mul3A_497 = arith.mulf %scan3A_441#7, %mul3A_496 : vector<16xf32>
      %swap3A_498 = arith.index_cast %add3A_446 : i32 to index
      %swap3A_499 = arith.constant 112 : index
      %swap3A_500 = tpu.vector_load %arg7[%swap3A_498, %swap3A_499] {strides = array<i32>} : memref<128x128xf32, #tpu.memory_space<vmem>>, vector<1x16xf32>,
      %swap3A_501 = vector.shape_cast %swap3A_500 : vector<1x16xf32> to vector<16xf32>
      %swap3A_502 = vector.shape_cast %mul3A_497 : vector<16xf32> to vector<1x16xf32>
      tpu.vector_store %arg7[%swap3A_498, %swap3A_499], %swap3A_502 {strides = array<i32>} : memref<128x128xf32, #tpu.memory_space<vmem>>, vector<1x16xf32>,
      %get3A_503 = arith.constant 0 : i32
      %get3A_504 = arith.constant 150 : i32
      %get3A_505 = arith.constant 0 : i32
      %get3A_506 = arith.constant 0 : i32
      %get3A_507 = tpu.memref_slice %arg6[%get3A_503, %get3A_505, %get3A_506] : memref<2x200x128xf32, #tpu.memory_space<vmem>> -> memref<1x200x128xf32, #tpu.memory_space<vmem>>
      %get3A_508 = tpu.memref_squeeze %get3A_507 : memref<1x200x128xf32, #tpu.memory_space<vmem>> -> memref<200x128xf32, #tpu.memory_space<vmem>>
      %get3A_509 = arith.index_cast %get3A_504 : i32 to index
      %get3A_510 = arith.constant 0 : index
      %get3A_511 = tpu.vector_load %get3A_508[%get3A_509, %get3A_510] {strides = array<i32>} : memref<200x128xf32, #tpu.memory_space<vmem>>, vector<1x16xf32>,
      %get3A_512 = vector.shape_cast %get3A_511 : vector<1x16xf32> to vector<16xf32>
      %get3A_513 = arith.constant 0 : i32
      %get3A_514 = arith.constant 150 : i32
      %get3A_515 = arith.constant 0 : i32
      %get3A_516 = arith.constant 0 : i32
      %get3A_517 = tpu.memref_slice %arg6[%get3A_513, %get3A_515, %get3A_516] : memref<2x200x128xf32, #tpu.memory_space<vmem>> -> memref<1x200x128xf32, #tpu.memory_space<vmem>>
      %get3A_518 = tpu.memref_squeeze %get3A_517 : memref<1x200x128xf32, #tpu.memory_space<vmem>> -> memref<200x128xf32, #tpu.memory_space<vmem>>
      %get3A_519 = arith.index_cast %get3A_514 : i32 to index
      %get3A_520 = arith.constant 16 : index
      %get3A_521 = tpu.vector_load %get3A_518[%get3A_519, %get3A_520] {strides = array<i32>} : memref<200x128xf32, #tpu.memory_space<vmem>>, vector<1x16xf32>,
      %get3A_522 = vector.shape_cast %get3A_521 : vector<1x16xf32> to vector<16xf32>
      %get3A_523 = arith.constant 0 : i32
      %get3A_524 = arith.constant 150 : i32
      %get3A_525 = arith.constant 0 : i32
      %get3A_526 = arith.constant 0 : i32
      %get3A_527 = tpu.memref_slice %arg6[%get3A_523, %get3A_525, %get3A_526] : memref<2x200x128xf32, #tpu.memory_space<vmem>> -> memref<1x200x128xf32, #tpu.memory_space<vmem>>
      %get3A_528 = tpu.memref_squeeze %get3A_527 : memref<1x200x128xf32, #tpu.memory_space<vmem>> -> memref<200x128xf32, #tpu.memory_space<vmem>>
      %get3A_529 = arith.index_cast %get3A_524 : i32 to index
      %get3A_530 = arith.constant 32 : index
      %get3A_531 = tpu.vector_load %get3A_528[%get3A_529, %get3A_530] {strides = array<i32>} : memref<200x128xf32, #tpu.memory_space<vmem>>, vector<1x16xf32>,
      %get3A_532 = vector.shape_cast %get3A_531 : vector<1x16xf32> to vector<16xf32>
      %get3A_533 = arith.constant 0 : i32
      %get3A_534 = arith.constant 150 : i32
      %get3A_535 = arith.constant 0 : i32
      %get3A_536 = arith.constant 0 : i32
      %get3A_537 = tpu.memref_slice %arg6[%get3A_533, %get3A_535, %get3A_536] : memref<2x200x128xf32, #tpu.memory_space<vmem>> -> memref<1x200x128xf32, #tpu.memory_space<vmem>>
      %get3A_538 = tpu.memref_squeeze %get3A_537 : memref<1x200x128xf32, #tpu.memory_space<vmem>> -> memref<200x128xf32, #tpu.memory_space<vmem>>
      %get3A_539 = arith.index_cast %get3A_534 : i32 to index
      %get3A_540 = arith.constant 48 : index
      %get3A_541 = tpu.vector_load %get3A_538[%get3A_539, %get3A_540] {strides = array<i32>} : memref<200x128xf32, #tpu.memory_space<vmem>>, vector<1x16xf32>,
      %get3A_542 = vector.shape_cast %get3A_541 : vector<1x16xf32> to vector<16xf32>
      %get3A_543 = arith.constant 0 : i32
      %get3A_544 = arith.constant 150 : i32
      %get3A_545 = arith.constant 0 : i32
      %get3A_546 = arith.constant 0 : i32
      %get3A_547 = tpu.memref_slice %arg6[%get3A_543, %get3A_545, %get3A_546] : memref<2x200x128xf32, #tpu.memory_space<vmem>> -> memref<1x200x128xf32, #tpu.memory_space<vmem>>
      %get3A_548 = tpu.memref_squeeze %get3A_547 : memref<1x200x128xf32, #tpu.memory_space<vmem>> -> memref<200x128xf32, #tpu.memory_space<vmem>>
      %get3A_549 = arith.index_cast %get3A_544 : i32 to index
      %get3A_550 = arith.constant 64 : index
      %get3A_551 = tpu.vector_load %get3A_548[%get3A_549, %get3A_550] {strides = array<i32>} : memref<200x128xf32, #tpu.memory_space<vmem>>, vector<1x16xf32>,
      %get3A_552 = vector.shape_cast %get3A_551 : vector<1x16xf32> to vector<16xf32>
      %get3A_553 = arith.constant 0 : i32
      %get3A_554 = arith.constant 150 : i32
      %get3A_555 = arith.constant 0 : i32
      %get3A_556 = arith.constant 0 : i32
      %get3A_557 = tpu.memref_slice %arg6[%get3A_553, %get3A_555, %get3A_556] : memref<2x200x128xf32, #tpu.memory_space<vmem>> -> memref<1x200x128xf32, #tpu.memory_space<vmem>>
      %get3A_558 = tpu.memref_squeeze %get3A_557 : memref<1x200x128xf32, #tpu.memory_space<vmem>> -> memref<200x128xf32, #tpu.memory_space<vmem>>
      %get3A_559 = arith.index_cast %get3A_554 : i32 to index
      %get3A_560 = arith.constant 80 : index
      %get3A_561 = tpu.vector_load %get3A_558[%get3A_559, %get3A_560] {strides = array<i32>} : memref<200x128xf32, #tpu.memory_space<vmem>>, vector<1x16xf32>,
      %get3A_562 = vector.shape_cast %get3A_561 : vector<1x16xf32> to vector<16xf32>
      %get3A_563 = arith.constant 0 : i32
      %get3A_564 = arith.constant 150 : i32
      %get3A_565 = arith.constant 0 : i32
      %get3A_566 = arith.constant 0 : i32
      %get3A_567 = tpu.memref_slice %arg6[%get3A_563, %get3A_565, %get3A_566] : memref<2x200x128xf32, #tpu.memory_space<vmem>> -> memref<1x200x128xf32, #tpu.memory_space<vmem>>
      %get3A_568 = tpu.memref_squeeze %get3A_567 : memref<1x200x128xf32, #tpu.memory_space<vmem>> -> memref<200x128xf32, #tpu.memory_space<vmem>>
      %get3A_569 = arith.index_cast %get3A_564 : i32 to index
      %get3A_570 = arith.constant 96 : index
      %get3A_571 = tpu.vector_load %get3A_568[%get3A_569, %get3A_570] {strides = array<i32>} : memref<200x128xf32, #tpu.memory_space<vmem>>, vector<1x16xf32>,
      %get3A_572 = vector.shape_cast %get3A_571 : vector<1x16xf32> to vector<16xf32>
      %get3A_573 = arith.constant 0 : i32
      %get3A_574 = arith.constant 150 : i32
      %get3A_575 = arith.constant 0 : i32
      %get3A_576 = arith.constant 0 : i32
      %get3A_577 = tpu.memref_slice %arg6[%get3A_573, %get3A_575, %get3A_576] : memref<2x200x128xf32, #tpu.memory_space<vmem>> -> memref<1x200x128xf32, #tpu.memory_space<vmem>>
      %get3A_578 = tpu.memref_squeeze %get3A_577 : memref<1x200x128xf32, #tpu.memory_space<vmem>> -> memref<200x128xf32, #tpu.memory_space<vmem>>
      %get3A_579 = arith.index_cast %get3A_574 : i32 to index
      %get3A_580 = arith.constant 112 : index
      %get3A_581 = tpu.vector_load %get3A_578[%get3A_579, %get3A_580] {strides = array<i32>} : memref<200x128xf32, #tpu.memory_space<vmem>>, vector<1x16xf32>,
      %get3A_582 = vector.shape_cast %get3A_581 : vector<1x16xf32> to vector<16xf32>
      %scan3A_583 = arith.constant 0 : i32
      %scan3A_584 = arith.constant 1 : i32
      %scan3A_585 = arith.constant 49 : i32
      %scan3A_586 = arith.addi %scan3A_584, %scan3A_585 : i32
      %scan3A_587 = arith.constant 1 : i32
      %scan3A_588:8 = scf.for %scan3A_1279 = %scan3A_584 to %scan3A_586 step %scan3A_587 iter_args(%scan3A_1280 = %get3A_512, %scan3A_1281 = %get3A_522, %scan3A_1282 = %get3A_532, %scan3A_1283 = %get3A_542, %scan3A_1284 = %get3A_552, %scan3A_1285 = %get3A_562, %scan3A_1286 = %get3A_572, %scan3A_1287 = %get3A_582) -> (vector<16xf32>, vector<16xf32>, vector<16xf32>, vector<16xf32>, vector<16xf32>, vector<16xf32>, vector<16xf32>, vector<16xf32>)  : i32 {
        %add3A_1288 = arith.constant 150 : i32
        %add3A_1289 = arith.addi %add3A_1288, %scan3A_1279 : i32
        %get3A_1290 = arith.constant 0 : i32
        %get3A_1291 = arith.constant 0 : i32
        %get3A_1292 = tpu.memref_slice %arg6[%scan3A_583, %get3A_1290, %get3A_1291] : memref<2x200x128xf32, #tpu.memory_space<vmem>> -> memref<1x200x128xf32, #tpu.memory_space<vmem>>
        %get3A_1293 = tpu.memref_squeeze %get3A_1292 : memref<1x200x128xf32, #tpu.memory_space<vmem>> -> memref<200x128xf32, #tpu.memory_space<vmem>>
        %get3A_1294 = arith.index_cast %add3A_1289 : i32 to index
        %get3A_1295 = arith.constant 0 : index
        %get3A_1296 = tpu.vector_load %get3A_1293[%get3A_1294, %get3A_1295] {strides = array<i32>} : memref<200x128xf32, #tpu.memory_space<vmem>>, vector<1x16xf32>,
        %get3A_1297 = vector.shape_cast %get3A_1296 : vector<1x16xf32> to vector<16xf32>
        %add3A_1298 = arith.addf %scan3A_1280, %get3A_1297 : vector<16xf32>
        %add3A_1299 = arith.constant 150 : i32
        %add3A_1300 = arith.addi %add3A_1299, %scan3A_1279 : i32
        %get3A_1301 = arith.constant 0 : i32
        %get3A_1302 = arith.constant 0 : i32
        %get3A_1303 = tpu.memref_slice %arg6[%scan3A_583, %get3A_1301, %get3A_1302] : memref<2x200x128xf32, #tpu.memory_space<vmem>> -> memref<1x200x128xf32, #tpu.memory_space<vmem>>
        %get3A_1304 = tpu.memref_squeeze %get3A_1303 : memref<1x200x128xf32, #tpu.memory_space<vmem>> -> memref<200x128xf32, #tpu.memory_space<vmem>>
        %get3A_1305 = arith.index_cast %add3A_1300 : i32 to index
        %get3A_1306 = arith.constant 16 : index
        %get3A_1307 = tpu.vector_load %get3A_1304[%get3A_1305, %get3A_1306] {strides = array<i32>} : memref<200x128xf32, #tpu.memory_space<vmem>>, vector<1x16xf32>,
        %get3A_1308 = vector.shape_cast %get3A_1307 : vector<1x16xf32> to vector<16xf32>
        %add3A_1309 = arith.addf %scan3A_1281, %get3A_1308 : vector<16xf32>
        %add3A_1310 = arith.constant 150 : i32
        %add3A_1311 = arith.addi %add3A_1310, %scan3A_1279 : i32
        %get3A_1312 = arith.constant 0 : i32
        %get3A_1313 = arith.constant 0 : i32
        %get3A_1314 = tpu.memref_slice %arg6[%scan3A_583, %get3A_1312, %get3A_1313] : memref<2x200x128xf32, #tpu.memory_space<vmem>> -> memref<1x200x128xf32, #tpu.memory_space<vmem>>
        %get3A_1315 = tpu.memref_squeeze %get3A_1314 : memref<1x200x128xf32, #tpu.memory_space<vmem>> -> memref<200x128xf32, #tpu.memory_space<vmem>>
        %get3A_1316 = arith.index_cast %add3A_1311 : i32 to index
        %get3A_1317 = arith.constant 32 : index
        %get3A_1318 = tpu.vector_load %get3A_1315[%get3A_1316, %get3A_1317] {strides = array<i32>} : memref<200x128xf32, #tpu.memory_space<vmem>>, vector<1x16xf32>,
        %get3A_1319 = vector.shape_cast %get3A_1318 : vector<1x16xf32> to vector<16xf32>
        %add3A_1320 = arith.addf %scan3A_1282, %get3A_1319 : vector<16xf32>
        %add3A_1321 = arith.constant 150 : i32
        %add3A_1322 = arith.addi %add3A_1321, %scan3A_1279 : i32
        %get3A_1323 = arith.constant 0 : i32
        %get3A_1324 = arith.constant 0 : i32
        %get3A_1325 = tpu.memref_slice %arg6[%scan3A_583, %get3A_1323, %get3A_1324] : memref<2x200x128xf32, #tpu.memory_space<vmem>> -> memref<1x200x128xf32, #tpu.memory_space<vmem>>
        %get3A_1326 = tpu.memref_squeeze %get3A_1325 : memref<1x200x128xf32, #tpu.memory_space<vmem>> -> memref<200x128xf32, #tpu.memory_space<vmem>>
        %get3A_1327 = arith.index_cast %add3A_1322 : i32 to index
        %get3A_1328 = arith.constant 48 : index
        %get3A_1329 = tpu.vector_load %get3A_1326[%get3A_1327, %get3A_1328] {strides = array<i32>} : memref<200x128xf32, #tpu.memory_space<vmem>>, vector<1x16xf32>,
        %get3A_1330 = vector.shape_cast %get3A_1329 : vector<1x16xf32> to vector<16xf32>
        %add3A_1331 = arith.addf %scan3A_1283, %get3A_1330 : vector<16xf32>
        %add3A_1332 = arith.constant 150 : i32
        %add3A_1333 = arith.addi %add3A_1332, %scan3A_1279 : i32
        %get3A_1334 = arith.constant 0 : i32
        %get3A_1335 = arith.constant 0 : i32
        %get3A_1336 = tpu.memref_slice %arg6[%scan3A_583, %get3A_1334, %get3A_1335] : memref<2x200x128xf32, #tpu.memory_space<vmem>> -> memref<1x200x128xf32, #tpu.memory_space<vmem>>
        %get3A_1337 = tpu.memref_squeeze %get3A_1336 : memref<1x200x128xf32, #tpu.memory_space<vmem>> -> memref<200x128xf32, #tpu.memory_space<vmem>>
        %get3A_1338 = arith.index_cast %add3A_1333 : i32 to index
        %get3A_1339 = arith.constant 64 : index
        %get3A_1340 = tpu.vector_load %get3A_1337[%get3A_1338, %get3A_1339] {strides = array<i32>} : memref<200x128xf32, #tpu.memory_space<vmem>>, vector<1x16xf32>,
        %get3A_1341 = vector.shape_cast %get3A_1340 : vector<1x16xf32> to vector<16xf32>
        %add3A_1342 = arith.addf %scan3A_1284, %get3A_1341 : vector<16xf32>
        %add3A_1343 = arith.constant 150 : i32
        %add3A_1344 = arith.addi %add3A_1343, %scan3A_1279 : i32
        %get3A_1345 = arith.constant 0 : i32
        %get3A_1346 = arith.constant 0 : i32
        %get3A_1347 = tpu.memref_slice %arg6[%scan3A_583, %get3A_1345, %get3A_1346] : memref<2x200x128xf32, #tpu.memory_space<vmem>> -> memref<1x200x128xf32, #tpu.memory_space<vmem>>
        %get3A_1348 = tpu.memref_squeeze %get3A_1347 : memref<1x200x128xf32, #tpu.memory_space<vmem>> -> memref<200x128xf32, #tpu.memory_space<vmem>>
        %get3A_1349 = arith.index_cast %add3A_1344 : i32 to index
        %get3A_1350 = arith.constant 80 : index
        %get3A_1351 = tpu.vector_load %get3A_1348[%get3A_1349, %get3A_1350] {strides = array<i32>} : memref<200x128xf32, #tpu.memory_space<vmem>>, vector<1x16xf32>,
        %get3A_1352 = vector.shape_cast %get3A_1351 : vector<1x16xf32> to vector<16xf32>
        %add3A_1353 = arith.addf %scan3A_1285, %get3A_1352 : vector<16xf32>
        %add3A_1354 = arith.constant 150 : i32
        %add3A_1355 = arith.addi %add3A_1354, %scan3A_1279 : i32
        %get3A_1356 = arith.constant 0 : i32
        %get3A_1357 = arith.constant 0 : i32
        %get3A_1358 = tpu.memref_slice %arg6[%scan3A_583, %get3A_1356, %get3A_1357] : memref<2x200x128xf32, #tpu.memory_space<vmem>> -> memref<1x200x128xf32, #tpu.memory_space<vmem>>
        %get3A_1359 = tpu.memref_squeeze %get3A_1358 : memref<1x200x128xf32, #tpu.memory_space<vmem>> -> memref<200x128xf32, #tpu.memory_space<vmem>>
        %get3A_1360 = arith.index_cast %add3A_1355 : i32 to index
        %get3A_1361 = arith.constant 96 : index
        %get3A_1362 = tpu.vector_load %get3A_1359[%get3A_1360, %get3A_1361] {strides = array<i32>} : memref<200x128xf32, #tpu.memory_space<vmem>>, vector<1x16xf32>,
        %get3A_1363 = vector.shape_cast %get3A_1362 : vector<1x16xf32> to vector<16xf32>
        %add3A_1364 = arith.addf %scan3A_1286, %get3A_1363 : vector<16xf32>
        %add3A_1365 = arith.constant 150 : i32
        %add3A_1366 = arith.addi %add3A_1365, %scan3A_1279 : i32
        %get3A_1367 = arith.constant 0 : i32
        %get3A_1368 = arith.constant 0 : i32
        %get3A_1369 = tpu.memref_slice %arg6[%scan3A_583, %get3A_1367, %get3A_1368] : memref<2x200x128xf32, #tpu.memory_space<vmem>> -> memref<1x200x128xf32, #tpu.memory_space<vmem>>
        %get3A_1370 = tpu.memref_squeeze %get3A_1369 : memref<1x200x128xf32, #tpu.memory_space<vmem>> -> memref<200x128xf32, #tpu.memory_space<vmem>>
        %get3A_1371 = arith.index_cast %add3A_1366 : i32 to index
        %get3A_1372 = arith.constant 112 : index
        %get3A_1373 = tpu.vector_load %get3A_1370[%get3A_1371, %get3A_1372] {strides = array<i32>} : memref<200x128xf32, #tpu.memory_space<vmem>>, vector<1x16xf32>,
        %get3A_1374 = vector.shape_cast %get3A_1373 : vector<1x16xf32> to vector<16xf32>
        %add3A_1375 = arith.addf %scan3A_1287, %get3A_1374 : vector<16xf32>
        scf.yield %add3A_1298, %add3A_1309, %add3A_1320, %add3A_1331, %add3A_1342, %add3A_1353, %add3A_1364, %add3A_1375 : vector<16xf32>, vector<16xf32>, vector<16xf32>, vector<16xf32>, vector<16xf32>, vector<16xf32>, vector<16xf32>, vector<16xf32>
      }
      %scan3A_589 = arith.constant 49 : i32
      %mul3A_590 = arith.constant 4 : i32
      %mul3A_591 = arith.muli %add3A_53, %mul3A_590 : i32
      %add3A_592 = arith.constant 3 : i32
      %add3A_593 = arith.addi %mul3A_591, %add3A_592 : i32
      %mul3A_594 = vector.broadcast %scan3A_22 : f32 to vector<16xf32>
      %mul3A_595 = arith.mulf %scan3A_588#0, %mul3A_594 : vector<16xf32>
      %swap3A_596 = arith.index_cast %add3A_593 : i32 to index
      %swap3A_597 = arith.constant 0 : index
      %swap3A_598 = tpu.vector_load %arg7[%swap3A_596, %swap3A_597] {strides = array<i32>} : memref<128x128xf32, #tpu.memory_space<vmem>>, vector<1x16xf32>,
      %swap3A_599 = vector.shape_cast %swap3A_598 : vector<1x16xf32> to vector<16xf32>
      %swap3A_600 = vector.shape_cast %mul3A_595 : vector<16xf32> to vector<1x16xf32>
      tpu.vector_store %arg7[%swap3A_596, %swap3A_597], %swap3A_600 {strides = array<i32>} : memref<128x128xf32, #tpu.memory_space<vmem>>, vector<1x16xf32>,
      %mul3A_601 = vector.broadcast %scan3A_22 : f32 to vector<16xf32>
      %mul3A_602 = arith.mulf %scan3A_588#1, %mul3A_601 : vector<16xf32>
      %swap3A_603 = arith.index_cast %add3A_593 : i32 to index
      %swap3A_604 = arith.constant 16 : index
      %swap3A_605 = tpu.vector_load %arg7[%swap3A_603, %swap3A_604] {strides = array<i32>} : memref<128x128xf32, #tpu.memory_space<vmem>>, vector<1x16xf32>,
      %swap3A_606 = vector.shape_cast %swap3A_605 : vector<1x16xf32> to vector<16xf32>
      %swap3A_607 = vector.shape_cast %mul3A_602 : vector<16xf32> to vector<1x16xf32>
      tpu.vector_store %arg7[%swap3A_603, %swap3A_604], %swap3A_607 {strides = array<i32>} : memref<128x128xf32, #tpu.memory_space<vmem>>, vector<1x16xf32>,
      %mul3A_608 = vector.broadcast %scan3A_22 : f32 to vector<16xf32>
      %mul3A_609 = arith.mulf %scan3A_588#2, %mul3A_608 : vector<16xf32>
      %swap3A_610 = arith.index_cast %add3A_593 : i32 to index
      %swap3A_611 = arith.constant 32 : index
      %swap3A_612 = tpu.vector_load %arg7[%swap3A_610, %swap3A_611] {strides = array<i32>} : memref<128x128xf32, #tpu.memory_space<vmem>>, vector<1x16xf32>,
      %swap3A_613 = vector.shape_cast %swap3A_612 : vector<1x16xf32> to vector<16xf32>
      %swap3A_614 = vector.shape_cast %mul3A_609 : vector<16xf32> to vector<1x16xf32>
      tpu.vector_store %arg7[%swap3A_610, %swap3A_611], %swap3A_614 {strides = array<i32>} : memref<128x128xf32, #tpu.memory_space<vmem>>, vector<1x16xf32>,
      %mul3A_615 = vector.broadcast %scan3A_22 : f32 to vector<16xf32>
      %mul3A_616 = arith.mulf %scan3A_588#3, %mul3A_615 : vector<16xf32>
      %swap3A_617 = arith.index_cast %add3A_593 : i32 to index
      %swap3A_618 = arith.constant 48 : index
      %swap3A_619 = tpu.vector_load %arg7[%swap3A_617, %swap3A_618] {strides = array<i32>} : memref<128x128xf32, #tpu.memory_space<vmem>>, vector<1x16xf32>,
      %swap3A_620 = vector.shape_cast %swap3A_619 : vector<1x16xf32> to vector<16xf32>
      %swap3A_621 = vector.shape_cast %mul3A_616 : vector<16xf32> to vector<1x16xf32>
      tpu.vector_store %arg7[%swap3A_617, %swap3A_618], %swap3A_621 {strides = array<i32>} : memref<128x128xf32, #tpu.memory_space<vmem>>, vector<1x16xf32>,
      %mul3A_622 = vector.broadcast %scan3A_22 : f32 to vector<16xf32>
      %mul3A_623 = arith.mulf %scan3A_588#4, %mul3A_622 : vector<16xf32>
      %swap3A_624 = arith.index_cast %add3A_593 : i32 to index
      %swap3A_625 = arith.constant 64 : index
      %swap3A_626 = tpu.vector_load %arg7[%swap3A_624, %swap3A_625] {strides = array<i32>} : memref<128x128xf32, #tpu.memory_space<vmem>>, vector<1x16xf32>,
      %swap3A_627 = vector.shape_cast %swap3A_626 : vector<1x16xf32> to vector<16xf32>
      %swap3A_628 = vector.shape_cast %mul3A_623 : vector<16xf32> to vector<1x16xf32>
      tpu.vector_store %arg7[%swap3A_624, %swap3A_625], %swap3A_628 {strides = array<i32>} : memref<128x128xf32, #tpu.memory_space<vmem>>, vector<1x16xf32>,
      %mul3A_629 = vector.broadcast %scan3A_22 : f32 to vector<16xf32>
      %mul3A_630 = arith.mulf %scan3A_588#5, %mul3A_629 : vector<16xf32>
      %swap3A_631 = arith.index_cast %add3A_593 : i32 to index
      %swap3A_632 = arith.constant 80 : index
      %swap3A_633 = tpu.vector_load %arg7[%swap3A_631, %swap3A_632] {strides = array<i32>} : memref<128x128xf32, #tpu.memory_space<vmem>>, vector<1x16xf32>,
      %swap3A_634 = vector.shape_cast %swap3A_633 : vector<1x16xf32> to vector<16xf32>
      %swap3A_635 = vector.shape_cast %mul3A_630 : vector<16xf32> to vector<1x16xf32>
      tpu.vector_store %arg7[%swap3A_631, %swap3A_632], %swap3A_635 {strides = array<i32>} : memref<128x128xf32, #tpu.memory_space<vmem>>, vector<1x16xf32>,
      %mul3A_636 = vector.broadcast %scan3A_22 : f32 to vector<16xf32>
      %mul3A_637 = arith.mulf %scan3A_588#6, %mul3A_636 : vector<16xf32>
      %swap3A_638 = arith.index_cast %add3A_593 : i32 to index
      %swap3A_639 = arith.constant 96 : index
      %swap3A_640 = tpu.vector_load %arg7[%swap3A_638, %swap3A_639] {strides = array<i32>} : memref<128x128xf32, #tpu.memory_space<vmem>>, vector<1x16xf32>,
      %swap3A_641 = vector.shape_cast %swap3A_640 : vector<1x16xf32> to vector<16xf32>
      %swap3A_642 = vector.shape_cast %mul3A_637 : vector<16xf32> to vector<1x16xf32>
      tpu.vector_store %arg7[%swap3A_638, %swap3A_639], %swap3A_642 {strides = array<i32>} : memref<128x128xf32, #tpu.memory_space<vmem>>, vector<1x16xf32>,
      %mul3A_643 = vector.broadcast %scan3A_22 : f32 to vector<16xf32>
      %mul3A_644 = arith.mulf %scan3A_588#7, %mul3A_643 : vector<16xf32>
      %swap3A_645 = arith.index_cast %add3A_593 : i32 to index
      %swap3A_646 = arith.constant 112 : index
      %swap3A_647 = tpu.vector_load %arg7[%swap3A_645, %swap3A_646] {strides = array<i32>} : memref<128x128xf32, #tpu.memory_space<vmem>>, vector<1x16xf32>,
      %swap3A_648 = vector.shape_cast %swap3A_647 : vector<1x16xf32> to vector<16xf32>
      %swap3A_649 = vector.shape_cast %mul3A_644 : vector<16xf32> to vector<1x16xf32>
      tpu.vector_store %arg7[%swap3A_645, %swap3A_646], %swap3A_649 {strides = array<i32>} : memref<128x128xf32, #tpu.memory_space<vmem>>, vector<1x16xf32>,
      %add3A_650 = arith.constant 2 : i32
      %add3A_651 = arith.addi %add3A_53, %add3A_650 : i32
      %min3A = arith.constant 31 : i32
      %min3A_652 = arith.minsi %add3A_651, %min3A : i32
      %mul3A_653 = arith.constant 200 : i32
      %mul3A_654 = arith.muli %min3A_652, %mul3A_653 : i32
      %dma_start3A_655 = arith.constant 0 : i32
      %dma_start3A_656 = arith.constant 0 : i32
      %dma_start3A_657 = arith.constant 0 : i32
      %dma_start3A_658 = tpu.memref_slice %arg6[%dma_start3A_655, %dma_start3A_656, %dma_start3A_657] : memref<2x200x128xf32, #tpu.memory_space<vmem>> -> memref<1x200x128xf32, #tpu.memory_space<vmem>>
      %dma_start3A_659 = tpu.memref_squeeze %dma_start3A_658 : memref<1x200x128xf32, #tpu.memory_space<vmem>> -> memref<200x128xf32, #tpu.memory_space<vmem>>
      %dma_start3A_660 = tpu.memref_slice %arg5[%mul3A_654] : memref<6400xi32, #tpu.memory_space<vmem>> -> memref<200xi32, #tpu.memory_space<vmem>>
      %dma_start3A_661 = arith.constant 0 : i32
      %dma_start3A_662 = arith.constant 0 : i32
      %dma_start3A_663 = tpu.memref_slice %arg3[%dma_start3A_661, %dma_start3A_662] : memref<100000x128xf32, #tpu.memory_space<hbm>> -> memref<100000x128xf32, #tpu.memory_space<hbm>>
      tpu.enqueue_indirect_dma source(%dma_start3A_663 : memref<100000x128xf32, #tpu.memory_space<hbm>>) target(%dma_start3A_659 : memref<200x128xf32, #tpu.memory_space<vmem>>) offsets(%dma_start3A_660 : memref<200xi32, #tpu.memory_space<vmem>>) semaphore(%arg8 : memref<!tpu.dma_semaphore, #tpu.memory_space<semaphore_mem>>)
      %add3A_664 = arith.constant 1 : i32
      %add3A_665 = arith.addi %mul3A_51, %add3A_664 : i32
      %dma_wait3A_666 = arith.constant 1 : i32
      %dma_wait3A_667 = arith.constant 0 : i32
      %dma_wait3A_668 = arith.constant 0 : i32
      %dma_wait3A_669 = tpu.memref_slice %arg6[%dma_wait3A_666, %dma_wait3A_667, %dma_wait3A_668] : memref<2x200x128xf32, #tpu.memory_space<vmem>> -> memref<1x200x128xf32, #tpu.memory_space<vmem>>
      %dma_wait3A_670 = tpu.memref_squeeze %dma_wait3A_669 : memref<1x200x128xf32, #tpu.memory_space<vmem>> -> memref<200x128xf32, #tpu.memory_space<vmem>>
      %dma_wait3A_671 = arith.constant 0 : i32
      %dma_wait3A_672 = tpu.memref_slice %arg5[%dma_wait3A_671] : memref<6400xi32, #tpu.memory_space<vmem>> -> memref<200xi32, #tpu.memory_space<vmem>>
      %dma_wait3A_673 = arith.constant 0 : i32
      %dma_wait3A_674 = arith.constant 0 : i32
      %dma_wait3A_675 = tpu.memref_slice %arg3[%dma_wait3A_673, %dma_wait3A_674] : memref<100000x128xf32, #tpu.memory_space<hbm>> -> memref<100000x128xf32, #tpu.memory_space<hbm>>
      tpu.wait_indirect_dma semaphore(%arg9 : memref<!tpu.dma_semaphore, #tpu.memory_space<semaphore_mem>>) src(%dma_wait3A_675 : memref<100000x128xf32, #tpu.memory_space<hbm>>) dst(%dma_wait3A_670 : memref<200x128xf32, #tpu.memory_space<vmem>>)
      %get3A_676 = arith.constant 1 : i32
      %get3A_677 = arith.constant 0 : i32
      %get3A_678 = arith.constant 0 : i32
      %get3A_679 = arith.constant 0 : i32
      %get3A_680 = tpu.memref_slice %arg6[%get3A_676, %get3A_678, %get3A_679] : memref<2x200x128xf32, #tpu.memory_space<vmem>> -> memref<1x200x128xf32, #tpu.memory_space<vmem>>
      %get3A_681 = tpu.memref_squeeze %get3A_680 : memref<1x200x128xf32, #tpu.memory_space<vmem>> -> memref<200x128xf32, #tpu.memory_space<vmem>>
      %get3A_682 = arith.index_cast %get3A_677 : i32 to index
      %get3A_683 = arith.constant 0 : index
      %get3A_684 = tpu.vector_load %get3A_681[%get3A_682, %get3A_683] {strides = array<i32>} : memref<200x128xf32, #tpu.memory_space<vmem>>, vector<1x16xf32>,
      %get3A_685 = vector.shape_cast %get3A_684 : vector<1x16xf32> to vector<16xf32>
      %get3A_686 = arith.constant 1 : i32
      %get3A_687 = arith.constant 0 : i32
      %get3A_688 = arith.constant 0 : i32
      %get3A_689 = arith.constant 0 : i32
      %get3A_690 = tpu.memref_slice %arg6[%get3A_686, %get3A_688, %get3A_689] : memref<2x200x128xf32, #tpu.memory_space<vmem>> -> memref<1x200x128xf32, #tpu.memory_space<vmem>>
      %get3A_691 = tpu.memref_squeeze %get3A_690 : memref<1x200x128xf32, #tpu.memory_space<vmem>> -> memref<200x128xf32, #tpu.memory_space<vmem>>
      %get3A_692 = arith.index_cast %get3A_687 : i32 to index
      %get3A_693 = arith.constant 16 : index
      %get3A_694 = tpu.vector_load %get3A_691[%get3A_692, %get3A_693] {strides = array<i32>} : memref<200x128xf32, #tpu.memory_space<vmem>>, vector<1x16xf32>,
      %get3A_695 = vector.shape_cast %get3A_694 : vector<1x16xf32> to vector<16xf32>
      %get3A_696 = arith.constant 1 : i32
      %get3A_697 = arith.constant 0 : i32
      %get3A_698 = arith.constant 0 : i32
      %get3A_699 = arith.constant 0 : i32
      %get3A_700 = tpu.memref_slice %arg6[%get3A_696, %get3A_698, %get3A_699] : memref<2x200x128xf32, #tpu.memory_space<vmem>> -> memref<1x200x128xf32, #tpu.memory_space<vmem>>
      %get3A_701 = tpu.memref_squeeze %get3A_700 : memref<1x200x128xf32, #tpu.memory_space<vmem>> -> memref<200x128xf32, #tpu.memory_space<vmem>>
      %get3A_702 = arith.index_cast %get3A_697 : i32 to index
      %get3A_703 = arith.constant 32 : index
      %get3A_704 = tpu.vector_load %get3A_701[%get3A_702, %get3A_703] {strides = array<i32>} : memref<200x128xf32, #tpu.memory_space<vmem>>, vector<1x16xf32>,
      %get3A_705 = vector.shape_cast %get3A_704 : vector<1x16xf32> to vector<16xf32>
      %get3A_706 = arith.constant 1 : i32
      %get3A_707 = arith.constant 0 : i32
      %get3A_708 = arith.constant 0 : i32
      %get3A_709 = arith.constant 0 : i32
      %get3A_710 = tpu.memref_slice %arg6[%get3A_706, %get3A_708, %get3A_709] : memref<2x200x128xf32, #tpu.memory_space<vmem>> -> memref<1x200x128xf32, #tpu.memory_space<vmem>>
      %get3A_711 = tpu.memref_squeeze %get3A_710 : memref<1x200x128xf32, #tpu.memory_space<vmem>> -> memref<200x128xf32, #tpu.memory_space<vmem>>
      %get3A_712 = arith.index_cast %get3A_707 : i32 to index
      %get3A_713 = arith.constant 48 : index
      %get3A_714 = tpu.vector_load %get3A_711[%get3A_712, %get3A_713] {strides = array<i32>} : memref<200x128xf32, #tpu.memory_space<vmem>>, vector<1x16xf32>,
      %get3A_715 = vector.shape_cast %get3A_714 : vector<1x16xf32> to vector<16xf32>
      %get3A_716 = arith.constant 1 : i32
      %get3A_717 = arith.constant 0 : i32
      %get3A_718 = arith.constant 0 : i32
      %get3A_719 = arith.constant 0 : i32
      %get3A_720 = tpu.memref_slice %arg6[%get3A_716, %get3A_718, %get3A_719] : memref<2x200x128xf32, #tpu.memory_space<vmem>> -> memref<1x200x128xf32, #tpu.memory_space<vmem>>
      %get3A_721 = tpu.memref_squeeze %get3A_720 : memref<1x200x128xf32, #tpu.memory_space<vmem>> -> memref<200x128xf32, #tpu.memory_space<vmem>>
      %get3A_722 = arith.index_cast %get3A_717 : i32 to index
      %get3A_723 = arith.constant 64 : index
      %get3A_724 = tpu.vector_load %get3A_721[%get3A_722, %get3A_723] {strides = array<i32>} : memref<200x128xf32, #tpu.memory_space<vmem>>, vector<1x16xf32>,
      %get3A_725 = vector.shape_cast %get3A_724 : vector<1x16xf32> to vector<16xf32>
      %get3A_726 = arith.constant 1 : i32
      %get3A_727 = arith.constant 0 : i32
      %get3A_728 = arith.constant 0 : i32
      %get3A_729 = arith.constant 0 : i32
      %get3A_730 = tpu.memref_slice %arg6[%get3A_726, %get3A_728, %get3A_729] : memref<2x200x128xf32, #tpu.memory_space<vmem>> -> memref<1x200x128xf32, #tpu.memory_space<vmem>>
      %get3A_731 = tpu.memref_squeeze %get3A_730 : memref<1x200x128xf32, #tpu.memory_space<vmem>> -> memref<200x128xf32, #tpu.memory_space<vmem>>
      %get3A_732 = arith.index_cast %get3A_727 : i32 to index
      %get3A_733 = arith.constant 80 : index
      %get3A_734 = tpu.vector_load %get3A_731[%get3A_732, %get3A_733] {strides = array<i32>} : memref<200x128xf32, #tpu.memory_space<vmem>>, vector<1x16xf32>,
      %get3A_735 = vector.shape_cast %get3A_734 : vector<1x16xf32> to vector<16xf32>
      %get3A_736 = arith.constant 1 : i32
      %get3A_737 = arith.constant 0 : i32
      %get3A_738 = arith.constant 0 : i32
      %get3A_739 = arith.constant 0 : i32
      %get3A_740 = tpu.memref_slice %arg6[%get3A_736, %get3A_738, %get3A_739] : memref<2x200x128xf32, #tpu.memory_space<vmem>> -> memref<1x200x128xf32, #tpu.memory_space<vmem>>
      %get3A_741 = tpu.memref_squeeze %get3A_740 : memref<1x200x128xf32, #tpu.memory_space<vmem>> -> memref<200x128xf32, #tpu.memory_space<vmem>>
      %get3A_742 = arith.index_cast %get3A_737 : i32 to index
      %get3A_743 = arith.constant 96 : index
      %get3A_744 = tpu.vector_load %get3A_741[%get3A_742, %get3A_743] {strides = array<i32>} : memref<200x128xf32, #tpu.memory_space<vmem>>, vector<1x16xf32>,
      %get3A_745 = vector.shape_cast %get3A_744 : vector<1x16xf32> to vector<16xf32>
      %get3A_746 = arith.constant 1 : i32
      %get3A_747 = arith.constant 0 : i32
      %get3A_748 = arith.constant 0 : i32
      %get3A_749 = arith.constant 0 : i32
      %get3A_750 = tpu.memref_slice %arg6[%get3A_746, %get3A_748, %get3A_749] : memref<2x200x128xf32, #tpu.memory_space<vmem>> -> memref<1x200x128xf32, #tpu.memory_space<vmem>>
      %get3A_751 = tpu.memref_squeeze %get3A_750 : memref<1x200x128xf32, #tpu.memory_space<vmem>> -> memref<200x128xf32, #tpu.memory_space<vmem>>
      %get3A_752 = arith.index_cast %get3A_747 : i32 to index
      %get3A_753 = arith.constant 112 : index
      %get3A_754 = tpu.vector_load %get3A_751[%get3A_752, %get3A_753] {strides = array<i32>} : memref<200x128xf32, #tpu.memory_space<vmem>>, vector<1x16xf32>,
      %get3A_755 = vector.shape_cast %get3A_754 : vector<1x16xf32> to vector<16xf32>
      %scan3A_756 = arith.constant 1 : i32
      %scan3A_757 = arith.constant 1 : i32
      %scan3A_758 = arith.constant 49 : i32
      %scan3A_759 = arith.addi %scan3A_757, %scan3A_758 : i32
      %scan3A_760 = arith.constant 1 : i32
      %scan3A_761:8 = scf.for %scan3A_1279 = %scan3A_757 to %scan3A_759 step %scan3A_760 iter_args(%scan3A_1280 = %get3A_685, %scan3A_1281 = %get3A_695, %scan3A_1282 = %get3A_705, %scan3A_1283 = %get3A_715, %scan3A_1284 = %get3A_725, %scan3A_1285 = %get3A_735, %scan3A_1286 = %get3A_745, %scan3A_1287 = %get3A_755) -> (vector<16xf32>, vector<16xf32>, vector<16xf32>, vector<16xf32>, vector<16xf32>, vector<16xf32>, vector<16xf32>, vector<16xf32>)  : i32 {
        %add3A_1288 = arith.constant 0 : i32
        %add3A_1289 = arith.addi %add3A_1288, %scan3A_1279 : i32
        %get3A_1290 = arith.constant 0 : i32
        %get3A_1291 = arith.constant 0 : i32
        %get3A_1292 = tpu.memref_slice %arg6[%scan3A_756, %get3A_1290, %get3A_1291] : memref<2x200x128xf32, #tpu.memory_space<vmem>> -> memref<1x200x128xf32, #tpu.memory_space<vmem>>
        %get3A_1293 = tpu.memref_squeeze %get3A_1292 : memref<1x200x128xf32, #tpu.memory_space<vmem>> -> memref<200x128xf32, #tpu.memory_space<vmem>>
        %get3A_1294 = arith.index_cast %add3A_1289 : i32 to index
        %get3A_1295 = arith.constant 0 : index
        %get3A_1296 = tpu.vector_load %get3A_1293[%get3A_1294, %get3A_1295] {strides = array<i32>} : memref<200x128xf32, #tpu.memory_space<vmem>>, vector<1x16xf32>,
        %get3A_1297 = vector.shape_cast %get3A_1296 : vector<1x16xf32> to vector<16xf32>
        %add3A_1298 = arith.addf %scan3A_1280, %get3A_1297 : vector<16xf32>
        %add3A_1299 = arith.constant 0 : i32
        %add3A_1300 = arith.addi %add3A_1299, %scan3A_1279 : i32
        %get3A_1301 = arith.constant 0 : i32
        %get3A_1302 = arith.constant 0 : i32
        %get3A_1303 = tpu.memref_slice %arg6[%scan3A_756, %get3A_1301, %get3A_1302] : memref<2x200x128xf32, #tpu.memory_space<vmem>> -> memref<1x200x128xf32, #tpu.memory_space<vmem>>
        %get3A_1304 = tpu.memref_squeeze %get3A_1303 : memref<1x200x128xf32, #tpu.memory_space<vmem>> -> memref<200x128xf32, #tpu.memory_space<vmem>>
        %get3A_1305 = arith.index_cast %add3A_1300 : i32 to index
        %get3A_1306 = arith.constant 16 : index
        %get3A_1307 = tpu.vector_load %get3A_1304[%get3A_1305, %get3A_1306] {strides = array<i32>} : memref<200x128xf32, #tpu.memory_space<vmem>>, vector<1x16xf32>,
        %get3A_1308 = vector.shape_cast %get3A_1307 : vector<1x16xf32> to vector<16xf32>
        %add3A_1309 = arith.addf %scan3A_1281, %get3A_1308 : vector<16xf32>
        %add3A_1310 = arith.constant 0 : i32
        %add3A_1311 = arith.addi %add3A_1310, %scan3A_1279 : i32
        %get3A_1312 = arith.constant 0 : i32
        %get3A_1313 = arith.constant 0 : i32
        %get3A_1314 = tpu.memref_slice %arg6[%scan3A_756, %get3A_1312, %get3A_1313] : memref<2x200x128xf32, #tpu.memory_space<vmem>> -> memref<1x200x128xf32, #tpu.memory_space<vmem>>
        %get3A_1315 = tpu.memref_squeeze %get3A_1314 : memref<1x200x128xf32, #tpu.memory_space<vmem>> -> memref<200x128xf32, #tpu.memory_space<vmem>>
        %get3A_1316 = arith.index_cast %add3A_1311 : i32 to index
        %get3A_1317 = arith.constant 32 : index
        %get3A_1318 = tpu.vector_load %get3A_1315[%get3A_1316, %get3A_1317] {strides = array<i32>} : memref<200x128xf32, #tpu.memory_space<vmem>>, vector<1x16xf32>,
        %get3A_1319 = vector.shape_cast %get3A_1318 : vector<1x16xf32> to vector<16xf32>
        %add3A_1320 = arith.addf %scan3A_1282, %get3A_1319 : vector<16xf32>
        %add3A_1321 = arith.constant 0 : i32
        %add3A_1322 = arith.addi %add3A_1321, %scan3A_1279 : i32
        %get3A_1323 = arith.constant 0 : i32
        %get3A_1324 = arith.constant 0 : i32
        %get3A_1325 = tpu.memref_slice %arg6[%scan3A_756, %get3A_1323, %get3A_1324] : memref<2x200x128xf32, #tpu.memory_space<vmem>> -> memref<1x200x128xf32, #tpu.memory_space<vmem>>
        %get3A_1326 = tpu.memref_squeeze %get3A_1325 : memref<1x200x128xf32, #tpu.memory_space<vmem>> -> memref<200x128xf32, #tpu.memory_space<vmem>>
        %get3A_1327 = arith.index_cast %add3A_1322 : i32 to index
        %get3A_1328 = arith.constant 48 : index
        %get3A_1329 = tpu.vector_load %get3A_1326[%get3A_1327, %get3A_1328] {strides = array<i32>} : memref<200x128xf32, #tpu.memory_space<vmem>>, vector<1x16xf32>,
        %get3A_1330 = vector.shape_cast %get3A_1329 : vector<1x16xf32> to vector<16xf32>
        %add3A_1331 = arith.addf %scan3A_1283, %get3A_1330 : vector<16xf32>
        %add3A_1332 = arith.constant 0 : i32
        %add3A_1333 = arith.addi %add3A_1332, %scan3A_1279 : i32
        %get3A_1334 = arith.constant 0 : i32
        %get3A_1335 = arith.constant 0 : i32
        %get3A_1336 = tpu.memref_slice %arg6[%scan3A_756, %get3A_1334, %get3A_1335] : memref<2x200x128xf32, #tpu.memory_space<vmem>> -> memref<1x200x128xf32, #tpu.memory_space<vmem>>
        %get3A_1337 = tpu.memref_squeeze %get3A_1336 : memref<1x200x128xf32, #tpu.memory_space<vmem>> -> memref<200x128xf32, #tpu.memory_space<vmem>>
        %get3A_1338 = arith.index_cast %add3A_1333 : i32 to index
        %get3A_1339 = arith.constant 64 : index
        %get3A_1340 = tpu.vector_load %get3A_1337[%get3A_1338, %get3A_1339] {strides = array<i32>} : memref<200x128xf32, #tpu.memory_space<vmem>>, vector<1x16xf32>,
        %get3A_1341 = vector.shape_cast %get3A_1340 : vector<1x16xf32> to vector<16xf32>
        %add3A_1342 = arith.addf %scan3A_1284, %get3A_1341 : vector<16xf32>
        %add3A_1343 = arith.constant 0 : i32
        %add3A_1344 = arith.addi %add3A_1343, %scan3A_1279 : i32
        %get3A_1345 = arith.constant 0 : i32
        %get3A_1346 = arith.constant 0 : i32
        %get3A_1347 = tpu.memref_slice %arg6[%scan3A_756, %get3A_1345, %get3A_1346] : memref<2x200x128xf32, #tpu.memory_space<vmem>> -> memref<1x200x128xf32, #tpu.memory_space<vmem>>
        %get3A_1348 = tpu.memref_squeeze %get3A_1347 : memref<1x200x128xf32, #tpu.memory_space<vmem>> -> memref<200x128xf32, #tpu.memory_space<vmem>>
        %get3A_1349 = arith.index_cast %add3A_1344 : i32 to index
        %get3A_1350 = arith.constant 80 : index
        %get3A_1351 = tpu.vector_load %get3A_1348[%get3A_1349, %get3A_1350] {strides = array<i32>} : memref<200x128xf32, #tpu.memory_space<vmem>>, vector<1x16xf32>,
        %get3A_1352 = vector.shape_cast %get3A_1351 : vector<1x16xf32> to vector<16xf32>
        %add3A_1353 = arith.addf %scan3A_1285, %get3A_1352 : vector<16xf32>
        %add3A_1354 = arith.constant 0 : i32
        %add3A_1355 = arith.addi %add3A_1354, %scan3A_1279 : i32
        %get3A_1356 = arith.constant 0 : i32
        %get3A_1357 = arith.constant 0 : i32
        %get3A_1358 = tpu.memref_slice %arg6[%scan3A_756, %get3A_1356, %get3A_1357] : memref<2x200x128xf32, #tpu.memory_space<vmem>> -> memref<1x200x128xf32, #tpu.memory_space<vmem>>
        %get3A_1359 = tpu.memref_squeeze %get3A_1358 : memref<1x200x128xf32, #tpu.memory_space<vmem>> -> memref<200x128xf32, #tpu.memory_space<vmem>>
        %get3A_1360 = arith.index_cast %add3A_1355 : i32 to index
        %get3A_1361 = arith.constant 96 : index
        %get3A_1362 = tpu.vector_load %get3A_1359[%get3A_1360, %get3A_1361] {strides = array<i32>} : memref<200x128xf32, #tpu.memory_space<vmem>>, vector<1x16xf32>,
        %get3A_1363 = vector.shape_cast %get3A_1362 : vector<1x16xf32> to vector<16xf32>
        %add3A_1364 = arith.addf %scan3A_1286, %get3A_1363 : vector<16xf32>
        %add3A_1365 = arith.constant 0 : i32
        %add3A_1366 = arith.addi %add3A_1365, %scan3A_1279 : i32
        %get3A_1367 = arith.constant 0 : i32
        %get3A_1368 = arith.constant 0 : i32
        %get3A_1369 = tpu.memref_slice %arg6[%scan3A_756, %get3A_1367, %get3A_1368] : memref<2x200x128xf32, #tpu.memory_space<vmem>> -> memref<1x200x128xf32, #tpu.memory_space<vmem>>
        %get3A_1370 = tpu.memref_squeeze %get3A_1369 : memref<1x200x128xf32, #tpu.memory_space<vmem>> -> memref<200x128xf32, #tpu.memory_space<vmem>>
        %get3A_1371 = arith.index_cast %add3A_1366 : i32 to index
        %get3A_1372 = arith.constant 112 : index
        %get3A_1373 = tpu.vector_load %get3A_1370[%get3A_1371, %get3A_1372] {strides = array<i32>} : memref<200x128xf32, #tpu.memory_space<vmem>>, vector<1x16xf32>,
        %get3A_1374 = vector.shape_cast %get3A_1373 : vector<1x16xf32> to vector<16xf32>
        %add3A_1375 = arith.addf %scan3A_1287, %get3A_1374 : vector<16xf32>
        scf.yield %add3A_1298, %add3A_1309, %add3A_1320, %add3A_1331, %add3A_1342, %add3A_1353, %add3A_1364, %add3A_1375 : vector<16xf32>, vector<16xf32>, vector<16xf32>, vector<16xf32>, vector<16xf32>, vector<16xf32>, vector<16xf32>, vector<16xf32>
      }
      %scan3A_762 = arith.constant 49 : i32
      %mul3A_763 = arith.constant 4 : i32
      %mul3A_764 = arith.muli %add3A_665, %mul3A_763 : i32
      %add3A_765 = arith.constant 0 : i32
      %add3A_766 = arith.addi %mul3A_764, %add3A_765 : i32
      %mul3A_767 = vector.broadcast %scan3A_22 : f32 to vector<16xf32>
      %mul3A_768 = arith.mulf %scan3A_761#0, %mul3A_767 : vector<16xf32>
      %swap3A_769 = arith.index_cast %add3A_766 : i32 to index
      %swap3A_770 = arith.constant 0 : index
      %swap3A_771 = tpu.vector_load %arg7[%swap3A_769, %swap3A_770] {strides = array<i32>} : memref<128x128xf32, #tpu.memory_space<vmem>>, vector<1x16xf32>,
      %swap3A_772 = vector.shape_cast %swap3A_771 : vector<1x16xf32> to vector<16xf32>
      %swap3A_773 = vector.shape_cast %mul3A_768 : vector<16xf32> to vector<1x16xf32>
      tpu.vector_store %arg7[%swap3A_769, %swap3A_770], %swap3A_773 {strides = array<i32>} : memref<128x128xf32, #tpu.memory_space<vmem>>, vector<1x16xf32>,
      %mul3A_774 = vector.broadcast %scan3A_22 : f32 to vector<16xf32>
      %mul3A_775 = arith.mulf %scan3A_761#1, %mul3A_774 : vector<16xf32>
      %swap3A_776 = arith.index_cast %add3A_766 : i32 to index
      %swap3A_777 = arith.constant 16 : index
      %swap3A_778 = tpu.vector_load %arg7[%swap3A_776, %swap3A_777] {strides = array<i32>} : memref<128x128xf32, #tpu.memory_space<vmem>>, vector<1x16xf32>,
      %swap3A_779 = vector.shape_cast %swap3A_778 : vector<1x16xf32> to vector<16xf32>
      %swap3A_780 = vector.shape_cast %mul3A_775 : vector<16xf32> to vector<1x16xf32>
      tpu.vector_store %arg7[%swap3A_776, %swap3A_777], %swap3A_780 {strides = array<i32>} : memref<128x128xf32, #tpu.memory_space<vmem>>, vector<1x16xf32>,
      %mul3A_781 = vector.broadcast %scan3A_22 : f32 to vector<16xf32>
      %mul3A_782 = arith.mulf %scan3A_761#2, %mul3A_781 : vector<16xf32>
      %swap3A_783 = arith.index_cast %add3A_766 : i32 to index
      %swap3A_784 = arith.constant 32 : index
      %swap3A_785 = tpu.vector_load %arg7[%swap3A_783, %swap3A_784] {strides = array<i32>} : memref<128x128xf32, #tpu.memory_space<vmem>>, vector<1x16xf32>,
      %swap3A_786 = vector.shape_cast %swap3A_785 : vector<1x16xf32> to vector<16xf32>
      %swap3A_787 = vector.shape_cast %mul3A_782 : vector<16xf32> to vector<1x16xf32>
      tpu.vector_store %arg7[%swap3A_783, %swap3A_784], %swap3A_787 {strides = array<i32>} : memref<128x128xf32, #tpu.memory_space<vmem>>, vector<1x16xf32>,
      %mul3A_788 = vector.broadcast %scan3A_22 : f32 to vector<16xf32>
      %mul3A_789 = arith.mulf %scan3A_761#3, %mul3A_788 : vector<16xf32>
      %swap3A_790 = arith.index_cast %add3A_766 : i32 to index
      %swap3A_791 = arith.constant 48 : index
      %swap3A_792 = tpu.vector_load %arg7[%swap3A_790, %swap3A_791] {strides = array<i32>} : memref<128x128xf32, #tpu.memory_space<vmem>>, vector<1x16xf32>,
      %swap3A_793 = vector.shape_cast %swap3A_792 : vector<1x16xf32> to vector<16xf32>
      %swap3A_794 = vector.shape_cast %mul3A_789 : vector<16xf32> to vector<1x16xf32>
      tpu.vector_store %arg7[%swap3A_790, %swap3A_791], %swap3A_794 {strides = array<i32>} : memref<128x128xf32, #tpu.memory_space<vmem>>, vector<1x16xf32>,
      %mul3A_795 = vector.broadcast %scan3A_22 : f32 to vector<16xf32>
      %mul3A_796 = arith.mulf %scan3A_761#4, %mul3A_795 : vector<16xf32>
      %swap3A_797 = arith.index_cast %add3A_766 : i32 to index
      %swap3A_798 = arith.constant 64 : index
      %swap3A_799 = tpu.vector_load %arg7[%swap3A_797, %swap3A_798] {strides = array<i32>} : memref<128x128xf32, #tpu.memory_space<vmem>>, vector<1x16xf32>,
      %swap3A_800 = vector.shape_cast %swap3A_799 : vector<1x16xf32> to vector<16xf32>
      %swap3A_801 = vector.shape_cast %mul3A_796 : vector<16xf32> to vector<1x16xf32>
      tpu.vector_store %arg7[%swap3A_797, %swap3A_798], %swap3A_801 {strides = array<i32>} : memref<128x128xf32, #tpu.memory_space<vmem>>, vector<1x16xf32>,
      %mul3A_802 = vector.broadcast %scan3A_22 : f32 to vector<16xf32>
      %mul3A_803 = arith.mulf %scan3A_761#5, %mul3A_802 : vector<16xf32>
      %swap3A_804 = arith.index_cast %add3A_766 : i32 to index
      %swap3A_805 = arith.constant 80 : index
      %swap3A_806 = tpu.vector_load %arg7[%swap3A_804, %swap3A_805] {strides = array<i32>} : memref<128x128xf32, #tpu.memory_space<vmem>>, vector<1x16xf32>,
      %swap3A_807 = vector.shape_cast %swap3A_806 : vector<1x16xf32> to vector<16xf32>
      %swap3A_808 = vector.shape_cast %mul3A_803 : vector<16xf32> to vector<1x16xf32>
      tpu.vector_store %arg7[%swap3A_804, %swap3A_805], %swap3A_808 {strides = array<i32>} : memref<128x128xf32, #tpu.memory_space<vmem>>, vector<1x16xf32>,
      %mul3A_809 = vector.broadcast %scan3A_22 : f32 to vector<16xf32>
      %mul3A_810 = arith.mulf %scan3A_761#6, %mul3A_809 : vector<16xf32>
      %swap3A_811 = arith.index_cast %add3A_766 : i32 to index
      %swap3A_812 = arith.constant 96 : index
      %swap3A_813 = tpu.vector_load %arg7[%swap3A_811, %swap3A_812] {strides = array<i32>} : memref<128x128xf32, #tpu.memory_space<vmem>>, vector<1x16xf32>,
      %swap3A_814 = vector.shape_cast %swap3A_813 : vector<1x16xf32> to vector<16xf32>
      %swap3A_815 = vector.shape_cast %mul3A_810 : vector<16xf32> to vector<1x16xf32>
      tpu.vector_store %arg7[%swap3A_811, %swap3A_812], %swap3A_815 {strides = array<i32>} : memref<128x128xf32, #tpu.memory_space<vmem>>, vector<1x16xf32>,
      %mul3A_816 = vector.broadcast %scan3A_22 : f32 to vector<16xf32>
      %mul3A_817 = arith.mulf %scan3A_761#7, %mul3A_816 : vector<16xf32>
      %swap3A_818 = arith.index_cast %add3A_766 : i32 to index
      %swap3A_819 = arith.constant 112 : index
      %swap3A_820 = tpu.vector_load %arg7[%swap3A_818, %swap3A_819] {strides = array<i32>} : memref<128x128xf32, #tpu.memory_space<vmem>>, vector<1x16xf32>,
      %swap3A_821 = vector.shape_cast %swap3A_820 : vector<1x16xf32> to vector<16xf32>
      %swap3A_822 = vector.shape_cast %mul3A_817 : vector<16xf32> to vector<1x16xf32>
      tpu.vector_store %arg7[%swap3A_818, %swap3A_819], %swap3A_822 {strides = array<i32>} : memref<128x128xf32, #tpu.memory_space<vmem>>, vector<1x16xf32>,
      %get3A_823 = arith.constant 1 : i32
      %get3A_824 = arith.constant 50 : i32
      %get3A_825 = arith.constant 0 : i32
      %get3A_826 = arith.constant 0 : i32
      %get3A_827 = tpu.memref_slice %arg6[%get3A_823, %get3A_825, %get3A_826] : memref<2x200x128xf32, #tpu.memory_space<vmem>> -> memref<1x200x128xf32, #tpu.memory_space<vmem>>
      %get3A_828 = tpu.memref_squeeze %get3A_827 : memref<1x200x128xf32, #tpu.memory_space<vmem>> -> memref<200x128xf32, #tpu.memory_space<vmem>>
      %get3A_829 = arith.index_cast %get3A_824 : i32 to index
      %get3A_830 = arith.constant 0 : index
      %get3A_831 = tpu.vector_load %get3A_828[%get3A_829, %get3A_830] {strides = array<i32>} : memref<200x128xf32, #tpu.memory_space<vmem>>, vector<1x16xf32>,
      %get3A_832 = vector.shape_cast %get3A_831 : vector<1x16xf32> to vector<16xf32>
      %get3A_833 = arith.constant 1 : i32
      %get3A_834 = arith.constant 50 : i32
      %get3A_835 = arith.constant 0 : i32
      %get3A_836 = arith.constant 0 : i32
      %get3A_837 = tpu.memref_slice %arg6[%get3A_833, %get3A_835, %get3A_836] : memref<2x200x128xf32, #tpu.memory_space<vmem>> -> memref<1x200x128xf32, #tpu.memory_space<vmem>>
      %get3A_838 = tpu.memref_squeeze %get3A_837 : memref<1x200x128xf32, #tpu.memory_space<vmem>> -> memref<200x128xf32, #tpu.memory_space<vmem>>
      %get3A_839 = arith.index_cast %get3A_834 : i32 to index
      %get3A_840 = arith.constant 16 : index
      %get3A_841 = tpu.vector_load %get3A_838[%get3A_839, %get3A_840] {strides = array<i32>} : memref<200x128xf32, #tpu.memory_space<vmem>>, vector<1x16xf32>,
      %get3A_842 = vector.shape_cast %get3A_841 : vector<1x16xf32> to vector<16xf32>
      %get3A_843 = arith.constant 1 : i32
      %get3A_844 = arith.constant 50 : i32
      %get3A_845 = arith.constant 0 : i32
      %get3A_846 = arith.constant 0 : i32
      %get3A_847 = tpu.memref_slice %arg6[%get3A_843, %get3A_845, %get3A_846] : memref<2x200x128xf32, #tpu.memory_space<vmem>> -> memref<1x200x128xf32, #tpu.memory_space<vmem>>
      %get3A_848 = tpu.memref_squeeze %get3A_847 : memref<1x200x128xf32, #tpu.memory_space<vmem>> -> memref<200x128xf32, #tpu.memory_space<vmem>>
      %get3A_849 = arith.index_cast %get3A_844 : i32 to index
      %get3A_850 = arith.constant 32 : index
      %get3A_851 = tpu.vector_load %get3A_848[%get3A_849, %get3A_850] {strides = array<i32>} : memref<200x128xf32, #tpu.memory_space<vmem>>, vector<1x16xf32>,
      %get3A_852 = vector.shape_cast %get3A_851 : vector<1x16xf32> to vector<16xf32>
      %get3A_853 = arith.constant 1 : i32
      %get3A_854 = arith.constant 50 : i32
      %get3A_855 = arith.constant 0 : i32
      %get3A_856 = arith.constant 0 : i32
      %get3A_857 = tpu.memref_slice %arg6[%get3A_853, %get3A_855, %get3A_856] : memref<2x200x128xf32, #tpu.memory_space<vmem>> -> memref<1x200x128xf32, #tpu.memory_space<vmem>>
      %get3A_858 = tpu.memref_squeeze %get3A_857 : memref<1x200x128xf32, #tpu.memory_space<vmem>> -> memref<200x128xf32, #tpu.memory_space<vmem>>
      %get3A_859 = arith.index_cast %get3A_854 : i32 to index
      %get3A_860 = arith.constant 48 : index
      %get3A_861 = tpu.vector_load %get3A_858[%get3A_859, %get3A_860] {strides = array<i32>} : memref<200x128xf32, #tpu.memory_space<vmem>>, vector<1x16xf32>,
      %get3A_862 = vector.shape_cast %get3A_861 : vector<1x16xf32> to vector<16xf32>
      %get3A_863 = arith.constant 1 : i32
      %get3A_864 = arith.constant 50 : i32
      %get3A_865 = arith.constant 0 : i32
      %get3A_866 = arith.constant 0 : i32
      %get3A_867 = tpu.memref_slice %arg6[%get3A_863, %get3A_865, %get3A_866] : memref<2x200x128xf32, #tpu.memory_space<vmem>> -> memref<1x200x128xf32, #tpu.memory_space<vmem>>
      %get3A_868 = tpu.memref_squeeze %get3A_867 : memref<1x200x128xf32, #tpu.memory_space<vmem>> -> memref<200x128xf32, #tpu.memory_space<vmem>>
      %get3A_869 = arith.index_cast %get3A_864 : i32 to index
      %get3A_870 = arith.constant 64 : index
      %get3A_871 = tpu.vector_load %get3A_868[%get3A_869, %get3A_870] {strides = array<i32>} : memref<200x128xf32, #tpu.memory_space<vmem>>, vector<1x16xf32>,
      %get3A_872 = vector.shape_cast %get3A_871 : vector<1x16xf32> to vector<16xf32>
      %get3A_873 = arith.constant 1 : i32
      %get3A_874 = arith.constant 50 : i32
      %get3A_875 = arith.constant 0 : i32
      %get3A_876 = arith.constant 0 : i32
      %get3A_877 = tpu.memref_slice %arg6[%get3A_873, %get3A_875, %get3A_876] : memref<2x200x128xf32, #tpu.memory_space<vmem>> -> memref<1x200x128xf32, #tpu.memory_space<vmem>>
      %get3A_878 = tpu.memref_squeeze %get3A_877 : memref<1x200x128xf32, #tpu.memory_space<vmem>> -> memref<200x128xf32, #tpu.memory_space<vmem>>
      %get3A_879 = arith.index_cast %get3A_874 : i32 to index
      %get3A_880 = arith.constant 80 : index
      %get3A_881 = tpu.vector_load %get3A_878[%get3A_879, %get3A_880] {strides = array<i32>} : memref<200x128xf32, #tpu.memory_space<vmem>>, vector<1x16xf32>,
      %get3A_882 = vector.shape_cast %get3A_881 : vector<1x16xf32> to vector<16xf32>
      %get3A_883 = arith.constant 1 : i32
      %get3A_884 = arith.constant 50 : i32
      %get3A_885 = arith.constant 0 : i32
      %get3A_886 = arith.constant 0 : i32
      %get3A_887 = tpu.memref_slice %arg6[%get3A_883, %get3A_885, %get3A_886] : memref<2x200x128xf32, #tpu.memory_space<vmem>> -> memref<1x200x128xf32, #tpu.memory_space<vmem>>
      %get3A_888 = tpu.memref_squeeze %get3A_887 : memref<1x200x128xf32, #tpu.memory_space<vmem>> -> memref<200x128xf32, #tpu.memory_space<vmem>>
      %get3A_889 = arith.index_cast %get3A_884 : i32 to index
      %get3A_890 = arith.constant 96 : index
      %get3A_891 = tpu.vector_load %get3A_888[%get3A_889, %get3A_890] {strides = array<i32>} : memref<200x128xf32, #tpu.memory_space<vmem>>, vector<1x16xf32>,
      %get3A_892 = vector.shape_cast %get3A_891 : vector<1x16xf32> to vector<16xf32>
      %get3A_893 = arith.constant 1 : i32
      %get3A_894 = arith.constant 50 : i32
      %get3A_895 = arith.constant 0 : i32
      %get3A_896 = arith.constant 0 : i32
      %get3A_897 = tpu.memref_slice %arg6[%get3A_893, %get3A_895, %get3A_896] : memref<2x200x128xf32, #tpu.memory_space<vmem>> -> memref<1x200x128xf32, #tpu.memory_space<vmem>>
      %get3A_898 = tpu.memref_squeeze %get3A_897 : memref<1x200x128xf32, #tpu.memory_space<vmem>> -> memref<200x128xf32, #tpu.memory_space<vmem>>
      %get3A_899 = arith.index_cast %get3A_894 : i32 to index
      %get3A_900 = arith.constant 112 : index
      %get3A_901 = tpu.vector_load %get3A_898[%get3A_899, %get3A_900] {strides = array<i32>} : memref<200x128xf32, #tpu.memory_space<vmem>>, vector<1x16xf32>,
      %get3A_902 = vector.shape_cast %get3A_901 : vector<1x16xf32> to vector<16xf32>
      %scan3A_903 = arith.constant 1 : i32
      %scan3A_904 = arith.constant 1 : i32
      %scan3A_905 = arith.constant 49 : i32
      %scan3A_906 = arith.addi %scan3A_904, %scan3A_905 : i32
      %scan3A_907 = arith.constant 1 : i32
      %scan3A_908:8 = scf.for %scan3A_1279 = %scan3A_904 to %scan3A_906 step %scan3A_907 iter_args(%scan3A_1280 = %get3A_832, %scan3A_1281 = %get3A_842, %scan3A_1282 = %get3A_852, %scan3A_1283 = %get3A_862, %scan3A_1284 = %get3A_872, %scan3A_1285 = %get3A_882, %scan3A_1286 = %get3A_892, %scan3A_1287 = %get3A_902) -> (vector<16xf32>, vector<16xf32>, vector<16xf32>, vector<16xf32>, vector<16xf32>, vector<16xf32>, vector<16xf32>, vector<16xf32>)  : i32 {
        %add3A_1288 = arith.constant 50 : i32
        %add3A_1289 = arith.addi %add3A_1288, %scan3A_1279 : i32
        %get3A_1290 = arith.constant 0 : i32
        %get3A_1291 = arith.constant 0 : i32
        %get3A_1292 = tpu.memref_slice %arg6[%scan3A_903, %get3A_1290, %get3A_1291] : memref<2x200x128xf32, #tpu.memory_space<vmem>> -> memref<1x200x128xf32, #tpu.memory_space<vmem>>
        %get3A_1293 = tpu.memref_squeeze %get3A_1292 : memref<1x200x128xf32, #tpu.memory_space<vmem>> -> memref<200x128xf32, #tpu.memory_space<vmem>>
        %get3A_1294 = arith.index_cast %add3A_1289 : i32 to index
        %get3A_1295 = arith.constant 0 : index
        %get3A_1296 = tpu.vector_load %get3A_1293[%get3A_1294, %get3A_1295] {strides = array<i32>} : memref<200x128xf32, #tpu.memory_space<vmem>>, vector<1x16xf32>,
        %get3A_1297 = vector.shape_cast %get3A_1296 : vector<1x16xf32> to vector<16xf32>
        %add3A_1298 = arith.addf %scan3A_1280, %get3A_1297 : vector<16xf32>
        %add3A_1299 = arith.constant 50 : i32
        %add3A_1300 = arith.addi %add3A_1299, %scan3A_1279 : i32
        %get3A_1301 = arith.constant 0 : i32
        %get3A_1302 = arith.constant 0 : i32
        %get3A_1303 = tpu.memref_slice %arg6[%scan3A_903, %get3A_1301, %get3A_1302] : memref<2x200x128xf32, #tpu.memory_space<vmem>> -> memref<1x200x128xf32, #tpu.memory_space<vmem>>
        %get3A_1304 = tpu.memref_squeeze %get3A_1303 : memref<1x200x128xf32, #tpu.memory_space<vmem>> -> memref<200x128xf32, #tpu.memory_space<vmem>>
        %get3A_1305 = arith.index_cast %add3A_1300 : i32 to index
        %get3A_1306 = arith.constant 16 : index
        %get3A_1307 = tpu.vector_load %get3A_1304[%get3A_1305, %get3A_1306] {strides = array<i32>} : memref<200x128xf32, #tpu.memory_space<vmem>>, vector<1x16xf32>,
        %get3A_1308 = vector.shape_cast %get3A_1307 : vector<1x16xf32> to vector<16xf32>
        %add3A_1309 = arith.addf %scan3A_1281, %get3A_1308 : vector<16xf32>
        %add3A_1310 = arith.constant 50 : i32
        %add3A_1311 = arith.addi %add3A_1310, %scan3A_1279 : i32
        %get3A_1312 = arith.constant 0 : i32
        %get3A_1313 = arith.constant 0 : i32
        %get3A_1314 = tpu.memref_slice %arg6[%scan3A_903, %get3A_1312, %get3A_1313] : memref<2x200x128xf32, #tpu.memory_space<vmem>> -> memref<1x200x128xf32, #tpu.memory_space<vmem>>
        %get3A_1315 = tpu.memref_squeeze %get3A_1314 : memref<1x200x128xf32, #tpu.memory_space<vmem>> -> memref<200x128xf32, #tpu.memory_space<vmem>>
        %get3A_1316 = arith.index_cast %add3A_1311 : i32 to index
        %get3A_1317 = arith.constant 32 : index
        %get3A_1318 = tpu.vector_load %get3A_1315[%get3A_1316, %get3A_1317] {strides = array<i32>} : memref<200x128xf32, #tpu.memory_space<vmem>>, vector<1x16xf32>,
        %get3A_1319 = vector.shape_cast %get3A_1318 : vector<1x16xf32> to vector<16xf32>
        %add3A_1320 = arith.addf %scan3A_1282, %get3A_1319 : vector<16xf32>
        %add3A_1321 = arith.constant 50 : i32
        %add3A_1322 = arith.addi %add3A_1321, %scan3A_1279 : i32
        %get3A_1323 = arith.constant 0 : i32
        %get3A_1324 = arith.constant 0 : i32
        %get3A_1325 = tpu.memref_slice %arg6[%scan3A_903, %get3A_1323, %get3A_1324] : memref<2x200x128xf32, #tpu.memory_space<vmem>> -> memref<1x200x128xf32, #tpu.memory_space<vmem>>
        %get3A_1326 = tpu.memref_squeeze %get3A_1325 : memref<1x200x128xf32, #tpu.memory_space<vmem>> -> memref<200x128xf32, #tpu.memory_space<vmem>>
        %get3A_1327 = arith.index_cast %add3A_1322 : i32 to index
        %get3A_1328 = arith.constant 48 : index
        %get3A_1329 = tpu.vector_load %get3A_1326[%get3A_1327, %get3A_1328] {strides = array<i32>} : memref<200x128xf32, #tpu.memory_space<vmem>>, vector<1x16xf32>,
        %get3A_1330 = vector.shape_cast %get3A_1329 : vector<1x16xf32> to vector<16xf32>
        %add3A_1331 = arith.addf %scan3A_1283, %get3A_1330 : vector<16xf32>
        %add3A_1332 = arith.constant 50 : i32
        %add3A_1333 = arith.addi %add3A_1332, %scan3A_1279 : i32
        %get3A_1334 = arith.constant 0 : i32
        %get3A_1335 = arith.constant 0 : i32
        %get3A_1336 = tpu.memref_slice %arg6[%scan3A_903, %get3A_1334, %get3A_1335] : memref<2x200x128xf32, #tpu.memory_space<vmem>> -> memref<1x200x128xf32, #tpu.memory_space<vmem>>
        %get3A_1337 = tpu.memref_squeeze %get3A_1336 : memref<1x200x128xf32, #tpu.memory_space<vmem>> -> memref<200x128xf32, #tpu.memory_space<vmem>>
        %get3A_1338 = arith.index_cast %add3A_1333 : i32 to index
        %get3A_1339 = arith.constant 64 : index
        %get3A_1340 = tpu.vector_load %get3A_1337[%get3A_1338, %get3A_1339] {strides = array<i32>} : memref<200x128xf32, #tpu.memory_space<vmem>>, vector<1x16xf32>,
        %get3A_1341 = vector.shape_cast %get3A_1340 : vector<1x16xf32> to vector<16xf32>
        %add3A_1342 = arith.addf %scan3A_1284, %get3A_1341 : vector<16xf32>
        %add3A_1343 = arith.constant 50 : i32
        %add3A_1344 = arith.addi %add3A_1343, %scan3A_1279 : i32
        %get3A_1345 = arith.constant 0 : i32
        %get3A_1346 = arith.constant 0 : i32
        %get3A_1347 = tpu.memref_slice %arg6[%scan3A_903, %get3A_1345, %get3A_1346] : memref<2x200x128xf32, #tpu.memory_space<vmem>> -> memref<1x200x128xf32, #tpu.memory_space<vmem>>
        %get3A_1348 = tpu.memref_squeeze %get3A_1347 : memref<1x200x128xf32, #tpu.memory_space<vmem>> -> memref<200x128xf32, #tpu.memory_space<vmem>>
        %get3A_1349 = arith.index_cast %add3A_1344 : i32 to index
        %get3A_1350 = arith.constant 80 : index
        %get3A_1351 = tpu.vector_load %get3A_1348[%get3A_1349, %get3A_1350] {strides = array<i32>} : memref<200x128xf32, #tpu.memory_space<vmem>>, vector<1x16xf32>,
        %get3A_1352 = vector.shape_cast %get3A_1351 : vector<1x16xf32> to vector<16xf32>
        %add3A_1353 = arith.addf %scan3A_1285, %get3A_1352 : vector<16xf32>
        %add3A_1354 = arith.constant 50 : i32
        %add3A_1355 = arith.addi %add3A_1354, %scan3A_1279 : i32
        %get3A_1356 = arith.constant 0 : i32
        %get3A_1357 = arith.constant 0 : i32
        %get3A_1358 = tpu.memref_slice %arg6[%scan3A_903, %get3A_1356, %get3A_1357] : memref<2x200x128xf32, #tpu.memory_space<vmem>> -> memref<1x200x128xf32, #tpu.memory_space<vmem>>
        %get3A_1359 = tpu.memref_squeeze %get3A_1358 : memref<1x200x128xf32, #tpu.memory_space<vmem>> -> memref<200x128xf32, #tpu.memory_space<vmem>>
        %get3A_1360 = arith.index_cast %add3A_1355 : i32 to index
        %get3A_1361 = arith.constant 96 : index
        %get3A_1362 = tpu.vector_load %get3A_1359[%get3A_1360, %get3A_1361] {strides = array<i32>} : memref<200x128xf32, #tpu.memory_space<vmem>>, vector<1x16xf32>,
        %get3A_1363 = vector.shape_cast %get3A_1362 : vector<1x16xf32> to vector<16xf32>
        %add3A_1364 = arith.addf %scan3A_1286, %get3A_1363 : vector<16xf32>
        %add3A_1365 = arith.constant 50 : i32
        %add3A_1366 = arith.addi %add3A_1365, %scan3A_1279 : i32
        %get3A_1367 = arith.constant 0 : i32
        %get3A_1368 = arith.constant 0 : i32
        %get3A_1369 = tpu.memref_slice %arg6[%scan3A_903, %get3A_1367, %get3A_1368] : memref<2x200x128xf32, #tpu.memory_space<vmem>> -> memref<1x200x128xf32, #tpu.memory_space<vmem>>
        %get3A_1370 = tpu.memref_squeeze %get3A_1369 : memref<1x200x128xf32, #tpu.memory_space<vmem>> -> memref<200x128xf32, #tpu.memory_space<vmem>>
        %get3A_1371 = arith.index_cast %add3A_1366 : i32 to index
        %get3A_1372 = arith.constant 112 : index
        %get3A_1373 = tpu.vector_load %get3A_1370[%get3A_1371, %get3A_1372] {strides = array<i32>} : memref<200x128xf32, #tpu.memory_space<vmem>>, vector<1x16xf32>,
        %get3A_1374 = vector.shape_cast %get3A_1373 : vector<1x16xf32> to vector<16xf32>
        %add3A_1375 = arith.addf %scan3A_1287, %get3A_1374 : vector<16xf32>
        scf.yield %add3A_1298, %add3A_1309, %add3A_1320, %add3A_1331, %add3A_1342, %add3A_1353, %add3A_1364, %add3A_1375 : vector<16xf32>, vector<16xf32>, vector<16xf32>, vector<16xf32>, vector<16xf32>, vector<16xf32>, vector<16xf32>, vector<16xf32>
      }
      %scan3A_909 = arith.constant 49 : i32
      %mul3A_910 = arith.constant 4 : i32
      %mul3A_911 = arith.muli %add3A_665, %mul3A_910 : i32
      %add3A_912 = arith.constant 1 : i32
      %add3A_913 = arith.addi %mul3A_911, %add3A_912 : i32
      %mul3A_914 = vector.broadcast %scan3A_22 : f32 to vector<16xf32>
      %mul3A_915 = arith.mulf %scan3A_908#0, %mul3A_914 : vector<16xf32>
      %swap3A_916 = arith.index_cast %add3A_913 : i32 to index
      %swap3A_917 = arith.constant 0 : index
      %swap3A_918 = tpu.vector_load %arg7[%swap3A_916, %swap3A_917] {strides = array<i32>} : memref<128x128xf32, #tpu.memory_space<vmem>>, vector<1x16xf32>,
      %swap3A_919 = vector.shape_cast %swap3A_918 : vector<1x16xf32> to vector<16xf32>
      %swap3A_920 = vector.shape_cast %mul3A_915 : vector<16xf32> to vector<1x16xf32>
      tpu.vector_store %arg7[%swap3A_916, %swap3A_917], %swap3A_920 {strides = array<i32>} : memref<128x128xf32, #tpu.memory_space<vmem>>, vector<1x16xf32>,
      %mul3A_921 = vector.broadcast %scan3A_22 : f32 to vector<16xf32>
      %mul3A_922 = arith.mulf %scan3A_908#1, %mul3A_921 : vector<16xf32>
      %swap3A_923 = arith.index_cast %add3A_913 : i32 to index
      %swap3A_924 = arith.constant 16 : index
      %swap3A_925 = tpu.vector_load %arg7[%swap3A_923, %swap3A_924] {strides = array<i32>} : memref<128x128xf32, #tpu.memory_space<vmem>>, vector<1x16xf32>,
      %swap3A_926 = vector.shape_cast %swap3A_925 : vector<1x16xf32> to vector<16xf32>
      %swap3A_927 = vector.shape_cast %mul3A_922 : vector<16xf32> to vector<1x16xf32>
      tpu.vector_store %arg7[%swap3A_923, %swap3A_924], %swap3A_927 {strides = array<i32>} : memref<128x128xf32, #tpu.memory_space<vmem>>, vector<1x16xf32>,
      %mul3A_928 = vector.broadcast %scan3A_22 : f32 to vector<16xf32>
      %mul3A_929 = arith.mulf %scan3A_908#2, %mul3A_928 : vector<16xf32>
      %swap3A_930 = arith.index_cast %add3A_913 : i32 to index
      %swap3A_931 = arith.constant 32 : index
      %swap3A_932 = tpu.vector_load %arg7[%swap3A_930, %swap3A_931] {strides = array<i32>} : memref<128x128xf32, #tpu.memory_space<vmem>>, vector<1x16xf32>,
      %swap3A_933 = vector.shape_cast %swap3A_932 : vector<1x16xf32> to vector<16xf32>
      %swap3A_934 = vector.shape_cast %mul3A_929 : vector<16xf32> to vector<1x16xf32>
      tpu.vector_store %arg7[%swap3A_930, %swap3A_931], %swap3A_934 {strides = array<i32>} : memref<128x128xf32, #tpu.memory_space<vmem>>, vector<1x16xf32>,
      %mul3A_935 = vector.broadcast %scan3A_22 : f32 to vector<16xf32>
      %mul3A_936 = arith.mulf %scan3A_908#3, %mul3A_935 : vector<16xf32>
      %swap3A_937 = arith.index_cast %add3A_913 : i32 to index
      %swap3A_938 = arith.constant 48 : index
      %swap3A_939 = tpu.vector_load %arg7[%swap3A_937, %swap3A_938] {strides = array<i32>} : memref<128x128xf32, #tpu.memory_space<vmem>>, vector<1x16xf32>,
      %swap3A_940 = vector.shape_cast %swap3A_939 : vector<1x16xf32> to vector<16xf32>
      %swap3A_941 = vector.shape_cast %mul3A_936 : vector<16xf32> to vector<1x16xf32>
      tpu.vector_store %arg7[%swap3A_937, %swap3A_938], %swap3A_941 {strides = array<i32>} : memref<128x128xf32, #tpu.memory_space<vmem>>, vector<1x16xf32>,
      %mul3A_942 = vector.broadcast %scan3A_22 : f32 to vector<16xf32>
      %mul3A_943 = arith.mulf %scan3A_908#4, %mul3A_942 : vector<16xf32>
      %swap3A_944 = arith.index_cast %add3A_913 : i32 to index
      %swap3A_945 = arith.constant 64 : index
      %swap3A_946 = tpu.vector_load %arg7[%swap3A_944, %swap3A_945] {strides = array<i32>} : memref<128x128xf32, #tpu.memory_space<vmem>>, vector<1x16xf32>,
      %swap3A_947 = vector.shape_cast %swap3A_946 : vector<1x16xf32> to vector<16xf32>
      %swap3A_948 = vector.shape_cast %mul3A_943 : vector<16xf32> to vector<1x16xf32>
      tpu.vector_store %arg7[%swap3A_944, %swap3A_945], %swap3A_948 {strides = array<i32>} : memref<128x128xf32, #tpu.memory_space<vmem>>, vector<1x16xf32>,
      %mul3A_949 = vector.broadcast %scan3A_22 : f32 to vector<16xf32>
      %mul3A_950 = arith.mulf %scan3A_908#5, %mul3A_949 : vector<16xf32>
      %swap3A_951 = arith.index_cast %add3A_913 : i32 to index
      %swap3A_952 = arith.constant 80 : index
      %swap3A_953 = tpu.vector_load %arg7[%swap3A_951, %swap3A_952] {strides = array<i32>} : memref<128x128xf32, #tpu.memory_space<vmem>>, vector<1x16xf32>,
      %swap3A_954 = vector.shape_cast %swap3A_953 : vector<1x16xf32> to vector<16xf32>
      %swap3A_955 = vector.shape_cast %mul3A_950 : vector<16xf32> to vector<1x16xf32>
      tpu.vector_store %arg7[%swap3A_951, %swap3A_952], %swap3A_955 {strides = array<i32>} : memref<128x128xf32, #tpu.memory_space<vmem>>, vector<1x16xf32>,
      %mul3A_956 = vector.broadcast %scan3A_22 : f32 to vector<16xf32>
      %mul3A_957 = arith.mulf %scan3A_908#6, %mul3A_956 : vector<16xf32>
      %swap3A_958 = arith.index_cast %add3A_913 : i32 to index
      %swap3A_959 = arith.constant 96 : index
      %swap3A_960 = tpu.vector_load %arg7[%swap3A_958, %swap3A_959] {strides = array<i32>} : memref<128x128xf32, #tpu.memory_space<vmem>>, vector<1x16xf32>,
      %swap3A_961 = vector.shape_cast %swap3A_960 : vector<1x16xf32> to vector<16xf32>
      %swap3A_962 = vector.shape_cast %mul3A_957 : vector<16xf32> to vector<1x16xf32>
      tpu.vector_store %arg7[%swap3A_958, %swap3A_959], %swap3A_962 {strides = array<i32>} : memref<128x128xf32, #tpu.memory_space<vmem>>, vector<1x16xf32>,
      %mul3A_963 = vector.broadcast %scan3A_22 : f32 to vector<16xf32>
      %mul3A_964 = arith.mulf %scan3A_908#7, %mul3A_963 : vector<16xf32>
      %swap3A_965 = arith.index_cast %add3A_913 : i32 to index
      %swap3A_966 = arith.constant 112 : index
      %swap3A_967 = tpu.vector_load %arg7[%swap3A_965, %swap3A_966] {strides = array<i32>} : memref<128x128xf32, #tpu.memory_space<vmem>>, vector<1x16xf32>,
      %swap3A_968 = vector.shape_cast %swap3A_967 : vector<1x16xf32> to vector<16xf32>
      %swap3A_969 = vector.shape_cast %mul3A_964 : vector<16xf32> to vector<1x16xf32>
      tpu.vector_store %arg7[%swap3A_965, %swap3A_966], %swap3A_969 {strides = array<i32>} : memref<128x128xf32, #tpu.memory_space<vmem>>, vector<1x16xf32>,
      %get3A_970 = arith.constant 1 : i32
      %get3A_971 = arith.constant 100 : i32
      %get3A_972 = arith.constant 0 : i32
      %get3A_973 = arith.constant 0 : i32
      %get3A_974 = tpu.memref_slice %arg6[%get3A_970, %get3A_972, %get3A_973] : memref<2x200x128xf32, #tpu.memory_space<vmem>> -> memref<1x200x128xf32, #tpu.memory_space<vmem>>
      %get3A_975 = tpu.memref_squeeze %get3A_974 : memref<1x200x128xf32, #tpu.memory_space<vmem>> -> memref<200x128xf32, #tpu.memory_space<vmem>>
      %get3A_976 = arith.index_cast %get3A_971 : i32 to index
      %get3A_977 = arith.constant 0 : index
      %get3A_978 = tpu.vector_load %get3A_975[%get3A_976, %get3A_977] {strides = array<i32>} : memref<200x128xf32, #tpu.memory_space<vmem>>, vector<1x16xf32>,
      %get3A_979 = vector.shape_cast %get3A_978 : vector<1x16xf32> to vector<16xf32>
      %get3A_980 = arith.constant 1 : i32
      %get3A_981 = arith.constant 100 : i32
      %get3A_982 = arith.constant 0 : i32
      %get3A_983 = arith.constant 0 : i32
      %get3A_984 = tpu.memref_slice %arg6[%get3A_980, %get3A_982, %get3A_983] : memref<2x200x128xf32, #tpu.memory_space<vmem>> -> memref<1x200x128xf32, #tpu.memory_space<vmem>>
      %get3A_985 = tpu.memref_squeeze %get3A_984 : memref<1x200x128xf32, #tpu.memory_space<vmem>> -> memref<200x128xf32, #tpu.memory_space<vmem>>
      %get3A_986 = arith.index_cast %get3A_981 : i32 to index
      %get3A_987 = arith.constant 16 : index
      %get3A_988 = tpu.vector_load %get3A_985[%get3A_986, %get3A_987] {strides = array<i32>} : memref<200x128xf32, #tpu.memory_space<vmem>>, vector<1x16xf32>,
      %get3A_989 = vector.shape_cast %get3A_988 : vector<1x16xf32> to vector<16xf32>
      %get3A_990 = arith.constant 1 : i32
      %get3A_991 = arith.constant 100 : i32
      %get3A_992 = arith.constant 0 : i32
      %get3A_993 = arith.constant 0 : i32
      %get3A_994 = tpu.memref_slice %arg6[%get3A_990, %get3A_992, %get3A_993] : memref<2x200x128xf32, #tpu.memory_space<vmem>> -> memref<1x200x128xf32, #tpu.memory_space<vmem>>
      %get3A_995 = tpu.memref_squeeze %get3A_994 : memref<1x200x128xf32, #tpu.memory_space<vmem>> -> memref<200x128xf32, #tpu.memory_space<vmem>>
      %get3A_996 = arith.index_cast %get3A_991 : i32 to index
      %get3A_997 = arith.constant 32 : index
      %get3A_998 = tpu.vector_load %get3A_995[%get3A_996, %get3A_997] {strides = array<i32>} : memref<200x128xf32, #tpu.memory_space<vmem>>, vector<1x16xf32>,
      %get3A_999 = vector.shape_cast %get3A_998 : vector<1x16xf32> to vector<16xf32>
      %get3A_1000 = arith.constant 1 : i32
      %get3A_1001 = arith.constant 100 : i32
      %get3A_1002 = arith.constant 0 : i32
      %get3A_1003 = arith.constant 0 : i32
      %get3A_1004 = tpu.memref_slice %arg6[%get3A_1000, %get3A_1002, %get3A_1003] : memref<2x200x128xf32, #tpu.memory_space<vmem>> -> memref<1x200x128xf32, #tpu.memory_space<vmem>>
      %get3A_1005 = tpu.memref_squeeze %get3A_1004 : memref<1x200x128xf32, #tpu.memory_space<vmem>> -> memref<200x128xf32, #tpu.memory_space<vmem>>
      %get3A_1006 = arith.index_cast %get3A_1001 : i32 to index
      %get3A_1007 = arith.constant 48 : index
      %get3A_1008 = tpu.vector_load %get3A_1005[%get3A_1006, %get3A_1007] {strides = array<i32>} : memref<200x128xf32, #tpu.memory_space<vmem>>, vector<1x16xf32>,
      %get3A_1009 = vector.shape_cast %get3A_1008 : vector<1x16xf32> to vector<16xf32>
      %get3A_1010 = arith.constant 1 : i32
      %get3A_1011 = arith.constant 100 : i32
      %get3A_1012 = arith.constant 0 : i32
      %get3A_1013 = arith.constant 0 : i32
      %get3A_1014 = tpu.memref_slice %arg6[%get3A_1010, %get3A_1012, %get3A_1013] : memref<2x200x128xf32, #tpu.memory_space<vmem>> -> memref<1x200x128xf32, #tpu.memory_space<vmem>>
      %get3A_1015 = tpu.memref_squeeze %get3A_1014 : memref<1x200x128xf32, #tpu.memory_space<vmem>> -> memref<200x128xf32, #tpu.memory_space<vmem>>
      %get3A_1016 = arith.index_cast %get3A_1011 : i32 to index
      %get3A_1017 = arith.constant 64 : index
      %get3A_1018 = tpu.vector_load %get3A_1015[%get3A_1016, %get3A_1017] {strides = array<i32>} : memref<200x128xf32, #tpu.memory_space<vmem>>, vector<1x16xf32>,
      %get3A_1019 = vector.shape_cast %get3A_1018 : vector<1x16xf32> to vector<16xf32>
      %get3A_1020 = arith.constant 1 : i32
      %get3A_1021 = arith.constant 100 : i32
      %get3A_1022 = arith.constant 0 : i32
      %get3A_1023 = arith.constant 0 : i32
      %get3A_1024 = tpu.memref_slice %arg6[%get3A_1020, %get3A_1022, %get3A_1023] : memref<2x200x128xf32, #tpu.memory_space<vmem>> -> memref<1x200x128xf32, #tpu.memory_space<vmem>>
      %get3A_1025 = tpu.memref_squeeze %get3A_1024 : memref<1x200x128xf32, #tpu.memory_space<vmem>> -> memref<200x128xf32, #tpu.memory_space<vmem>>
      %get3A_1026 = arith.index_cast %get3A_1021 : i32 to index
      %get3A_1027 = arith.constant 80 : index
      %get3A_1028 = tpu.vector_load %get3A_1025[%get3A_1026, %get3A_1027] {strides = array<i32>} : memref<200x128xf32, #tpu.memory_space<vmem>>, vector<1x16xf32>,
      %get3A_1029 = vector.shape_cast %get3A_1028 : vector<1x16xf32> to vector<16xf32>
      %get3A_1030 = arith.constant 1 : i32
      %get3A_1031 = arith.constant 100 : i32
      %get3A_1032 = arith.constant 0 : i32
      %get3A_1033 = arith.constant 0 : i32
      %get3A_1034 = tpu.memref_slice %arg6[%get3A_1030, %get3A_1032, %get3A_1033] : memref<2x200x128xf32, #tpu.memory_space<vmem>> -> memref<1x200x128xf32, #tpu.memory_space<vmem>>
      %get3A_1035 = tpu.memref_squeeze %get3A_1034 : memref<1x200x128xf32, #tpu.memory_space<vmem>> -> memref<200x128xf32, #tpu.memory_space<vmem>>
      %get3A_1036 = arith.index_cast %get3A_1031 : i32 to index
      %get3A_1037 = arith.constant 96 : index
      %get3A_1038 = tpu.vector_load %get3A_1035[%get3A_1036, %get3A_1037] {strides = array<i32>} : memref<200x128xf32, #tpu.memory_space<vmem>>, vector<1x16xf32>,
      %get3A_1039 = vector.shape_cast %get3A_1038 : vector<1x16xf32> to vector<16xf32>
      %get3A_1040 = arith.constant 1 : i32
      %get3A_1041 = arith.constant 100 : i32
      %get3A_1042 = arith.constant 0 : i32
      %get3A_1043 = arith.constant 0 : i32
      %get3A_1044 = tpu.memref_slice %arg6[%get3A_1040, %get3A_1042, %get3A_1043] : memref<2x200x128xf32, #tpu.memory_space<vmem>> -> memref<1x200x128xf32, #tpu.memory_space<vmem>>
      %get3A_1045 = tpu.memref_squeeze %get3A_1044 : memref<1x200x128xf32, #tpu.memory_space<vmem>> -> memref<200x128xf32, #tpu.memory_space<vmem>>
      %get3A_1046 = arith.index_cast %get3A_1041 : i32 to index
      %get3A_1047 = arith.constant 112 : index
      %get3A_1048 = tpu.vector_load %get3A_1045[%get3A_1046, %get3A_1047] {strides = array<i32>} : memref<200x128xf32, #tpu.memory_space<vmem>>, vector<1x16xf32>,
      %get3A_1049 = vector.shape_cast %get3A_1048 : vector<1x16xf32> to vector<16xf32>
      %scan3A_1050 = arith.constant 1 : i32
      %scan3A_1051 = arith.constant 1 : i32
      %scan3A_1052 = arith.constant 49 : i32
      %scan3A_1053 = arith.addi %scan3A_1051, %scan3A_1052 : i32
      %scan3A_1054 = arith.constant 1 : i32
      %scan3A_1055:8 = scf.for %scan3A_1279 = %scan3A_1051 to %scan3A_1053 step %scan3A_1054 iter_args(%scan3A_1280 = %get3A_979, %scan3A_1281 = %get3A_989, %scan3A_1282 = %get3A_999, %scan3A_1283 = %get3A_1009, %scan3A_1284 = %get3A_1019, %scan3A_1285 = %get3A_1029, %scan3A_1286 = %get3A_1039, %scan3A_1287 = %get3A_1049) -> (vector<16xf32>, vector<16xf32>, vector<16xf32>, vector<16xf32>, vector<16xf32>, vector<16xf32>, vector<16xf32>, vector<16xf32>)  : i32 {
        %add3A_1288 = arith.constant 100 : i32
        %add3A_1289 = arith.addi %add3A_1288, %scan3A_1279 : i32
        %get3A_1290 = arith.constant 0 : i32
        %get3A_1291 = arith.constant 0 : i32
        %get3A_1292 = tpu.memref_slice %arg6[%scan3A_1050, %get3A_1290, %get3A_1291] : memref<2x200x128xf32, #tpu.memory_space<vmem>> -> memref<1x200x128xf32, #tpu.memory_space<vmem>>
        %get3A_1293 = tpu.memref_squeeze %get3A_1292 : memref<1x200x128xf32, #tpu.memory_space<vmem>> -> memref<200x128xf32, #tpu.memory_space<vmem>>
        %get3A_1294 = arith.index_cast %add3A_1289 : i32 to index
        %get3A_1295 = arith.constant 0 : index
        %get3A_1296 = tpu.vector_load %get3A_1293[%get3A_1294, %get3A_1295] {strides = array<i32>} : memref<200x128xf32, #tpu.memory_space<vmem>>, vector<1x16xf32>,
        %get3A_1297 = vector.shape_cast %get3A_1296 : vector<1x16xf32> to vector<16xf32>
        %add3A_1298 = arith.addf %scan3A_1280, %get3A_1297 : vector<16xf32>
        %add3A_1299 = arith.constant 100 : i32
        %add3A_1300 = arith.addi %add3A_1299, %scan3A_1279 : i32
        %get3A_1301 = arith.constant 0 : i32
        %get3A_1302 = arith.constant 0 : i32
        %get3A_1303 = tpu.memref_slice %arg6[%scan3A_1050, %get3A_1301, %get3A_1302] : memref<2x200x128xf32, #tpu.memory_space<vmem>> -> memref<1x200x128xf32, #tpu.memory_space<vmem>>
        %get3A_1304 = tpu.memref_squeeze %get3A_1303 : memref<1x200x128xf32, #tpu.memory_space<vmem>> -> memref<200x128xf32, #tpu.memory_space<vmem>>
        %get3A_1305 = arith.index_cast %add3A_1300 : i32 to index
        %get3A_1306 = arith.constant 16 : index
        %get3A_1307 = tpu.vector_load %get3A_1304[%get3A_1305, %get3A_1306] {strides = array<i32>} : memref<200x128xf32, #tpu.memory_space<vmem>>, vector<1x16xf32>,
        %get3A_1308 = vector.shape_cast %get3A_1307 : vector<1x16xf32> to vector<16xf32>
        %add3A_1309 = arith.addf %scan3A_1281, %get3A_1308 : vector<16xf32>
        %add3A_1310 = arith.constant 100 : i32
        %add3A_1311 = arith.addi %add3A_1310, %scan3A_1279 : i32
        %get3A_1312 = arith.constant 0 : i32
        %get3A_1313 = arith.constant 0 : i32
        %get3A_1314 = tpu.memref_slice %arg6[%scan3A_1050, %get3A_1312, %get3A_1313] : memref<2x200x128xf32, #tpu.memory_space<vmem>> -> memref<1x200x128xf32, #tpu.memory_space<vmem>>
        %get3A_1315 = tpu.memref_squeeze %get3A_1314 : memref<1x200x128xf32, #tpu.memory_space<vmem>> -> memref<200x128xf32, #tpu.memory_space<vmem>>
        %get3A_1316 = arith.index_cast %add3A_1311 : i32 to index
        %get3A_1317 = arith.constant 32 : index
        %get3A_1318 = tpu.vector_load %get3A_1315[%get3A_1316, %get3A_1317] {strides = array<i32>} : memref<200x128xf32, #tpu.memory_space<vmem>>, vector<1x16xf32>,
        %get3A_1319 = vector.shape_cast %get3A_1318 : vector<1x16xf32> to vector<16xf32>
        %add3A_1320 = arith.addf %scan3A_1282, %get3A_1319 : vector<16xf32>
        %add3A_1321 = arith.constant 100 : i32
        %add3A_1322 = arith.addi %add3A_1321, %scan3A_1279 : i32
        %get3A_1323 = arith.constant 0 : i32
        %get3A_1324 = arith.constant 0 : i32
        %get3A_1325 = tpu.memref_slice %arg6[%scan3A_1050, %get3A_1323, %get3A_1324] : memref<2x200x128xf32, #tpu.memory_space<vmem>> -> memref<1x200x128xf32, #tpu.memory_space<vmem>>
        %get3A_1326 = tpu.memref_squeeze %get3A_1325 : memref<1x200x128xf32, #tpu.memory_space<vmem>> -> memref<200x128xf32, #tpu.memory_space<vmem>>
        %get3A_1327 = arith.index_cast %add3A_1322 : i32 to index
        %get3A_1328 = arith.constant 48 : index
        %get3A_1329 = tpu.vector_load %get3A_1326[%get3A_1327, %get3A_1328] {strides = array<i32>} : memref<200x128xf32, #tpu.memory_space<vmem>>, vector<1x16xf32>,
        %get3A_1330 = vector.shape_cast %get3A_1329 : vector<1x16xf32> to vector<16xf32>
        %add3A_1331 = arith.addf %scan3A_1283, %get3A_1330 : vector<16xf32>
        %add3A_1332 = arith.constant 100 : i32
        %add3A_1333 = arith.addi %add3A_1332, %scan3A_1279 : i32
        %get3A_1334 = arith.constant 0 : i32
        %get3A_1335 = arith.constant 0 : i32
        %get3A_1336 = tpu.memref_slice %arg6[%scan3A_1050, %get3A_1334, %get3A_1335] : memref<2x200x128xf32, #tpu.memory_space<vmem>> -> memref<1x200x128xf32, #tpu.memory_space<vmem>>
        %get3A_1337 = tpu.memref_squeeze %get3A_1336 : memref<1x200x128xf32, #tpu.memory_space<vmem>> -> memref<200x128xf32, #tpu.memory_space<vmem>>
        %get3A_1338 = arith.index_cast %add3A_1333 : i32 to index
        %get3A_1339 = arith.constant 64 : index
        %get3A_1340 = tpu.vector_load %get3A_1337[%get3A_1338, %get3A_1339] {strides = array<i32>} : memref<200x128xf32, #tpu.memory_space<vmem>>, vector<1x16xf32>,
        %get3A_1341 = vector.shape_cast %get3A_1340 : vector<1x16xf32> to vector<16xf32>
        %add3A_1342 = arith.addf %scan3A_1284, %get3A_1341 : vector<16xf32>
        %add3A_1343 = arith.constant 100 : i32
        %add3A_1344 = arith.addi %add3A_1343, %scan3A_1279 : i32
        %get3A_1345 = arith.constant 0 : i32
        %get3A_1346 = arith.constant 0 : i32
        %get3A_1347 = tpu.memref_slice %arg6[%scan3A_1050, %get3A_1345, %get3A_1346] : memref<2x200x128xf32, #tpu.memory_space<vmem>> -> memref<1x200x128xf32, #tpu.memory_space<vmem>>
        %get3A_1348 = tpu.memref_squeeze %get3A_1347 : memref<1x200x128xf32, #tpu.memory_space<vmem>> -> memref<200x128xf32, #tpu.memory_space<vmem>>
        %get3A_1349 = arith.index_cast %add3A_1344 : i32 to index
        %get3A_1350 = arith.constant 80 : index
        %get3A_1351 = tpu.vector_load %get3A_1348[%get3A_1349, %get3A_1350] {strides = array<i32>} : memref<200x128xf32, #tpu.memory_space<vmem>>, vector<1x16xf32>,
        %get3A_1352 = vector.shape_cast %get3A_1351 : vector<1x16xf32> to vector<16xf32>
        %add3A_1353 = arith.addf %scan3A_1285, %get3A_1352 : vector<16xf32>
        %add3A_1354 = arith.constant 100 : i32
        %add3A_1355 = arith.addi %add3A_1354, %scan3A_1279 : i32
        %get3A_1356 = arith.constant 0 : i32
        %get3A_1357 = arith.constant 0 : i32
        %get3A_1358 = tpu.memref_slice %arg6[%scan3A_1050, %get3A_1356, %get3A_1357] : memref<2x200x128xf32, #tpu.memory_space<vmem>> -> memref<1x200x128xf32, #tpu.memory_space<vmem>>
        %get3A_1359 = tpu.memref_squeeze %get3A_1358 : memref<1x200x128xf32, #tpu.memory_space<vmem>> -> memref<200x128xf32, #tpu.memory_space<vmem>>
        %get3A_1360 = arith.index_cast %add3A_1355 : i32 to index
        %get3A_1361 = arith.constant 96 : index
        %get3A_1362 = tpu.vector_load %get3A_1359[%get3A_1360, %get3A_1361] {strides = array<i32>} : memref<200x128xf32, #tpu.memory_space<vmem>>, vector<1x16xf32>,
        %get3A_1363 = vector.shape_cast %get3A_1362 : vector<1x16xf32> to vector<16xf32>
        %add3A_1364 = arith.addf %scan3A_1286, %get3A_1363 : vector<16xf32>
        %add3A_1365 = arith.constant 100 : i32
        %add3A_1366 = arith.addi %add3A_1365, %scan3A_1279 : i32
        %get3A_1367 = arith.constant 0 : i32
        %get3A_1368 = arith.constant 0 : i32
        %get3A_1369 = tpu.memref_slice %arg6[%scan3A_1050, %get3A_1367, %get3A_1368] : memref<2x200x128xf32, #tpu.memory_space<vmem>> -> memref<1x200x128xf32, #tpu.memory_space<vmem>>
        %get3A_1370 = tpu.memref_squeeze %get3A_1369 : memref<1x200x128xf32, #tpu.memory_space<vmem>> -> memref<200x128xf32, #tpu.memory_space<vmem>>
        %get3A_1371 = arith.index_cast %add3A_1366 : i32 to index
        %get3A_1372 = arith.constant 112 : index
        %get3A_1373 = tpu.vector_load %get3A_1370[%get3A_1371, %get3A_1372] {strides = array<i32>} : memref<200x128xf32, #tpu.memory_space<vmem>>, vector<1x16xf32>,
        %get3A_1374 = vector.shape_cast %get3A_1373 : vector<1x16xf32> to vector<16xf32>
        %add3A_1375 = arith.addf %scan3A_1287, %get3A_1374 : vector<16xf32>
        scf.yield %add3A_1298, %add3A_1309, %add3A_1320, %add3A_1331, %add3A_1342, %add3A_1353, %add3A_1364, %add3A_1375 : vector<16xf32>, vector<16xf32>, vector<16xf32>, vector<16xf32>, vector<16xf32>, vector<16xf32>, vector<16xf32>, vector<16xf32>
      }
      %scan3A_1056 = arith.constant 49 : i32
      %mul3A_1057 = arith.constant 4 : i32
      %mul3A_1058 = arith.muli %add3A_665, %mul3A_1057 : i32
      %add3A_1059 = arith.constant 2 : i32
      %add3A_1060 = arith.addi %mul3A_1058, %add3A_1059 : i32
      %mul3A_1061 = vector.broadcast %scan3A_22 : f32 to vector<16xf32>
      %mul3A_1062 = arith.mulf %scan3A_1055#0, %mul3A_1061 : vector<16xf32>
      %swap3A_1063 = arith.index_cast %add3A_1060 : i32 to index
      %swap3A_1064 = arith.constant 0 : index
      %swap3A_1065 = tpu.vector_load %arg7[%swap3A_1063, %swap3A_1064] {strides = array<i32>} : memref<128x128xf32, #tpu.memory_space<vmem>>, vector<1x16xf32>,
      %swap3A_1066 = vector.shape_cast %swap3A_1065 : vector<1x16xf32> to vector<16xf32>
      %swap3A_1067 = vector.shape_cast %mul3A_1062 : vector<16xf32> to vector<1x16xf32>
      tpu.vector_store %arg7[%swap3A_1063, %swap3A_1064], %swap3A_1067 {strides = array<i32>} : memref<128x128xf32, #tpu.memory_space<vmem>>, vector<1x16xf32>,
      %mul3A_1068 = vector.broadcast %scan3A_22 : f32 to vector<16xf32>
      %mul3A_1069 = arith.mulf %scan3A_1055#1, %mul3A_1068 : vector<16xf32>
      %swap3A_1070 = arith.index_cast %add3A_1060 : i32 to index
      %swap3A_1071 = arith.constant 16 : index
      %swap3A_1072 = tpu.vector_load %arg7[%swap3A_1070, %swap3A_1071] {strides = array<i32>} : memref<128x128xf32, #tpu.memory_space<vmem>>, vector<1x16xf32>,
      %swap3A_1073 = vector.shape_cast %swap3A_1072 : vector<1x16xf32> to vector<16xf32>
      %swap3A_1074 = vector.shape_cast %mul3A_1069 : vector<16xf32> to vector<1x16xf32>
      tpu.vector_store %arg7[%swap3A_1070, %swap3A_1071], %swap3A_1074 {strides = array<i32>} : memref<128x128xf32, #tpu.memory_space<vmem>>, vector<1x16xf32>,
      %mul3A_1075 = vector.broadcast %scan3A_22 : f32 to vector<16xf32>
      %mul3A_1076 = arith.mulf %scan3A_1055#2, %mul3A_1075 : vector<16xf32>
      %swap3A_1077 = arith.index_cast %add3A_1060 : i32 to index
      %swap3A_1078 = arith.constant 32 : index
      %swap3A_1079 = tpu.vector_load %arg7[%swap3A_1077, %swap3A_1078] {strides = array<i32>} : memref<128x128xf32, #tpu.memory_space<vmem>>, vector<1x16xf32>,
      %swap3A_1080 = vector.shape_cast %swap3A_1079 : vector<1x16xf32> to vector<16xf32>
      %swap3A_1081 = vector.shape_cast %mul3A_1076 : vector<16xf32> to vector<1x16xf32>
      tpu.vector_store %arg7[%swap3A_1077, %swap3A_1078], %swap3A_1081 {strides = array<i32>} : memref<128x128xf32, #tpu.memory_space<vmem>>, vector<1x16xf32>,
      %mul3A_1082 = vector.broadcast %scan3A_22 : f32 to vector<16xf32>
      %mul3A_1083 = arith.mulf %scan3A_1055#3, %mul3A_1082 : vector<16xf32>
      %swap3A_1084 = arith.index_cast %add3A_1060 : i32 to index
      %swap3A_1085 = arith.constant 48 : index
      %swap3A_1086 = tpu.vector_load %arg7[%swap3A_1084, %swap3A_1085] {strides = array<i32>} : memref<128x128xf32, #tpu.memory_space<vmem>>, vector<1x16xf32>,
      %swap3A_1087 = vector.shape_cast %swap3A_1086 : vector<1x16xf32> to vector<16xf32>
      %swap3A_1088 = vector.shape_cast %mul3A_1083 : vector<16xf32> to vector<1x16xf32>
      tpu.vector_store %arg7[%swap3A_1084, %swap3A_1085], %swap3A_1088 {strides = array<i32>} : memref<128x128xf32, #tpu.memory_space<vmem>>, vector<1x16xf32>,
      %mul3A_1089 = vector.broadcast %scan3A_22 : f32 to vector<16xf32>
      %mul3A_1090 = arith.mulf %scan3A_1055#4, %mul3A_1089 : vector<16xf32>
      %swap3A_1091 = arith.index_cast %add3A_1060 : i32 to index
      %swap3A_1092 = arith.constant 64 : index
      %swap3A_1093 = tpu.vector_load %arg7[%swap3A_1091, %swap3A_1092] {strides = array<i32>} : memref<128x128xf32, #tpu.memory_space<vmem>>, vector<1x16xf32>,
      %swap3A_1094 = vector.shape_cast %swap3A_1093 : vector<1x16xf32> to vector<16xf32>
      %swap3A_1095 = vector.shape_cast %mul3A_1090 : vector<16xf32> to vector<1x16xf32>
      tpu.vector_store %arg7[%swap3A_1091, %swap3A_1092], %swap3A_1095 {strides = array<i32>} : memref<128x128xf32, #tpu.memory_space<vmem>>, vector<1x16xf32>,
      %mul3A_1096 = vector.broadcast %scan3A_22 : f32 to vector<16xf32>
      %mul3A_1097 = arith.mulf %scan3A_1055#5, %mul3A_1096 : vector<16xf32>
      %swap3A_1098 = arith.index_cast %add3A_1060 : i32 to index
      %swap3A_1099 = arith.constant 80 : index
      %swap3A_1100 = tpu.vector_load %arg7[%swap3A_1098, %swap3A_1099] {strides = array<i32>} : memref<128x128xf32, #tpu.memory_space<vmem>>, vector<1x16xf32>,
      %swap3A_1101 = vector.shape_cast %swap3A_1100 : vector<1x16xf32> to vector<16xf32>
      %swap3A_1102 = vector.shape_cast %mul3A_1097 : vector<16xf32> to vector<1x16xf32>
      tpu.vector_store %arg7[%swap3A_1098, %swap3A_1099], %swap3A_1102 {strides = array<i32>} : memref<128x128xf32, #tpu.memory_space<vmem>>, vector<1x16xf32>,
      %mul3A_1103 = vector.broadcast %scan3A_22 : f32 to vector<16xf32>
      %mul3A_1104 = arith.mulf %scan3A_1055#6, %mul3A_1103 : vector<16xf32>
      %swap3A_1105 = arith.index_cast %add3A_1060 : i32 to index
      %swap3A_1106 = arith.constant 96 : index
      %swap3A_1107 = tpu.vector_load %arg7[%swap3A_1105, %swap3A_1106] {strides = array<i32>} : memref<128x128xf32, #tpu.memory_space<vmem>>, vector<1x16xf32>,
      %swap3A_1108 = vector.shape_cast %swap3A_1107 : vector<1x16xf32> to vector<16xf32>
      %swap3A_1109 = vector.shape_cast %mul3A_1104 : vector<16xf32> to vector<1x16xf32>
      tpu.vector_store %arg7[%swap3A_1105, %swap3A_1106], %swap3A_1109 {strides = array<i32>} : memref<128x128xf32, #tpu.memory_space<vmem>>, vector<1x16xf32>,
      %mul3A_1110 = vector.broadcast %scan3A_22 : f32 to vector<16xf32>
      %mul3A_1111 = arith.mulf %scan3A_1055#7, %mul3A_1110 : vector<16xf32>
      %swap3A_1112 = arith.index_cast %add3A_1060 : i32 to index
      %swap3A_1113 = arith.constant 112 : index
      %swap3A_1114 = tpu.vector_load %arg7[%swap3A_1112, %swap3A_1113] {strides = array<i32>} : memref<128x128xf32, #tpu.memory_space<vmem>>, vector<1x16xf32>,
      %swap3A_1115 = vector.shape_cast %swap3A_1114 : vector<1x16xf32> to vector<16xf32>
      %swap3A_1116 = vector.shape_cast %mul3A_1111 : vector<16xf32> to vector<1x16xf32>
      tpu.vector_store %arg7[%swap3A_1112, %swap3A_1113], %swap3A_1116 {strides = array<i32>} : memref<128x128xf32, #tpu.memory_space<vmem>>, vector<1x16xf32>,
      %get3A_1117 = arith.constant 1 : i32
      %get3A_1118 = arith.constant 150 : i32
      %get3A_1119 = arith.constant 0 : i32
      %get3A_1120 = arith.constant 0 : i32
      %get3A_1121 = tpu.memref_slice %arg6[%get3A_1117, %get3A_1119, %get3A_1120] : memref<2x200x128xf32, #tpu.memory_space<vmem>> -> memref<1x200x128xf32, #tpu.memory_space<vmem>>
      %get3A_1122 = tpu.memref_squeeze %get3A_1121 : memref<1x200x128xf32, #tpu.memory_space<vmem>> -> memref<200x128xf32, #tpu.memory_space<vmem>>
      %get3A_1123 = arith.index_cast %get3A_1118 : i32 to index
      %get3A_1124 = arith.constant 0 : index
      %get3A_1125 = tpu.vector_load %get3A_1122[%get3A_1123, %get3A_1124] {strides = array<i32>} : memref<200x128xf32, #tpu.memory_space<vmem>>, vector<1x16xf32>,
      %get3A_1126 = vector.shape_cast %get3A_1125 : vector<1x16xf32> to vector<16xf32>
      %get3A_1127 = arith.constant 1 : i32
      %get3A_1128 = arith.constant 150 : i32
      %get3A_1129 = arith.constant 0 : i32
      %get3A_1130 = arith.constant 0 : i32
      %get3A_1131 = tpu.memref_slice %arg6[%get3A_1127, %get3A_1129, %get3A_1130] : memref<2x200x128xf32, #tpu.memory_space<vmem>> -> memref<1x200x128xf32, #tpu.memory_space<vmem>>
      %get3A_1132 = tpu.memref_squeeze %get3A_1131 : memref<1x200x128xf32, #tpu.memory_space<vmem>> -> memref<200x128xf32, #tpu.memory_space<vmem>>
      %get3A_1133 = arith.index_cast %get3A_1128 : i32 to index
      %get3A_1134 = arith.constant 16 : index
      %get3A_1135 = tpu.vector_load %get3A_1132[%get3A_1133, %get3A_1134] {strides = array<i32>} : memref<200x128xf32, #tpu.memory_space<vmem>>, vector<1x16xf32>,
      %get3A_1136 = vector.shape_cast %get3A_1135 : vector<1x16xf32> to vector<16xf32>
      %get3A_1137 = arith.constant 1 : i32
      %get3A_1138 = arith.constant 150 : i32
      %get3A_1139 = arith.constant 0 : i32
      %get3A_1140 = arith.constant 0 : i32
      %get3A_1141 = tpu.memref_slice %arg6[%get3A_1137, %get3A_1139, %get3A_1140] : memref<2x200x128xf32, #tpu.memory_space<vmem>> -> memref<1x200x128xf32, #tpu.memory_space<vmem>>
      %get3A_1142 = tpu.memref_squeeze %get3A_1141 : memref<1x200x128xf32, #tpu.memory_space<vmem>> -> memref<200x128xf32, #tpu.memory_space<vmem>>
      %get3A_1143 = arith.index_cast %get3A_1138 : i32 to index
      %get3A_1144 = arith.constant 32 : index
      %get3A_1145 = tpu.vector_load %get3A_1142[%get3A_1143, %get3A_1144] {strides = array<i32>} : memref<200x128xf32, #tpu.memory_space<vmem>>, vector<1x16xf32>,
      %get3A_1146 = vector.shape_cast %get3A_1145 : vector<1x16xf32> to vector<16xf32>
      %get3A_1147 = arith.constant 1 : i32
      %get3A_1148 = arith.constant 150 : i32
      %get3A_1149 = arith.constant 0 : i32
      %get3A_1150 = arith.constant 0 : i32
      %get3A_1151 = tpu.memref_slice %arg6[%get3A_1147, %get3A_1149, %get3A_1150] : memref<2x200x128xf32, #tpu.memory_space<vmem>> -> memref<1x200x128xf32, #tpu.memory_space<vmem>>
      %get3A_1152 = tpu.memref_squeeze %get3A_1151 : memref<1x200x128xf32, #tpu.memory_space<vmem>> -> memref<200x128xf32, #tpu.memory_space<vmem>>
      %get3A_1153 = arith.index_cast %get3A_1148 : i32 to index
      %get3A_1154 = arith.constant 48 : index
      %get3A_1155 = tpu.vector_load %get3A_1152[%get3A_1153, %get3A_1154] {strides = array<i32>} : memref<200x128xf32, #tpu.memory_space<vmem>>, vector<1x16xf32>,
      %get3A_1156 = vector.shape_cast %get3A_1155 : vector<1x16xf32> to vector<16xf32>
      %get3A_1157 = arith.constant 1 : i32
      %get3A_1158 = arith.constant 150 : i32
      %get3A_1159 = arith.constant 0 : i32
      %get3A_1160 = arith.constant 0 : i32
      %get3A_1161 = tpu.memref_slice %arg6[%get3A_1157, %get3A_1159, %get3A_1160] : memref<2x200x128xf32, #tpu.memory_space<vmem>> -> memref<1x200x128xf32, #tpu.memory_space<vmem>>
      %get3A_1162 = tpu.memref_squeeze %get3A_1161 : memref<1x200x128xf32, #tpu.memory_space<vmem>> -> memref<200x128xf32, #tpu.memory_space<vmem>>
      %get3A_1163 = arith.index_cast %get3A_1158 : i32 to index
      %get3A_1164 = arith.constant 64 : index
      %get3A_1165 = tpu.vector_load %get3A_1162[%get3A_1163, %get3A_1164] {strides = array<i32>} : memref<200x128xf32, #tpu.memory_space<vmem>>, vector<1x16xf32>,
      %get3A_1166 = vector.shape_cast %get3A_1165 : vector<1x16xf32> to vector<16xf32>
      %get3A_1167 = arith.constant 1 : i32
      %get3A_1168 = arith.constant 150 : i32
      %get3A_1169 = arith.constant 0 : i32
      %get3A_1170 = arith.constant 0 : i32
      %get3A_1171 = tpu.memref_slice %arg6[%get3A_1167, %get3A_1169, %get3A_1170] : memref<2x200x128xf32, #tpu.memory_space<vmem>> -> memref<1x200x128xf32, #tpu.memory_space<vmem>>
      %get3A_1172 = tpu.memref_squeeze %get3A_1171 : memref<1x200x128xf32, #tpu.memory_space<vmem>> -> memref<200x128xf32, #tpu.memory_space<vmem>>
      %get3A_1173 = arith.index_cast %get3A_1168 : i32 to index
      %get3A_1174 = arith.constant 80 : index
      %get3A_1175 = tpu.vector_load %get3A_1172[%get3A_1173, %get3A_1174] {strides = array<i32>} : memref<200x128xf32, #tpu.memory_space<vmem>>, vector<1x16xf32>,
      %get3A_1176 = vector.shape_cast %get3A_1175 : vector<1x16xf32> to vector<16xf32>
      %get3A_1177 = arith.constant 1 : i32
      %get3A_1178 = arith.constant 150 : i32
      %get3A_1179 = arith.constant 0 : i32
      %get3A_1180 = arith.constant 0 : i32
      %get3A_1181 = tpu.memref_slice %arg6[%get3A_1177, %get3A_1179, %get3A_1180] : memref<2x200x128xf32, #tpu.memory_space<vmem>> -> memref<1x200x128xf32, #tpu.memory_space<vmem>>
      %get3A_1182 = tpu.memref_squeeze %get3A_1181 : memref<1x200x128xf32, #tpu.memory_space<vmem>> -> memref<200x128xf32, #tpu.memory_space<vmem>>
      %get3A_1183 = arith.index_cast %get3A_1178 : i32 to index
      %get3A_1184 = arith.constant 96 : index
      %get3A_1185 = tpu.vector_load %get3A_1182[%get3A_1183, %get3A_1184] {strides = array<i32>} : memref<200x128xf32, #tpu.memory_space<vmem>>, vector<1x16xf32>,
      %get3A_1186 = vector.shape_cast %get3A_1185 : vector<1x16xf32> to vector<16xf32>
      %get3A_1187 = arith.constant 1 : i32
      %get3A_1188 = arith.constant 150 : i32
      %get3A_1189 = arith.constant 0 : i32
      %get3A_1190 = arith.constant 0 : i32
      %get3A_1191 = tpu.memref_slice %arg6[%get3A_1187, %get3A_1189, %get3A_1190] : memref<2x200x128xf32, #tpu.memory_space<vmem>> -> memref<1x200x128xf32, #tpu.memory_space<vmem>>
      %get3A_1192 = tpu.memref_squeeze %get3A_1191 : memref<1x200x128xf32, #tpu.memory_space<vmem>> -> memref<200x128xf32, #tpu.memory_space<vmem>>
      %get3A_1193 = arith.index_cast %get3A_1188 : i32 to index
      %get3A_1194 = arith.constant 112 : index
      %get3A_1195 = tpu.vector_load %get3A_1192[%get3A_1193, %get3A_1194] {strides = array<i32>} : memref<200x128xf32, #tpu.memory_space<vmem>>, vector<1x16xf32>,
      %get3A_1196 = vector.shape_cast %get3A_1195 : vector<1x16xf32> to vector<16xf32>
      %scan3A_1197 = arith.constant 1 : i32
      %scan3A_1198 = arith.constant 1 : i32
      %scan3A_1199 = arith.constant 49 : i32
      %scan3A_1200 = arith.addi %scan3A_1198, %scan3A_1199 : i32
      %scan3A_1201 = arith.constant 1 : i32
      %scan3A_1202:8 = scf.for %scan3A_1279 = %scan3A_1198 to %scan3A_1200 step %scan3A_1201 iter_args(%scan3A_1280 = %get3A_1126, %scan3A_1281 = %get3A_1136, %scan3A_1282 = %get3A_1146, %scan3A_1283 = %get3A_1156, %scan3A_1284 = %get3A_1166, %scan3A_1285 = %get3A_1176, %scan3A_1286 = %get3A_1186, %scan3A_1287 = %get3A_1196) -> (vector<16xf32>, vector<16xf32>, vector<16xf32>, vector<16xf32>, vector<16xf32>, vector<16xf32>, vector<16xf32>, vector<16xf32>)  : i32 {
        %add3A_1288 = arith.constant 150 : i32
        %add3A_1289 = arith.addi %add3A_1288, %scan3A_1279 : i32
        %get3A_1290 = arith.constant 0 : i32
        %get3A_1291 = arith.constant 0 : i32
        %get3A_1292 = tpu.memref_slice %arg6[%scan3A_1197, %get3A_1290, %get3A_1291] : memref<2x200x128xf32, #tpu.memory_space<vmem>> -> memref<1x200x128xf32, #tpu.memory_space<vmem>>
        %get3A_1293 = tpu.memref_squeeze %get3A_1292 : memref<1x200x128xf32, #tpu.memory_space<vmem>> -> memref<200x128xf32, #tpu.memory_space<vmem>>
        %get3A_1294 = arith.index_cast %add3A_1289 : i32 to index
        %get3A_1295 = arith.constant 0 : index
        %get3A_1296 = tpu.vector_load %get3A_1293[%get3A_1294, %get3A_1295] {strides = array<i32>} : memref<200x128xf32, #tpu.memory_space<vmem>>, vector<1x16xf32>,
        %get3A_1297 = vector.shape_cast %get3A_1296 : vector<1x16xf32> to vector<16xf32>
        %add3A_1298 = arith.addf %scan3A_1280, %get3A_1297 : vector<16xf32>
        %add3A_1299 = arith.constant 150 : i32
        %add3A_1300 = arith.addi %add3A_1299, %scan3A_1279 : i32
        %get3A_1301 = arith.constant 0 : i32
        %get3A_1302 = arith.constant 0 : i32
        %get3A_1303 = tpu.memref_slice %arg6[%scan3A_1197, %get3A_1301, %get3A_1302] : memref<2x200x128xf32, #tpu.memory_space<vmem>> -> memref<1x200x128xf32, #tpu.memory_space<vmem>>
        %get3A_1304 = tpu.memref_squeeze %get3A_1303 : memref<1x200x128xf32, #tpu.memory_space<vmem>> -> memref<200x128xf32, #tpu.memory_space<vmem>>
        %get3A_1305 = arith.index_cast %add3A_1300 : i32 to index
        %get3A_1306 = arith.constant 16 : index
        %get3A_1307 = tpu.vector_load %get3A_1304[%get3A_1305, %get3A_1306] {strides = array<i32>} : memref<200x128xf32, #tpu.memory_space<vmem>>, vector<1x16xf32>,
        %get3A_1308 = vector.shape_cast %get3A_1307 : vector<1x16xf32> to vector<16xf32>
        %add3A_1309 = arith.addf %scan3A_1281, %get3A_1308 : vector<16xf32>
        %add3A_1310 = arith.constant 150 : i32
        %add3A_1311 = arith.addi %add3A_1310, %scan3A_1279 : i32
        %get3A_1312 = arith.constant 0 : i32
        %get3A_1313 = arith.constant 0 : i32
        %get3A_1314 = tpu.memref_slice %arg6[%scan3A_1197, %get3A_1312, %get3A_1313] : memref<2x200x128xf32, #tpu.memory_space<vmem>> -> memref<1x200x128xf32, #tpu.memory_space<vmem>>
        %get3A_1315 = tpu.memref_squeeze %get3A_1314 : memref<1x200x128xf32, #tpu.memory_space<vmem>> -> memref<200x128xf32, #tpu.memory_space<vmem>>
        %get3A_1316 = arith.index_cast %add3A_1311 : i32 to index
        %get3A_1317 = arith.constant 32 : index
        %get3A_1318 = tpu.vector_load %get3A_1315[%get3A_1316, %get3A_1317] {strides = array<i32>} : memref<200x128xf32, #tpu.memory_space<vmem>>, vector<1x16xf32>,
        %get3A_1319 = vector.shape_cast %get3A_1318 : vector<1x16xf32> to vector<16xf32>
        %add3A_1320 = arith.addf %scan3A_1282, %get3A_1319 : vector<16xf32>
        %add3A_1321 = arith.constant 150 : i32
        %add3A_1322 = arith.addi %add3A_1321, %scan3A_1279 : i32
        %get3A_1323 = arith.constant 0 : i32
        %get3A_1324 = arith.constant 0 : i32
        %get3A_1325 = tpu.memref_slice %arg6[%scan3A_1197, %get3A_1323, %get3A_1324] : memref<2x200x128xf32, #tpu.memory_space<vmem>> -> memref<1x200x128xf32, #tpu.memory_space<vmem>>
        %get3A_1326 = tpu.memref_squeeze %get3A_1325 : memref<1x200x128xf32, #tpu.memory_space<vmem>> -> memref<200x128xf32, #tpu.memory_space<vmem>>
        %get3A_1327 = arith.index_cast %add3A_1322 : i32 to index
        %get3A_1328 = arith.constant 48 : index
        %get3A_1329 = tpu.vector_load %get3A_1326[%get3A_1327, %get3A_1328] {strides = array<i32>} : memref<200x128xf32, #tpu.memory_space<vmem>>, vector<1x16xf32>,
        %get3A_1330 = vector.shape_cast %get3A_1329 : vector<1x16xf32> to vector<16xf32>
        %add3A_1331 = arith.addf %scan3A_1283, %get3A_1330 : vector<16xf32>
        %add3A_1332 = arith.constant 150 : i32
        %add3A_1333 = arith.addi %add3A_1332, %scan3A_1279 : i32
        %get3A_1334 = arith.constant 0 : i32
        %get3A_1335 = arith.constant 0 : i32
        %get3A_1336 = tpu.memref_slice %arg6[%scan3A_1197, %get3A_1334, %get3A_1335] : memref<2x200x128xf32, #tpu.memory_space<vmem>> -> memref<1x200x128xf32, #tpu.memory_space<vmem>>
        %get3A_1337 = tpu.memref_squeeze %get3A_1336 : memref<1x200x128xf32, #tpu.memory_space<vmem>> -> memref<200x128xf32, #tpu.memory_space<vmem>>
        %get3A_1338 = arith.index_cast %add3A_1333 : i32 to index
        %get3A_1339 = arith.constant 64 : index
        %get3A_1340 = tpu.vector_load %get3A_1337[%get3A_1338, %get3A_1339] {strides = array<i32>} : memref<200x128xf32, #tpu.memory_space<vmem>>, vector<1x16xf32>,
        %get3A_1341 = vector.shape_cast %get3A_1340 : vector<1x16xf32> to vector<16xf32>
        %add3A_1342 = arith.addf %scan3A_1284, %get3A_1341 : vector<16xf32>
        %add3A_1343 = arith.constant 150 : i32
        %add3A_1344 = arith.addi %add3A_1343, %scan3A_1279 : i32
        %get3A_1345 = arith.constant 0 : i32
        %get3A_1346 = arith.constant 0 : i32
        %get3A_1347 = tpu.memref_slice %arg6[%scan3A_1197, %get3A_1345, %get3A_1346] : memref<2x200x128xf32, #tpu.memory_space<vmem>> -> memref<1x200x128xf32, #tpu.memory_space<vmem>>
        %get3A_1348 = tpu.memref_squeeze %get3A_1347 : memref<1x200x128xf32, #tpu.memory_space<vmem>> -> memref<200x128xf32, #tpu.memory_space<vmem>>
        %get3A_1349 = arith.index_cast %add3A_1344 : i32 to index
        %get3A_1350 = arith.constant 80 : index
        %get3A_1351 = tpu.vector_load %get3A_1348[%get3A_1349, %get3A_1350] {strides = array<i32>} : memref<200x128xf32, #tpu.memory_space<vmem>>, vector<1x16xf32>,
        %get3A_1352 = vector.shape_cast %get3A_1351 : vector<1x16xf32> to vector<16xf32>
        %add3A_1353 = arith.addf %scan3A_1285, %get3A_1352 : vector<16xf32>
        %add3A_1354 = arith.constant 150 : i32
        %add3A_1355 = arith.addi %add3A_1354, %scan3A_1279 : i32
        %get3A_1356 = arith.constant 0 : i32
        %get3A_1357 = arith.constant 0 : i32
        %get3A_1358 = tpu.memref_slice %arg6[%scan3A_1197, %get3A_1356, %get3A_1357] : memref<2x200x128xf32, #tpu.memory_space<vmem>> -> memref<1x200x128xf32, #tpu.memory_space<vmem>>
        %get3A_1359 = tpu.memref_squeeze %get3A_1358 : memref<1x200x128xf32, #tpu.memory_space<vmem>> -> memref<200x128xf32, #tpu.memory_space<vmem>>
        %get3A_1360 = arith.index_cast %add3A_1355 : i32 to index
        %get3A_1361 = arith.constant 96 : index
        %get3A_1362 = tpu.vector_load %get3A_1359[%get3A_1360, %get3A_1361] {strides = array<i32>} : memref<200x128xf32, #tpu.memory_space<vmem>>, vector<1x16xf32>,
        %get3A_1363 = vector.shape_cast %get3A_1362 : vector<1x16xf32> to vector<16xf32>
        %add3A_1364 = arith.addf %scan3A_1286, %get3A_1363 : vector<16xf32>
        %add3A_1365 = arith.constant 150 : i32
        %add3A_1366 = arith.addi %add3A_1365, %scan3A_1279 : i32
        %get3A_1367 = arith.constant 0 : i32
        %get3A_1368 = arith.constant 0 : i32
        %get3A_1369 = tpu.memref_slice %arg6[%scan3A_1197, %get3A_1367, %get3A_1368] : memref<2x200x128xf32, #tpu.memory_space<vmem>> -> memref<1x200x128xf32, #tpu.memory_space<vmem>>
        %get3A_1370 = tpu.memref_squeeze %get3A_1369 : memref<1x200x128xf32, #tpu.memory_space<vmem>> -> memref<200x128xf32, #tpu.memory_space<vmem>>
        %get3A_1371 = arith.index_cast %add3A_1366 : i32 to index
        %get3A_1372 = arith.constant 112 : index
        %get3A_1373 = tpu.vector_load %get3A_1370[%get3A_1371, %get3A_1372] {strides = array<i32>} : memref<200x128xf32, #tpu.memory_space<vmem>>, vector<1x16xf32>,
        %get3A_1374 = vector.shape_cast %get3A_1373 : vector<1x16xf32> to vector<16xf32>
        %add3A_1375 = arith.addf %scan3A_1287, %get3A_1374 : vector<16xf32>
        scf.yield %add3A_1298, %add3A_1309, %add3A_1320, %add3A_1331, %add3A_1342, %add3A_1353, %add3A_1364, %add3A_1375 : vector<16xf32>, vector<16xf32>, vector<16xf32>, vector<16xf32>, vector<16xf32>, vector<16xf32>, vector<16xf32>, vector<16xf32>
      }
      %scan3A_1203 = arith.constant 49 : i32
      %mul3A_1204 = arith.constant 4 : i32
      %mul3A_1205 = arith.muli %add3A_665, %mul3A_1204 : i32
      %add3A_1206 = arith.constant 3 : i32
      %add3A_1207 = arith.addi %mul3A_1205, %add3A_1206 : i32
      %mul3A_1208 = vector.broadcast %scan3A_22 : f32 to vector<16xf32>
      %mul3A_1209 = arith.mulf %scan3A_1202#0, %mul3A_1208 : vector<16xf32>
      %swap3A_1210 = arith.index_cast %add3A_1207 : i32 to index
      %swap3A_1211 = arith.constant 0 : index
      %swap3A_1212 = tpu.vector_load %arg7[%swap3A_1210, %swap3A_1211] {strides = array<i32>} : memref<128x128xf32, #tpu.memory_space<vmem>>, vector<1x16xf32>,
      %swap3A_1213 = vector.shape_cast %swap3A_1212 : vector<1x16xf32> to vector<16xf32>
      %swap3A_1214 = vector.shape_cast %mul3A_1209 : vector<16xf32> to vector<1x16xf32>
      tpu.vector_store %arg7[%swap3A_1210, %swap3A_1211], %swap3A_1214 {strides = array<i32>} : memref<128x128xf32, #tpu.memory_space<vmem>>, vector<1x16xf32>,
      %mul3A_1215 = vector.broadcast %scan3A_22 : f32 to vector<16xf32>
      %mul3A_1216 = arith.mulf %scan3A_1202#1, %mul3A_1215 : vector<16xf32>
      %swap3A_1217 = arith.index_cast %add3A_1207 : i32 to index
      %swap3A_1218 = arith.constant 16 : index
      %swap3A_1219 = tpu.vector_load %arg7[%swap3A_1217, %swap3A_1218] {strides = array<i32>} : memref<128x128xf32, #tpu.memory_space<vmem>>, vector<1x16xf32>,
      %swap3A_1220 = vector.shape_cast %swap3A_1219 : vector<1x16xf32> to vector<16xf32>
      %swap3A_1221 = vector.shape_cast %mul3A_1216 : vector<16xf32> to vector<1x16xf32>
      tpu.vector_store %arg7[%swap3A_1217, %swap3A_1218], %swap3A_1221 {strides = array<i32>} : memref<128x128xf32, #tpu.memory_space<vmem>>, vector<1x16xf32>,
      %mul3A_1222 = vector.broadcast %scan3A_22 : f32 to vector<16xf32>
      %mul3A_1223 = arith.mulf %scan3A_1202#2, %mul3A_1222 : vector<16xf32>
      %swap3A_1224 = arith.index_cast %add3A_1207 : i32 to index
      %swap3A_1225 = arith.constant 32 : index
      %swap3A_1226 = tpu.vector_load %arg7[%swap3A_1224, %swap3A_1225] {strides = array<i32>} : memref<128x128xf32, #tpu.memory_space<vmem>>, vector<1x16xf32>,
      %swap3A_1227 = vector.shape_cast %swap3A_1226 : vector<1x16xf32> to vector<16xf32>
      %swap3A_1228 = vector.shape_cast %mul3A_1223 : vector<16xf32> to vector<1x16xf32>
      tpu.vector_store %arg7[%swap3A_1224, %swap3A_1225], %swap3A_1228 {strides = array<i32>} : memref<128x128xf32, #tpu.memory_space<vmem>>, vector<1x16xf32>,
      %mul3A_1229 = vector.broadcast %scan3A_22 : f32 to vector<16xf32>
      %mul3A_1230 = arith.mulf %scan3A_1202#3, %mul3A_1229 : vector<16xf32>
      %swap3A_1231 = arith.index_cast %add3A_1207 : i32 to index
      %swap3A_1232 = arith.constant 48 : index
      %swap3A_1233 = tpu.vector_load %arg7[%swap3A_1231, %swap3A_1232] {strides = array<i32>} : memref<128x128xf32, #tpu.memory_space<vmem>>, vector<1x16xf32>,
      %swap3A_1234 = vector.shape_cast %swap3A_1233 : vector<1x16xf32> to vector<16xf32>
      %swap3A_1235 = vector.shape_cast %mul3A_1230 : vector<16xf32> to vector<1x16xf32>
      tpu.vector_store %arg7[%swap3A_1231, %swap3A_1232], %swap3A_1235 {strides = array<i32>} : memref<128x128xf32, #tpu.memory_space<vmem>>, vector<1x16xf32>,
      %mul3A_1236 = vector.broadcast %scan3A_22 : f32 to vector<16xf32>
      %mul3A_1237 = arith.mulf %scan3A_1202#4, %mul3A_1236 : vector<16xf32>
      %swap3A_1238 = arith.index_cast %add3A_1207 : i32 to index
      %swap3A_1239 = arith.constant 64 : index
      %swap3A_1240 = tpu.vector_load %arg7[%swap3A_1238, %swap3A_1239] {strides = array<i32>} : memref<128x128xf32, #tpu.memory_space<vmem>>, vector<1x16xf32>,
      %swap3A_1241 = vector.shape_cast %swap3A_1240 : vector<1x16xf32> to vector<16xf32>
      %swap3A_1242 = vector.shape_cast %mul3A_1237 : vector<16xf32> to vector<1x16xf32>
      tpu.vector_store %arg7[%swap3A_1238, %swap3A_1239], %swap3A_1242 {strides = array<i32>} : memref<128x128xf32, #tpu.memory_space<vmem>>, vector<1x16xf32>,
      %mul3A_1243 = vector.broadcast %scan3A_22 : f32 to vector<16xf32>
      %mul3A_1244 = arith.mulf %scan3A_1202#5, %mul3A_1243 : vector<16xf32>
      %swap3A_1245 = arith.index_cast %add3A_1207 : i32 to index
      %swap3A_1246 = arith.constant 80 : index
      %swap3A_1247 = tpu.vector_load %arg7[%swap3A_1245, %swap3A_1246] {strides = array<i32>} : memref<128x128xf32, #tpu.memory_space<vmem>>, vector<1x16xf32>,
      %swap3A_1248 = vector.shape_cast %swap3A_1247 : vector<1x16xf32> to vector<16xf32>
      %swap3A_1249 = vector.shape_cast %mul3A_1244 : vector<16xf32> to vector<1x16xf32>
      tpu.vector_store %arg7[%swap3A_1245, %swap3A_1246], %swap3A_1249 {strides = array<i32>} : memref<128x128xf32, #tpu.memory_space<vmem>>, vector<1x16xf32>,
      %mul3A_1250 = vector.broadcast %scan3A_22 : f32 to vector<16xf32>
      %mul3A_1251 = arith.mulf %scan3A_1202#6, %mul3A_1250 : vector<16xf32>
      %swap3A_1252 = arith.index_cast %add3A_1207 : i32 to index
      %swap3A_1253 = arith.constant 96 : index
      %swap3A_1254 = tpu.vector_load %arg7[%swap3A_1252, %swap3A_1253] {strides = array<i32>} : memref<128x128xf32, #tpu.memory_space<vmem>>, vector<1x16xf32>,
      %swap3A_1255 = vector.shape_cast %swap3A_1254 : vector<1x16xf32> to vector<16xf32>
      %swap3A_1256 = vector.shape_cast %mul3A_1251 : vector<16xf32> to vector<1x16xf32>
      tpu.vector_store %arg7[%swap3A_1252, %swap3A_1253], %swap3A_1256 {strides = array<i32>} : memref<128x128xf32, #tpu.memory_space<vmem>>, vector<1x16xf32>,
      %mul3A_1257 = vector.broadcast %scan3A_22 : f32 to vector<16xf32>
      %mul3A_1258 = arith.mulf %scan3A_1202#7, %mul3A_1257 : vector<16xf32>
      %swap3A_1259 = arith.index_cast %add3A_1207 : i32 to index
      %swap3A_1260 = arith.constant 112 : index
      %swap3A_1261 = tpu.vector_load %arg7[%swap3A_1259, %swap3A_1260] {strides = array<i32>} : memref<128x128xf32, #tpu.memory_space<vmem>>, vector<1x16xf32>,
      %swap3A_1262 = vector.shape_cast %swap3A_1261 : vector<1x16xf32> to vector<16xf32>
      %swap3A_1263 = vector.shape_cast %mul3A_1258 : vector<16xf32> to vector<1x16xf32>
      tpu.vector_store %arg7[%swap3A_1259, %swap3A_1260], %swap3A_1263 {strides = array<i32>} : memref<128x128xf32, #tpu.memory_space<vmem>>, vector<1x16xf32>,
      %add3A_1264 = arith.constant 2 : i32
      %add3A_1265 = arith.addi %add3A_665, %add3A_1264 : i32
      %min3A_1266 = arith.constant 31 : i32
      %min3A_1267 = arith.minsi %add3A_1265, %min3A_1266 : i32
      %mul3A_1268 = arith.constant 200 : i32
      %mul3A_1269 = arith.muli %min3A_1267, %mul3A_1268 : i32
      %dma_start3A_1270 = arith.constant 1 : i32
      %dma_start3A_1271 = arith.constant 0 : i32
      %dma_start3A_1272 = arith.constant 0 : i32
      %dma_start3A_1273 = tpu.memref_slice %arg6[%dma_start3A_1270, %dma_start3A_1271, %dma_start3A_1272] : memref<2x200x128xf32, #tpu.memory_space<vmem>> -> memref<1x200x128xf32, #tpu.memory_space<vmem>>
      %dma_start3A_1274 = tpu.memref_squeeze %dma_start3A_1273 : memref<1x200x128xf32, #tpu.memory_space<vmem>> -> memref<200x128xf32, #tpu.memory_space<vmem>>
      %dma_start3A_1275 = tpu.memref_slice %arg5[%mul3A_1269] : memref<6400xi32, #tpu.memory_space<vmem>> -> memref<200xi32, #tpu.memory_space<vmem>>
      %dma_start3A_1276 = arith.constant 0 : i32
      %dma_start3A_1277 = arith.constant 0 : i32
      %dma_start3A_1278 = tpu.memref_slice %arg3[%dma_start3A_1276, %dma_start3A_1277] : memref<100000x128xf32, #tpu.memory_space<hbm>> -> memref<100000x128xf32, #tpu.memory_space<hbm>>
      tpu.enqueue_indirect_dma source(%dma_start3A_1278 : memref<100000x128xf32, #tpu.memory_space<hbm>>) target(%dma_start3A_1274 : memref<200x128xf32, #tpu.memory_space<vmem>>) offsets(%dma_start3A_1275 : memref<200xi32, #tpu.memory_space<vmem>>) semaphore(%arg9 : memref<!tpu.dma_semaphore, #tpu.memory_space<semaphore_mem>>)
    }
    %scan3A_27 = arith.constant 16 : i32
    %dma_wait3A = arith.constant 0 : i32
    %dma_wait3A_28 = arith.constant 0 : i32
    %dma_wait3A_29 = arith.constant 0 : i32
    %dma_wait3A_30 = tpu.memref_slice %arg6[%dma_wait3A, %dma_wait3A_28, %dma_wait3A_29] : memref<2x200x128xf32, #tpu.memory_space<vmem>> -> memref<1x200x128xf32, #tpu.memory_space<vmem>>
    %dma_wait3A_31 = tpu.memref_squeeze %dma_wait3A_30 : memref<1x200x128xf32, #tpu.memory_space<vmem>> -> memref<200x128xf32, #tpu.memory_space<vmem>>
    %dma_wait3A_32 = arith.constant 0 : i32
    %dma_wait3A_33 = tpu.memref_slice %arg5[%dma_wait3A_32] : memref<6400xi32, #tpu.memory_space<vmem>> -> memref<200xi32, #tpu.memory_space<vmem>>
    %dma_wait3A_34 = arith.constant 0 : i32
    %dma_wait3A_35 = arith.constant 0 : i32
    %dma_wait3A_36 = tpu.memref_slice %arg3[%dma_wait3A_34, %dma_wait3A_35] : memref<100000x128xf32, #tpu.memory_space<hbm>> -> memref<100000x128xf32, #tpu.memory_space<hbm>>
    tpu.wait_indirect_dma semaphore(%arg8 : memref<!tpu.dma_semaphore, #tpu.memory_space<semaphore_mem>>) src(%dma_wait3A_36 : memref<100000x128xf32, #tpu.memory_space<hbm>>) dst(%dma_wait3A_31 : memref<200x128xf32, #tpu.memory_space<vmem>>)
    %dma_wait3A_37 = arith.constant 1 : i32
    %dma_wait3A_38 = arith.constant 0 : i32
    %dma_wait3A_39 = arith.constant 0 : i32
    %dma_wait3A_40 = tpu.memref_slice %arg6[%dma_wait3A_37, %dma_wait3A_38, %dma_wait3A_39] : memref<2x200x128xf32, #tpu.memory_space<vmem>> -> memref<1x200x128xf32, #tpu.memory_space<vmem>>
    %dma_wait3A_41 = tpu.memref_squeeze %dma_wait3A_40 : memref<1x200x128xf32, #tpu.memory_space<vmem>> -> memref<200x128xf32, #tpu.memory_space<vmem>>
    %dma_wait3A_42 = arith.constant 0 : i32
    %dma_wait3A_43 = tpu.memref_slice %arg5[%dma_wait3A_42] : memref<6400xi32, #tpu.memory_space<vmem>> -> memref<200xi32, #tpu.memory_space<vmem>>
    %dma_wait3A_44 = arith.constant 0 : i32
    %dma_wait3A_45 = arith.constant 0 : i32
    %dma_wait3A_46 = tpu.memref_slice %arg3[%dma_wait3A_44, %dma_wait3A_45] : memref<100000x128xf32, #tpu.memory_space<hbm>> -> memref<100000x128xf32, #tpu.memory_space<hbm>>
    tpu.wait_indirect_dma semaphore(%arg9 : memref<!tpu.dma_semaphore, #tpu.memory_space<semaphore_mem>>) src(%dma_wait3A_46 : memref<100000x128xf32, #tpu.memory_space<hbm>>) dst(%dma_wait3A_41 : memref<200x128xf32, #tpu.memory_space<vmem>>)
    %mul3A_47 = arith.constant 128 : i32
    %mul3A_48 = arith.muli %add3A, %mul3A_47 : i32
    "tpu.region"() ({
      %run_scoped3A = tpu.sem_alloc : memref<!tpu.dma_semaphore, #tpu.memory_space<semaphore_mem>>
      %dma_start3A_49 = arith.constant 0 : i32
      %dma_start3A_50 = tpu.memref_slice %arg4[%mul3A_48, %dma_start3A_49] : memref<4096x128xf32, #tpu.memory_space<hbm>> -> memref<128x128xf32, #tpu.memory_space<hbm>>
      %dma_start3A_51 = arith.constant 0 : i32
      %dma_start3A_52 = tpu.memref_slice %arg4[%mul3A_48, %dma_start3A_51] : memref<4096x128xf32, #tpu.memory_space<hbm>> -> memref<128x128xf32, #tpu.memory_space<hbm>>
      tpu.enqueue_dma source(%arg7 : memref<128x128xf32, #tpu.memory_space<vmem>>) target(%dma_start3A_52 : memref<128x128xf32, #tpu.memory_space<hbm>>) target_semaphore(%run_scoped3A : memref<!tpu.dma_semaphore, #tpu.memory_space<semaphore_mem>>)
      %dma_wait3A_53 = arith.constant 0 : i32
      %dma_wait3A_54 = tpu.memref_slice %arg4[%mul3A_48, %dma_wait3A_53] : memref<4096x128xf32, #tpu.memory_space<hbm>> -> memref<128x128xf32, #tpu.memory_space<hbm>>
      %dma_wait3A_55 = arith.constant 0 : i32
      %dma_wait3A_56 = tpu.memref_slice %arg4[%mul3A_48, %dma_wait3A_55] : memref<4096x128xf32, #tpu.memory_space<hbm>> -> memref<128x128xf32, #tpu.memory_space<hbm>>
      tpu.wait_dma2 semaphore(%run_scoped3A : memref<!tpu.dma_semaphore, #tpu.memory_space<semaphore_mem>>) src(%arg7 : memref<128x128xf32, #tpu.memory_space<vmem>>) dst(%dma_wait3A_56 : memref<128x128xf32, #tpu.memory_space<hbm>>)
      tpu.yield
    }) : () -> ()
    return
  }
}

module attributes {stable_mosaic.version = 14 : i64} {
  func.func @_mlp_trunk(%arg0: memref<4096x128xf32, #tpu.memory_space<vmem>>, %arg1: memref<4096x64xf32, #tpu.memory_space<vmem>>, %arg2: memref<512x128xf32, #tpu.memory_space<vmem>>, %arg3: memref<512x64xf32, #tpu.memory_space<vmem>>, %arg4: memref<1x512xf32, #tpu.memory_space<vmem>>, %arg5: memref<1x512xf32, #tpu.memory_space<vmem>>, %arg6: memref<1x512xf32, #tpu.memory_space<vmem>>, %arg7: memref<256x512xf32, #tpu.memory_space<vmem>>, %arg8: memref<1x256xf32, #tpu.memory_space<vmem>>, %arg9: memref<1x256xf32, #tpu.memory_space<vmem>>, %arg10: memref<1x256xf32, #tpu.memory_space<vmem>>, %arg11: memref<1000x256xf32, #tpu.memory_space<vmem>>, %arg12: memref<1000x1xf32, #tpu.memory_space<vmem>>, %arg13: memref<1000x4096xf32, #tpu.memory_space<vmem>>) attributes {dimension_semantics = [], scalar_prefetch = 0 : i64, scratch_operands = 0 : i64, tpu.core_type = #tpu.core_type<tc>} {
    %get3A = arith.constant 0 : index
    %get3A_0 = arith.constant 0 : index
    %get3A_1 = vector.load %arg0[%get3A, %get3A_0] : memref<4096x128xf32, #tpu.memory_space<vmem>>, vector<4096x128xf32>
    %get3A_2 = arith.constant 0 : index
    %get3A_3 = arith.constant 0 : index
    %get3A_4 = vector.load %arg2[%get3A_2, %get3A_3] : memref<512x128xf32, #tpu.memory_space<vmem>>, vector<512x128xf32>
    %dot_general3A = arith.constant dense<0.000000e+00> : vector<4096x512xf32>
    %dot_general3A_5 = tpu.matmul %get3A_1, %get3A_4, %dot_general3A {dimension_numbers = #tpu.dot_dimension_numbers<[1], [1], [0], [0], [0, 0, 1, 0], [], []>, transpose_lhs_hint = false} : vector<4096x128xf32>, vector<512x128xf32>, vector<4096x512xf32> -> vector<4096x512xf32>
    %get3A_6 = arith.constant 0 : index
    %get3A_7 = arith.constant 0 : index
    %get3A_8 = vector.load %arg1[%get3A_6, %get3A_7] : memref<4096x64xf32, #tpu.memory_space<vmem>>, vector<4096x64xf32>
    %get3A_9 = arith.constant 0 : index
    %get3A_10 = arith.constant 0 : index
    %get3A_11 = vector.load %arg3[%get3A_9, %get3A_10] : memref<512x64xf32, #tpu.memory_space<vmem>>, vector<512x64xf32>
    %dot_general3A_12 = arith.constant dense<0.000000e+00> : vector<4096x512xf32>
    %dot_general3A_13 = tpu.matmul %get3A_8, %get3A_11, %dot_general3A_12 {dimension_numbers = #tpu.dot_dimension_numbers<[1], [1], [0], [0], [0, 0, 1, 0], [], []>, transpose_lhs_hint = false} : vector<4096x64xf32>, vector<512x64xf32>, vector<4096x512xf32> -> vector<4096x512xf32>
    %add3A = arith.addf %dot_general3A_5, %dot_general3A_13 : vector<4096x512xf32>
    %get3A_14 = arith.constant 0 : index
    %get3A_15 = arith.constant 0 : index
    %get3A_16 = vector.load %arg4[%get3A_14, %get3A_15] : memref<1x512xf32, #tpu.memory_space<vmem>>, vector<1x512xf32>
    %add3A_17 = vector.broadcast %get3A_16 : vector<1x512xf32> to vector<4096x512xf32>
    %add3A_18 = arith.addf %add3A, %add3A_17 : vector<4096x512xf32>
    %max3A = arith.constant 0.000000e+00 : f32
    %max3A_19 = vector.broadcast %max3A : f32 to vector<4096x512xf32>
    %max3A_20 = arith.maximumf %add3A_18, %max3A_19 : vector<4096x512xf32>
    %reduce_sum3A = arith.constant dense<0.000000e+00> : vector<512xf32>
    %reduce_sum3A_21 = vector.multi_reduction <add>, %max3A_20, %reduce_sum3A [0] : vector<4096x512xf32> to vector<512xf32>
    %broadcast_in_dim3A = vector.shape_cast %reduce_sum3A_21 : vector<512xf32> to vector<1x512xf32>
    %div3A = arith.constant 4.096000e+03 : f32
    %div3A_22 = vector.broadcast %div3A : f32 to vector<1x512xf32>
    %div3A_23 = arith.divf %broadcast_in_dim3A, %div3A_22 : vector<1x512xf32>
    %sub3A = vector.broadcast %div3A_23 : vector<1x512xf32> to vector<4096x512xf32>
    %sub3A_24 = arith.subf %max3A_20, %sub3A : vector<4096x512xf32>
    %integer_pow3A = arith.mulf %sub3A_24, %sub3A_24 : vector<4096x512xf32>
    %reduce_sum3A_25 = arith.constant dense<0.000000e+00> : vector<512xf32>
    %reduce_sum3A_26 = vector.multi_reduction <add>, %integer_pow3A, %reduce_sum3A_25 [0] : vector<4096x512xf32> to vector<512xf32>
    %broadcast_in_dim3A_27 = vector.shape_cast %reduce_sum3A_26 : vector<512xf32> to vector<1x512xf32>
    %div3A_28 = arith.constant 4.096000e+03 : f32
    %div3A_29 = vector.broadcast %div3A_28 : f32 to vector<1x512xf32>
    %div3A_30 = arith.divf %broadcast_in_dim3A_27, %div3A_29 : vector<1x512xf32>
    %sub3A_31 = vector.broadcast %div3A_23 : vector<1x512xf32> to vector<4096x512xf32>
    %sub3A_32 = arith.subf %max3A_20, %sub3A_31 : vector<4096x512xf32>
    %get3A_33 = arith.constant 0 : index
    %get3A_34 = arith.constant 0 : index
    %get3A_35 = vector.load %arg5[%get3A_33, %get3A_34] : memref<1x512xf32, #tpu.memory_space<vmem>>, vector<1x512xf32>
    %add3A_36 = arith.constant 9.99999974E-6 : f32
    %add3A_37 = vector.broadcast %add3A_36 : f32 to vector<1x512xf32>
    %add3A_38 = arith.addf %div3A_30, %add3A_37 : vector<1x512xf32>
    %rsqrt3A = math.rsqrt %add3A_38 : vector<1x512xf32>
    %mul3A = arith.mulf %get3A_35, %rsqrt3A : vector<1x512xf32>
    %mul3A_39 = vector.broadcast %mul3A : vector<1x512xf32> to vector<4096x512xf32>
    %mul3A_40 = arith.mulf %sub3A_32, %mul3A_39 : vector<4096x512xf32>
    %get3A_41 = arith.constant 0 : index
    %get3A_42 = arith.constant 0 : index
    %get3A_43 = vector.load %arg6[%get3A_41, %get3A_42] : memref<1x512xf32, #tpu.memory_space<vmem>>, vector<1x512xf32>
    %add3A_44 = vector.broadcast %get3A_43 : vector<1x512xf32> to vector<4096x512xf32>
    %add3A_45 = arith.addf %mul3A_40, %add3A_44 : vector<4096x512xf32>
    %get3A_46 = arith.constant 0 : index
    %get3A_47 = arith.constant 0 : index
    %get3A_48 = vector.load %arg7[%get3A_46, %get3A_47] : memref<256x512xf32, #tpu.memory_space<vmem>>, vector<256x512xf32>
    %dot_general3A_49 = arith.constant dense<0.000000e+00> : vector<4096x256xf32>
    %dot_general3A_50 = tpu.matmul %add3A_45, %get3A_48, %dot_general3A_49 {dimension_numbers = #tpu.dot_dimension_numbers<[1], [1], [0], [0], [0, 0, 1, 0], [], []>, transpose_lhs_hint = false} : vector<4096x512xf32>, vector<256x512xf32>, vector<4096x256xf32> -> vector<4096x256xf32>
    %get3A_51 = arith.constant 0 : index
    %get3A_52 = arith.constant 0 : index
    %get3A_53 = vector.load %arg8[%get3A_51, %get3A_52] : memref<1x256xf32, #tpu.memory_space<vmem>>, vector<1x256xf32>
    %add3A_54 = vector.broadcast %get3A_53 : vector<1x256xf32> to vector<4096x256xf32>
    %add3A_55 = arith.addf %dot_general3A_50, %add3A_54 : vector<4096x256xf32>
    %max3A_56 = arith.constant 0.000000e+00 : f32
    %max3A_57 = vector.broadcast %max3A_56 : f32 to vector<4096x256xf32>
    %max3A_58 = arith.maximumf %add3A_55, %max3A_57 : vector<4096x256xf32>
    %reduce_sum3A_59 = arith.constant dense<0.000000e+00> : vector<256xf32>
    %reduce_sum3A_60 = vector.multi_reduction <add>, %max3A_58, %reduce_sum3A_59 [0] : vector<4096x256xf32> to vector<256xf32>
    %broadcast_in_dim3A_61 = vector.shape_cast %reduce_sum3A_60 : vector<256xf32> to vector<1x256xf32>
    %div3A_62 = arith.constant 4.096000e+03 : f32
    %div3A_63 = vector.broadcast %div3A_62 : f32 to vector<1x256xf32>
    %div3A_64 = arith.divf %broadcast_in_dim3A_61, %div3A_63 : vector<1x256xf32>
    %sub3A_65 = vector.broadcast %div3A_64 : vector<1x256xf32> to vector<4096x256xf32>
    %sub3A_66 = arith.subf %max3A_58, %sub3A_65 : vector<4096x256xf32>
    %integer_pow3A_67 = arith.mulf %sub3A_66, %sub3A_66 : vector<4096x256xf32>
    %reduce_sum3A_68 = arith.constant dense<0.000000e+00> : vector<256xf32>
    %reduce_sum3A_69 = vector.multi_reduction <add>, %integer_pow3A_67, %reduce_sum3A_68 [0] : vector<4096x256xf32> to vector<256xf32>
    %broadcast_in_dim3A_70 = vector.shape_cast %reduce_sum3A_69 : vector<256xf32> to vector<1x256xf32>
    %div3A_71 = arith.constant 4.096000e+03 : f32
    %div3A_72 = vector.broadcast %div3A_71 : f32 to vector<1x256xf32>
    %div3A_73 = arith.divf %broadcast_in_dim3A_70, %div3A_72 : vector<1x256xf32>
    %sub3A_74 = vector.broadcast %div3A_64 : vector<1x256xf32> to vector<4096x256xf32>
    %sub3A_75 = arith.subf %max3A_58, %sub3A_74 : vector<4096x256xf32>
    %get3A_76 = arith.constant 0 : index
    %get3A_77 = arith.constant 0 : index
    %get3A_78 = vector.load %arg9[%get3A_76, %get3A_77] : memref<1x256xf32, #tpu.memory_space<vmem>>, vector<1x256xf32>
    %add3A_79 = arith.constant 9.99999974E-6 : f32
    %add3A_80 = vector.broadcast %add3A_79 : f32 to vector<1x256xf32>
    %add3A_81 = arith.addf %div3A_73, %add3A_80 : vector<1x256xf32>
    %rsqrt3A_82 = math.rsqrt %add3A_81 : vector<1x256xf32>
    %mul3A_83 = arith.mulf %get3A_78, %rsqrt3A_82 : vector<1x256xf32>
    %mul3A_84 = vector.broadcast %mul3A_83 : vector<1x256xf32> to vector<4096x256xf32>
    %mul3A_85 = arith.mulf %sub3A_75, %mul3A_84 : vector<4096x256xf32>
    %get3A_86 = arith.constant 0 : index
    %get3A_87 = arith.constant 0 : index
    %get3A_88 = vector.load %arg10[%get3A_86, %get3A_87] : memref<1x256xf32, #tpu.memory_space<vmem>>, vector<1x256xf32>
    %add3A_89 = vector.broadcast %get3A_88 : vector<1x256xf32> to vector<4096x256xf32>
    %add3A_90 = arith.addf %mul3A_85, %add3A_89 : vector<4096x256xf32>
    %get3A_91 = arith.constant 0 : index
    %get3A_92 = arith.constant 0 : index
    %get3A_93 = vector.load %arg11[%get3A_91, %get3A_92] : memref<1000x256xf32, #tpu.memory_space<vmem>>, vector<1000x256xf32>
    %dot_general3A_94 = arith.constant dense<0.000000e+00> : vector<1000x4096xf32>
    %dot_general3A_95 = tpu.matmul %get3A_93, %add3A_90, %dot_general3A_94 {dimension_numbers = #tpu.dot_dimension_numbers<[1], [1], [0], [0], [0, 0, 1, 0], [], []>, transpose_lhs_hint = false} : vector<1000x256xf32>, vector<4096x256xf32>, vector<1000x4096xf32> -> vector<1000x4096xf32>
    %get3A_96 = arith.constant 0 : index
    %get3A_97 = arith.constant 0 : index
    %get3A_98 = vector.load %arg12[%get3A_96, %get3A_97] : memref<1000x1xf32, #tpu.memory_space<vmem>>, vector<1000x1xf32>
    %add3A_99 = vector.broadcast %get3A_98 : vector<1000x1xf32> to vector<1000x4096xf32>
    %add3A_100 = arith.addf %dot_general3A_95, %add3A_99 : vector<1000x4096xf32>
    %swap3A = arith.constant 0 : index
    %swap3A_101 = arith.constant 0 : index
    %swap3A_102 = vector.load %arg13[%swap3A, %swap3A_101] : memref<1000x4096xf32, #tpu.memory_space<vmem>>, vector<1000x4096xf32>
    tpu.vector_store %arg13[%swap3A, %swap3A_101], %add3A_100 {strides = array<i32>} : memref<1000x4096xf32, #tpu.memory_space<vmem>>, vector<1000x4096xf32>,
    return
  }
}

</mosaic_0001>

<sc_bundles>
// kernel: kernel.5.cloned.1.call-start
scs
__scs_entry_jumppad:
0x0: {  	(pc) =	sbr.rel $0x88, $3  }
0x1: {  	(tag) =	ssettag $0x0;
	lr =	simm.s32 $0x1  }
0x2: {  	[smem:$0x3F93] =	sst lr;
	_ =	strace $0xD0000000  }
0x3: {  	_ = 	snop  }
0x4: {  	_ = 	snop  }
0x5: {  	_ = 	snop  }
0x6: {  	_ = 	snop  }
0x7: {  	_ = 	snop  }
__scs_overlays_trampoline_lowered:
0x8: {  	[smem:$0x3FA2] =	sst s0  }
0x9: {  	[smem:$0x3FA3] =	sst s1  }
0xa: {  	[smem:$0x3FA4] =	sst s2  }
0xb: {  	[smem:$0x3FA5] =	sst s3  }
0xc: {  	[smem:$0x3FA6] =	sst s4  }
0xd: {  	[smem:$0x3FA7] =	sst s5  }
0xe: {  	[smem:$0x3FA8] =	sst s6  }
0xf: {  	[smem:$0x3FA9] =	sst s7  }
0x10: {  	[smem:$0x3FAA] =	sst s8  }
0x11: {  	[smem:$0x3FAB] =	sst s9;
	s0 =	simm.s32 @!p0 $0x0  }
0x12: {  	s1 =	sld [smem:$0x3F91];
	s0 =	simm.s32 @p0 $0x1  }
0x13: {  	[smem:$0x3FAC] =	sst s0;
	s0 =	simm.s32 @!p1 $0x0  }
0x14: {  	s2 =	sld [smem:$0x3F90];
	s0 =	simm.s32 @p1 $0x1  }
0x15: {  	[smem:$0x3FAD] =	sst s0;
	s0 =	simm.s32 @!p2 $0x0  }
0x16: {  	s3 =	sld [smem:$0x3FDB];
	s0 =	simm.s32 @p2 $0x1  }
0x17: {  	s4 =	simm.s32 $0x1BF5;
	[smem:$0x3FAF] =	sst s0  }
0x18: {  	s0 =	sld [smem:$0x3F92];
	_ =	swait.ge [sflag:s4], $0x0  }
0x19: {  	s7 =	sld [smem:$0x3F93]  }
0x1a: {  	s8 =	sadd.s32 $0xFFFFE003, lr  }
0x1b: {  	s9 =	sadd.s32 $0xFFFFFEF7, lr;
	s5 =	simm.s32 $0xFFFFFFFF;
	p2 =	slt.u32 s8, $0xFFFFF086  }
0x1c: {  	p1 =	slt.u32 s9, $0xF7A;
	s5 =	simm.s32 @!p2 $0x0  }
0x1d: {  	s5 =	simm.s32 @p1 $0x1;
	p0 =	seq.s32 s7, s2  }
0x1e: {  	s7 =	smul.u32 @!p0 $0xF7A, s2;
	p2 =	seq.s32 @!p0 s5, $0x0  }
0x1f: {  	s9 =	smul.u32 $0xF7A, s1;
	s8 =	simm.s32 @!p0 $0x1BF5;
	p2 =	por !p2, p0  }
0x20: {  	[sflag:s8] =	ssyncset.s32 @!p0 $0xFFFFF086;
	s6 =	sadd.s32 @!p0 s3, s7;
	s7 =	simm.s32 @!p0 $0x108  }
0x21: {  	s3 =	sadd.s32 s3, s9;
	s6 =	sadd.s32 @!p0 $0x88, s6;
	s7 =	simm.s32 @p2 $0x1082  }
0x22: {  	[simem:s7], [sflag:s8] =	dma.local @!p0 [hbm:s6], $0xF7A  }
0x23: {  	s9 =	sor.u32 $0xD0000000, s2;
	s6 =	simm.s32 $0x108;
	_ =	swait.ge @!p0 [sflag:s8], $0x0  }
0x24: {  	s3 =	sadd.s32 $0x88, s3;
	s6 =	simm.s32 @!p1 $0x1082;
	[sflag:s4] =	ssyncset.s32 $0xFFFFF086  }
0x25: {  	[simem:s6], [sflag:s4] =	dma.local [hbm:s3], $0xF7A  }
0x26: {  	[smem:$0x3F93] =	sst s1;
	(tag) =	ssettag s2;
	_ =	strace s9  }
0x27: {  	s1 =	sld [smem:$0x3FA3]  }
0x28: {  	s2 =	sld [smem:$0x3FA4]  }
0x29: {  	s4 =	sld [smem:$0x3FA6]  }
0x2a: {  	p0 =	seq.s32 s5, $0x0;
	s5 =	sld [smem:$0x3FA7]  }
0x2b: {  	s6 =	sld [smem:$0x3FA8]  }
0x2c: {  	s7 =	sld [smem:$0x3FA9]  }
0x2d: {  	s3 =	simm.s32 $0x108;
	s8 =	sld [smem:$0x3FAA]  }
0x2e: {  	s3 =	simm.s32 @!p0 $0x1082;
	s9 =	sld [smem:$0x3FAB]  }
0x2f: {  	lr =	sadd.s32 s0, s3;
	s0 =	sld [smem:$0x3FA2]  }
0x30: {  	s3 =	sld [smem:$0x3FA5]  }
0x31: {  	[smem:$0x3FAE] =	sst s10  }
0x32: {  	s10 =	sld [smem:$0x3FAC];
	_ =	sdelay $0x3  }
0x33: {  	p0 =	seq.s32 s10, $0x1;
	s10 =	sld [smem:$0x3FAE];
	_ =	sdelay $0x3  }
0x34: {  	[smem:$0x3FAE] =	sst s10  }
0x35: {  	s10 =	sld [smem:$0x3FAD];
	_ =	sdelay $0x3  }
0x36: {  	p1 =	seq.s32 s10, $0x1;
	s10 =	sld [smem:$0x3FAE];
	_ =	sdelay $0x3  }
0x37: {  	[smem:$0x3FAE] =	sst s10  }
0x38: {  	s10 =	sld [smem:$0x3FAF]  }
0x39: {  	_ = 	snop;
	(pc) =	sbr.ind lr, $3  }
0x3a: {  	_ = 	snop  }
0x3b: {  	_ = 	snop  }
0x3c: {  	p2 =	seq.s32 s10, $0x1;
	s10 =	sld [smem:$0x3FAE]  }
0x3d: {  	_ =	shalt  }
0x3e: {  	_ =	shalt  }
0x3f: {  	_ =	shalt  }
0x40: {  	_ =	shalt  }
0x41: {  	_ =	shalt  }
0x42: {  	_ =	shalt  }
0x43: {  	_ =	shalt  }
0x44: {  	_ =	shalt  }
0x45: {  	_ =	shalt  }
0x46: {  	_ =	shalt  }
0x47: {  	_ =	shalt  }
0x48: {  	_ =	shalt  }
0x49: {  	_ =	shalt  }
0x4a: {  	_ =	shalt  }
0x4b: {  	_ =	shalt  }
0x4c: {  	_ =	shalt  }
0x4d: {  	_ =	shalt  }
0x4e: {  	_ =	shalt  }
0x4f: {  	_ =	shalt  }
0x50: {  	_ =	shalt  }
0x51: {  	_ =	shalt  }
0x52: {  	_ =	shalt  }
0x53: {  	_ =	shalt  }
0x54: {  	_ =	shalt  }
0x55: {  	_ =	shalt  }
0x56: {  	_ =	shalt  }
0x57: {  	_ =	shalt  }
0x58: {  	_ =	shalt  }
0x59: {  	_ =	shalt  }
0x5a: {  	_ =	shalt  }
0x5b: {  	_ =	shalt  }
0x5c: {  	_ =	shalt  }
0x5d: {  	_ =	shalt  }
0x5e: {  	_ =	shalt  }
0x5f: {  	_ =	shalt  }
0x60: {  	_ =	shalt  }
0x61: {  	_ =	shalt  }
0x62: {  	_ =	shalt  }
0x63: {  	_ =	shalt  }
0x64: {  	_ =	shalt  }
0x65: {  	_ =	shalt  }
0x66: {  	_ =	shalt  }
0x67: {  	_ =	shalt  }
0x68: {  	_ =	shalt  }
0x69: {  	_ =	shalt  }
0x6a: {  	_ =	shalt  }
0x6b: {  	_ =	shalt  }
0x6c: {  	_ =	shalt  }
0x6d: {  	_ =	shalt  }
0x6e: {  	_ =	shalt  }
0x6f: {  	_ =	shalt  }
0x70: {  	_ =	shalt  }
0x71: {  	_ =	shalt  }
0x72: {  	_ =	shalt  }
0x73: {  	_ =	shalt  }
0x74: {  	_ =	shalt  }
0x75: {  	_ =	shalt  }
0x76: {  	_ =	shalt  }
0x77: {  	_ =	shalt  }
0x78: {  	_ =	shalt  }
0x79: {  	_ =	shalt  }
0x7a: {  	_ =	shalt  }
0x7b: {  	_ =	shalt  }
0x7c: {  	_ =	shalt  }
0x7d: {  	_ =	shalt  }
0x7e: {  	_ =	shalt  }
0x7f: {  	_ =	shalt  }
0x80: {  	_ =	shalt  }
0x81: {  	_ =	shalt  }
0x82: {  	_ =	shalt  }
0x83: {  	_ =	shalt  }
0x84: {  	_ =	shalt  }
0x85: {  	_ =	shalt  }
0x86: {  	_ =	shalt  }
0x87: {  	_ =	shalt  }
.Lfunc_end0:
.L_simem_size_0:
called_computation_lowered:
.L_overlay_start_0:
0x88: {  	s2 =	sld [smem:$0x3FD9]  }
0x89: {  	s3 =	sld [smem:$0x3FFE];
	_ =	sdelay $0x1  }
0x8a: {  	s1 =	srdreg.scid  }
0x8b: {  	s0 =	sand.u32 $0x1, s1  }
0x8c: {  	s18 =	sshll.u32 s0, $0xA;
	s2 =	sadd.s32 s3, s2  }
0x8d: {  	s2 =	sadd.s32 s2, s18  }
0x8e: {  	[smem:$0x3FBA] =	sst s2  }
0x8f: {  	_ = 	snop  }
0x90: {  	s2 =	sld [smem:$0x3FC9]  }
0x91: {  	s19 =	sld [smem:$0x3FC7]  }
0x92: {  	s4 =	sld [smem:$0x3FD0];
	(tm) =	ssettm $0x1  }
0x93: {  	s5 =	sld [smem:$0x3FFB];
	_ =	sdelay $0x3  }
0x94: {  	_ =	strace s5  }
0x95: {  	s5 =	sld [smem:$0x3FFC];
	_ =	sdelay $0x3  }
0x96: {  	_ =	strace s5  }
0x97: {  	s5 =	sld [smem:$0x3FFD];
	_ =	sdelay $0x3  }
0x98: {  	_ =	strace s5  }
0x99: {  	_ =	strace $0x8FFFFFFF  }
0x9a: {  	s20 =	sld [smem:$0x3FDB];
	_ =	sdelay $0x1  }
0x9b: {  	s6 =	simm.s32 $_scs_section_size  }
0x9c: {  	s7 =	simm.s32 $_size__tile_overlayer_lowered;
	s8 =	simm.s32 $_tile_overlayer_lowered  }
0x9d: {  	s23 =	simm.s32 $0x1BFF;
	s22 =	sshll.u32 s8, $0x1;
	s5 =	sadd.s32 s6, s20  }
0x9e: {  	s9 =	simm.s32 $0x0;
	s21 =	sshll.u32 s7, $0x1;
	s7 =	sadd.s32 s22, s5  }
0x9f: {  	[timem:s9], [sflag:s23] =	dma.local [hbm:s7], s21  }
0xa0: {  	_ =	swait.ge [sflag:s23], s21  }
0xa1: {  	s6 =	ssub.s32 $0x0, s21;
	[sflag:s23] =	ssyncset.done $0x0  }
0xa2: {  	[sflag:s23] =	ssyncadd.s32 s6;
	_ =	sdelay $0x1  }
0xa3: {  	s24 =	simm.s32 $0x1B8B  }
0xa4: {  	_ =	swait.ge [sflag:s24], $0x1  }
0xa5: {  	[sflag:s24] =	ssyncset.done $0x0  }
0xa6: {  	s25 =	simm.s32 $0x1B8E;
	[sflag:s24] =	ssyncadd.s32 $0xFFFFFFFF  }
0xa7: {  	s26 =	simm.s32 $execute0_lowered;
	[smem:$0x3FD2] =	sst s25  }
0xa8: {  	s6 =	sshll.u32 s26, $0x1;
	_ =	strace $0x80000046;
	[dreg:$0x1] =	wrdreg $0xFFFFFFFF  }
0xa9: {  	s28 =	simm.s32 $_size_execute0_lowered;
	s5 =	sadd.s32 s5, s6;
	[dreg:$0x0] =	wrdreg $0x0  }
0xaa: {  	s6 =	sshll.u32 s28, $0x1;
	[dreg:$0x2] =	wrdreg s5  }
0xab: {  	[dreg:$0x3] =	wrdreg s6  }
0xac: {  	[dreg:$0x4] =	wrdreg $0xC0  }
0xad: {  	_ =	task [dreg:s9], $0x5FFFF  }
0xae: {  	[dreg:$0x1] =	wrdreg $0xFFFFFFFF  }
0xaf: {  	[dreg:$0x0] =	wrdreg $0x60  }
0xb0: {  	[dreg:$0x2] =	wrdreg s2  }
0xb1: {  	[dreg:$0x3] =	wrdreg s19  }
0xb2: {  	[dreg:$0x4] =	wrdreg s4  }
0xb3: {  	[dreg:$0x5] =	wrdreg $0x9  }
0xb4: {  	_ =	task.clear_ibuf [dreg:s9], $0x6FFFF;
	_ =	strace $0x90000046  }
0xb5: {  	s29 =	simm.s32 $0x9;
	_ =	strace $0x80000048  }
0xb6: {  	_ =	swait.ge [sflag:s29], $0x1  }
0xb7: {  	[sflag:s29] =	ssyncadd.s32 $0xFFFFFFFF  }
0xb8: {  	_ =	strace $0x90000048  }
0xb9: {  	_ =	sfence  }
0xba: {  	s30 =	sld [smem:$0x0];
	_ =	sdelay $0x2  }
0xbb: {  	s31 =	sshll.u32 s1, $0xD;
	s1 =	sshrl.u32 s1, $0x2  }
0xbc: {  	s3 =	sand.u32 $0x4000, s31;
	s1 =	sadd.s32 s1, s30  }
0xbd: {  	s0 =	sor.u32 s3, s0;
	s1 =	sshll.u32 s1, $0x11  }
0xbe: {  	s0 =	sor.u32 s1, s0  }
0xbf: {  	s0 =	sadd.s32 $0x8F2B, s0  }
0xc0: {  	[sflag:s0] =	ssyncadd.remote.s32 $0x1  }
0xc1: {  	_ =	sfence.sel $0xFFFF  }
0xc2: {  	[dreg:$0x0] =	wrdreg $0xFFFFFFFF;
	(pc) =	sbr.abs _section_cstart, $3  }
0xc3: {  	[dreg:$0x1] =	wrdreg $0xFFFFFFFF  }
0xc4: {  	_ =	task.clear_ibuf [dreg:s9], $0x2FFFF;
	_ =	strace $0x9FFFFFFF  }
0xc5: {  	(tm) =	ssettm $0x7FFFFFFF  }
tec
execute0_lowered:
.L_overlay_start_1:
0x0: {  	(tag) =	ssettag $0x1  }
0x1: {  	s4 =	rddreg [dreg:$0x0]  }
0x2: {  	s2 =	rddreg [dreg:$0x1]  }
0x3: {  	s1 =	srdreg.scid;
	s0 =	stileid.u32  }
0x4: {  	s5 =	rddreg [dreg:$0x2];
	s3 =	simm.s32 $0x0;
	s10 =	simm.s32 $0x7D00  }
0x5: {  	s11 =	simm.s32 $0x1;
	s12 =	simm.s32 $0x2;
	s13 =	simm.s32 $0xE100  }
0x6: {  	s14 =	simm.s32 $0x0;
	s6 =	sand.u32 $0x1, s1;
	s7 =	sshll.u32 s0, $0x1  }
0x7: {  	[smem:$0x7FF] =	sst s3;
	s7 =	sor.u32 s6, s7;
	s6 =	ssub.s32 $0x2, s6  }
0x8: {  	s1 =	rddreg [dreg:$0x3];
	_ =	strace $0x80000047;
	s9 =	sshrl.u32 s6, $0x1  }
0x9: {  	s8 =	smul.u32 $0x320, s7;
	s7 =	sshll.u32 s7, $0xB;
	s6 =	ssub.s32 s6, s9  }
0xa: {  	s5 =	sadd.s32 s5, s7;
	s7 =	simm.s32 $0x3;
	s9 =	simm.s32 $0x1900  }
0xb: {  	s4 =	sadd.s32 s4, s8;
	s6 =	smax.u32 s6, $0x1;
	s8 =	simm.s32 $0xC8  }
.LBB2_1:
0xc: {  	[tilespmem:s3], [sflag:$0x3] =	stream.linear.gather [hbm4b:s4+s3], $0x1900, $0x38;
	[tilespmem:$0x12100] =	vst v63  }
0xd: {  	_ =	swait.ge [sflag:s7], $0x1900  }
0xe: {  	[sflag:s7] =	ssyncset.done $0x0  }
0xf: {  	[sflag:s7] =	ssyncadd.s32 $0xFFFFE700  }
0x10: {  	[tilespmem:s9], [sflag:$0x1] =	stream.indirect.gather [hbm4b:s2+s8], $0x80, s3, s8, $0xb8;
	[tilespmem:$0x12100] =	vst v63  }
0x11: {  	s15 =	simm.s32 $0x0  }
0x12: {  	[tilespmem:s10], [sflag:$0x2] =	stream.indirect.gather [hbm4b:s2+s8], $0x80, s8, s8, $0xb8;
	[tilespmem:$0x12100] =	vst v63  }
.LBB2_2:
0x13: {  	_ =	swait.ge [sflag:s11], $0x6400  }
0x14: {  	[sflag:s11] =	ssyncset.done $0x0  }
0x15: {  	[sflag:s11] =	ssyncadd.s32 $0xFFFF9C00  }
0x16: {  	v7 =	vld [tilespmem:$0x1900]  }
0x17: {  	v10 =	vld [tilespmem:$0x1910]  }
0x18: {  	v5 =	vld [tilespmem:$0x1920]  }
0x19: {  	v4 =	vld [tilespmem:$0x1930]  }
0x1a: {  	v3 =	vld [tilespmem:$0x1940]  }
0x1b: {  	v2 =	vld [tilespmem:$0x1950]  }
0x1c: {  	v1 =	vld [tilespmem:$0x1960]  }
0x1d: {  	s18 =	simm.s32 $0xF0;
	v0 =	vld [tilespmem:$0x1970]  }
0x1e: {  	v6 =	vld [tilespmem:s18+$0x1900]  }
0x1f: {  	v9 =	vld [tilespmem:s18+$0x1890]  }
0x20: {  	v13 =	vld [tilespmem:s18+$0x18A0]  }
0x21: {  	v12 =	vld [tilespmem:s18+$0x18B0]  }
0x22: {  	v11 =	vld [tilespmem:s18+$0x18C0]  }
0x23: {  	v8 =	vld [tilespmem:s18+$0x18D0]  }
0x24: {  	v0 =	vadd.f32 v6, v0;
	v6 =	vld [tilespmem:s18+$0x18E0]  }
0x25: {  	s16 =	simm.s32 $0x170;
	s17 =	simm.s32 $0x7C0;
	v9 =	vadd.f32 v9, v7;
	v10 =	vadd.f32 v13, v10;
	v7 =	vld [tilespmem:s18+$0x18F0]  }
.LBB2_3:
0x26: {  	p0 =	sne.s32 s17, $0x63C0;
	v13 =	vld [tilespmem:s16+$0x1900];
	v5 =	vadd.f32 v12, v5  }
0x27: {  	v14 =	vld [tilespmem:s16+$0x1890];
	v4 =	vadd.f32 v11, v4  }
0x28: {  	v15 =	vld [tilespmem:s16+$0x18A0];
	v3 =	vadd.f32 v8, v3  }
.Ltmp0:
0x29: {  	v12 =	vld [tilespmem:s16+$0x18B0];
	v2 =	vadd.f32 v6, v2;
	(pc) =	sbr.rel @p0 .LBB2_3-.Ltmp0, $4  }
0x2a: {  	v11 =	vld [tilespmem:s16+$0x18C0];
	v1 =	vadd.f32 v7, v1  }
0x2b: {  	v8 =	vld [tilespmem:s16+$0x18D0];
	v0 =	vadd.f32 v13, v0  }
0x2c: {  	v9 =	vadd.f32 v14, v9;
	v6 =	vld [tilespmem:s16+$0x18E0]  }
0x2d: {  	v10 =	vadd.f32 v15, v10;
	v7 =	vld [tilespmem:s16+$0x18F0];
	s16 =	sshra.s32 s17, $0x2;
	s17 =	sadd.s32 $0x200, s17  }
0x2e: {  	v13 =	vld [tilespmem:s16+$0x1890]  }
0x2f: {  	v14 =	vld [tilespmem:s16+$0x18A0]  }
0x30: {  	v15 =	vld [tilespmem:s16+$0x18B0]  }
0x31: {  	v16 =	vld [tilespmem:s16+$0x18C0]  }
0x32: {  	v17 =	vld [tilespmem:s16+$0x18D0]  }
0x33: {  	v5 =	vadd.f32 v12, v5;
	v12 =	vld [tilespmem:s16+$0x18E0];
	v9 =	vadd.f32 v13, v9  }
0x34: {  	v4 =	vadd.f32 v11, v4;
	v11 =	vld [tilespmem:s16+$0x18F0];
	v10 =	vadd.f32 v14, v10  }
0x35: {  	s31 =	sshll.u32 s15, $0xC;
	v3 =	vadd.f32 v8, v3;
	v8 =	vld [tilespmem:s16+$0x1900];
	v5 =	vadd.f32 v15, v5;
	v9 =	vmul.f32 $1.999999960e-02, v9  }
0x36: {  	s16 =	sshra.s32 s31, $0x2;
	v2 =	vadd.f32 v6, v2;
	v4 =	vadd.f32 v16, v4;
	v6 =	vmul.f32 $1.999999960e-02, v10  }
0x37: {  	v1 =	vadd.f32 v7, v1;
	v3 =	vadd.f32 v17, v3;
	v5 =	vmul.f32 $1.999999960e-02, v5;
	[tilespmem:s16+$0xE100] =	vst v9  }
0x38: {  	v2 =	vadd.f32 v12, v2;
	v4 =	vmul.f32 $1.999999960e-02, v4;
	[tilespmem:s16+$0xE110] =	vst v6  }
0x39: {  	v1 =	vadd.f32 v11, v1;
	v3 =	vmul.f32 $1.999999960e-02, v3;
	[tilespmem:s16+$0xE120] =	vst v5  }
0x3a: {  	v0 =	vadd.f32 v8, v0;
	v2 =	vmul.f32 $1.999999960e-02, v2;
	[tilespmem:s16+$0xE130] =	vst v4  }
0x3b: {  	v1 =	vmul.f32 $1.999999960e-02, v1;
	[tilespmem:s16+$0xE140] =	vst v3  }
0x3c: {  	[tilespmem:s16+$0xE150] =	vst v2;
	v0 =	vmul.f32 $1.999999960e-02, v0  }
0x3d: {  	[tilespmem:s16+$0xE160] =	vst v1  }
0x3e: {  	[tilespmem:s16+$0xE170] =	vst v0  }
0x3f: {  	v8 =	vld [tilespmem:$0x3200]  }
0x40: {  	v9 =	vld [tilespmem:$0x3210]  }
0x41: {  	v5 =	vld [tilespmem:$0x3220]  }
0x42: {  	v4 =	vld [tilespmem:$0x3230]  }
0x43: {  	v3 =	vld [tilespmem:$0x3240]  }
0x44: {  	v2 =	vld [tilespmem:$0x3250]  }
0x45: {  	v1 =	vld [tilespmem:$0x3260]  }
0x46: {  	s19 =	simm.s32 $0x0;
	v0 =	vld [tilespmem:$0x3270]  }
0x47: {  	v6 =	vld [tilespmem:s19+$0x32F0]  }
0x48: {  	v10 =	vld [tilespmem:s19+$0x3280]  }
0x49: {  	v13 =	vld [tilespmem:s19+$0x3290]  }
0x4a: {  	v12 =	vld [tilespmem:s19+$0x32A0]  }
0x4b: {  	v11 =	vld [tilespmem:s19+$0x32B0]  }
0x4c: {  	v7 =	vld [tilespmem:s19+$0x32C0]  }
0x4d: {  	v0 =	vadd.f32 v6, v0;
	v6 =	vld [tilespmem:s19+$0x32D0]  }
0x4e: {  	s17 =	simm.s32 $0x80;
	s18 =	simm.s32 $0x400;
	v8 =	vadd.f32 v10, v8;
	v9 =	vadd.f32 v13, v9;
	v10 =	vld [tilespmem:s19+$0x32E0]  }
.LBB2_5:
0x4f: {  	p0 =	sne.s32 s18, $0x6000;
	v13 =	vld [tilespmem:s17+$0x32F0];
	v5 =	vadd.f32 v12, v5  }
0x50: {  	v14 =	vld [tilespmem:s17+$0x3280];
	v4 =	vadd.f32 v11, v4  }
0x51: {  	v15 =	vld [tilespmem:s17+$0x3290];
	v3 =	vadd.f32 v7, v3  }
.Ltmp1:
0x52: {  	v12 =	vld [tilespmem:s17+$0x32A0];
	v2 =	vadd.f32 v6, v2;
	(pc) =	sbr.rel @p0 .LBB2_5-.Ltmp1, $4  }
0x53: {  	v11 =	vld [tilespmem:s17+$0x32B0];
	v1 =	vadd.f32 v10, v1  }
0x54: {  	v7 =	vld [tilespmem:s17+$0x32C0];
	v0 =	vadd.f32 v13, v0  }
0x55: {  	v8 =	vadd.f32 v14, v8;
	v6 =	vld [tilespmem:s17+$0x32D0]  }
0x56: {  	v9 =	vadd.f32 v15, v9;
	v10 =	vld [tilespmem:s17+$0x32E0];
	s17 =	sshra.s32 s18, $0x2;
	s18 =	sadd.s32 $0x200, s18  }
0x57: {  	v13 =	vld [tilespmem:s17+$0x3280]  }
0x58: {  	v14 =	vld [tilespmem:s17+$0x3290]  }
0x59: {  	v15 =	vld [tilespmem:s17+$0x32A0]  }
0x5a: {  	v16 =	vld [tilespmem:s17+$0x32B0]  }
0x5b: {  	v17 =	vld [tilespmem:s17+$0x32C0]  }
0x5c: {  	v5 =	vadd.f32 v12, v5;
	v12 =	vld [tilespmem:s17+$0x32D0];
	v8 =	vadd.f32 v13, v8  }
0x5d: {  	v4 =	vadd.f32 v11, v4;
	v11 =	vld [tilespmem:s17+$0x32E0];
	v9 =	vadd.f32 v14, v9  }
0x5e: {  	v3 =	vadd.f32 v7, v3;
	v7 =	vld [tilespmem:s17+$0x32F0];
	v5 =	vadd.f32 v15, v5;
	v8 =	vmul.f32 $1.999999960e-02, v8  }
0x5f: {  	v2 =	vadd.f32 v6, v2;
	v4 =	vadd.f32 v16, v4;
	v6 =	vmul.f32 $1.999999960e-02, v9  }
0x60: {  	v1 =	vadd.f32 v10, v1;
	v3 =	vadd.f32 v17, v3;
	v5 =	vmul.f32 $1.999999960e-02, v5;
	[tilespmem:s16+$0xE180] =	vst v8  }
0x61: {  	v2 =	vadd.f32 v12, v2;
	v4 =	vmul.f32 $1.999999960e-02, v4;
	[tilespmem:s16+$0xE190] =	vst v6  }
0x62: {  	v1 =	vadd.f32 v11, v1;
	v3 =	vmul.f32 $1.999999960e-02, v3;
	[tilespmem:s16+$0xE1A0] =	vst v5  }
0x63: {  	v0 =	vadd.f32 v7, v0;
	v2 =	vmul.f32 $1.999999960e-02, v2;
	[tilespmem:s16+$0xE1B0] =	vst v4  }
0x64: {  	v1 =	vmul.f32 $1.999999960e-02, v1;
	[tilespmem:s16+$0xE1C0] =	vst v3  }
0x65: {  	[tilespmem:s16+$0xE1D0] =	vst v2;
	v0 =	vmul.f32 $1.999999960e-02, v0  }
0x66: {  	[tilespmem:s16+$0xE1E0] =	vst v1  }
0x67: {  	[tilespmem:s16+$0xE1F0] =	vst v0  }
0x68: {  	v8 =	vld [tilespmem:$0x4B00]  }
0x69: {  	v9 =	vld [tilespmem:$0x4B10]  }
0x6a: {  	v5 =	vld [tilespmem:$0x4B20]  }
0x6b: {  	v4 =	vld [tilespmem:$0x4B30]  }
0x6c: {  	v3 =	vld [tilespmem:$0x4B40]  }
0x6d: {  	v2 =	vld [tilespmem:$0x4B50]  }
0x6e: {  	v1 =	vld [tilespmem:$0x4B60]  }
0x6f: {  	s19 =	simm.s32 $0x0;
	v0 =	vld [tilespmem:$0x4B70]  }
0x70: {  	v6 =	vld [tilespmem:s19+$0x4BF0]  }
0x71: {  	v10 =	vld [tilespmem:s19+$0x4B80]  }
0x72: {  	v13 =	vld [tilespmem:s19+$0x4B90]  }
0x73: {  	v12 =	vld [tilespmem:s19+$0x4BA0]  }
0x74: {  	v11 =	vld [tilespmem:s19+$0x4BB0]  }
0x75: {  	v7 =	vld [tilespmem:s19+$0x4BC0]  }
0x76: {  	v0 =	vadd.f32 v6, v0;
	v6 =	vld [tilespmem:s19+$0x4BD0]  }
0x77: {  	s18 =	simm.s32 $0x400;
	s17 =	simm.s32 $0x80;
	v8 =	vadd.f32 v10, v8;
	v9 =	vadd.f32 v13, v9;
	v10 =	vld [tilespmem:s19+$0x4BE0]  }
.LBB2_7:
0x78: {  	p0 =	sne.s32 s18, $0x6000;
	v13 =	vld [tilespmem:s17+$0x4BF0];
	v5 =	vadd.f32 v12, v5  }
0x79: {  	v14 =	vld [tilespmem:s17+$0x4B80];
	v4 =	vadd.f32 v11, v4  }
0x7a: {  	v15 =	vld [tilespmem:s17+$0x4B90];
	v3 =	vadd.f32 v7, v3  }
.Ltmp2:
0x7b: {  	v12 =	vld [tilespmem:s17+$0x4BA0];
	v2 =	vadd.f32 v6, v2;
	(pc) =	sbr.rel @p0 .LBB2_7-.Ltmp2, $4  }
0x7c: {  	v11 =	vld [tilespmem:s17+$0x4BB0];
	v1 =	vadd.f32 v10, v1  }
0x7d: {  	v7 =	vld [tilespmem:s17+$0x4BC0];
	v0 =	vadd.f32 v13, v0  }
0x7e: {  	v8 =	vadd.f32 v14, v8;
	v6 =	vld [tilespmem:s17+$0x4BD0]  }
0x7f: {  	v9 =	vadd.f32 v15, v9;
	v10 =	vld [tilespmem:s17+$0x4BE0];
	s17 =	sshra.s32 s18, $0x2;
	s18 =	sadd.s32 $0x200, s18  }
0x80: {  	v13 =	vld [tilespmem:s17+$0x4B80]  }
0x81: {  	v14 =	vld [tilespmem:s17+$0x4B90]  }
0x82: {  	v15 =	vld [tilespmem:s17+$0x4BA0]  }
0x83: {  	v16 =	vld [tilespmem:s17+$0x4BB0]  }
0x84: {  	v17 =	vld [tilespmem:s17+$0x4BC0]  }
0x85: {  	v5 =	vadd.f32 v12, v5;
	v12 =	vld [tilespmem:s17+$0x4BD0];
	v8 =	vadd.f32 v13, v8  }
0x86: {  	v4 =	vadd.f32 v11, v4;
	v11 =	vld [tilespmem:s17+$0x4BE0];
	v9 =	vadd.f32 v14, v9  }
0x87: {  	v3 =	vadd.f32 v7, v3;
	v7 =	vld [tilespmem:s17+$0x4BF0];
	v5 =	vadd.f32 v15, v5;
	v8 =	vmul.f32 $1.999999960e-02, v8  }
0x88: {  	v2 =	vadd.f32 v6, v2;
	v4 =	vadd.f32 v16, v4;
	v6 =	vmul.f32 $1.999999960e-02, v9  }
0x89: {  	v1 =	vadd.f32 v10, v1;
	v3 =	vadd.f32 v17, v3;
	v5 =	vmul.f32 $1.999999960e-02, v5;
	[tilespmem:s16+$0xE200] =	vst v8  }
0x8a: {  	v2 =	vadd.f32 v12, v2;
	v4 =	vmul.f32 $1.999999960e-02, v4;
	[tilespmem:s16+$0xE210] =	vst v6  }
0x8b: {  	v1 =	vadd.f32 v11, v1;
	v3 =	vmul.f32 $1.999999960e-02, v3;
	[tilespmem:s16+$0xE220] =	vst v5  }
0x8c: {  	v0 =	vadd.f32 v7, v0;
	v2 =	vmul.f32 $1.999999960e-02, v2;
	[tilespmem:s16+$0xE230] =	vst v4  }
0x8d: {  	v1 =	vmul.f32 $1.999999960e-02, v1;
	[tilespmem:s16+$0xE240] =	vst v3  }
0x8e: {  	[tilespmem:s16+$0xE250] =	vst v2;
	v0 =	vmul.f32 $1.999999960e-02, v0  }
0x8f: {  	[tilespmem:s16+$0xE260] =	vst v1  }
0x90: {  	[tilespmem:s16+$0xE270] =	vst v0  }
0x91: {  	v8 =	vld [tilespmem:$0x6400]  }
0x92: {  	v9 =	vld [tilespmem:$0x6410]  }
0x93: {  	v5 =	vld [tilespmem:$0x6420]  }
0x94: {  	v4 =	vld [tilespmem:$0x6430]  }
0x95: {  	v3 =	vld [tilespmem:$0x6440]  }
0x96: {  	v2 =	vld [tilespmem:$0x6450]  }
0x97: {  	v1 =	vld [tilespmem:$0x6460]  }
0x98: {  	s19 =	simm.s32 $0x0;
	v0 =	vld [tilespmem:$0x6470]  }
0x99: {  	v6 =	vld [tilespmem:s19+$0x64F0]  }
0x9a: {  	v10 =	vld [tilespmem:s19+$0x6480]  }
0x9b: {  	v13 =	vld [tilespmem:s19+$0x6490]  }
0x9c: {  	v12 =	vld [tilespmem:s19+$0x64A0]  }
0x9d: {  	v11 =	vld [tilespmem:s19+$0x64B0]  }
0x9e: {  	v7 =	vld [tilespmem:s19+$0x64C0]  }
0x9f: {  	v0 =	vadd.f32 v6, v0;
	v6 =	vld [tilespmem:s19+$0x64D0]  }
0xa0: {  	s18 =	simm.s32 $0x400;
	s17 =	simm.s32 $0x80;
	v8 =	vadd.f32 v10, v8;
	v9 =	vadd.f32 v13, v9;
	v10 =	vld [tilespmem:s19+$0x64E0]  }
.LBB2_9:
0xa1: {  	p0 =	sne.s32 s18, $0x6000;
	v13 =	vld [tilespmem:s17+$0x64F0];
	v5 =	vadd.f32 v12, v5  }
0xa2: {  	v14 =	vld [tilespmem:s17+$0x6480];
	v4 =	vadd.f32 v11, v4  }
0xa3: {  	v15 =	vld [tilespmem:s17+$0x6490];
	v3 =	vadd.f32 v7, v3  }
.Ltmp3:
0xa4: {  	v12 =	vld [tilespmem:s17+$0x64A0];
	v2 =	vadd.f32 v6, v2;
	(pc) =	sbr.rel @p0 .LBB2_9-.Ltmp3, $4  }
0xa5: {  	v11 =	vld [tilespmem:s17+$0x64B0];
	v1 =	vadd.f32 v10, v1  }
0xa6: {  	v7 =	vld [tilespmem:s17+$0x64C0];
	v0 =	vadd.f32 v13, v0  }
0xa7: {  	v8 =	vadd.f32 v14, v8;
	v6 =	vld [tilespmem:s17+$0x64D0]  }
0xa8: {  	v9 =	vadd.f32 v15, v9;
	v10 =	vld [tilespmem:s17+$0x64E0];
	s17 =	sshra.s32 s18, $0x2;
	s18 =	sadd.s32 $0x200, s18  }
0xa9: {  	v13 =	vld [tilespmem:s17+$0x6480]  }
0xaa: {  	v14 =	vld [tilespmem:s17+$0x6490]  }
0xab: {  	v15 =	vld [tilespmem:s17+$0x64A0]  }
0xac: {  	v16 =	vld [tilespmem:s17+$0x64B0]  }
0xad: {  	v17 =	vld [tilespmem:s17+$0x64C0]  }
0xae: {  	v5 =	vadd.f32 v12, v5;
	v12 =	vld [tilespmem:s17+$0x64D0];
	v8 =	vadd.f32 v13, v8  }
0xaf: {  	v4 =	vadd.f32 v11, v4;
	v11 =	vld [tilespmem:s17+$0x64E0];
	v9 =	vadd.f32 v14, v9  }
0xb0: {  	v3 =	vadd.f32 v7, v3;
	v7 =	vld [tilespmem:s17+$0x64F0];
	v5 =	vadd.f32 v15, v5;
	v8 =	vmul.f32 $1.999999960e-02, v8  }
0xb1: {  	v2 =	vadd.f32 v6, v2;
	v4 =	vadd.f32 v16, v4;
	v6 =	vmul.f32 $1.999999960e-02, v9  }
0xb2: {  	v1 =	vadd.f32 v10, v1;
	v3 =	vadd.f32 v17, v3;
	v5 =	vmul.f32 $1.999999960e-02, v5;
	[tilespmem:s16+$0xE280] =	vst v8  }
0xb3: {  	v2 =	vadd.f32 v12, v2;
	v4 =	vmul.f32 $1.999999960e-02, v4;
	[tilespmem:s16+$0xE290] =	vst v6  }
0xb4: {  	s17 =	sshll.u32 s15, $0x1;
	v1 =	vadd.f32 v11, v1;
	v3 =	vmul.f32 $1.999999960e-02, v3;
	[tilespmem:s16+$0xE2A0] =	vst v5  }
0xb5: {  	s18 =	smin.u32 s17, $0x1D;
	v0 =	vadd.f32 v7, v0;
	v2 =	vmul.f32 $1.999999960e-02, v2;
	[tilespmem:s16+$0xE2B0] =	vst v4  }
0xb6: {  	s18 =	smul.u32 $0x320, s18;
	v1 =	vmul.f32 $1.999999960e-02, v1;
	[tilespmem:s16+$0xE2C0] =	vst v3  }
0xb7: {  	[tilespmem:s16+$0xE2D0] =	vst v2;
	v0 =	vmul.f32 $1.999999960e-02, v0  }
0xb8: {  	s18 =	sshrl.u32 s18, $0x2;
	[tilespmem:s16+$0xE2E0] =	vst v1  }
0xb9: {  	s18 =	sadd.s32 $0x190, s18;
	[tilespmem:s16+$0xE2F0] =	vst v0  }
0xba: {  	[tilespmem:s9], [sflag:$0x1] =	stream.indirect.gather [hbm4b:s2+s8], $0x80, s18, s8, $0xb8;
	[tilespmem:$0x12100] =	vst v63  }
0xbb: {  	_ =	swait.ge [sflag:s12], $0x6400  }
0xbc: {  	[sflag:s12] =	ssyncset.done $0x0  }
0xbd: {  	[sflag:s12] =	ssyncadd.s32 $0xFFFF9C00  }
0xbe: {  	v8 =	vld [tilespmem:$0x7D00]  }
0xbf: {  	v9 =	vld [tilespmem:$0x7D10]  }
0xc0: {  	v5 =	vld [tilespmem:$0x7D20]  }
0xc1: {  	v4 =	vld [tilespmem:$0x7D30]  }
0xc2: {  	v3 =	vld [tilespmem:$0x7D40]  }
0xc3: {  	v2 =	vld [tilespmem:$0x7D50]  }
0xc4: {  	v1 =	vld [tilespmem:$0x7D60]  }
0xc5: {  	s20 =	simm.s32 $0x0;
	v0 =	vld [tilespmem:$0x7D70]  }
0xc6: {  	v6 =	vld [tilespmem:s20+$0x7DF0]  }
0xc7: {  	v10 =	vld [tilespmem:s20+$0x7D80]  }
0xc8: {  	v13 =	vld [tilespmem:s20+$0x7D90]  }
0xc9: {  	v12 =	vld [tilespmem:s20+$0x7DA0]  }
0xca: {  	v11 =	vld [tilespmem:s20+$0x7DB0]  }
0xcb: {  	v7 =	vld [tilespmem:s20+$0x7DC0]  }
0xcc: {  	v0 =	vadd.f32 v6, v0;
	v6 =	vld [tilespmem:s20+$0x7DD0]  }
0xcd: {  	s19 =	simm.s32 $0x400;
	s18 =	simm.s32 $0x80;
	v8 =	vadd.f32 v10, v8;
	v9 =	vadd.f32 v13, v9;
	v10 =	vld [tilespmem:s20+$0x7DE0]  }
.LBB2_11:
0xce: {  	p0 =	sne.s32 s19, $0x6000;
	v13 =	vld [tilespmem:s18+$0x7DF0];
	v5 =	vadd.f32 v12, v5  }
0xcf: {  	v14 =	vld [tilespmem:s18+$0x7D80];
	v4 =	vadd.f32 v11, v4  }
0xd0: {  	v15 =	vld [tilespmem:s18+$0x7D90];
	v3 =	vadd.f32 v7, v3  }
.Ltmp4:
0xd1: {  	v12 =	vld [tilespmem:s18+$0x7DA0];
	v2 =	vadd.f32 v6, v2;
	(pc) =	sbr.rel @p0 .LBB2_11-.Ltmp4, $4  }
0xd2: {  	v11 =	vld [tilespmem:s18+$0x7DB0];
	v1 =	vadd.f32 v10, v1  }
0xd3: {  	v7 =	vld [tilespmem:s18+$0x7DC0];
	v0 =	vadd.f32 v13, v0  }
0xd4: {  	v8 =	vadd.f32 v14, v8;
	v6 =	vld [tilespmem:s18+$0x7DD0]  }
0xd5: {  	v9 =	vadd.f32 v15, v9;
	v10 =	vld [tilespmem:s18+$0x7DE0];
	s18 =	sshra.s32 s19, $0x2;
	s19 =	sadd.s32 $0x200, s19  }
0xd6: {  	v13 =	vld [tilespmem:s18+$0x7D80]  }
0xd7: {  	v14 =	vld [tilespmem:s18+$0x7D90]  }
0xd8: {  	v15 =	vld [tilespmem:s18+$0x7DA0]  }
0xd9: {  	v16 =	vld [tilespmem:s18+$0x7DB0]  }
0xda: {  	v17 =	vld [tilespmem:s18+$0x7DC0]  }
0xdb: {  	v5 =	vadd.f32 v12, v5;
	v12 =	vld [tilespmem:s18+$0x7DD0];
	v8 =	vadd.f32 v13, v8  }
0xdc: {  	v4 =	vadd.f32 v11, v4;
	v11 =	vld [tilespmem:s18+$0x7DE0];
	v9 =	vadd.f32 v14, v9  }
0xdd: {  	v3 =	vadd.f32 v7, v3;
	v7 =	vld [tilespmem:s18+$0x7DF0];
	v5 =	vadd.f32 v15, v5;
	v8 =	vmul.f32 $1.999999960e-02, v8  }
0xde: {  	v2 =	vadd.f32 v6, v2;
	v4 =	vadd.f32 v16, v4;
	v6 =	vmul.f32 $1.999999960e-02, v9  }
0xdf: {  	v1 =	vadd.f32 v10, v1;
	v3 =	vadd.f32 v17, v3;
	v5 =	vmul.f32 $1.999999960e-02, v5;
	[tilespmem:s16+$0xE300] =	vst v8  }
0xe0: {  	v2 =	vadd.f32 v12, v2;
	v4 =	vmul.f32 $1.999999960e-02, v4;
	[tilespmem:s16+$0xE310] =	vst v6  }
0xe1: {  	v1 =	vadd.f32 v11, v1;
	v3 =	vmul.f32 $1.999999960e-02, v3;
	[tilespmem:s16+$0xE320] =	vst v5  }
0xe2: {  	v0 =	vadd.f32 v7, v0;
	v2 =	vmul.f32 $1.999999960e-02, v2;
	[tilespmem:s16+$0xE330] =	vst v4  }
0xe3: {  	v1 =	vmul.f32 $1.999999960e-02, v1;
	[tilespmem:s16+$0xE340] =	vst v3  }
0xe4: {  	[tilespmem:s16+$0xE350] =	vst v2;
	v0 =	vmul.f32 $1.999999960e-02, v0  }
0xe5: {  	[tilespmem:s16+$0xE360] =	vst v1  }
0xe6: {  	[tilespmem:s16+$0xE370] =	vst v0  }
0xe7: {  	v8 =	vld [tilespmem:$0x9600]  }
0xe8: {  	v9 =	vld [tilespmem:$0x9610]  }
0xe9: {  	v5 =	vld [tilespmem:$0x9620]  }
0xea: {  	v4 =	vld [tilespmem:$0x9630]  }
0xeb: {  	v3 =	vld [tilespmem:$0x9640]  }
0xec: {  	v2 =	vld [tilespmem:$0x9650]  }
0xed: {  	v1 =	vld [tilespmem:$0x9660]  }
0xee: {  	s20 =	simm.s32 $0x0;
	v0 =	vld [tilespmem:$0x9670]  }
0xef: {  	v6 =	vld [tilespmem:s20+$0x96F0]  }
0xf0: {  	v10 =	vld [tilespmem:s20+$0x9680]  }
0xf1: {  	v13 =	vld [tilespmem:s20+$0x9690]  }
0xf2: {  	v12 =	vld [tilespmem:s20+$0x96A0]  }
0xf3: {  	v11 =	vld [tilespmem:s20+$0x96B0]  }
0xf4: {  	v7 =	vld [tilespmem:s20+$0x96C0]  }
0xf5: {  	v0 =	vadd.f32 v6, v0;
	v6 =	vld [tilespmem:s20+$0x96D0]  }
0xf6: {  	s19 =	simm.s32 $0x400;
	s18 =	simm.s32 $0x80;
	v8 =	vadd.f32 v10, v8;
	v9 =	vadd.f32 v13, v9;
	v10 =	vld [tilespmem:s20+$0x96E0]  }
.LBB2_13:
0xf7: {  	p0 =	sne.s32 s19, $0x6000;
	v13 =	vld [tilespmem:s18+$0x96F0];
	v5 =	vadd.f32 v12, v5  }
0xf8: {  	v14 =	vld [tilespmem:s18+$0x9680];
	v4 =	vadd.f32 v11, v4  }
0xf9: {  	v15 =	vld [tilespmem:s18+$0x9690];
	v3 =	vadd.f32 v7, v3  }
.Ltmp5:
0xfa: {  	v12 =	vld [tilespmem:s18+$0x96A0];
	v2 =	vadd.f32 v6, v2;
	(pc) =	sbr.rel @p0 .LBB2_13-.Ltmp5, $4  }
0xfb: {  	v11 =	vld [tilespmem:s18+$0x96B0];
	v1 =	vadd.f32 v10, v1  }
0xfc: {  	v7 =	vld [tilespmem:s18+$0x96C0];
	v0 =	vadd.f32 v13, v0  }
0xfd: {  	v8 =	vadd.f32 v14, v8;
	v6 =	vld [tilespmem:s18+$0x96D0]  }
0xfe: {  	v9 =	vadd.f32 v15, v9;
	v10 =	vld [tilespmem:s18+$0x96E0];
	s18 =	sshra.s32 s19, $0x2;
	s19 =	sadd.s32 $0x200, s19  }
0xff: {  	v13 =	vld [tilespmem:s18+$0x9680]  }
0x100: {  	v14 =	vld [tilespmem:s18+$0x9690]  }
0x101: {  	v15 =	vld [tilespmem:s18+$0x96A0]  }
0x102: {  	v16 =	vld [tilespmem:s18+$0x96B0]  }
0x103: {  	v17 =	vld [tilespmem:s18+$0x96C0]  }
0x104: {  	v5 =	vadd.f32 v12, v5;
	v12 =	vld [tilespmem:s18+$0x96D0];
	v8 =	vadd.f32 v13, v8  }
0x105: {  	v4 =	vadd.f32 v11, v4;
	v11 =	vld [tilespmem:s18+$0x96E0];
	v9 =	vadd.f32 v14, v9  }
0x106: {  	v3 =	vadd.f32 v7, v3;
	v7 =	vld [tilespmem:s18+$0x96F0];
	v5 =	vadd.f32 v15, v5;
	v8 =	vmul.f32 $1.999999960e-02, v8  }
0x107: {  	v2 =	vadd.f32 v6, v2;
	v4 =	vadd.f32 v16, v4;
	v6 =	vmul.f32 $1.999999960e-02, v9  }
0x108: {  	v1 =	vadd.f32 v10, v1;
	v3 =	vadd.f32 v17, v3;
	v5 =	vmul.f32 $1.999999960e-02, v5;
	[tilespmem:s16+$0xE380] =	vst v8  }
0x109: {  	v2 =	vadd.f32 v12, v2;
	v4 =	vmul.f32 $1.999999960e-02, v4;
	[tilespmem:s16+$0xE390] =	vst v6  }
0x10a: {  	v1 =	vadd.f32 v11, v1;
	v3 =	vmul.f32 $1.999999960e-02, v3;
	[tilespmem:s16+$0xE3A0] =	vst v5  }
0x10b: {  	v0 =	vadd.f32 v7, v0;
	v2 =	vmul.f32 $1.999999960e-02, v2;
	[tilespmem:s16+$0xE3B0] =	vst v4  }
0x10c: {  	v1 =	vmul.f32 $1.999999960e-02, v1;
	[tilespmem:s16+$0xE3C0] =	vst v3  }
0x10d: {  	[tilespmem:s16+$0xE3D0] =	vst v2;
	v0 =	vmul.f32 $1.999999960e-02, v0  }
0x10e: {  	[tilespmem:s16+$0xE3E0] =	vst v1  }
0x10f: {  	[tilespmem:s16+$0xE3F0] =	vst v0  }
0x110: {  	v8 =	vld [tilespmem:$0xAF00]  }
0x111: {  	v9 =	vld [tilespmem:$0xAF10]  }
0x112: {  	v5 =	vld [tilespmem:$0xAF20]  }
0x113: {  	v4 =	vld [tilespmem:$0xAF30]  }
0x114: {  	v3 =	vld [tilespmem:$0xAF40]  }
0x115: {  	v2 =	vld [tilespmem:$0xAF50]  }
0x116: {  	v1 =	vld [tilespmem:$0xAF60]  }
0x117: {  	s20 =	simm.s32 $0x0;
	v0 =	vld [tilespmem:$0xAF70]  }
0x118: {  	v6 =	vld [tilespmem:s20+$0xAFF0]  }
0x119: {  	v10 =	vld [tilespmem:s20+$0xAF80]  }
0x11a: {  	v13 =	vld [tilespmem:s20+$0xAF90]  }
0x11b: {  	v12 =	vld [tilespmem:s20+$0xAFA0]  }
0x11c: {  	v11 =	vld [tilespmem:s20+$0xAFB0]  }
0x11d: {  	v7 =	vld [tilespmem:s20+$0xAFC0]  }
0x11e: {  	v0 =	vadd.f32 v6, v0;
	v6 =	vld [tilespmem:s20+$0xAFD0]  }
0x11f: {  	s19 =	simm.s32 $0x400;
	s18 =	simm.s32 $0x80;
	v8 =	vadd.f32 v10, v8;
	v9 =	vadd.f32 v13, v9;
	v10 =	vld [tilespmem:s20+$0xAFE0]  }
.LBB2_15:
0x120: {  	p0 =	sne.s32 s19, $0x6000;
	v13 =	vld [tilespmem:s18+$0xAFF0];
	v5 =	vadd.f32 v12, v5  }
0x121: {  	v14 =	vld [tilespmem:s18+$0xAF80];
	v4 =	vadd.f32 v11, v4  }
0x122: {  	v15 =	vld [tilespmem:s18+$0xAF90];
	v3 =	vadd.f32 v7, v3  }
.Ltmp6:
0x123: {  	v12 =	vld [tilespmem:s18+$0xAFA0];
	v2 =	vadd.f32 v6, v2;
	(pc) =	sbr.rel @p0 .LBB2_15-.Ltmp6, $4  }
0x124: {  	v11 =	vld [tilespmem:s18+$0xAFB0];
	v1 =	vadd.f32 v10, v1  }
0x125: {  	v7 =	vld [tilespmem:s18+$0xAFC0];
	v0 =	vadd.f32 v13, v0  }
0x126: {  	v8 =	vadd.f32 v14, v8;
	v6 =	vld [tilespmem:s18+$0xAFD0]  }
0x127: {  	v9 =	vadd.f32 v15, v9;
	v10 =	vld [tilespmem:s18+$0xAFE0];
	s18 =	sshra.s32 s19, $0x2;
	s19 =	sadd.s32 $0x200, s19  }
0x128: {  	v13 =	vld [tilespmem:s18+$0xAF80]  }
0x129: {  	v14 =	vld [tilespmem:s18+$0xAF90]  }
0x12a: {  	v15 =	vld [tilespmem:s18+$0xAFA0]  }
0x12b: {  	v16 =	vld [tilespmem:s18+$0xAFB0]  }
0x12c: {  	v17 =	vld [tilespmem:s18+$0xAFC0]  }
0x12d: {  	v5 =	vadd.f32 v12, v5;
	v12 =	vld [tilespmem:s18+$0xAFD0];
	v8 =	vadd.f32 v13, v8  }
0x12e: {  	v4 =	vadd.f32 v11, v4;
	v11 =	vld [tilespmem:s18+$0xAFE0];
	v9 =	vadd.f32 v14, v9  }
0x12f: {  	v3 =	vadd.f32 v7, v3;
	v7 =	vld [tilespmem:s18+$0xAFF0];
	v5 =	vadd.f32 v15, v5;
	v8 =	vmul.f32 $1.999999960e-02, v8  }
0x130: {  	v2 =	vadd.f32 v6, v2;
	v4 =	vadd.f32 v16, v4;
	v6 =	vmul.f32 $1.999999960e-02, v9  }
0x131: {  	v1 =	vadd.f32 v10, v1;
	v3 =	vadd.f32 v17, v3;
	v5 =	vmul.f32 $1.999999960e-02, v5;
	[tilespmem:s16+$0xE400] =	vst v8  }
0x132: {  	v2 =	vadd.f32 v12, v2;
	v4 =	vmul.f32 $1.999999960e-02, v4;
	[tilespmem:s16+$0xE410] =	vst v6  }
0x133: {  	v1 =	vadd.f32 v11, v1;
	v3 =	vmul.f32 $1.999999960e-02, v3;
	[tilespmem:s16+$0xE420] =	vst v5  }
0x134: {  	v0 =	vadd.f32 v7, v0;
	v2 =	vmul.f32 $1.999999960e-02, v2;
	[tilespmem:s16+$0xE430] =	vst v4  }
0x135: {  	v1 =	vmul.f32 $1.999999960e-02, v1;
	[tilespmem:s16+$0xE440] =	vst v3  }
0x136: {  	[tilespmem:s16+$0xE450] =	vst v2;
	v0 =	vmul.f32 $1.999999960e-02, v0  }
0x137: {  	[tilespmem:s16+$0xE460] =	vst v1  }
0x138: {  	[tilespmem:s16+$0xE470] =	vst v0  }
0x139: {  	v8 =	vld [tilespmem:$0xC800]  }
0x13a: {  	v9 =	vld [tilespmem:$0xC810]  }
0x13b: {  	v5 =	vld [tilespmem:$0xC820]  }
0x13c: {  	v4 =	vld [tilespmem:$0xC830]  }
0x13d: {  	v3 =	vld [tilespmem:$0xC840]  }
0x13e: {  	v2 =	vld [tilespmem:$0xC850]  }
0x13f: {  	v1 =	vld [tilespmem:$0xC860]  }
0x140: {  	s20 =	simm.s32 $0x0;
	v0 =	vld [tilespmem:$0xC870]  }
0x141: {  	v6 =	vld [tilespmem:s20+$0xC8F0]  }
0x142: {  	v10 =	vld [tilespmem:s20+$0xC880]  }
0x143: {  	v13 =	vld [tilespmem:s20+$0xC890]  }
0x144: {  	v12 =	vld [tilespmem:s20+$0xC8A0]  }
0x145: {  	v11 =	vld [tilespmem:s20+$0xC8B0]  }
0x146: {  	v7 =	vld [tilespmem:s20+$0xC8C0]  }
0x147: {  	v0 =	vadd.f32 v6, v0;
	v6 =	vld [tilespmem:s20+$0xC8D0]  }
0x148: {  	s19 =	simm.s32 $0x400;
	s18 =	simm.s32 $0x80;
	v8 =	vadd.f32 v10, v8;
	v9 =	vadd.f32 v13, v9;
	v10 =	vld [tilespmem:s20+$0xC8E0]  }
.LBB2_17:
0x149: {  	p0 =	sne.s32 s19, $0x6000;
	v13 =	vld [tilespmem:s18+$0xC8F0];
	v5 =	vadd.f32 v12, v5  }
0x14a: {  	v14 =	vld [tilespmem:s18+$0xC880];
	v4 =	vadd.f32 v11, v4  }
0x14b: {  	v15 =	vld [tilespmem:s18+$0xC890];
	v3 =	vadd.f32 v7, v3  }
.Ltmp7:
0x14c: {  	v12 =	vld [tilespmem:s18+$0xC8A0];
	v2 =	vadd.f32 v6, v2;
	(pc) =	sbr.rel @p0 .LBB2_17-.Ltmp7, $4  }
0x14d: {  	v11 =	vld [tilespmem:s18+$0xC8B0];
	v1 =	vadd.f32 v10, v1  }
0x14e: {  	v7 =	vld [tilespmem:s18+$0xC8C0];
	v0 =	vadd.f32 v13, v0  }
0x14f: {  	v8 =	vadd.f32 v14, v8;
	v6 =	vld [tilespmem:s18+$0xC8D0]  }
0x150: {  	v9 =	vadd.f32 v15, v9;
	v10 =	vld [tilespmem:s18+$0xC8E0];
	s18 =	sshra.s32 s19, $0x2;
	s19 =	sadd.s32 $0x200, s19  }
0x151: {  	v13 =	vld [tilespmem:s18+$0xC880]  }
0x152: {  	v14 =	vld [tilespmem:s18+$0xC890]  }
0x153: {  	v15 =	vld [tilespmem:s18+$0xC8A0]  }
0x154: {  	v16 =	vld [tilespmem:s18+$0xC8B0]  }
0x155: {  	v17 =	vld [tilespmem:s18+$0xC8C0]  }
0x156: {  	v5 =	vadd.f32 v12, v5;
	v60 =	vld [tilespmem:s18+$0xC8D0];
	v8 =	vadd.f32 v13, v8  }
0x157: {  	v62 =	vld [tilespmem:s18+$0xC8F0];
	v4 =	vadd.f32 v11, v4;
	v9 =	vadd.f32 v14, v9  }
0x158: {  	v61 =	vld [tilespmem:s18+$0xC8E0];
	v3 =	vadd.f32 v7, v3;
	v5 =	vadd.f32 v15, v5;
	v8 =	vmul.f32 $1.999999960e-02, v8  }
0x159: {  	v2 =	vadd.f32 v6, v2;
	v4 =	vadd.f32 v16, v4;
	v63 =	vmul.f32 $1.999999960e-02, v9  }
0x15a: {  	v3 =	vadd.f32 v17, v3;
	v5 =	vmul.f32 $1.999999960e-02, v5;
	[tilespmem:s16+$0xE480] =	vst v8  }
0x15b: {  	v1 =	vadd.f32 v10, v1;
	v2 =	vadd.f32 v60, v2;
	v4 =	vmul.f32 $1.999999960e-02, v4;
	[tilespmem:s16+$0xE490] =	vst v63  }
0x15c: {  	s17 =	smin.u32 s17, $0x1C;
	s15 =	sadd.s32 $0x1, s15;
	v0 =	vadd.f32 v62, v0;
	v3 =	vmul.f32 $1.999999960e-02, v3;
	[tilespmem:s16+$0xE4A0] =	vst v5  }
0x15d: {  	s17 =	smul.u32 $0x320, s17;
	p0 =	sne.s32 s15, $0x10;
	v1 =	vadd.f32 v61, v1;
	v2 =	vmul.f32 $1.999999960e-02, v2;
	[tilespmem:s16+$0xE4B0] =	vst v4  }
.Ltmp8:
0x15e: {  	v0 =	vmul.f32 $1.999999960e-02, v0;
	[tilespmem:s16+$0xE4C0] =	vst v3;
	(pc) =	sbr.rel @p0 .LBB2_2-.Ltmp8, $4  }
0x15f: {  	v1 =	vmul.f32 $1.999999960e-02, v1;
	[tilespmem:s16+$0xE4D0] =	vst v2  }
0x160: {  	s17 =	sshrl.u32 s17, $0x2;
	[tilespmem:s16+$0xE4F0] =	vst v0  }
0x161: {  	s31 =	sadd.s32 $0x258, s17;
	[tilespmem:s16+$0xE4E0] =	vst v1  }
0x162: {  	[tilespmem:s10], [sflag:$0x2] =	stream.indirect.gather [hbm4b:s2+s8], $0x80, s31, s8, $0xb8;
	[tilespmem:$0x12100] =	vst v63  }
0x163: {  	_ =	swait.ge [sflag:s11], $0x6400  }
0x164: {  	[sflag:s11] =	ssyncset.done $0x0  }
0x165: {  	[sflag:s11] =	ssyncadd.s32 $0xFFFF9C00  }
0x166: {  	s14 =	sadd.s32 $0x1, s14;
	_ =	swait.ge [sflag:s12], $0x6400  }
0x167: {  	p0 =	sne.s32 s14, s6;
	[sflag:s12] =	ssyncset.done $0x0  }
.Ltmp9:
0x168: {  	[sflag:s12] =	ssyncadd.s32 $0xFFFF9C00;
	(pc) =	sbr.rel @p0 .LBB2_1-.Ltmp9, $4  }
0x169: {  	[hbm4b:s5+s3] =	stream.linear.scatter [tilespmem:s13], [sflag:$0x3], $0x4000, $0x38;
	[tilespmem:$0x12100] =	vst v63  }
0x16a: {  	_ =	swait.ge [sflag:s7], $0x4000  }
0x16b: {  	[sflag:s7] =	ssyncset.done $0x0  }
0x16c: {  	[sflag:s7] =	ssyncadd.s32 $0xFFFFC000  }
0x16d: {  	_ =	sfence.sel $0x180000  }
0x16e: {  	[bflag:$0x0] =	sbarrier.arrive $0xFFFF  }
0x16f: {  	p0 =	sne.s32 s0, $0x0;
	_ =	strace $0x90000047  }
0x170: {  	s0 =	sadd.s32 @!p0 $0x100000, s1;
	[bflag:$0x2] =	sbarrier.arrive $0xFFFF  }
0x171: {  	[sflag:s0] =	ssyncadd.tile.s32 @!p0 $0x1;
	_ =	shalt  }
.Lfunc_end2:
_tile_overlayer_lowered:
.L_overlay_start_2:
0x172: {  	(tag) =	ssettag $0x2  }
0x173: {  	s0 =	rddreg [dreg:$0x0];
	s2 =	stileid.u32  }
0x174: {  	s1 =	rddreg [dreg:$0x1];
	p0 =	sne.s32 s2, $0x0  }
0x175: {  	s3 =	rddreg [dreg:$0x2];
	[bflag:$0x3] =	sbarrier.arrive $0xFFFF;
	s2 =	simm.s32 @!p0 $0x1C03  }
0x176: {  	[timem:s3], [sflag:s2] =	dma.local @!p0 [hbm:s0], s1  }
0x177: {  	s0 =	simm.s32 @!p0 $0x3  }
0x178: {  	_ =	swait.ge @!p0 [sflag:s0], s1  }
0x179: {  	s1 =	ssub.s32 @!p0 $0x0, s1;
	[sflag:s0] =	ssyncset.done @!p0 $0x0  }
0x17a: {  	[sflag:s0] =	ssyncadd.s32 @!p0 s1  }
0x17b: {  	[bflag:$0x3] =	sbarrier.arrive $0xFFFF  }
0x17c: {  	_ =	shalt  }

// kernel: kernel.8.cloned.1.call-start
scs
__scs_entry_jumppad:
0x0: {  	(pc) =	sbr.rel $0x88, $3  }
0x1: {  	(tag) =	ssettag $0x0;
	lr =	simm.s32 $0x1  }
0x2: {  	[smem:$0x3F93] =	sst lr;
	_ =	strace $0xD0000000  }
0x3: {  	_ = 	snop  }
0x4: {  	_ = 	snop  }
0x5: {  	_ = 	snop  }
0x6: {  	_ = 	snop  }
0x7: {  	_ = 	snop  }
__scs_overlays_trampoline_lowered:
0x8: {  	[smem:$0x3FA2] =	sst s0  }
0x9: {  	[smem:$0x3FA3] =	sst s1  }
0xa: {  	[smem:$0x3FA4] =	sst s2  }
0xb: {  	[smem:$0x3FA5] =	sst s3  }
0xc: {  	[smem:$0x3FA6] =	sst s4  }
0xd: {  	[smem:$0x3FA7] =	sst s5  }
0xe: {  	[smem:$0x3FA8] =	sst s6  }
0xf: {  	[smem:$0x3FA9] =	sst s7  }
0x10: {  	[smem:$0x3FAA] =	sst s8  }
0x11: {  	[smem:$0x3FAB] =	sst s9;
	s0 =	simm.s32 @!p0 $0x0  }
0x12: {  	s1 =	sld [smem:$0x3F91];
	s0 =	simm.s32 @p0 $0x1  }
0x13: {  	[smem:$0x3FAC] =	sst s0;
	s0 =	simm.s32 @!p1 $0x0  }
0x14: {  	s2 =	sld [smem:$0x3F90];
	s0 =	simm.s32 @p1 $0x1  }
0x15: {  	[smem:$0x3FAD] =	sst s0;
	s0 =	simm.s32 @!p2 $0x0  }
0x16: {  	s3 =	sld [smem:$0x3FDB];
	s0 =	simm.s32 @p2 $0x1  }
0x17: {  	s4 =	simm.s32 $0x1BF5;
	[smem:$0x3FAF] =	sst s0  }
0x18: {  	s0 =	sld [smem:$0x3F92];
	_ =	swait.ge [sflag:s4], $0x0  }
0x19: {  	s7 =	sld [smem:$0x3F93]  }
0x1a: {  	s8 =	sadd.s32 $0xFFFFE003, lr  }
0x1b: {  	s9 =	sadd.s32 $0xFFFFFEF7, lr;
	s5 =	simm.s32 $0xFFFFFFFF;
	p2 =	slt.u32 s8, $0xFFFFF086  }
0x1c: {  	p1 =	slt.u32 s9, $0xF7A;
	s5 =	simm.s32 @!p2 $0x0  }
0x1d: {  	s5 =	simm.s32 @p1 $0x1;
	p0 =	seq.s32 s7, s2  }
0x1e: {  	s7 =	smul.u32 @!p0 $0xF7A, s2;
	p2 =	seq.s32 @!p0 s5, $0x0  }
0x1f: {  	s9 =	smul.u32 $0xF7A, s1;
	s8 =	simm.s32 @!p0 $0x1BF5;
	p2 =	por !p2, p0  }
0x20: {  	[sflag:s8] =	ssyncset.s32 @!p0 $0xFFFFF086;
	s6 =	sadd.s32 @!p0 s3, s7;
	s7 =	simm.s32 @!p0 $0x108  }
0x21: {  	s3 =	sadd.s32 s3, s9;
	s6 =	sadd.s32 @!p0 $0x88, s6;
	s7 =	simm.s32 @p2 $0x1082  }
0x22: {  	[simem:s7], [sflag:s8] =	dma.local @!p0 [hbm:s6], $0xF7A  }
0x23: {  	s9 =	sor.u32 $0xD0000000, s2;
	s6 =	simm.s32 $0x108;
	_ =	swait.ge @!p0 [sflag:s8], $0x0  }
0x24: {  	s3 =	sadd.s32 $0x88, s3;
	s6 =	simm.s32 @!p1 $0x1082;
	[sflag:s4] =	ssyncset.s32 $0xFFFFF086  }
0x25: {  	[simem:s6], [sflag:s4] =	dma.local [hbm:s3], $0xF7A  }
0x26: {  	[smem:$0x3F93] =	sst s1;
	(tag) =	ssettag s2;
	_ =	strace s9  }
0x27: {  	s1 =	sld [smem:$0x3FA3]  }
0x28: {  	s2 =	sld [smem:$0x3FA4]  }
0x29: {  	s4 =	sld [smem:$0x3FA6]  }
0x2a: {  	p0 =	seq.s32 s5, $0x0;
	s5 =	sld [smem:$0x3FA7]  }
0x2b: {  	s6 =	sld [smem:$0x3FA8]  }
0x2c: {  	s7 =	sld [smem:$0x3FA9]  }
0x2d: {  	s3 =	simm.s32 $0x108;
	s8 =	sld [smem:$0x3FAA]  }
0x2e: {  	s3 =	simm.s32 @!p0 $0x1082;
	s9 =	sld [smem:$0x3FAB]  }
0x2f: {  	lr =	sadd.s32 s0, s3;
	s0 =	sld [smem:$0x3FA2]  }
0x30: {  	s3 =	sld [smem:$0x3FA5]  }
0x31: {  	[smem:$0x3FAE] =	sst s10  }
0x32: {  	s10 =	sld [smem:$0x3FAC];
	_ =	sdelay $0x3  }
0x33: {  	p0 =	seq.s32 s10, $0x1;
	s10 =	sld [smem:$0x3FAE];
	_ =	sdelay $0x3  }
0x34: {  	[smem:$0x3FAE] =	sst s10  }
0x35: {  	s10 =	sld [smem:$0x3FAD];
	_ =	sdelay $0x3  }
0x36: {  	p1 =	seq.s32 s10, $0x1;
	s10 =	sld [smem:$0x3FAE];
	_ =	sdelay $0x3  }
0x37: {  	[smem:$0x3FAE] =	sst s10  }
0x38: {  	s10 =	sld [smem:$0x3FAF]  }
0x39: {  	_ = 	snop;
	(pc) =	sbr.ind lr, $3  }
0x3a: {  	_ = 	snop  }
0x3b: {  	_ = 	snop  }
0x3c: {  	p2 =	seq.s32 s10, $0x1;
	s10 =	sld [smem:$0x3FAE]  }
0x3d: {  	_ =	shalt  }
0x3e: {  	_ =	shalt  }
0x3f: {  	_ =	shalt  }
0x40: {  	_ =	shalt  }
0x41: {  	_ =	shalt  }
0x42: {  	_ =	shalt  }
0x43: {  	_ =	shalt  }
0x44: {  	_ =	shalt  }
0x45: {  	_ =	shalt  }
0x46: {  	_ =	shalt  }
0x47: {  	_ =	shalt  }
0x48: {  	_ =	shalt  }
0x49: {  	_ =	shalt  }
0x4a: {  	_ =	shalt  }
0x4b: {  	_ =	shalt  }
0x4c: {  	_ =	shalt  }
0x4d: {  	_ =	shalt  }
0x4e: {  	_ =	shalt  }
0x4f: {  	_ =	shalt  }
0x50: {  	_ =	shalt  }
0x51: {  	_ =	shalt  }
0x52: {  	_ =	shalt  }
0x53: {  	_ =	shalt  }
0x54: {  	_ =	shalt  }
0x55: {  	_ =	shalt  }
0x56: {  	_ =	shalt  }
0x57: {  	_ =	shalt  }
0x58: {  	_ =	shalt  }
0x59: {  	_ =	shalt  }
0x5a: {  	_ =	shalt  }
0x5b: {  	_ =	shalt  }
0x5c: {  	_ =	shalt  }
0x5d: {  	_ =	shalt  }
0x5e: {  	_ =	shalt  }
0x5f: {  	_ =	shalt  }
0x60: {  	_ =	shalt  }
0x61: {  	_ =	shalt  }
0x62: {  	_ =	shalt  }
0x63: {  	_ =	shalt  }
0x64: {  	_ =	shalt  }
0x65: {  	_ =	shalt  }
0x66: {  	_ =	shalt  }
0x67: {  	_ =	shalt  }
0x68: {  	_ =	shalt  }
0x69: {  	_ =	shalt  }
0x6a: {  	_ =	shalt  }
0x6b: {  	_ =	shalt  }
0x6c: {  	_ =	shalt  }
0x6d: {  	_ =	shalt  }
0x6e: {  	_ =	shalt  }
0x6f: {  	_ =	shalt  }
0x70: {  	_ =	shalt  }
0x71: {  	_ =	shalt  }
0x72: {  	_ =	shalt  }
0x73: {  	_ =	shalt  }
0x74: {  	_ =	shalt  }
0x75: {  	_ =	shalt  }
0x76: {  	_ =	shalt  }
0x77: {  	_ =	shalt  }
0x78: {  	_ =	shalt  }
0x79: {  	_ =	shalt  }
0x7a: {  	_ =	shalt  }
0x7b: {  	_ =	shalt  }
0x7c: {  	_ =	shalt  }
0x7d: {  	_ =	shalt  }
0x7e: {  	_ =	shalt  }
0x7f: {  	_ =	shalt  }
0x80: {  	_ =	shalt  }
0x81: {  	_ =	shalt  }
0x82: {  	_ =	shalt  }
0x83: {  	_ =	shalt  }
0x84: {  	_ =	shalt  }
0x85: {  	_ =	shalt  }
0x86: {  	_ =	shalt  }
0x87: {  	_ =	shalt  }
.Lfunc_end0:
.L_simem_size_0:
called_computation.1_lowered:
.L_overlay_start_0:
0x88: {  	s2 =	sld [smem:$0x3FD9]  }
0x89: {  	s3 =	sld [smem:$0x3FFE];
	_ =	sdelay $0x1  }
0x8a: {  	s1 =	srdreg.scid  }
0x8b: {  	s0 =	sand.u32 $0x1, s1  }
0x8c: {  	s17 =	sshll.u32 s0, $0xA;
	s2 =	sadd.s32 s3, s2  }
0x8d: {  	s2 =	sadd.s32 s2, s17  }
0x8e: {  	[smem:$0x3FBA] =	sst s2  }
0x8f: {  	_ = 	snop  }
0x90: {  	s2 =	sld [smem:$0x3FC8];
	(tm) =	ssettm $0x1  }
0x91: {  	s18 =	sld [smem:$0x3FFB];
	_ =	sdelay $0x3  }
0x92: {  	_ =	strace s18  }
0x93: {  	s3 =	sld [smem:$0x3FFC];
	_ =	sdelay $0x3  }
0x94: {  	_ =	strace s3  }
0x95: {  	s3 =	sld [smem:$0x3FFD];
	_ =	sdelay $0x3  }
0x96: {  	_ =	strace s3  }
0x97: {  	_ =	strace $0x8FFFFFFF  }
0x98: {  	s19 =	sld [smem:$0x3FDB];
	_ =	sdelay $0x1  }
0x99: {  	s4 =	simm.s32 $_scs_section_size  }
0x9a: {  	s5 =	simm.s32 $_size__tile_overlayer_lowered;
	s6 =	simm.s32 $_tile_overlayer_lowered  }
0x9b: {  	s22 =	simm.s32 $0x1BFF;
	s21 =	sshll.u32 s6, $0x1;
	s3 =	sadd.s32 s4, s19  }
0x9c: {  	s7 =	simm.s32 $0x0;
	s20 =	sshll.u32 s5, $0x1;
	s5 =	sadd.s32 s21, s3  }
0x9d: {  	[timem:s7], [sflag:s22] =	dma.local [hbm:s5], s20  }
0x9e: {  	_ =	swait.ge [sflag:s22], s20  }
0x9f: {  	s4 =	ssub.s32 $0x0, s20;
	[sflag:s22] =	ssyncset.done $0x0  }
0xa0: {  	[sflag:s22] =	ssyncadd.s32 s4;
	_ =	sdelay $0x1  }
0xa1: {  	s23 =	simm.s32 $0x1B8B  }
0xa2: {  	_ =	swait.ge [sflag:s23], $0x1  }
0xa3: {  	[sflag:s23] =	ssyncset.done $0x0  }
0xa4: {  	s25 =	simm.s32 $0x1B8E;
	s24 =	sld [smem:$0x3FFE];
	[sflag:s23] =	ssyncadd.s32 $0xFFFFFFFF  }
0xa5: {  	s26 =	simm.s32 $execute0_lowered;
	[smem:$0x3FD2] =	sst s25  }
0xa6: {  	s5 =	sshll.u32 s26, $0x1;
	_ =	strace $0x80000049;
	[dreg:$0x1] =	wrdreg $0xFFFFFFFF  }
0xa7: {  	s28 =	simm.s32 $_size_execute0_lowered;
	s3 =	sadd.s32 s3, s5;
	[dreg:$0x0] =	wrdreg $0x0  }
0xa8: {  	s5 =	sshll.u32 s28, $0x1;
	[dreg:$0x2] =	wrdreg s3  }
0xa9: {  	[dreg:$0x3] =	wrdreg s5  }
0xaa: {  	[dreg:$0x4] =	wrdreg $0xC0  }
0xab: {  	_ =	task [dreg:s7], $0x5FFFF  }
0xac: {  	[dreg:$0x1] =	wrdreg $0xFFFFFFFF  }
0xad: {  	[dreg:$0x0] =	wrdreg $0x60  }
0xae: {  	[dreg:$0x2] =	wrdreg s2  }
0xaf: {  	[dreg:$0x3] =	wrdreg s24  }
0xb0: {  	[dreg:$0x4] =	wrdreg $0x9  }
0xb1: {  	_ =	task.clear_ibuf [dreg:s7], $0x5FFFF;
	_ =	strace $0x90000049  }
0xb2: {  	s29 =	simm.s32 $0x9;
	_ =	strace $0x8000004B  }
0xb3: {  	_ =	swait.ge [sflag:s29], $0x1  }
0xb4: {  	[sflag:s29] =	ssyncadd.s32 $0xFFFFFFFF  }
0xb5: {  	_ =	strace $0x9000004B  }
0xb6: {  	_ =	sfence  }
0xb7: {  	s30 =	sld [smem:$0x0];
	_ =	sdelay $0x2  }
0xb8: {  	s31 =	sshll.u32 s1, $0xD;
	s1 =	sshrl.u32 s1, $0x2  }
0xb9: {  	s3 =	sand.u32 $0x4000, s31;
	s1 =	sadd.s32 s1, s30  }
0xba: {  	s0 =	sor.u32 s3, s0;
	s1 =	sshll.u32 s1, $0x11  }
0xbb: {  	s0 =	sor.u32 s1, s0  }
0xbc: {  	s0 =	sadd.s32 $0x8F2B, s0  }
0xbd: {  	[sflag:s0] =	ssyncadd.remote.s32 $0x1  }
0xbe: {  	_ =	sfence.sel $0xFFFF  }
0xbf: {  	[dreg:$0x0] =	wrdreg $0xFFFFFFFF;
	(pc) =	sbr.abs _section_cstart, $3  }
0xc0: {  	[dreg:$0x1] =	wrdreg $0xFFFFFFFF  }
0xc1: {  	_ =	task.clear_ibuf [dreg:s7], $0x2FFFF;
	_ =	strace $0x9FFFFFFF  }
0xc2: {  	(tm) =	ssettm $0x7FFFFFFF  }
0xc3: {  	_ =	shalt  }
tec
execute0_lowered:
.L_overlay_start_1:
0x0: {  	(tag) =	ssettag $0x1  }
0x1: {  	s4 =	rddreg [dreg:$0x0]  }
0x2: {  	s5 =	rddreg [dreg:$0x1]  }
0x3: {  	s0 =	rddreg [dreg:$0x2];
	s2 =	simm.s32 $0x0;
	s3 =	srdreg.scid  }
0x4: {  	s1 =	stileid.u32;
	s9 =	simm.s32 $0x1900;
	s10 =	simm.s32 $0x7D00  }
0x5: {  	s11 =	simm.s32 $0x1;
	s12 =	simm.s32 $0x2;
	s13 =	simm.s32 $0xE100  }
0x6: {  	[smem:$0x7FF] =	sst s2;
	s3 =	sand.u32 $0x1, s3;
	s6 =	sshll.u32 s1, $0x1  }
0x7: {  	s14 =	simm.s32 $0x0;
	_ =	strace $0x8000004A;
	s6 =	sor.u32 s3, s6  }
0x8: {  	s8 =	ssub.s32 $0x2, s3;
	s7 =	sshll.u32 s6, $0xA;
	s6 =	smul.u32 $0x320, s6  }
0x9: {  	s3 =	sadd.s32 $0x189000, s5;
	s31 =	sshrl.u32 s8, $0x1;
	s5 =	sadd.s32 s7, s5  }
0xa: {  	s7 =	ssub.s32 s8, s31;
	s8 =	simm.s32 $0x190;
	s4 =	sadd.s32 s4, s6  }
0xb: {  	s5 =	sadd.s32 $0x2600, s5;
	s6 =	smax.u32 s7, $0x1;
	s7 =	simm.s32 $0x3  }
.LBB2_1:
0xc: {  	[tilespmem:s2], [sflag:$0x3] =	stream.linear.gather [hbm4b:s4+s2], $0x1900, $0x38;
	[tilespmem:$0x10100] =	vst v63  }
0xd: {  	_ =	swait.ge [sflag:s7], $0x1900  }
0xe: {  	[sflag:s7] =	ssyncset.done $0x0  }
0xf: {  	[sflag:s7] =	ssyncadd.s32 $0xFFFFE700  }
0x10: {  	[tilespmem:s9], [sflag:$0x1] =	stream.indirect.gather [hbm4b:s3+s8], $0x40, s2, s8, $0xb8;
	[tilespmem:$0x10100] =	vst v63  }
0x11: {  	s15 =	simm.s32 $0x0  }
0x12: {  	[tilespmem:s10], [sflag:$0x2] =	stream.indirect.gather [hbm4b:s3+s8], $0x40, s8, s8, $0xb8;
	[tilespmem:$0x10100] =	vst v63  }
.LBB2_2:
0x13: {  	_ =	swait.ge [sflag:s11], $0x6400  }
0x14: {  	[sflag:s11] =	ssyncset.done $0x0  }
0x15: {  	[sflag:s11] =	ssyncadd.s32 $0xFFFF9C00  }
0x16: {  	v1 =	vld [tilespmem:$0x1900]  }
0x17: {  	v2 =	vld [tilespmem:$0x1910]  }
0x18: {  	v3 =	vld [tilespmem:$0x1920]  }
0x19: {  	s17 =	simm.s32 $0x0;
	v0 =	vld [tilespmem:$0x1930]  }
0x1a: {  	v4 =	vld [tilespmem:s17+$0x1970]  }
0x1b: {  	v5 =	vld [tilespmem:s17+$0x1940]  }
0x1c: {  	v6 =	vld [tilespmem:s17+$0x1950]  }
0x1d: {  	s16 =	simm.s32 $0x100;
	v7 =	vld [tilespmem:s17+$0x1960]  }
.LBB2_3:
0x1e: {  	p0 =	sne.s32 s16, $0x3000  }
.Ltmp0:
0x1f: {  	s17 =	sshra.s32 s16, $0x2;
	s16 =	sadd.s32 $0x100, s16;
	v0 =	vadd.f32 v4, v0;
	(pc) =	sbr.rel @p0 .LBB2_3-.Ltmp0, $4  }
0x20: {  	v4 =	vld [tilespmem:s17+$0x1970];
	v1 =	vadd.f32 v5, v1  }
0x21: {  	v5 =	vld [tilespmem:s17+$0x1940];
	v2 =	vadd.f32 v6, v2  }
0x22: {  	v6 =	vld [tilespmem:s17+$0x1950];
	v3 =	vadd.f32 v7, v3  }
0x23: {  	v7 =	vld [tilespmem:s17+$0x1960]  }
0x24: {  	_ = 	snop  }
0x25: {  	v0 =	vadd.f32 v4, v0  }
0x26: {  	v1 =	vadd.f32 v5, v1  }
0x27: {  	s16 =	sshll.u32 s15, $0xC;
	v2 =	vadd.f32 v6, v2;
	v0 =	vmul.f32 $1.999999960e-02, v0  }
0x28: {  	s16 =	sshra.s32 s16, $0x2;
	v3 =	vadd.f32 v7, v3;
	v1 =	vmul.f32 $1.999999960e-02, v1  }
0x29: {  	v2 =	vmul.f32 $1.999999960e-02, v2;
	[tilespmem:s16+$0xE130] =	vst v0  }
0x2a: {  	[tilespmem:s16+$0xE100] =	vst v1;
	v1 =	vmul.f32 $1.999999960e-02, v3  }
0x2b: {  	[tilespmem:s16+$0xE110] =	vst v2  }
0x2c: {  	[tilespmem:s16+$0xE120] =	vst v1  }
0x2d: {  	v1 =	vld [tilespmem:$0x2580]  }
0x2e: {  	v2 =	vld [tilespmem:$0x2590]  }
0x2f: {  	v3 =	vld [tilespmem:$0x25A0]  }
0x30: {  	s18 =	simm.s32 $0x0;
	v0 =	vld [tilespmem:$0x25B0]  }
0x31: {  	v4 =	vld [tilespmem:s18+$0x25F0]  }
0x32: {  	v5 =	vld [tilespmem:s18+$0x25C0]  }
0x33: {  	v6 =	vld [tilespmem:s18+$0x25D0]  }
0x34: {  	s17 =	simm.s32 $0x100;
	v7 =	vld [tilespmem:s18+$0x25E0]  }
.LBB2_5:
0x35: {  	p0 =	sne.s32 s17, $0x3000  }
.Ltmp1:
0x36: {  	s18 =	sshra.s32 s17, $0x2;
	s17 =	sadd.s32 $0x100, s17;
	v0 =	vadd.f32 v4, v0;
	(pc) =	sbr.rel @p0 .LBB2_5-.Ltmp1, $4  }
0x37: {  	v4 =	vld [tilespmem:s18+$0x25F0];
	v1 =	vadd.f32 v5, v1  }
0x38: {  	v5 =	vld [tilespmem:s18+$0x25C0];
	v2 =	vadd.f32 v6, v2  }
0x39: {  	v6 =	vld [tilespmem:s18+$0x25D0];
	v3 =	vadd.f32 v7, v3  }
0x3a: {  	v7 =	vld [tilespmem:s18+$0x25E0]  }
0x3b: {  	_ = 	snop  }
0x3c: {  	v0 =	vadd.f32 v4, v0  }
0x3d: {  	v1 =	vadd.f32 v5, v1  }
0x3e: {  	v2 =	vadd.f32 v6, v2;
	v0 =	vmul.f32 $1.999999960e-02, v0  }
0x3f: {  	v3 =	vadd.f32 v7, v3;
	v1 =	vmul.f32 $1.999999960e-02, v1  }
0x40: {  	v2 =	vmul.f32 $1.999999960e-02, v2;
	[tilespmem:s16+$0xE170] =	vst v0  }
0x41: {  	[tilespmem:s16+$0xE140] =	vst v1;
	v1 =	vmul.f32 $1.999999960e-02, v3  }
0x42: {  	[tilespmem:s16+$0xE150] =	vst v2  }
0x43: {  	[tilespmem:s16+$0xE160] =	vst v1  }
0x44: {  	v1 =	vld [tilespmem:$0x3200]  }
0x45: {  	v2 =	vld [tilespmem:$0x3210]  }
0x46: {  	v3 =	vld [tilespmem:$0x3220]  }
0x47: {  	s18 =	simm.s32 $0x0;
	v0 =	vld [tilespmem:$0x3230]  }
0x48: {  	v4 =	vld [tilespmem:s18+$0x3270]  }
0x49: {  	v5 =	vld [tilespmem:s18+$0x3240]  }
0x4a: {  	v6 =	vld [tilespmem:s18+$0x3250]  }
0x4b: {  	s17 =	simm.s32 $0x100;
	v7 =	vld [tilespmem:s18+$0x3260]  }
.LBB2_7:
0x4c: {  	p0 =	sne.s32 s17, $0x3000  }
.Ltmp2:
0x4d: {  	s18 =	sshra.s32 s17, $0x2;
	s17 =	sadd.s32 $0x100, s17;
	v0 =	vadd.f32 v4, v0;
	(pc) =	sbr.rel @p0 .LBB2_7-.Ltmp2, $4  }
0x4e: {  	v4 =	vld [tilespmem:s18+$0x3270];
	v1 =	vadd.f32 v5, v1  }
0x4f: {  	v5 =	vld [tilespmem:s18+$0x3240];
	v2 =	vadd.f32 v6, v2  }
0x50: {  	v6 =	vld [tilespmem:s18+$0x3250];
	v3 =	vadd.f32 v7, v3  }
0x51: {  	v7 =	vld [tilespmem:s18+$0x3260]  }
0x52: {  	_ = 	snop  }
0x53: {  	v0 =	vadd.f32 v4, v0  }
0x54: {  	v1 =	vadd.f32 v5, v1  }
0x55: {  	v2 =	vadd.f32 v6, v2;
	v0 =	vmul.f32 $1.999999960e-02, v0  }
0x56: {  	v3 =	vadd.f32 v7, v3;
	v1 =	vmul.f32 $1.999999960e-02, v1  }
0x57: {  	v2 =	vmul.f32 $1.999999960e-02, v2;
	[tilespmem:s16+$0xE1B0] =	vst v0  }
0x58: {  	[tilespmem:s16+$0xE180] =	vst v1;
	v1 =	vmul.f32 $1.999999960e-02, v3  }
0x59: {  	[tilespmem:s16+$0xE190] =	vst v2  }
0x5a: {  	[tilespmem:s16+$0xE1A0] =	vst v1  }
0x5b: {  	v1 =	vld [tilespmem:$0x3E80]  }
0x5c: {  	v2 =	vld [tilespmem:$0x3E90]  }
0x5d: {  	v3 =	vld [tilespmem:$0x3EA0]  }
0x5e: {  	s18 =	simm.s32 $0x0;
	v0 =	vld [tilespmem:$0x3EB0]  }
0x5f: {  	v4 =	vld [tilespmem:s18+$0x3EF0]  }
0x60: {  	v5 =	vld [tilespmem:s18+$0x3EC0]  }
0x61: {  	v6 =	vld [tilespmem:s18+$0x3ED0]  }
0x62: {  	s17 =	simm.s32 $0x100;
	v7 =	vld [tilespmem:s18+$0x3EE0]  }
.LBB2_9:
0x63: {  	p0 =	sne.s32 s17, $0x3000  }
.Ltmp3:
0x64: {  	s18 =	sshra.s32 s17, $0x2;
	s17 =	sadd.s32 $0x100, s17;
	v0 =	vadd.f32 v4, v0;
	(pc) =	sbr.rel @p0 .LBB2_9-.Ltmp3, $4  }
0x65: {  	v4 =	vld [tilespmem:s18+$0x3EF0];
	v1 =	vadd.f32 v5, v1  }
0x66: {  	v5 =	vld [tilespmem:s18+$0x3EC0];
	v2 =	vadd.f32 v6, v2  }
0x67: {  	v6 =	vld [tilespmem:s18+$0x3ED0];
	v3 =	vadd.f32 v7, v3  }
0x68: {  	v7 =	vld [tilespmem:s18+$0x3EE0]  }
0x69: {  	_ = 	snop  }
0x6a: {  	v0 =	vadd.f32 v4, v0  }
0x6b: {  	v1 =	vadd.f32 v5, v1  }
0x6c: {  	v2 =	vadd.f32 v6, v2;
	v0 =	vmul.f32 $1.999999960e-02, v0  }
0x6d: {  	v3 =	vadd.f32 v7, v3;
	v1 =	vmul.f32 $1.999999960e-02, v1  }
0x6e: {  	v2 =	vmul.f32 $1.999999960e-02, v2;
	[tilespmem:s16+$0xE1F0] =	vst v0  }
0x6f: {  	[tilespmem:s16+$0xE1C0] =	vst v1;
	v1 =	vmul.f32 $1.999999960e-02, v3  }
0x70: {  	[tilespmem:s16+$0xE1D0] =	vst v2  }
0x71: {  	[tilespmem:s16+$0xE1E0] =	vst v1  }
0x72: {  	v1 =	vld [tilespmem:$0x4B00]  }
0x73: {  	v2 =	vld [tilespmem:$0x4B10]  }
0x74: {  	v3 =	vld [tilespmem:$0x4B20]  }
0x75: {  	s18 =	simm.s32 $0x0;
	v0 =	vld [tilespmem:$0x4B30]  }
0x76: {  	v4 =	vld [tilespmem:s18+$0x4B70]  }
0x77: {  	v5 =	vld [tilespmem:s18+$0x4B40]  }
0x78: {  	v6 =	vld [tilespmem:s18+$0x4B50]  }
0x79: {  	s17 =	simm.s32 $0x100;
	v7 =	vld [tilespmem:s18+$0x4B60]  }
.LBB2_11:
0x7a: {  	p0 =	sne.s32 s17, $0x3000  }
.Ltmp4:
0x7b: {  	s18 =	sshra.s32 s17, $0x2;
	s17 =	sadd.s32 $0x100, s17;
	v0 =	vadd.f32 v4, v0;
	(pc) =	sbr.rel @p0 .LBB2_11-.Ltmp4, $4  }
0x7c: {  	v4 =	vld [tilespmem:s18+$0x4B70];
	v1 =	vadd.f32 v5, v1  }
0x7d: {  	v5 =	vld [tilespmem:s18+$0x4B40];
	v2 =	vadd.f32 v6, v2  }
0x7e: {  	v6 =	vld [tilespmem:s18+$0x4B50];
	v3 =	vadd.f32 v7, v3  }
0x7f: {  	v7 =	vld [tilespmem:s18+$0x4B60]  }
0x80: {  	_ = 	snop  }
0x81: {  	v0 =	vadd.f32 v4, v0  }
0x82: {  	v1 =	vadd.f32 v5, v1  }
0x83: {  	v2 =	vadd.f32 v6, v2;
	v0 =	vmul.f32 $1.999999960e-02, v0  }
0x84: {  	v3 =	vadd.f32 v7, v3;
	v1 =	vmul.f32 $1.999999960e-02, v1  }
0x85: {  	v2 =	vmul.f32 $1.999999960e-02, v2;
	[tilespmem:s16+$0xE230] =	vst v0  }
0x86: {  	[tilespmem:s16+$0xE200] =	vst v1;
	v1 =	vmul.f32 $1.999999960e-02, v3  }
0x87: {  	[tilespmem:s16+$0xE210] =	vst v2  }
0x88: {  	[tilespmem:s16+$0xE220] =	vst v1  }
0x89: {  	v1 =	vld [tilespmem:$0x5780]  }
0x8a: {  	v2 =	vld [tilespmem:$0x5790]  }
0x8b: {  	v3 =	vld [tilespmem:$0x57A0]  }
0x8c: {  	s18 =	simm.s32 $0x0;
	v0 =	vld [tilespmem:$0x57B0]  }
0x8d: {  	v4 =	vld [tilespmem:s18+$0x57F0]  }
0x8e: {  	v5 =	vld [tilespmem:s18+$0x57C0]  }
0x8f: {  	v6 =	vld [tilespmem:s18+$0x57D0]  }
0x90: {  	s17 =	simm.s32 $0x100;
	v7 =	vld [tilespmem:s18+$0x57E0]  }
.LBB2_13:
0x91: {  	p0 =	sne.s32 s17, $0x3000  }
.Ltmp5:
0x92: {  	s18 =	sshra.s32 s17, $0x2;
	s17 =	sadd.s32 $0x100, s17;
	v0 =	vadd.f32 v4, v0;
	(pc) =	sbr.rel @p0 .LBB2_13-.Ltmp5, $4  }
0x93: {  	v4 =	vld [tilespmem:s18+$0x57F0];
	v1 =	vadd.f32 v5, v1  }
0x94: {  	v5 =	vld [tilespmem:s18+$0x57C0];
	v2 =	vadd.f32 v6, v2  }
0x95: {  	v6 =	vld [tilespmem:s18+$0x57D0];
	v3 =	vadd.f32 v7, v3  }
0x96: {  	v7 =	vld [tilespmem:s18+$0x57E0]  }
0x97: {  	_ = 	snop  }
0x98: {  	v0 =	vadd.f32 v4, v0  }
0x99: {  	v1 =	vadd.f32 v5, v1  }
0x9a: {  	v2 =	vadd.f32 v6, v2;
	v0 =	vmul.f32 $1.999999960e-02, v0  }
0x9b: {  	v3 =	vadd.f32 v7, v3;
	v1 =	vmul.f32 $1.999999960e-02, v1  }
0x9c: {  	v2 =	vmul.f32 $1.999999960e-02, v2;
	[tilespmem:s16+$0xE270] =	vst v0  }
0x9d: {  	[tilespmem:s16+$0xE240] =	vst v1;
	v1 =	vmul.f32 $1.999999960e-02, v3  }
0x9e: {  	[tilespmem:s16+$0xE250] =	vst v2  }
0x9f: {  	[tilespmem:s16+$0xE260] =	vst v1  }
0xa0: {  	v1 =	vld [tilespmem:$0x6400]  }
0xa1: {  	v2 =	vld [tilespmem:$0x6410]  }
0xa2: {  	v3 =	vld [tilespmem:$0x6420]  }
0xa3: {  	s18 =	simm.s32 $0x0;
	v0 =	vld [tilespmem:$0x6430]  }
0xa4: {  	v4 =	vld [tilespmem:s18+$0x6470]  }
0xa5: {  	v5 =	vld [tilespmem:s18+$0x6440]  }
0xa6: {  	v6 =	vld [tilespmem:s18+$0x6450]  }
0xa7: {  	s17 =	simm.s32 $0x100;
	v7 =	vld [tilespmem:s18+$0x6460]  }
.LBB2_15:
0xa8: {  	p0 =	sne.s32 s17, $0x3000  }
.Ltmp6:
0xa9: {  	s18 =	sshra.s32 s17, $0x2;
	s17 =	sadd.s32 $0x100, s17;
	v0 =	vadd.f32 v4, v0;
	(pc) =	sbr.rel @p0 .LBB2_15-.Ltmp6, $4  }
0xaa: {  	v4 =	vld [tilespmem:s18+$0x6470];
	v1 =	vadd.f32 v5, v1  }
0xab: {  	v5 =	vld [tilespmem:s18+$0x6440];
	v2 =	vadd.f32 v6, v2  }
0xac: {  	v6 =	vld [tilespmem:s18+$0x6450];
	v3 =	vadd.f32 v7, v3  }
0xad: {  	v7 =	vld [tilespmem:s18+$0x6460]  }
0xae: {  	_ = 	snop  }
0xaf: {  	v0 =	vadd.f32 v4, v0  }
0xb0: {  	v1 =	vadd.f32 v5, v1  }
0xb1: {  	v2 =	vadd.f32 v6, v2;
	v0 =	vmul.f32 $1.999999960e-02, v0  }
0xb2: {  	v3 =	vadd.f32 v7, v3;
	v1 =	vmul.f32 $1.999999960e-02, v1  }
0xb3: {  	v2 =	vmul.f32 $1.999999960e-02, v2;
	[tilespmem:s16+$0xE2B0] =	vst v0  }
0xb4: {  	[tilespmem:s16+$0xE280] =	vst v1;
	v1 =	vmul.f32 $1.999999960e-02, v3  }
0xb5: {  	[tilespmem:s16+$0xE290] =	vst v2  }
0xb6: {  	[tilespmem:s16+$0xE2A0] =	vst v1  }
0xb7: {  	v1 =	vld [tilespmem:$0x7080]  }
0xb8: {  	v2 =	vld [tilespmem:$0x7090]  }
0xb9: {  	v3 =	vld [tilespmem:$0x70A0]  }
0xba: {  	s18 =	simm.s32 $0x0;
	v0 =	vld [tilespmem:$0x70B0]  }
0xbb: {  	v4 =	vld [tilespmem:s18+$0x70F0]  }
0xbc: {  	v5 =	vld [tilespmem:s18+$0x70C0]  }
0xbd: {  	v6 =	vld [tilespmem:s18+$0x70D0]  }
0xbe: {  	s17 =	simm.s32 $0x100;
	v7 =	vld [tilespmem:s18+$0x70E0]  }
.LBB2_17:
0xbf: {  	p0 =	sne.s32 s17, $0x3000  }
.Ltmp7:
0xc0: {  	s18 =	sshra.s32 s17, $0x2;
	s17 =	sadd.s32 $0x100, s17;
	v0 =	vadd.f32 v4, v0;
	(pc) =	sbr.rel @p0 .LBB2_17-.Ltmp7, $4  }
0xc1: {  	v4 =	vld [tilespmem:s18+$0x70F0];
	v1 =	vadd.f32 v5, v1  }
0xc2: {  	v5 =	vld [tilespmem:s18+$0x70C0];
	v2 =	vadd.f32 v6, v2  }
0xc3: {  	v6 =	vld [tilespmem:s18+$0x70D0];
	v3 =	vadd.f32 v7, v3  }
0xc4: {  	v7 =	vld [tilespmem:s18+$0x70E0]  }
0xc5: {  	_ = 	snop  }
0xc6: {  	v0 =	vadd.f32 v4, v0  }
0xc7: {  	v1 =	vadd.f32 v5, v1  }
0xc8: {  	s17 =	sshll.u32 s15, $0x1;
	v2 =	vadd.f32 v6, v2;
	v0 =	vmul.f32 $1.999999960e-02, v0  }
0xc9: {  	s18 =	smin.u32 s17, $0xD;
	v3 =	vadd.f32 v7, v3;
	v1 =	vmul.f32 $1.999999960e-02, v1  }
0xca: {  	s18 =	smul.u32 $0x640, s18;
	v2 =	vmul.f32 $1.999999960e-02, v2;
	[tilespmem:s16+$0xE2F0] =	vst v0  }
0xcb: {  	[tilespmem:s16+$0xE2C0] =	vst v1;
	v1 =	vmul.f32 $1.999999960e-02, v3  }
0xcc: {  	s18 =	sshrl.u32 s18, $0x2;
	[tilespmem:s16+$0xE2D0] =	vst v2  }
0xcd: {  	s18 =	sadd.s32 $0x320, s18;
	[tilespmem:s16+$0xE2E0] =	vst v1  }
0xce: {  	[tilespmem:s9], [sflag:$0x1] =	stream.indirect.gather [hbm4b:s3+s8], $0x40, s18, s8, $0xb8;
	[tilespmem:$0x10100] =	vst v63  }
0xcf: {  	_ =	swait.ge [sflag:s12], $0x6400  }
0xd0: {  	[sflag:s12] =	ssyncset.done $0x0  }
0xd1: {  	[sflag:s12] =	ssyncadd.s32 $0xFFFF9C00  }
0xd2: {  	v1 =	vld [tilespmem:$0x7D00]  }
0xd3: {  	v2 =	vld [tilespmem:$0x7D10]  }
0xd4: {  	v3 =	vld [tilespmem:$0x7D20]  }
0xd5: {  	s19 =	simm.s32 $0x0;
	v0 =	vld [tilespmem:$0x7D30]  }
0xd6: {  	v4 =	vld [tilespmem:s19+$0x7D70]  }
0xd7: {  	v5 =	vld [tilespmem:s19+$0x7D40]  }
0xd8: {  	v6 =	vld [tilespmem:s19+$0x7D50]  }
0xd9: {  	s18 =	simm.s32 $0x100;
	v7 =	vld [tilespmem:s19+$0x7D60]  }
.LBB2_19:
0xda: {  	p0 =	sne.s32 s18, $0x3000  }
.Ltmp8:
0xdb: {  	s19 =	sshra.s32 s18, $0x2;
	s18 =	sadd.s32 $0x100, s18;
	v0 =	vadd.f32 v4, v0;
	(pc) =	sbr.rel @p0 .LBB2_19-.Ltmp8, $4  }
0xdc: {  	v4 =	vld [tilespmem:s19+$0x7D70];
	v1 =	vadd.f32 v5, v1  }
0xdd: {  	v5 =	vld [tilespmem:s19+$0x7D40];
	v2 =	vadd.f32 v6, v2  }
0xde: {  	v6 =	vld [tilespmem:s19+$0x7D50];
	v3 =	vadd.f32 v7, v3  }
0xdf: {  	v7 =	vld [tilespmem:s19+$0x7D60]  }
0xe0: {  	_ = 	snop  }
0xe1: {  	v0 =	vadd.f32 v4, v0  }
0xe2: {  	v1 =	vadd.f32 v5, v1  }
0xe3: {  	v2 =	vadd.f32 v6, v2;
	v0 =	vmul.f32 $1.999999960e-02, v0  }
0xe4: {  	v3 =	vadd.f32 v7, v3;
	v1 =	vmul.f32 $1.999999960e-02, v1  }
0xe5: {  	v2 =	vmul.f32 $1.999999960e-02, v2;
	[tilespmem:s16+$0xE330] =	vst v0  }
0xe6: {  	[tilespmem:s16+$0xE300] =	vst v1;
	v1 =	vmul.f32 $1.999999960e-02, v3  }
0xe7: {  	[tilespmem:s16+$0xE310] =	vst v2  }
0xe8: {  	[tilespmem:s16+$0xE320] =	vst v1  }
0xe9: {  	v1 =	vld [tilespmem:$0x8980]  }
0xea: {  	v2 =	vld [tilespmem:$0x8990]  }
0xeb: {  	v3 =	vld [tilespmem:$0x89A0]  }
0xec: {  	s19 =	simm.s32 $0x0;
	v0 =	vld [tilespmem:$0x89B0]  }
0xed: {  	v4 =	vld [tilespmem:s19+$0x89F0]  }
0xee: {  	v5 =	vld [tilespmem:s19+$0x89C0]  }
0xef: {  	v6 =	vld [tilespmem:s19+$0x89D0]  }
0xf0: {  	s18 =	simm.s32 $0x100;
	v7 =	vld [tilespmem:s19+$0x89E0]  }
.LBB2_21:
0xf1: {  	p0 =	sne.s32 s18, $0x3000  }
.Ltmp9:
0xf2: {  	s19 =	sshra.s32 s18, $0x2;
	s18 =	sadd.s32 $0x100, s18;
	v0 =	vadd.f32 v4, v0;
	(pc) =	sbr.rel @p0 .LBB2_21-.Ltmp9, $4  }
0xf3: {  	v4 =	vld [tilespmem:s19+$0x89F0];
	v1 =	vadd.f32 v5, v1  }
0xf4: {  	v5 =	vld [tilespmem:s19+$0x89C0];
	v2 =	vadd.f32 v6, v2  }
0xf5: {  	v6 =	vld [tilespmem:s19+$0x89D0];
	v3 =	vadd.f32 v7, v3  }
0xf6: {  	v7 =	vld [tilespmem:s19+$0x89E0]  }
0xf7: {  	_ = 	snop  }
0xf8: {  	v0 =	vadd.f32 v4, v0  }
0xf9: {  	v1 =	vadd.f32 v5, v1  }
0xfa: {  	v2 =	vadd.f32 v6, v2;
	v0 =	vmul.f32 $1.999999960e-02, v0  }
0xfb: {  	v3 =	vadd.f32 v7, v3;
	v1 =	vmul.f32 $1.999999960e-02, v1  }
0xfc: {  	v2 =	vmul.f32 $1.999999960e-02, v2;
	[tilespmem:s16+$0xE370] =	vst v0  }
0xfd: {  	[tilespmem:s16+$0xE340] =	vst v1;
	v1 =	vmul.f32 $1.999999960e-02, v3  }
0xfe: {  	[tilespmem:s16+$0xE350] =	vst v2  }
0xff: {  	[tilespmem:s16+$0xE360] =	vst v1  }
0x100: {  	v1 =	vld [tilespmem:$0x9600]  }
0x101: {  	v2 =	vld [tilespmem:$0x9610]  }
0x102: {  	v3 =	vld [tilespmem:$0x9620]  }
0x103: {  	s19 =	simm.s32 $0x0;
	v0 =	vld [tilespmem:$0x9630]  }
0x104: {  	v4 =	vld [tilespmem:s19+$0x9670]  }
0x105: {  	v5 =	vld [tilespmem:s19+$0x9640]  }
0x106: {  	v6 =	vld [tilespmem:s19+$0x9650]  }
0x107: {  	s18 =	simm.s32 $0x100;
	v7 =	vld [tilespmem:s19+$0x9660]  }
.LBB2_23:
0x108: {  	p0 =	sne.s32 s18, $0x3000  }
.Ltmp10:
0x109: {  	s19 =	sshra.s32 s18, $0x2;
	s18 =	sadd.s32 $0x100, s18;
	v0 =	vadd.f32 v4, v0;
	(pc) =	sbr.rel @p0 .LBB2_23-.Ltmp10, $4  }
0x10a: {  	v4 =	vld [tilespmem:s19+$0x9670];
	v1 =	vadd.f32 v5, v1  }
0x10b: {  	v5 =	vld [tilespmem:s19+$0x9640];
	v2 =	vadd.f32 v6, v2  }
0x10c: {  	v6 =	vld [tilespmem:s19+$0x9650];
	v3 =	vadd.f32 v7, v3  }
0x10d: {  	v7 =	vld [tilespmem:s19+$0x9660]  }
0x10e: {  	_ = 	snop  }
0x10f: {  	v0 =	vadd.f32 v4, v0  }
0x110: {  	v1 =	vadd.f32 v5, v1  }
0x111: {  	v2 =	vadd.f32 v6, v2;
	v0 =	vmul.f32 $1.999999960e-02, v0  }
0x112: {  	v3 =	vadd.f32 v7, v3;
	v1 =	vmul.f32 $1.999999960e-02, v1  }
0x113: {  	v2 =	vmul.f32 $1.999999960e-02, v2;
	[tilespmem:s16+$0xE3B0] =	vst v0  }
0x114: {  	[tilespmem:s16+$0xE380] =	vst v1;
	v1 =	vmul.f32 $1.999999960e-02, v3  }
0x115: {  	[tilespmem:s16+$0xE390] =	vst v2  }
0x116: {  	[tilespmem:s16+$0xE3A0] =	vst v1  }
0x117: {  	v1 =	vld [tilespmem:$0xA280]  }
0x118: {  	v2 =	vld [tilespmem:$0xA290]  }
0x119: {  	v3 =	vld [tilespmem:$0xA2A0]  }
0x11a: {  	s19 =	simm.s32 $0x0;
	v0 =	vld [tilespmem:$0xA2B0]  }
0x11b: {  	v4 =	vld [tilespmem:s19+$0xA2F0]  }
0x11c: {  	v5 =	vld [tilespmem:s19+$0xA2C0]  }
0x11d: {  	v6 =	vld [tilespmem:s19+$0xA2D0]  }
0x11e: {  	s18 =	simm.s32 $0x100;
	v7 =	vld [tilespmem:s19+$0xA2E0]  }
.LBB2_25:
0x11f: {  	p0 =	sne.s32 s18, $0x3000  }
.Ltmp11:
0x120: {  	s19 =	sshra.s32 s18, $0x2;
	s18 =	sadd.s32 $0x100, s18;
	v0 =	vadd.f32 v4, v0;
	(pc) =	sbr.rel @p0 .LBB2_25-.Ltmp11, $4  }
0x121: {  	v4 =	vld [tilespmem:s19+$0xA2F0];
	v1 =	vadd.f32 v5, v1  }
0x122: {  	v5 =	vld [tilespmem:s19+$0xA2C0];
	v2 =	vadd.f32 v6, v2  }
0x123: {  	v6 =	vld [tilespmem:s19+$0xA2D0];
	v3 =	vadd.f32 v7, v3  }
0x124: {  	v7 =	vld [tilespmem:s19+$0xA2E0]  }
0x125: {  	_ = 	snop  }
0x126: {  	v0 =	vadd.f32 v4, v0  }
0x127: {  	v1 =	vadd.f32 v5, v1  }
0x128: {  	v2 =	vadd.f32 v6, v2;
	v0 =	vmul.f32 $1.999999960e-02, v0  }
0x129: {  	v3 =	vadd.f32 v7, v3;
	v1 =	vmul.f32 $1.999999960e-02, v1  }
0x12a: {  	v2 =	vmul.f32 $1.999999960e-02, v2;
	[tilespmem:s16+$0xE3F0] =	vst v0  }
0x12b: {  	[tilespmem:s16+$0xE3C0] =	vst v1;
	v1 =	vmul.f32 $1.999999960e-02, v3  }
0x12c: {  	[tilespmem:s16+$0xE3D0] =	vst v2  }
0x12d: {  	[tilespmem:s16+$0xE3E0] =	vst v1  }
0x12e: {  	v1 =	vld [tilespmem:$0xAF00]  }
0x12f: {  	v2 =	vld [tilespmem:$0xAF10]  }
0x130: {  	v3 =	vld [tilespmem:$0xAF20]  }
0x131: {  	s19 =	simm.s32 $0x0;
	v0 =	vld [tilespmem:$0xAF30]  }
0x132: {  	v4 =	vld [tilespmem:s19+$0xAF70]  }
0x133: {  	v5 =	vld [tilespmem:s19+$0xAF40]  }
0x134: {  	v6 =	vld [tilespmem:s19+$0xAF50]  }
0x135: {  	s18 =	simm.s32 $0x100;
	v7 =	vld [tilespmem:s19+$0xAF60]  }
.LBB2_27:
0x136: {  	p0 =	sne.s32 s18, $0x3000  }
.Ltmp12:
0x137: {  	s19 =	sshra.s32 s18, $0x2;
	s18 =	sadd.s32 $0x100, s18;
	v0 =	vadd.f32 v4, v0;
	(pc) =	sbr.rel @p0 .LBB2_27-.Ltmp12, $4  }
0x138: {  	v4 =	vld [tilespmem:s19+$0xAF70];
	v1 =	vadd.f32 v5, v1  }
0x139: {  	v5 =	vld [tilespmem:s19+$0xAF40];
	v2 =	vadd.f32 v6, v2  }
0x13a: {  	v6 =	vld [tilespmem:s19+$0xAF50];
	v3 =	vadd.f32 v7, v3  }
0x13b: {  	v7 =	vld [tilespmem:s19+$0xAF60]  }
0x13c: {  	_ = 	snop  }
0x13d: {  	v0 =	vadd.f32 v4, v0  }
0x13e: {  	v1 =	vadd.f32 v5, v1  }
0x13f: {  	v2 =	vadd.f32 v6, v2;
	v0 =	vmul.f32 $1.999999960e-02, v0  }
0x140: {  	v3 =	vadd.f32 v7, v3;
	v1 =	vmul.f32 $1.999999960e-02, v1  }
0x141: {  	v2 =	vmul.f32 $1.999999960e-02, v2;
	[tilespmem:s16+$0xE430] =	vst v0  }
0x142: {  	[tilespmem:s16+$0xE400] =	vst v1;
	v1 =	vmul.f32 $1.999999960e-02, v3  }
0x143: {  	[tilespmem:s16+$0xE410] =	vst v2  }
0x144: {  	[tilespmem:s16+$0xE420] =	vst v1  }
0x145: {  	v1 =	vld [tilespmem:$0xBB80]  }
0x146: {  	v2 =	vld [tilespmem:$0xBB90]  }
0x147: {  	v3 =	vld [tilespmem:$0xBBA0]  }
0x148: {  	s19 =	simm.s32 $0x0;
	v0 =	vld [tilespmem:$0xBBB0]  }
0x149: {  	v4 =	vld [tilespmem:s19+$0xBBF0]  }
0x14a: {  	v5 =	vld [tilespmem:s19+$0xBBC0]  }
0x14b: {  	v6 =	vld [tilespmem:s19+$0xBBD0]  }
0x14c: {  	s18 =	simm.s32 $0x100;
	v7 =	vld [tilespmem:s19+$0xBBE0]  }
.LBB2_29:
0x14d: {  	p0 =	sne.s32 s18, $0x3000  }
.Ltmp13:
0x14e: {  	s19 =	sshra.s32 s18, $0x2;
	s18 =	sadd.s32 $0x100, s18;
	v0 =	vadd.f32 v4, v0;
	(pc) =	sbr.rel @p0 .LBB2_29-.Ltmp13, $4  }
0x14f: {  	v4 =	vld [tilespmem:s19+$0xBBF0];
	v1 =	vadd.f32 v5, v1  }
0x150: {  	v5 =	vld [tilespmem:s19+$0xBBC0];
	v2 =	vadd.f32 v6, v2  }
0x151: {  	v6 =	vld [tilespmem:s19+$0xBBD0];
	v3 =	vadd.f32 v7, v3  }
0x152: {  	v7 =	vld [tilespmem:s19+$0xBBE0]  }
0x153: {  	_ = 	snop  }
0x154: {  	v0 =	vadd.f32 v4, v0  }
0x155: {  	v1 =	vadd.f32 v5, v1  }
0x156: {  	v2 =	vadd.f32 v6, v2;
	v0 =	vmul.f32 $1.999999960e-02, v0  }
0x157: {  	v3 =	vadd.f32 v7, v3;
	v1 =	vmul.f32 $1.999999960e-02, v1  }
0x158: {  	v2 =	vmul.f32 $1.999999960e-02, v2;
	[tilespmem:s16+$0xE470] =	vst v0  }
0x159: {  	[tilespmem:s16+$0xE440] =	vst v1;
	v1 =	vmul.f32 $1.999999960e-02, v3  }
0x15a: {  	[tilespmem:s16+$0xE450] =	vst v2  }
0x15b: {  	[tilespmem:s16+$0xE460] =	vst v1  }
0x15c: {  	v1 =	vld [tilespmem:$0xC800]  }
0x15d: {  	v2 =	vld [tilespmem:$0xC810]  }
0x15e: {  	v3 =	vld [tilespmem:$0xC820]  }
0x15f: {  	s19 =	simm.s32 $0x0;
	v0 =	vld [tilespmem:$0xC830]  }
0x160: {  	v4 =	vld [tilespmem:s19+$0xC870]  }
0x161: {  	v5 =	vld [tilespmem:s19+$0xC840]  }
0x162: {  	v6 =	vld [tilespmem:s19+$0xC850]  }
0x163: {  	s18 =	simm.s32 $0x100;
	v7 =	vld [tilespmem:s19+$0xC860]  }
.LBB2_31:
0x164: {  	p0 =	sne.s32 s18, $0x3000  }
.Ltmp14:
0x165: {  	s19 =	sshra.s32 s18, $0x2;
	s18 =	sadd.s32 $0x100, s18;
	v0 =	vadd.f32 v4, v0;
	(pc) =	sbr.rel @p0 .LBB2_31-.Ltmp14, $4  }
0x166: {  	v4 =	vld [tilespmem:s19+$0xC870];
	v1 =	vadd.f32 v5, v1  }
0x167: {  	v5 =	vld [tilespmem:s19+$0xC840];
	v2 =	vadd.f32 v6, v2  }
0x168: {  	v6 =	vld [tilespmem:s19+$0xC850];
	v3 =	vadd.f32 v7, v3  }
0x169: {  	v7 =	vld [tilespmem:s19+$0xC860]  }
0x16a: {  	_ = 	snop  }
0x16b: {  	v0 =	vadd.f32 v4, v0  }
0x16c: {  	v1 =	vadd.f32 v5, v1  }
0x16d: {  	v2 =	vadd.f32 v6, v2;
	v0 =	vmul.f32 $1.999999960e-02, v0  }
0x16e: {  	v3 =	vadd.f32 v7, v3;
	v1 =	vmul.f32 $1.999999960e-02, v1  }
0x16f: {  	v2 =	vmul.f32 $1.999999960e-02, v2;
	[tilespmem:s16+$0xE4B0] =	vst v0  }
0x170: {  	[tilespmem:s16+$0xE480] =	vst v1;
	v1 =	vmul.f32 $1.999999960e-02, v3  }
0x171: {  	[tilespmem:s16+$0xE490] =	vst v2  }
0x172: {  	[tilespmem:s16+$0xE4A0] =	vst v1  }
0x173: {  	v1 =	vld [tilespmem:$0xD480]  }
0x174: {  	v2 =	vld [tilespmem:$0xD490]  }
0x175: {  	v3 =	vld [tilespmem:$0xD4A0]  }
0x176: {  	s19 =	simm.s32 $0x0;
	v0 =	vld [tilespmem:$0xD4B0]  }
0x177: {  	v4 =	vld [tilespmem:s19+$0xD4F0]  }
0x178: {  	v5 =	vld [tilespmem:s19+$0xD4C0]  }
0x179: {  	v6 =	vld [tilespmem:s19+$0xD4D0]  }
0x17a: {  	s18 =	simm.s32 $0x100;
	v7 =	vld [tilespmem:s19+$0xD4E0]  }
.LBB2_33:
0x17b: {  	p0 =	sne.s32 s18, $0x3000  }
.Ltmp15:
0x17c: {  	s19 =	sshra.s32 s18, $0x2;
	s18 =	sadd.s32 $0x100, s18;
	v0 =	vadd.f32 v4, v0;
	(pc) =	sbr.rel @p0 .LBB2_33-.Ltmp15, $4  }
0x17d: {  	v4 =	vld [tilespmem:s19+$0xD4F0];
	v1 =	vadd.f32 v5, v1  }
0x17e: {  	v5 =	vld [tilespmem:s19+$0xD4C0];
	v2 =	vadd.f32 v6, v2  }
0x17f: {  	v6 =	vld [tilespmem:s19+$0xD4D0];
	v3 =	vadd.f32 v7, v3  }
0x180: {  	v7 =	vld [tilespmem:s19+$0xD4E0]  }
0x181: {  	_ = 	snop  }
0x182: {  	v0 =	vadd.f32 v4, v0  }
0x183: {  	v1 =	vadd.f32 v5, v1  }
0x184: {  	s17 =	smin.u32 s17, $0xC;
	s15 =	sadd.s32 $0x1, s15;
	v2 =	vadd.f32 v6, v2;
	v0 =	vmul.f32 $1.999999960e-02, v0  }
0x185: {  	s17 =	smul.u32 $0x640, s17;
	p0 =	sne.s32 s15, $0x8;
	v3 =	vadd.f32 v7, v3;
	v1 =	vmul.f32 $1.999999960e-02, v1  }
.Ltmp16:
0x186: {  	v2 =	vmul.f32 $1.999999960e-02, v2;
	[tilespmem:s16+$0xE4F0] =	vst v0;
	(pc) =	sbr.rel @p0 .LBB2_2-.Ltmp16, $4  }
0x187: {  	[tilespmem:s16+$0xE4C0] =	vst v1;
	v63 =	vmul.f32 $1.999999960e-02, v3  }
0x188: {  	s17 =	sshrl.u32 s17, $0x2;
	[tilespmem:s16+$0xE4D0] =	vst v2  }
0x189: {  	s31 =	sadd.s32 $0x4B0, s17;
	[tilespmem:s16+$0xE4E0] =	vst v63  }
0x18a: {  	[tilespmem:s10], [sflag:$0x2] =	stream.indirect.gather [hbm4b:s3+s8], $0x40, s31, s8, $0xb8;
	[tilespmem:$0x10100] =	vst v63  }
0x18b: {  	_ =	swait.ge [sflag:s11], $0x6400  }
0x18c: {  	[sflag:s11] =	ssyncset.done $0x0  }
0x18d: {  	[sflag:s11] =	ssyncadd.s32 $0xFFFF9C00  }
0x18e: {  	s14 =	sadd.s32 $0x1, s14;
	_ =	swait.ge [sflag:s12], $0x6400  }
0x18f: {  	p0 =	sne.s32 s14, s6;
	[sflag:s12] =	ssyncset.done $0x0  }
.Ltmp17:
0x190: {  	[sflag:s12] =	ssyncadd.s32 $0xFFFF9C00;
	(pc) =	sbr.rel @p0 .LBB2_1-.Ltmp17, $4  }
0x191: {  	[hbm4b:s5+s2] =	stream.linear.scatter [tilespmem:s13], [sflag:$0x3], $0x2000, $0x38;
	[tilespmem:$0x10100] =	vst v63  }
0x192: {  	_ =	swait.ge [sflag:s7], $0x2000  }
0x193: {  	[sflag:s7] =	ssyncset.done $0x0  }
0x194: {  	[sflag:s7] =	ssyncadd.s32 $0xFFFFE000  }
0x195: {  	_ =	sfence.sel $0x180000  }
0x196: {  	[bflag:$0x0] =	sbarrier.arrive $0xFFFF  }
0x197: {  	p0 =	sne.s32 s1, $0x0;
	_ =	strace $0x9000004A  }
0x198: {  	s0 =	sadd.s32 @!p0 $0x100000, s0;
	[bflag:$0x2] =	sbarrier.arrive $0xFFFF  }
0x199: {  	[sflag:s0] =	ssyncadd.tile.s32 @!p0 $0x1;
	_ =	shalt  }
.Lfunc_end2:
_tile_overlayer_lowered:
.L_overlay_start_2:
0x19a: {  	(tag) =	ssettag $0x2  }
0x19b: {  	s0 =	rddreg [dreg:$0x0];
	s2 =	stileid.u32  }
0x19c: {  	s1 =	rddreg [dreg:$0x1];
	p0 =	sne.s32 s2, $0x0  }
0x19d: {  	s3 =	rddreg [dreg:$0x2];
	[bflag:$0x3] =	sbarrier.arrive $0xFFFF;
	s2 =	simm.s32 @!p0 $0x1C03  }
0x19e: {  	[timem:s3], [sflag:s2] =	dma.local @!p0 [hbm:s0], s1  }
0x19f: {  	s0 =	simm.s32 @!p0 $0x3  }
0x1a0: {  	_ =	swait.ge @!p0 [sflag:s0], s1  }
0x1a1: {  	s1 =	ssub.s32 @!p0 $0x0, s1;
	[sflag:s0] =	ssyncset.done @!p0 $0x0  }
0x1a2: {  	[sflag:s0] =	ssyncadd.s32 @!p0 s1  }
0x1a3: {  	[bflag:$0x3] =	sbarrier.arrive $0xFFFF  }
0x1a4: {  	_ =	shalt  }

</sc_bundles>
